<compile_context>
chip_gen: v7x
topology: tpu7x:2x2x1
jax: 0.10.2.dev20260603
libtpu: 0.0.44.dev20260713+nightly
codegen_flags: <defaults>
</compile_context>

<pallas_src>
import functools

import jax
import jax.numpy as jnp
from jax import lax
from jax.experimental import pallas as pl
from jax.experimental.pallas import tpu as pltpu
from jax.experimental.pallas import tpu_sc as plsc

N = 10000
E = 160000
D = 256
D_OUT = 64
H = 128
NC = 2
NS = 16
L = 16
CHUNK = 128
CH_SEG = 80
PH_SEG = 2
CH_PH = CH_SEG // PH_SEG
CH_DEG = 40
EP = NS * CH_SEG * CHUNK
ACC = 10112
RPT = ACC // NS

_mesh = plsc.VectorSubcoreMesh(
    core_axis_name="c", subcore_axis_name="s", num_cores=NC, num_subcores=NS)

_ZCHUNKS = (128, 128, 128, 128, 120)


@functools.partial(
    pl.kernel,
    out_type=jax.ShapeDtypeStruct((NC, ACC, H), jnp.float32),
    mesh=_mesh,
    scratch_types=[
        pltpu.VMEM_SHARED((ACC, H), jnp.float32),
        pltpu.VMEM((CH_DEG, CHUNK), jnp.int32),
        pltpu.VMEM((CHUNK, H), jnp.float32),
        pltpu.VMEM((CHUNK, H), jnp.float32),
    ],
)
def _sc_degree(dsts_hbm, out_hbm, acc, didx, obuf, zbuf):
    c = lax.axis_index("c")
    s = lax.axis_index("s")
    w = c * NS + s

    def fill(r, _):
        for j in range(H // L):
            obuf[r, pl.ds(j * L, L)] = jnp.ones((L,), jnp.float32)
            zbuf[r, pl.ds(j * L, L)] = jnp.zeros((L,), jnp.float32)
        return 0
    lax.fori_loop(0, CHUNK, fill, 0)

    base = s * RPT
    off = 0
    for ln_ in _ZCHUNKS:
        pltpu.sync_copy(zbuf.at[pl.ds(0, ln_)], acc.at[pl.ds(base + off, ln_)])
        off += ln_
    pltpu.sync_copy(dsts_hbm.at[w], didx)
    plsc.subcore_barrier()

    def body(j, _):
        pltpu.sync_copy(obuf, acc.at[didx.at[j]], add=True)
        return 0
    lax.fori_loop(0, CH_DEG, body, 0)
    plsc.subcore_barrier()
    pltpu.sync_copy(acc.at[pl.ds(base, RPT)], out_hbm.at[c, pl.ds(base, RPT)])


@functools.partial(
    pl.kernel,
    out_type=jax.ShapeDtypeStruct((NC, ACC, H), jnp.float32),
    mesh=_mesh,
    scratch_types=[
        pltpu.VMEM_SHARED((ACC, H), jnp.float32),
        pltpu.VMEM((CH_PH, CHUNK), jnp.int32),
        pltpu.VMEM((CH_PH, CHUNK), jnp.int32),
        pltpu.VMEM((CHUNK, H), jnp.float32),
        pltpu.VMEM((CHUNK, H), jnp.float32),
        pltpu.SemaphoreType.DMA,
        pltpu.SemaphoreType.DMA,
        pltpu.SemaphoreType.DMA,
        pltpu.SemaphoreType.DMA,
    ],
)
def _sc_segment(g_hbm, srcs_hbm, dsts_hbm, out_hbm,
                acc, sidx, didx, rows0, rows1, sem0, sem1, ssem0, ssem1):
    c = lax.axis_index("c")
    s = lax.axis_index("s")

    def zrow(r, _):
        for j in range(H // L):
            rows0[r, pl.ds(j * L, L)] = jnp.zeros((L,), jnp.float32)
        return 0
    lax.fori_loop(0, CHUNK, zrow, 0)

    base = s * RPT
    off = 0
    for ln_ in _ZCHUNKS:
        pltpu.sync_copy(rows0.at[pl.ds(0, ln_)], acc.at[pl.ds(base + off, ln_)])
        off += ln_
    plsc.subcore_barrier()

    def body(jj, _):
        j0 = jj * 4
        cp0 = pltpu.async_copy(g_hbm.at[sidx.at[j0]], rows0, sem0)
        cp1 = pltpu.async_copy(g_hbm.at[sidx.at[j0 + 1]], rows1, sem1)
        cp0.wait()
        sc0 = pltpu.async_copy(rows0, acc.at[didx.at[j0]], ssem0, add=True)
        cp1.wait()
        sc1 = pltpu.async_copy(rows1, acc.at[didx.at[j0 + 1]], ssem1, add=True)
        sc0.wait()
        cp2 = pltpu.async_copy(g_hbm.at[sidx.at[j0 + 2]], rows0, sem0)
        sc1.wait()
        cp3 = pltpu.async_copy(g_hbm.at[sidx.at[j0 + 3]], rows1, sem1)
        cp2.wait()
        sc2 = pltpu.async_copy(rows0, acc.at[didx.at[j0 + 2]], ssem0, add=True)
        cp3.wait()
        sc3 = pltpu.async_copy(rows1, acc.at[didx.at[j0 + 3]], ssem1, add=True)
        sc2.wait()
        sc3.wait()
        return 0

    for ph in range(PH_SEG):
        pltpu.sync_copy(srcs_hbm.at[c, s, pl.ds(ph * CH_PH, CH_PH)], sidx)
        pltpu.sync_copy(dsts_hbm.at[s, pl.ds(ph * CH_PH, CH_PH)], didx)
        lax.fori_loop(0, CH_PH // 4, body, 0)
    plsc.subcore_barrier()
    pltpu.sync_copy(acc.at[pl.ds(base, RPT)], out_hbm.at[c, pl.ds(base, RPT)])



R_TC = 2000
GRID = N // R_TC
_f32 = jnp.float32


def _tc_first_body(x_ref, w_ref, d0_ref, d1_ref, g_ref, dis_ref):
    dis = lax.rsqrt(d0_ref[...] + d1_ref[...] + 1.0)
    g = jnp.dot(x_ref[...], w_ref[...], preferred_element_type=_f32) * dis
    g_ref[0] = g[:, :H]
    g_ref[1] = g[:, H:]
    dis_ref[...] = dis


_tc_first = pl.pallas_call(
    _tc_first_body,
    grid=(GRID,),
    in_specs=[
        pl.BlockSpec((R_TC, D), lambda i: (i, 0)),
        pl.BlockSpec((D, D), lambda i: (0, 0)),
        pl.BlockSpec((R_TC, 1), lambda i: (i, 0)),
        pl.BlockSpec((R_TC, 1), lambda i: (i, 0)),
    ],
    out_specs=[
        pl.BlockSpec((NC, R_TC, H), lambda i: (0, i, 0)),
        pl.BlockSpec((R_TC, 1), lambda i: (i, 0)),
    ],
    out_shape=[
        jax.ShapeDtypeStruct((NC, N, H), _f32),
        jax.ShapeDtypeStruct((N, 1), _f32),
    ],
)


def _tc_mid_body(s_ref, g_ref, dis_ref, b_ref, lg_ref, lb_ref, w_ref, go_ref):
    u = jnp.concatenate([s_ref[0] + g_ref[0], s_ref[1] + g_ref[1]], axis=1)
    dis = dis_ref[...]
    h = jnp.maximum(u * dis + b_ref[...], 0.0)
    mu = jnp.mean(h, axis=1, keepdims=True)
    xc = h - mu
    var = jnp.mean(xc * xc, axis=1, keepdims=True)
    hn = xc * lax.rsqrt(var + 1e-5) * lg_ref[...] + lb_ref[...]
    gn = jnp.dot(hn, w_ref[...], preferred_element_type=_f32) * dis
    go_ref[0] = gn[:, :H]
    go_ref[1] = gn[:, H:]


_tc_mid = pl.pallas_call(
    _tc_mid_body,
    grid=(GRID,),
    in_specs=[
        pl.BlockSpec((NC, R_TC, H), lambda i: (0, i, 0)),
        pl.BlockSpec((NC, R_TC, H), lambda i: (0, i, 0)),
        pl.BlockSpec((R_TC, 1), lambda i: (i, 0)),
        pl.BlockSpec((1, D), lambda i: (0, 0)),
        pl.BlockSpec((1, D), lambda i: (0, 0)),
        pl.BlockSpec((1, D), lambda i: (0, 0)),
        pl.BlockSpec((D, D), lambda i: (0, 0)),
    ],
    out_specs=pl.BlockSpec((NC, R_TC, H), lambda i: (0, i, 0)),
    out_shape=jax.ShapeDtypeStruct((NC, N, H), _f32),
)


def _tc_final_body(s_ref, g_ref, dis_ref, b_ref, w1_ref, b1_ref, w2_ref,
                   b2_ref, emb_ref, lp_ref):
    u = jnp.concatenate([s_ref[0] + g_ref[0], s_ref[1] + g_ref[1]], axis=1)
    emb = u * dis_ref[...] + b_ref[...]
    h = jnp.maximum(emb, 0.0)
    t = jnp.dot(h, w1_ref[...], preferred_element_type=_f32) + b1_ref[...]
    o = jnp.dot(t, w2_ref[...], preferred_element_type=_f32) + b2_ref[...]
    m = jnp.max(o, axis=1, keepdims=True)
    e = o - m
    lse = jnp.log(jnp.sum(jnp.exp(e), axis=1, keepdims=True))
    emb_ref[...] = emb
    lp_ref[...] = e - lse


_tc_final = pl.pallas_call(
    _tc_final_body,
    grid=(GRID,),
    in_specs=[
        pl.BlockSpec((NC, R_TC, H), lambda i: (0, i, 0)),
        pl.BlockSpec((NC, R_TC, H), lambda i: (0, i, 0)),
        pl.BlockSpec((R_TC, 1), lambda i: (i, 0)),
        pl.BlockSpec((1, D), lambda i: (0, 0)),
        pl.BlockSpec((D, D), lambda i: (0, 0)),
        pl.BlockSpec((1, D), lambda i: (0, 0)),
        pl.BlockSpec((D, D_OUT), lambda i: (0, 0)),
        pl.BlockSpec((1, D_OUT), lambda i: (0, 0)),
    ],
    out_specs=[
        pl.BlockSpec((R_TC, D), lambda i: (i, 0)),
        pl.BlockSpec((R_TC, D_OUT), lambda i: (i, 0)),
    ],
    out_shape=[
        jax.ShapeDtypeStruct((N, D), _f32),
        jax.ShapeDtypeStruct((N, D_OUT), _f32),
    ],
)


def kernel(x, edge_index, batch, W1, b1, W2, b2, W3, b3,
           ln1_g, ln1_b, ln2_g, ln2_b, pW1, pb1, pW2, pb2):
    src = edge_index[0].astype(jnp.int32)
    dst = edge_index[1].astype(jnp.int32)
    pad = EP - E
    srcp = jnp.concatenate([src, jnp.zeros((pad,), jnp.int32)])
    dstp = jnp.concatenate([dst, jnp.full((pad,), N, jnp.int32)])
    srcs = jnp.stack([srcp, srcp + N]).reshape(NC, NS, CH_SEG, CHUNK)
    dsts16 = dstp.reshape(NS, CH_SEG, CHUNK)
    dsts32 = dstp.reshape(NC * NS, CH_DEG, CHUNK)

    degp = _sc_degree(dsts32)
    d0 = degp[0, :N, 0:1]
    d1 = degp[1, :N, 0:1]

    g0, dis = _tc_first(x, W1, d0, d1)
    S0 = _sc_segment(g0.reshape(NC * N, H), srcs, dsts16)
    g1 = _tc_mid(S0, g0, dis, b1.reshape(1, D), ln1_g.reshape(1, D),
                 ln1_b.reshape(1, D), W2)
    S1 = _sc_segment(g1.reshape(NC * N, H), srcs, dsts16)
    g2 = _tc_mid(S1, g1, dis, b2.reshape(1, D), ln2_g.reshape(1, D),
                 ln2_b.reshape(1, D), W3)
    S2 = _sc_segment(g2.reshape(NC * N, H), srcs, dsts16)
    emb, logp = _tc_final(S2, g2, dis, b3.reshape(1, D), pW1,
                          pb1.reshape(1, D), pW2, pb2.reshape(1, D_OUT))
    return emb, logp

# --- scband reference (transcript-rebuilt; emitter-appended) ---
"""Pipeline reference for scband-gnnstack-46445776339726 (READ-ONLY COPY).

The authoritative reference and input builder live on the scoring server;
editing this copy changes nothing except your own understanding.
"""

import jax, jax.numpy as jnp
import numpy as np

N = 10000
E = 160000
D_IN = 256
D_H = 256
D_OUT = 64

def setup_inputs(seed: int = 0):
    key = jax.random.key(seed)
    ks = jax.random.split(key, 16)
    sc = 0.05
    inp = {}
    inp['x'] = jax.random.normal(ks[0], (N, D_IN), dtype=jnp.float32)
    inp['edge_index'] = jax.random.randint(ks[1], (2, E), 0, N)
    inp['batch'] = jnp.sort(jax.random.randint(ks[2], (N,), 0, 128))
    inp['W1'] = jax.random.normal(ks[3], (D_IN, D_H), dtype=jnp.float32) * sc
    inp['b1'] = jnp.zeros((D_H,), dtype=jnp.float32)
    inp['W2'] = jax.random.normal(ks[4], (D_H, D_H), dtype=jnp.float32) * sc
    inp['b2'] = jnp.zeros((D_H,), dtype=jnp.float32)
    inp['W3'] = jax.random.normal(ks[5], (D_H, D_H), dtype=jnp.float32) * sc
    inp['b3'] = jnp.zeros((D_H,), dtype=jnp.float32)
    inp['ln1_g'] = jnp.ones((D_H,), dtype=jnp.float32)
    inp['ln1_b'] = jnp.zeros((D_H,), dtype=jnp.float32)
    inp['ln2_g'] = jnp.ones((D_H,), dtype=jnp.float32)
    inp['ln2_b'] = jnp.zeros((D_H,), dtype=jnp.float32)
    inp['pW1'] = jax.random.normal(ks[6], (D_H, D_H), dtype=jnp.float32) * sc
    inp['pb1'] = jnp.zeros((D_H,), dtype=jnp.float32)
    inp['pW2'] = jax.random.normal(ks[7], (D_H, D_OUT), dtype=jnp.float32) * sc
    inp['pb2'] = jnp.zeros((D_OUT,), dtype=jnp.float32)
    return inp

def _layer_norm(x, g, b, eps=1e-5):
    mu = jnp.mean(x, axis=-1, keepdims=True)
    var = jnp.var(x, axis=-1, keepdims=True)
    return (x - mu) / jnp.sqrt(var + eps) * g + b

def _gcn_norm(edge_index):
    src = edge_index[0]
    dst = edge_index[1]
    loops = jnp.arange(N, dtype=src.dtype)
    src = jnp.concatenate([src, loops])
    dst = jnp.concatenate([dst, loops])
    deg = jax.ops.segment_sum(jnp.ones(src.shape[0], dtype=jnp.float32), dst, num_segments=N)
    dis = jnp.where(deg > 0, 1.0 / jnp.sqrt(deg), 0.0)
    return src, dst, dis[src] * dis[dst]

def _gcn_conv(x, src, dst, norm, W, b):
    h = x @ W
    out = jax.ops.segment_sum(h[src] * norm[:, None], dst, num_segments=N)
    return out + b

def reference(x, edge_index, batch, W1, b1, W2, b2, W3, b3, ln1_g, ln1_b, ln2_g, ln2_b, pW1, pb1, pW2, pb2):
    # eval mode: dropout is identity. task='node' so batch/global_add_pool unused.
    src, dst, norm = _gcn_norm(edge_index)
    params = [(W1, b1), (W2, b2), (W3, b3)]
    lns = [(ln1_g, ln1_b), (ln2_g, ln2_b)]
    h = x
    emb = x
    for i in range(3):
        W, b = params[i]
        h = _gcn_conv(h, src, dst, norm, W, b)
        emb = h
        h = jax.nn.relu(h)
        if i < 2:
            g, bb = lns[i]
            h = _layer_norm(h, g, bb)
    out = h @ pW1 + pb1
    out = out @ pW2 + pb2
    logp = jax.nn.log_softmax(out, axis=1)
    return (emb, logp)

if __name__ == "__main__":
    import jax
    _d = setup_inputs()
    print(jax.jit(kernel)(*tuple(_d.values())))

</pallas_src>

<mosaic_0001>
#map = affine_map<(d0, d1) -> (0, 0, 0)>
module attributes {stable_mosaic.version = 14 : i64} {
  func.func @_sc_degree(%arg0: i32, %arg1: i32, %arg2: memref<32x40x128xi32, #tpu.memory_space<hbm>>, %arg3: memref<2x10112x128xf32, #tpu.memory_space<hbm>>, %arg4: memref<10112x128xf32, #tpu.memory_space<vmem_shared>>, %arg5: memref<40x128xi32, #tpu.memory_space<vmem>>, %arg6: memref<128x128xf32, #tpu.memory_space<vmem>>, %arg7: memref<128x128xf32, #tpu.memory_space<vmem>>) attributes {dimension_semantics = [#tpu.dimension_semantics<core_parallel>, #tpu.dimension_semantics<subcore_parallel>], iteration_bounds = array<i64: 2, 16>, scalar_prefetch = 0 : i64, scratch_operands = 4 : i64, tpu.core_type = #tpu.core_type<sc_vector_subcore>, window_params = [{transform_indices = #map}, {transform_indices = #map}]} {
    %mul3A = arith.constant 16 : i32
    %mul3A_0 = arith.muli %arg0, %mul3A : i32
    %add3A = arith.addi %mul3A_0, %arg1 : i32
    %scan3A = arith.constant 0 : i32
    %scan3A_1 = arith.constant 0 : i32
    %scan3A_2 = arith.constant 128 : i32
    %scan3A_3 = arith.addi %scan3A_1, %scan3A_2 : i32
    %scan3A_4 = arith.constant 1 : i32
    %scan3A_5 = scf.for %scan3A_27 = %scan3A_1 to %scan3A_3 step %scan3A_4 iter_args(%scan3A_28 = %scan3A) -> (i32)  : i32 {
      %broadcast_in_dim3A = arith.constant 1.000000e+00 : f32
      %broadcast_in_dim3A_29 = vector.broadcast %broadcast_in_dim3A : f32 to vector<16xf32>
      %swap3A = arith.index_cast %scan3A_27 : i32 to index
      %swap3A_30 = arith.constant 0 : index
      %swap3A_31 = tpu.vector_load %arg6[%swap3A, %swap3A_30] {strides = array<i32>} : memref<128x128xf32, #tpu.memory_space<vmem>>, vector<1x16xf32>,
      %swap3A_32 = vector.shape_cast %swap3A_31 : vector<1x16xf32> to vector<16xf32>
      %swap3A_33 = vector.shape_cast %broadcast_in_dim3A_29 : vector<16xf32> to vector<1x16xf32>
      tpu.vector_store %arg6[%swap3A, %swap3A_30], %swap3A_33 {strides = array<i32>} : memref<128x128xf32, #tpu.memory_space<vmem>>, vector<1x16xf32>,
      %broadcast_in_dim3A_34 = arith.constant 0.000000e+00 : f32
      %broadcast_in_dim3A_35 = vector.broadcast %broadcast_in_dim3A_34 : f32 to vector<16xf32>
      %swap3A_36 = arith.index_cast %scan3A_27 : i32 to index
      %swap3A_37 = arith.constant 0 : index
      %swap3A_38 = tpu.vector_load %arg7[%swap3A_36, %swap3A_37] {strides = array<i32>} : memref<128x128xf32, #tpu.memory_space<vmem>>, vector<1x16xf32>,
      %swap3A_39 = vector.shape_cast %swap3A_38 : vector<1x16xf32> to vector<16xf32>
      %swap3A_40 = vector.shape_cast %broadcast_in_dim3A_35 : vector<16xf32> to vector<1x16xf32>
      tpu.vector_store %arg7[%swap3A_36, %swap3A_37], %swap3A_40 {strides = array<i32>} : memref<128x128xf32, #tpu.memory_space<vmem>>, vector<1x16xf32>,
      %broadcast_in_dim3A_41 = arith.constant 1.000000e+00 : f32
      %broadcast_in_dim3A_42 = vector.broadcast %broadcast_in_dim3A_41 : f32 to vector<16xf32>
      %swap3A_43 = arith.index_cast %scan3A_27 : i32 to index
      %swap3A_44 = arith.constant 16 : index
      %swap3A_45 = tpu.vector_load %arg6[%swap3A_43, %swap3A_44] {strides = array<i32>} : memref<128x128xf32, #tpu.memory_space<vmem>>, vector<1x16xf32>,
      %swap3A_46 = vector.shape_cast %swap3A_45 : vector<1x16xf32> to vector<16xf32>
      %swap3A_47 = vector.shape_cast %broadcast_in_dim3A_42 : vector<16xf32> to vector<1x16xf32>
      tpu.vector_store %arg6[%swap3A_43, %swap3A_44], %swap3A_47 {strides = array<i32>} : memref<128x128xf32, #tpu.memory_space<vmem>>, vector<1x16xf32>,
      %broadcast_in_dim3A_48 = arith.constant 0.000000e+00 : f32
      %broadcast_in_dim3A_49 = vector.broadcast %broadcast_in_dim3A_48 : f32 to vector<16xf32>
      %swap3A_50 = arith.index_cast %scan3A_27 : i32 to index
      %swap3A_51 = arith.constant 16 : index
      %swap3A_52 = tpu.vector_load %arg7[%swap3A_50, %swap3A_51] {strides = array<i32>} : memref<128x128xf32, #tpu.memory_space<vmem>>, vector<1x16xf32>,
      %swap3A_53 = vector.shape_cast %swap3A_52 : vector<1x16xf32> to vector<16xf32>
      %swap3A_54 = vector.shape_cast %broadcast_in_dim3A_49 : vector<16xf32> to vector<1x16xf32>
      tpu.vector_store %arg7[%swap3A_50, %swap3A_51], %swap3A_54 {strides = array<i32>} : memref<128x128xf32, #tpu.memory_space<vmem>>, vector<1x16xf32>,
      %broadcast_in_dim3A_55 = arith.constant 1.000000e+00 : f32
      %broadcast_in_dim3A_56 = vector.broadcast %broadcast_in_dim3A_55 : f32 to vector<16xf32>
      %swap3A_57 = arith.index_cast %scan3A_27 : i32 to index
      %swap3A_58 = arith.constant 32 : index
      %swap3A_59 = tpu.vector_load %arg6[%swap3A_57, %swap3A_58] {strides = array<i32>} : memref<128x128xf32, #tpu.memory_space<vmem>>, vector<1x16xf32>,
      %swap3A_60 = vector.shape_cast %swap3A_59 : vector<1x16xf32> to vector<16xf32>
      %swap3A_61 = vector.shape_cast %broadcast_in_dim3A_56 : vector<16xf32> to vector<1x16xf32>
      tpu.vector_store %arg6[%swap3A_57, %swap3A_58], %swap3A_61 {strides = array<i32>} : memref<128x128xf32, #tpu.memory_space<vmem>>, vector<1x16xf32>,
      %broadcast_in_dim3A_62 = arith.constant 0.000000e+00 : f32
      %broadcast_in_dim3A_63 = vector.broadcast %broadcast_in_dim3A_62 : f32 to vector<16xf32>
      %swap3A_64 = arith.index_cast %scan3A_27 : i32 to index
      %swap3A_65 = arith.constant 32 : index
      %swap3A_66 = tpu.vector_load %arg7[%swap3A_64, %swap3A_65] {strides = array<i32>} : memref<128x128xf32, #tpu.memory_space<vmem>>, vector<1x16xf32>,
      %swap3A_67 = vector.shape_cast %swap3A_66 : vector<1x16xf32> to vector<16xf32>
      %swap3A_68 = vector.shape_cast %broadcast_in_dim3A_63 : vector<16xf32> to vector<1x16xf32>
      tpu.vector_store %arg7[%swap3A_64, %swap3A_65], %swap3A_68 {strides = array<i32>} : memref<128x128xf32, #tpu.memory_space<vmem>>, vector<1x16xf32>,
      %broadcast_in_dim3A_69 = arith.constant 1.000000e+00 : f32
      %broadcast_in_dim3A_70 = vector.broadcast %broadcast_in_dim3A_69 : f32 to vector<16xf32>
      %swap3A_71 = arith.index_cast %scan3A_27 : i32 to index
      %swap3A_72 = arith.constant 48 : index
      %swap3A_73 = tpu.vector_load %arg6[%swap3A_71, %swap3A_72] {strides = array<i32>} : memref<128x128xf32, #tpu.memory_space<vmem>>, vector<1x16xf32>,
      %swap3A_74 = vector.shape_cast %swap3A_73 : vector<1x16xf32> to vector<16xf32>
      %swap3A_75 = vector.shape_cast %broadcast_in_dim3A_70 : vector<16xf32> to vector<1x16xf32>
      tpu.vector_store %arg6[%swap3A_71, %swap3A_72], %swap3A_75 {strides = array<i32>} : memref<128x128xf32, #tpu.memory_space<vmem>>, vector<1x16xf32>,
      %broadcast_in_dim3A_76 = arith.constant 0.000000e+00 : f32
      %broadcast_in_dim3A_77 = vector.broadcast %broadcast_in_dim3A_76 : f32 to vector<16xf32>
      %swap3A_78 = arith.index_cast %scan3A_27 : i32 to index
      %swap3A_79 = arith.constant 48 : index
      %swap3A_80 = tpu.vector_load %arg7[%swap3A_78, %swap3A_79] {strides = array<i32>} : memref<128x128xf32, #tpu.memory_space<vmem>>, vector<1x16xf32>,
      %swap3A_81 = vector.shape_cast %swap3A_80 : vector<1x16xf32> to vector<16xf32>
      %swap3A_82 = vector.shape_cast %broadcast_in_dim3A_77 : vector<16xf32> to vector<1x16xf32>
      tpu.vector_store %arg7[%swap3A_78, %swap3A_79], %swap3A_82 {strides = array<i32>} : memref<128x128xf32, #tpu.memory_space<vmem>>, vector<1x16xf32>,
      %broadcast_in_dim3A_83 = arith.constant 1.000000e+00 : f32
      %broadcast_in_dim3A_84 = vector.broadcast %broadcast_in_dim3A_83 : f32 to vector<16xf32>
      %swap3A_85 = arith.index_cast %scan3A_27 : i32 to index
      %swap3A_86 = arith.constant 64 : index
      %swap3A_87 = tpu.vector_load %arg6[%swap3A_85, %swap3A_86] {strides = array<i32>} : memref<128x128xf32, #tpu.memory_space<vmem>>, vector<1x16xf32>,
      %swap3A_88 = vector.shape_cast %swap3A_87 : vector<1x16xf32> to vector<16xf32>
      %swap3A_89 = vector.shape_cast %broadcast_in_dim3A_84 : vector<16xf32> to vector<1x16xf32>
      tpu.vector_store %arg6[%swap3A_85, %swap3A_86], %swap3A_89 {strides = array<i32>} : memref<128x128xf32, #tpu.memory_space<vmem>>, vector<1x16xf32>,
      %broadcast_in_dim3A_90 = arith.constant 0.000000e+00 : f32
      %broadcast_in_dim3A_91 = vector.broadcast %broadcast_in_dim3A_90 : f32 to vector<16xf32>
      %swap3A_92 = arith.index_cast %scan3A_27 : i32 to index
      %swap3A_93 = arith.constant 64 : index
      %swap3A_94 = tpu.vector_load %arg7[%swap3A_92, %swap3A_93] {strides = array<i32>} : memref<128x128xf32, #tpu.memory_space<vmem>>, vector<1x16xf32>,
      %swap3A_95 = vector.shape_cast %swap3A_94 : vector<1x16xf32> to vector<16xf32>
      %swap3A_96 = vector.shape_cast %broadcast_in_dim3A_91 : vector<16xf32> to vector<1x16xf32>
      tpu.vector_store %arg7[%swap3A_92, %swap3A_93], %swap3A_96 {strides = array<i32>} : memref<128x128xf32, #tpu.memory_space<vmem>>, vector<1x16xf32>,
      %broadcast_in_dim3A_97 = arith.constant 1.000000e+00 : f32
      %broadcast_in_dim3A_98 = vector.broadcast %broadcast_in_dim3A_97 : f32 to vector<16xf32>
      %swap3A_99 = arith.index_cast %scan3A_27 : i32 to index
      %swap3A_100 = arith.constant 80 : index
      %swap3A_101 = tpu.vector_load %arg6[%swap3A_99, %swap3A_100] {strides = array<i32>} : memref<128x128xf32, #tpu.memory_space<vmem>>, vector<1x16xf32>,
      %swap3A_102 = vector.shape_cast %swap3A_101 : vector<1x16xf32> to vector<16xf32>
      %swap3A_103 = vector.shape_cast %broadcast_in_dim3A_98 : vector<16xf32> to vector<1x16xf32>
      tpu.vector_store %arg6[%swap3A_99, %swap3A_100], %swap3A_103 {strides = array<i32>} : memref<128x128xf32, #tpu.memory_space<vmem>>, vector<1x16xf32>,
      %broadcast_in_dim3A_104 = arith.constant 0.000000e+00 : f32
      %broadcast_in_dim3A_105 = vector.broadcast %broadcast_in_dim3A_104 : f32 to vector<16xf32>
      %swap3A_106 = arith.index_cast %scan3A_27 : i32 to index
      %swap3A_107 = arith.constant 80 : index
      %swap3A_108 = tpu.vector_load %arg7[%swap3A_106, %swap3A_107] {strides = array<i32>} : memref<128x128xf32, #tpu.memory_space<vmem>>, vector<1x16xf32>,
      %swap3A_109 = vector.shape_cast %swap3A_108 : vector<1x16xf32> to vector<16xf32>
      %swap3A_110 = vector.shape_cast %broadcast_in_dim3A_105 : vector<16xf32> to vector<1x16xf32>
      tpu.vector_store %arg7[%swap3A_106, %swap3A_107], %swap3A_110 {strides = array<i32>} : memref<128x128xf32, #tpu.memory_space<vmem>>, vector<1x16xf32>,
      %broadcast_in_dim3A_111 = arith.constant 1.000000e+00 : f32
      %broadcast_in_dim3A_112 = vector.broadcast %broadcast_in_dim3A_111 : f32 to vector<16xf32>
      %swap3A_113 = arith.index_cast %scan3A_27 : i32 to index
      %swap3A_114 = arith.constant 96 : index
      %swap3A_115 = tpu.vector_load %arg6[%swap3A_113, %swap3A_114] {strides = array<i32>} : memref<128x128xf32, #tpu.memory_space<vmem>>, vector<1x16xf32>,
      %swap3A_116 = vector.shape_cast %swap3A_115 : vector<1x16xf32> to vector<16xf32>
      %swap3A_117 = vector.shape_cast %broadcast_in_dim3A_112 : vector<16xf32> to vector<1x16xf32>
      tpu.vector_store %arg6[%swap3A_113, %swap3A_114], %swap3A_117 {strides = array<i32>} : memref<128x128xf32, #tpu.memory_space<vmem>>, vector<1x16xf32>,
      %broadcast_in_dim3A_118 = arith.constant 0.000000e+00 : f32
      %broadcast_in_dim3A_119 = vector.broadcast %broadcast_in_dim3A_118 : f32 to vector<16xf32>
      %swap3A_120 = arith.index_cast %scan3A_27 : i32 to index
      %swap3A_121 = arith.constant 96 : index
      %swap3A_122 = tpu.vector_load %arg7[%swap3A_120, %swap3A_121] {strides = array<i32>} : memref<128x128xf32, #tpu.memory_space<vmem>>, vector<1x16xf32>,
      %swap3A_123 = vector.shape_cast %swap3A_122 : vector<1x16xf32> to vector<16xf32>
      %swap3A_124 = vector.shape_cast %broadcast_in_dim3A_119 : vector<16xf32> to vector<1x16xf32>
      tpu.vector_store %arg7[%swap3A_120, %swap3A_121], %swap3A_124 {strides = array<i32>} : memref<128x128xf32, #tpu.memory_space<vmem>>, vector<1x16xf32>,
      %broadcast_in_dim3A_125 = arith.constant 1.000000e+00 : f32
      %broadcast_in_dim3A_126 = vector.broadcast %broadcast_in_dim3A_125 : f32 to vector<16xf32>
      %swap3A_127 = arith.index_cast %scan3A_27 : i32 to index
      %swap3A_128 = arith.constant 112 : index
      %swap3A_129 = tpu.vector_load %arg6[%swap3A_127, %swap3A_128] {strides = array<i32>} : memref<128x128xf32, #tpu.memory_space<vmem>>, vector<1x16xf32>,
      %swap3A_130 = vector.shape_cast %swap3A_129 : vector<1x16xf32> to vector<16xf32>
      %swap3A_131 = vector.shape_cast %broadcast_in_dim3A_126 : vector<16xf32> to vector<1x16xf32>
      tpu.vector_store %arg6[%swap3A_127, %swap3A_128], %swap3A_131 {strides = array<i32>} : memref<128x128xf32, #tpu.memory_space<vmem>>, vector<1x16xf32>,
      %broadcast_in_dim3A_132 = arith.constant 0.000000e+00 : f32
      %broadcast_in_dim3A_133 = vector.broadcast %broadcast_in_dim3A_132 : f32 to vector<16xf32>
      %swap3A_134 = arith.index_cast %scan3A_27 : i32 to index
      %swap3A_135 = arith.constant 112 : index
      %swap3A_136 = tpu.vector_load %arg7[%swap3A_134, %swap3A_135] {strides = array<i32>} : memref<128x128xf32, #tpu.memory_space<vmem>>, vector<1x16xf32>,
      %swap3A_137 = vector.shape_cast %swap3A_136 : vector<1x16xf32> to vector<16xf32>
      %swap3A_138 = vector.shape_cast %broadcast_in_dim3A_133 : vector<16xf32> to vector<1x16xf32>
      tpu.vector_store %arg7[%swap3A_134, %swap3A_135], %swap3A_138 {strides = array<i32>} : memref<128x128xf32, #tpu.memory_space<vmem>>, vector<1x16xf32>,
      %scan3A_139 = arith.constant 0 : i32
      scf.yield %scan3A_139 : i32
    }
    %scan3A_6 = arith.constant 128 : i32
    %mul3A_7 = arith.constant 632 : i32
    %mul3A_8 = arith.muli %arg1, %mul3A_7 : i32
    %add3A_9 = arith.constant 0 : i32
    %add3A_10 = arith.addi %mul3A_8, %add3A_9 : i32
    "tpu.region"() ({
      %run_scoped3A = tpu.sem_alloc : memref<!tpu.dma_semaphore, #tpu.memory_space<semaphore_mem>>
      %dma_start3A = arith.constant 0 : i32
      %dma_start3A_27 = arith.constant 0 : i32
      %dma_start3A_28 = tpu.memref_slice %arg7[%dma_start3A, %dma_start3A_27] : memref<128x128xf32, #tpu.memory_space<vmem>> -> memref<128x128xf32, #tpu.memory_space<vmem>>
      %dma_start3A_29 = arith.constant 0 : i32
      %dma_start3A_30 = tpu.memref_slice %arg4[%add3A_10, %dma_start3A_29] : memref<10112x128xf32, #tpu.memory_space<vmem_shared>> -> memref<128x128xf32, #tpu.memory_space<vmem_shared>>
      %dma_start3A_31 = arith.constant 0 : i32
      %dma_start3A_32 = tpu.memref_slice %arg4[%add3A_10, %dma_start3A_31] : memref<10112x128xf32, #tpu.memory_space<vmem_shared>> -> memref<128x128xf32, #tpu.memory_space<vmem_shared>>
      %dma_start3A_33 = arith.constant 0 : i32
      %dma_start3A_34 = arith.constant 0 : i32
      %dma_start3A_35 = tpu.memref_slice %arg7[%dma_start3A_33, %dma_start3A_34] : memref<128x128xf32, #tpu.memory_space<vmem>> -> memref<128x128xf32, #tpu.memory_space<vmem>>
      tpu.enqueue_dma source(%dma_start3A_35 : memref<128x128xf32, #tpu.memory_space<vmem>>) target(%dma_start3A_32 : memref<128x128xf32, #tpu.memory_space<vmem_shared>>) target_semaphore(%run_scoped3A : memref<!tpu.dma_semaphore, #tpu.memory_space<semaphore_mem>>)
      %dma_wait3A = arith.constant 0 : i32
      %dma_wait3A_36 = arith.constant 0 : i32
      %dma_wait3A_37 = tpu.memref_slice %arg7[%dma_wait3A, %dma_wait3A_36] : memref<128x128xf32, #tpu.memory_space<vmem>> -> memref<128x128xf32, #tpu.memory_space<vmem>>
      %dma_wait3A_38 = arith.constant 0 : i32
      %dma_wait3A_39 = tpu.memref_slice %arg4[%add3A_10, %dma_wait3A_38] : memref<10112x128xf32, #tpu.memory_space<vmem_shared>> -> memref<128x128xf32, #tpu.memory_space<vmem_shared>>
      %dma_wait3A_40 = arith.constant 0 : i32
      %dma_wait3A_41 = tpu.memref_slice %arg4[%add3A_10, %dma_wait3A_40] : memref<10112x128xf32, #tpu.memory_space<vmem_shared>> -> memref<128x128xf32, #tpu.memory_space<vmem_shared>>
      %dma_wait3A_42 = arith.constant 0 : i32
      %dma_wait3A_43 = arith.constant 0 : i32
      %dma_wait3A_44 = tpu.memref_slice %arg7[%dma_wait3A_42, %dma_wait3A_43] : memref<128x128xf32, #tpu.memory_space<vmem>> -> memref<128x128xf32, #tpu.memory_space<vmem>>
      tpu.wait_dma2 semaphore(%run_scoped3A : memref<!tpu.dma_semaphore, #tpu.memory_space<semaphore_mem>>) src(%dma_wait3A_44 : memref<128x128xf32, #tpu.memory_space<vmem>>) dst(%dma_wait3A_41 : memref<128x128xf32, #tpu.memory_space<vmem_shared>>)
      tpu.yield
    }) : () -> ()
    %add3A_11 = arith.constant 128 : i32
    %add3A_12 = arith.addi %mul3A_8, %add3A_11 : i32
    "tpu.region"() ({
      %run_scoped3A = tpu.sem_alloc : memref<!tpu.dma_semaphore, #tpu.memory_space<semaphore_mem>>
      %dma_start3A = arith.constant 0 : i32
      %dma_start3A_27 = arith.constant 0 : i32
      %dma_start3A_28 = tpu.memref_slice %arg7[%dma_start3A, %dma_start3A_27] : memref<128x128xf32, #tpu.memory_space<vmem>> -> memref<128x128xf32, #tpu.memory_space<vmem>>
      %dma_start3A_29 = arith.constant 0 : i32
      %dma_start3A_30 = tpu.memref_slice %arg4[%add3A_12, %dma_start3A_29] : memref<10112x128xf32, #tpu.memory_space<vmem_shared>> -> memref<128x128xf32, #tpu.memory_space<vmem_shared>>
      %dma_start3A_31 = arith.constant 0 : i32
      %dma_start3A_32 = tpu.memref_slice %arg4[%add3A_12, %dma_start3A_31] : memref<10112x128xf32, #tpu.memory_space<vmem_shared>> -> memref<128x128xf32, #tpu.memory_space<vmem_shared>>
      %dma_start3A_33 = arith.constant 0 : i32
      %dma_start3A_34 = arith.constant 0 : i32
      %dma_start3A_35 = tpu.memref_slice %arg7[%dma_start3A_33, %dma_start3A_34] : memref<128x128xf32, #tpu.memory_space<vmem>> -> memref<128x128xf32, #tpu.memory_space<vmem>>
      tpu.enqueue_dma source(%dma_start3A_35 : memref<128x128xf32, #tpu.memory_space<vmem>>) target(%dma_start3A_32 : memref<128x128xf32, #tpu.memory_space<vmem_shared>>) target_semaphore(%run_scoped3A : memref<!tpu.dma_semaphore, #tpu.memory_space<semaphore_mem>>)
      %dma_wait3A = arith.constant 0 : i32
      %dma_wait3A_36 = arith.constant 0 : i32
      %dma_wait3A_37 = tpu.memref_slice %arg7[%dma_wait3A, %dma_wait3A_36] : memref<128x128xf32, #tpu.memory_space<vmem>> -> memref<128x128xf32, #tpu.memory_space<vmem>>
      %dma_wait3A_38 = arith.constant 0 : i32
      %dma_wait3A_39 = tpu.memref_slice %arg4[%add3A_12, %dma_wait3A_38] : memref<10112x128xf32, #tpu.memory_space<vmem_shared>> -> memref<128x128xf32, #tpu.memory_space<vmem_shared>>
      %dma_wait3A_40 = arith.constant 0 : i32
      %dma_wait3A_41 = tpu.memref_slice %arg4[%add3A_12, %dma_wait3A_40] : memref<10112x128xf32, #tpu.memory_space<vmem_shared>> -> memref<128x128xf32, #tpu.memory_space<vmem_shared>>
      %dma_wait3A_42 = arith.constant 0 : i32
      %dma_wait3A_43 = arith.constant 0 : i32
      %dma_wait3A_44 = tpu.memref_slice %arg7[%dma_wait3A_42, %dma_wait3A_43] : memref<128x128xf32, #tpu.memory_space<vmem>> -> memref<128x128xf32, #tpu.memory_space<vmem>>
      tpu.wait_dma2 semaphore(%run_scoped3A : memref<!tpu.dma_semaphore, #tpu.memory_space<semaphore_mem>>) src(%dma_wait3A_44 : memref<128x128xf32, #tpu.memory_space<vmem>>) dst(%dma_wait3A_41 : memref<128x128xf32, #tpu.memory_space<vmem_shared>>)
      tpu.yield
    }) : () -> ()
    %add3A_13 = arith.constant 256 : i32
    %add3A_14 = arith.addi %mul3A_8, %add3A_13 : i32
    "tpu.region"() ({
      %run_scoped3A = tpu.sem_alloc : memref<!tpu.dma_semaphore, #tpu.memory_space<semaphore_mem>>
      %dma_start3A = arith.constant 0 : i32
      %dma_start3A_27 = arith.constant 0 : i32
      %dma_start3A_28 = tpu.memref_slice %arg7[%dma_start3A, %dma_start3A_27] : memref<128x128xf32, #tpu.memory_space<vmem>> -> memref<128x128xf32, #tpu.memory_space<vmem>>
      %dma_start3A_29 = arith.constant 0 : i32
      %dma_start3A_30 = tpu.memref_slice %arg4[%add3A_14, %dma_start3A_29] : memref<10112x128xf32, #tpu.memory_space<vmem_shared>> -> memref<128x128xf32, #tpu.memory_space<vmem_shared>>
      %dma_start3A_31 = arith.constant 0 : i32
      %dma_start3A_32 = tpu.memref_slice %arg4[%add3A_14, %dma_start3A_31] : memref<10112x128xf32, #tpu.memory_space<vmem_shared>> -> memref<128x128xf32, #tpu.memory_space<vmem_shared>>
      %dma_start3A_33 = arith.constant 0 : i32
      %dma_start3A_34 = arith.constant 0 : i32
      %dma_start3A_35 = tpu.memref_slice %arg7[%dma_start3A_33, %dma_start3A_34] : memref<128x128xf32, #tpu.memory_space<vmem>> -> memref<128x128xf32, #tpu.memory_space<vmem>>
      tpu.enqueue_dma source(%dma_start3A_35 : memref<128x128xf32, #tpu.memory_space<vmem>>) target(%dma_start3A_32 : memref<128x128xf32, #tpu.memory_space<vmem_shared>>) target_semaphore(%run_scoped3A : memref<!tpu.dma_semaphore, #tpu.memory_space<semaphore_mem>>)
      %dma_wait3A = arith.constant 0 : i32
      %dma_wait3A_36 = arith.constant 0 : i32
      %dma_wait3A_37 = tpu.memref_slice %arg7[%dma_wait3A, %dma_wait3A_36] : memref<128x128xf32, #tpu.memory_space<vmem>> -> memref<128x128xf32, #tpu.memory_space<vmem>>
      %dma_wait3A_38 = arith.constant 0 : i32
      %dma_wait3A_39 = tpu.memref_slice %arg4[%add3A_14, %dma_wait3A_38] : memref<10112x128xf32, #tpu.memory_space<vmem_shared>> -> memref<128x128xf32, #tpu.memory_space<vmem_shared>>
      %dma_wait3A_40 = arith.constant 0 : i32
      %dma_wait3A_41 = tpu.memref_slice %arg4[%add3A_14, %dma_wait3A_40] : memref<10112x128xf32, #tpu.memory_space<vmem_shared>> -> memref<128x128xf32, #tpu.memory_space<vmem_shared>>
      %dma_wait3A_42 = arith.constant 0 : i32
      %dma_wait3A_43 = arith.constant 0 : i32
      %dma_wait3A_44 = tpu.memref_slice %arg7[%dma_wait3A_42, %dma_wait3A_43] : memref<128x128xf32, #tpu.memory_space<vmem>> -> memref<128x128xf32, #tpu.memory_space<vmem>>
      tpu.wait_dma2 semaphore(%run_scoped3A : memref<!tpu.dma_semaphore, #tpu.memory_space<semaphore_mem>>) src(%dma_wait3A_44 : memref<128x128xf32, #tpu.memory_space<vmem>>) dst(%dma_wait3A_41 : memref<128x128xf32, #tpu.memory_space<vmem_shared>>)
      tpu.yield
    }) : () -> ()
    %add3A_15 = arith.constant 384 : i32
    %add3A_16 = arith.addi %mul3A_8, %add3A_15 : i32
    "tpu.region"() ({
      %run_scoped3A = tpu.sem_alloc : memref<!tpu.dma_semaphore, #tpu.memory_space<semaphore_mem>>
      %dma_start3A = arith.constant 0 : i32
      %dma_start3A_27 = arith.constant 0 : i32
      %dma_start3A_28 = tpu.memref_slice %arg7[%dma_start3A, %dma_start3A_27] : memref<128x128xf32, #tpu.memory_space<vmem>> -> memref<128x128xf32, #tpu.memory_space<vmem>>
      %dma_start3A_29 = arith.constant 0 : i32
      %dma_start3A_30 = tpu.memref_slice %arg4[%add3A_16, %dma_start3A_29] : memref<10112x128xf32, #tpu.memory_space<vmem_shared>> -> memref<128x128xf32, #tpu.memory_space<vmem_shared>>
      %dma_start3A_31 = arith.constant 0 : i32
      %dma_start3A_32 = tpu.memref_slice %arg4[%add3A_16, %dma_start3A_31] : memref<10112x128xf32, #tpu.memory_space<vmem_shared>> -> memref<128x128xf32, #tpu.memory_space<vmem_shared>>
      %dma_start3A_33 = arith.constant 0 : i32
      %dma_start3A_34 = arith.constant 0 : i32
      %dma_start3A_35 = tpu.memref_slice %arg7[%dma_start3A_33, %dma_start3A_34] : memref<128x128xf32, #tpu.memory_space<vmem>> -> memref<128x128xf32, #tpu.memory_space<vmem>>
      tpu.enqueue_dma source(%dma_start3A_35 : memref<128x128xf32, #tpu.memory_space<vmem>>) target(%dma_start3A_32 : memref<128x128xf32, #tpu.memory_space<vmem_shared>>) target_semaphore(%run_scoped3A : memref<!tpu.dma_semaphore, #tpu.memory_space<semaphore_mem>>)
      %dma_wait3A = arith.constant 0 : i32
      %dma_wait3A_36 = arith.constant 0 : i32
      %dma_wait3A_37 = tpu.memref_slice %arg7[%dma_wait3A, %dma_wait3A_36] : memref<128x128xf32, #tpu.memory_space<vmem>> -> memref<128x128xf32, #tpu.memory_space<vmem>>
      %dma_wait3A_38 = arith.constant 0 : i32
      %dma_wait3A_39 = tpu.memref_slice %arg4[%add3A_16, %dma_wait3A_38] : memref<10112x128xf32, #tpu.memory_space<vmem_shared>> -> memref<128x128xf32, #tpu.memory_space<vmem_shared>>
      %dma_wait3A_40 = arith.constant 0 : i32
      %dma_wait3A_41 = tpu.memref_slice %arg4[%add3A_16, %dma_wait3A_40] : memref<10112x128xf32, #tpu.memory_space<vmem_shared>> -> memref<128x128xf32, #tpu.memory_space<vmem_shared>>
      %dma_wait3A_42 = arith.constant 0 : i32
      %dma_wait3A_43 = arith.constant 0 : i32
      %dma_wait3A_44 = tpu.memref_slice %arg7[%dma_wait3A_42, %dma_wait3A_43] : memref<128x128xf32, #tpu.memory_space<vmem>> -> memref<128x128xf32, #tpu.memory_space<vmem>>
      tpu.wait_dma2 semaphore(%run_scoped3A : memref<!tpu.dma_semaphore, #tpu.memory_space<semaphore_mem>>) src(%dma_wait3A_44 : memref<128x128xf32, #tpu.memory_space<vmem>>) dst(%dma_wait3A_41 : memref<128x128xf32, #tpu.memory_space<vmem_shared>>)
      tpu.yield
    }) : () -> ()
    %add3A_17 = arith.constant 512 : i32
    %add3A_18 = arith.addi %mul3A_8, %add3A_17 : i32
    "tpu.region"() ({
      %run_scoped3A = tpu.sem_alloc : memref<!tpu.dma_semaphore, #tpu.memory_space<semaphore_mem>>
      %dma_start3A = arith.constant 0 : i32
      %dma_start3A_27 = arith.constant 0 : i32
      %dma_start3A_28 = tpu.memref_slice %arg7[%dma_start3A, %dma_start3A_27] : memref<128x128xf32, #tpu.memory_space<vmem>> -> memref<120x128xf32, #tpu.memory_space<vmem>>
      %dma_start3A_29 = arith.constant 0 : i32
      %dma_start3A_30 = tpu.memref_slice %arg4[%add3A_18, %dma_start3A_29] : memref<10112x128xf32, #tpu.memory_space<vmem_shared>> -> memref<120x128xf32, #tpu.memory_space<vmem_shared>>
      %dma_start3A_31 = arith.constant 0 : i32
      %dma_start3A_32 = tpu.memref_slice %arg4[%add3A_18, %dma_start3A_31] : memref<10112x128xf32, #tpu.memory_space<vmem_shared>> -> memref<120x128xf32, #tpu.memory_space<vmem_shared>>
      %dma_start3A_33 = arith.constant 0 : i32
      %dma_start3A_34 = arith.constant 0 : i32
      %dma_start3A_35 = tpu.memref_slice %arg7[%dma_start3A_33, %dma_start3A_34] : memref<128x128xf32, #tpu.memory_space<vmem>> -> memref<120x128xf32, #tpu.memory_space<vmem>>
      tpu.enqueue_dma source(%dma_start3A_35 : memref<120x128xf32, #tpu.memory_space<vmem>>) target(%dma_start3A_32 : memref<120x128xf32, #tpu.memory_space<vmem_shared>>) target_semaphore(%run_scoped3A : memref<!tpu.dma_semaphore, #tpu.memory_space<semaphore_mem>>)
      %dma_wait3A = arith.constant 0 : i32
      %dma_wait3A_36 = arith.constant 0 : i32
      %dma_wait3A_37 = tpu.memref_slice %arg7[%dma_wait3A, %dma_wait3A_36] : memref<128x128xf32, #tpu.memory_space<vmem>> -> memref<120x128xf32, #tpu.memory_space<vmem>>
      %dma_wait3A_38 = arith.constant 0 : i32
      %dma_wait3A_39 = tpu.memref_slice %arg4[%add3A_18, %dma_wait3A_38] : memref<10112x128xf32, #tpu.memory_space<vmem_shared>> -> memref<120x128xf32, #tpu.memory_space<vmem_shared>>
      %dma_wait3A_40 = arith.constant 0 : i32
      %dma_wait3A_41 = tpu.memref_slice %arg4[%add3A_18, %dma_wait3A_40] : memref<10112x128xf32, #tpu.memory_space<vmem_shared>> -> memref<120x128xf32, #tpu.memory_space<vmem_shared>>
      %dma_wait3A_42 = arith.constant 0 : i32
      %dma_wait3A_43 = arith.constant 0 : i32
      %dma_wait3A_44 = tpu.memref_slice %arg7[%dma_wait3A_42, %dma_wait3A_43] : memref<128x128xf32, #tpu.memory_space<vmem>> -> memref<120x128xf32, #tpu.memory_space<vmem>>
      tpu.wait_dma2 semaphore(%run_scoped3A : memref<!tpu.dma_semaphore, #tpu.memory_space<semaphore_mem>>) src(%dma_wait3A_44 : memref<120x128xf32, #tpu.memory_space<vmem>>) dst(%dma_wait3A_41 : memref<120x128xf32, #tpu.memory_space<vmem_shared>>)
      tpu.yield
    }) : () -> ()
    "tpu.region"() ({
      %run_scoped3A = tpu.sem_alloc : memref<!tpu.dma_semaphore, #tpu.memory_space<semaphore_mem>>
      %dma_start3A = arith.constant 0 : i32
      %dma_start3A_27 = arith.constant 0 : i32
      %dma_start3A_28 = tpu.memref_slice %arg2[%add3A, %dma_start3A, %dma_start3A_27] : memref<32x40x128xi32, #tpu.memory_space<hbm>> -> memref<1x40x128xi32, #tpu.memory_space<hbm>>
      %dma_start3A_29 = tpu.memref_squeeze %dma_start3A_28 : memref<1x40x128xi32, #tpu.memory_space<hbm>> -> memref<40x128xi32, #tpu.memory_space<hbm>>
      %dma_start3A_30 = arith.constant 0 : i32
      %dma_start3A_31 = arith.constant 0 : i32
      %dma_start3A_32 = tpu.memref_slice %arg2[%add3A, %dma_start3A_30, %dma_start3A_31] : memref<32x40x128xi32, #tpu.memory_space<hbm>> -> memref<1x40x128xi32, #tpu.memory_space<hbm>>
      %dma_start3A_33 = tpu.memref_squeeze %dma_start3A_32 : memref<1x40x128xi32, #tpu.memory_space<hbm>> -> memref<40x128xi32, #tpu.memory_space<hbm>>
      tpu.enqueue_dma source(%dma_start3A_33 : memref<40x128xi32, #tpu.memory_space<hbm>>) target(%arg5 : memref<40x128xi32, #tpu.memory_space<vmem>>) target_semaphore(%run_scoped3A : memref<!tpu.dma_semaphore, #tpu.memory_space<semaphore_mem>>)
      %dma_wait3A = arith.constant 0 : i32
      %dma_wait3A_34 = arith.constant 0 : i32
      %dma_wait3A_35 = tpu.memref_slice %arg2[%add3A, %dma_wait3A, %dma_wait3A_34] : memref<32x40x128xi32, #tpu.memory_space<hbm>> -> memref<1x40x128xi32, #tpu.memory_space<hbm>>
      %dma_wait3A_36 = tpu.memref_squeeze %dma_wait3A_35 : memref<1x40x128xi32, #tpu.memory_space<hbm>> -> memref<40x128xi32, #tpu.memory_space<hbm>>
      %dma_wait3A_37 = arith.constant 0 : i32
      %dma_wait3A_38 = arith.constant 0 : i32
      %dma_wait3A_39 = tpu.memref_slice %arg2[%add3A, %dma_wait3A_37, %dma_wait3A_38] : memref<32x40x128xi32, #tpu.memory_space<hbm>> -> memref<1x40x128xi32, #tpu.memory_space<hbm>>
      %dma_wait3A_40 = tpu.memref_squeeze %dma_wait3A_39 : memref<1x40x128xi32, #tpu.memory_space<hbm>> -> memref<40x128xi32, #tpu.memory_space<hbm>>
      tpu.wait_dma2 semaphore(%run_scoped3A : memref<!tpu.dma_semaphore, #tpu.memory_space<semaphore_mem>>) src(%dma_wait3A_40 : memref<40x128xi32, #tpu.memory_space<hbm>>) dst(%arg5 : memref<40x128xi32, #tpu.memory_space<vmem>>)
      tpu.yield
    }) : () -> ()
    %barrier3A = arith.constant 0 : index
    tpu.barrier barrier_id(%barrier3A)
    %scan3A_19 = arith.constant 0 : i32
    %scan3A_20 = arith.constant 0 : i32
    %scan3A_21 = arith.constant 40 : i32
    %scan3A_22 = arith.addi %scan3A_20, %scan3A_21 : i32
    %scan3A_23 = arith.constant 1 : i32
    %scan3A_24 = scf.for %scan3A_27 = %scan3A_20 to %scan3A_22 step %scan3A_23 iter_args(%scan3A_28 = %scan3A_19) -> (i32)  : i32 {
      "tpu.region"() ({
        %run_scoped3A = tpu.sem_alloc : memref<!tpu.dma_semaphore, #tpu.memory_space<semaphore_mem>>
        %dma_start3A = arith.constant 0 : i32
        %dma_start3A_30 = tpu.memref_slice %arg5[%scan3A_27, %dma_start3A] : memref<40x128xi32, #tpu.memory_space<vmem>> -> memref<1x128xi32, #tpu.memory_space<vmem>>
        %dma_start3A_31 = tpu.memref_squeeze %dma_start3A_30 : memref<1x128xi32, #tpu.memory_space<vmem>> -> memref<128xi32, #tpu.memory_space<vmem>>
        %dma_start3A_32 = arith.constant 0 : i32
        %dma_start3A_33 = arith.constant 0 : i32
        %dma_start3A_34 = tpu.memref_slice %arg4[%dma_start3A_32, %dma_start3A_33] : memref<10112x128xf32, #tpu.memory_space<vmem_shared>> -> memref<10112x128xf32, #tpu.memory_space<vmem_shared>>
        tpu.enqueue_indirect_dma source(%arg6 : memref<128x128xf32, #tpu.memory_space<vmem>>) target(%dma_start3A_34 : memref<10112x128xf32, #tpu.memory_space<vmem_shared>>) offsets(%dma_start3A_31 : memref<128xi32, #tpu.memory_space<vmem>>) semaphore(%run_scoped3A : memref<!tpu.dma_semaphore, #tpu.memory_space<semaphore_mem>>) {add = true}
        %dma_wait3A = arith.constant 0 : i32
        %dma_wait3A_35 = tpu.memref_slice %arg5[%scan3A_27, %dma_wait3A] : memref<40x128xi32, #tpu.memory_space<vmem>> -> memref<1x128xi32, #tpu.memory_space<vmem>>
        %dma_wait3A_36 = tpu.memref_squeeze %dma_wait3A_35 : memref<1x128xi32, #tpu.memory_space<vmem>> -> memref<128xi32, #tpu.memory_space<vmem>>
        %dma_wait3A_37 = arith.constant 0 : i32
        %dma_wait3A_38 = arith.constant 0 : i32
        %dma_wait3A_39 = tpu.memref_slice %arg4[%dma_wait3A_37, %dma_wait3A_38] : memref<10112x128xf32, #tpu.memory_space<vmem_shared>> -> memref<10112x128xf32, #tpu.memory_space<vmem_shared>>
        tpu.wait_indirect_dma semaphore(%run_scoped3A : memref<!tpu.dma_semaphore, #tpu.memory_space<semaphore_mem>>) src(%arg6 : memref<128x128xf32, #tpu.memory_space<vmem>>) dst(%dma_wait3A_39 : memref<10112x128xf32, #tpu.memory_space<vmem_shared>>)
        tpu.yield
      }) : () -> ()
      %scan3A_29 = arith.constant 0 : i32
      scf.yield %scan3A_29 : i32
    }
    %scan3A_25 = arith.constant 40 : i32
    %barrier3A_26 = arith.constant 0 : index
    tpu.barrier barrier_id(%barrier3A_26)
    "tpu.region"() ({
      %run_scoped3A = tpu.sem_alloc : memref<!tpu.dma_semaphore, #tpu.memory_space<semaphore_mem>>
      %dma_start3A = arith.constant 0 : i32
      %dma_start3A_27 = tpu.memref_slice %arg3[%arg0, %mul3A_8, %dma_start3A] : memref<2x10112x128xf32, #tpu.memory_space<hbm>> -> memref<1x632x128xf32, #tpu.memory_space<hbm>>
      %dma_start3A_28 = tpu.memref_squeeze %dma_start3A_27 : memref<1x632x128xf32, #tpu.memory_space<hbm>> -> memref<632x128xf32, #tpu.memory_space<hbm>>
      %dma_start3A_29 = arith.constant 0 : i32
      %dma_start3A_30 = tpu.memref_slice %arg4[%mul3A_8, %dma_start3A_29] : memref<10112x128xf32, #tpu.memory_space<vmem_shared>> -> memref<632x128xf32, #tpu.memory_space<vmem_shared>>
      tpu.enqueue_dma source(%dma_start3A_30 : memref<632x128xf32, #tpu.memory_space<vmem_shared>>) target(%dma_start3A_28 : memref<632x128xf32, #tpu.memory_space<hbm>>) target_semaphore(%run_scoped3A : memref<!tpu.dma_semaphore, #tpu.memory_space<semaphore_mem>>)
      %dma_wait3A = arith.constant 0 : i32
      %dma_wait3A_31 = tpu.memref_slice %arg3[%arg0, %mul3A_8, %dma_wait3A] : memref<2x10112x128xf32, #tpu.memory_space<hbm>> -> memref<1x632x128xf32, #tpu.memory_space<hbm>>
      %dma_wait3A_32 = tpu.memref_squeeze %dma_wait3A_31 : memref<1x632x128xf32, #tpu.memory_space<hbm>> -> memref<632x128xf32, #tpu.memory_space<hbm>>
      %dma_wait3A_33 = arith.constant 0 : i32
      %dma_wait3A_34 = tpu.memref_slice %arg4[%mul3A_8, %dma_wait3A_33] : memref<10112x128xf32, #tpu.memory_space<vmem_shared>> -> memref<632x128xf32, #tpu.memory_space<vmem_shared>>
      tpu.wait_dma2 semaphore(%run_scoped3A : memref<!tpu.dma_semaphore, #tpu.memory_space<semaphore_mem>>) src(%dma_wait3A_34 : memref<632x128xf32, #tpu.memory_space<vmem_shared>>) dst(%dma_wait3A_32 : memref<632x128xf32, #tpu.memory_space<hbm>>)
      tpu.yield
    }) : () -> ()
    return
  }
}

#map = affine_map<(d0, d1) -> (0, 0)>
#map1 = affine_map<(d0, d1) -> (0, 0, 0, 0)>
#map2 = affine_map<(d0, d1) -> (0, 0, 0)>
module attributes {stable_mosaic.version = 14 : i64} {
  func.func @_sc_segment(%arg0: i32, %arg1: i32, %arg2: memref<20000x128xf32, #tpu.memory_space<hbm>>, %arg3: memref<2x16x80x128xi32, #tpu.memory_space<hbm>>, %arg4: memref<16x80x128xi32, #tpu.memory_space<hbm>>, %arg5: memref<2x10112x128xf32, #tpu.memory_space<hbm>>, %arg6: memref<10112x128xf32, #tpu.memory_space<vmem_shared>>, %arg7: memref<40x128xi32, #tpu.memory_space<vmem>>, %arg8: memref<40x128xi32, #tpu.memory_space<vmem>>, %arg9: memref<128x128xf32, #tpu.memory_space<vmem>>, %arg10: memref<128x128xf32, #tpu.memory_space<vmem>>, %arg11: memref<!tpu.dma_semaphore, #tpu.memory_space<semaphore_mem>>, %arg12: memref<!tpu.dma_semaphore, #tpu.memory_space<semaphore_mem>>, %arg13: memref<!tpu.dma_semaphore, #tpu.memory_space<semaphore_mem>>, %arg14: memref<!tpu.dma_semaphore, #tpu.memory_space<semaphore_mem>>) attributes {dimension_semantics = [#tpu.dimension_semantics<core_parallel>, #tpu.dimension_semantics<subcore_parallel>], iteration_bounds = array<i64: 2, 16>, scalar_prefetch = 0 : i64, scratch_operands = 9 : i64, tpu.core_type = #tpu.core_type<sc_vector_subcore>, window_params = [{transform_indices = #map}, {transform_indices = #map1}, {transform_indices = #map2}, {transform_indices = #map2}]} {
    %scan3A = arith.constant 0 : i32
    %scan3A_0 = arith.constant 0 : i32
    %scan3A_1 = arith.constant 128 : i32
    %scan3A_2 = arith.addi %scan3A_0, %scan3A_1 : i32
    %scan3A_3 = arith.constant 1 : i32
    %scan3A_4 = scf.for %scan3A_31 = %scan3A_0 to %scan3A_2 step %scan3A_3 iter_args(%scan3A_32 = %scan3A) -> (i32)  : i32 {
      %broadcast_in_dim3A = arith.constant 0.000000e+00 : f32
      %broadcast_in_dim3A_33 = vector.broadcast %broadcast_in_dim3A : f32 to vector<16xf32>
      %swap3A = arith.index_cast %scan3A_31 : i32 to index
      %swap3A_34 = arith.constant 0 : index
      %swap3A_35 = tpu.vector_load %arg9[%swap3A, %swap3A_34] {strides = array<i32>} : memref<128x128xf32, #tpu.memory_space<vmem>>, vector<1x16xf32>,
      %swap3A_36 = vector.shape_cast %swap3A_35 : vector<1x16xf32> to vector<16xf32>
      %swap3A_37 = vector.shape_cast %broadcast_in_dim3A_33 : vector<16xf32> to vector<1x16xf32>
      tpu.vector_store %arg9[%swap3A, %swap3A_34], %swap3A_37 {strides = array<i32>} : memref<128x128xf32, #tpu.memory_space<vmem>>, vector<1x16xf32>,
      %broadcast_in_dim3A_38 = arith.constant 0.000000e+00 : f32
      %broadcast_in_dim3A_39 = vector.broadcast %broadcast_in_dim3A_38 : f32 to vector<16xf32>
      %swap3A_40 = arith.index_cast %scan3A_31 : i32 to index
      %swap3A_41 = arith.constant 16 : index
      %swap3A_42 = tpu.vector_load %arg9[%swap3A_40, %swap3A_41] {strides = array<i32>} : memref<128x128xf32, #tpu.memory_space<vmem>>, vector<1x16xf32>,
      %swap3A_43 = vector.shape_cast %swap3A_42 : vector<1x16xf32> to vector<16xf32>
      %swap3A_44 = vector.shape_cast %broadcast_in_dim3A_39 : vector<16xf32> to vector<1x16xf32>
      tpu.vector_store %arg9[%swap3A_40, %swap3A_41], %swap3A_44 {strides = array<i32>} : memref<128x128xf32, #tpu.memory_space<vmem>>, vector<1x16xf32>,
      %broadcast_in_dim3A_45 = arith.constant 0.000000e+00 : f32
      %broadcast_in_dim3A_46 = vector.broadcast %broadcast_in_dim3A_45 : f32 to vector<16xf32>
      %swap3A_47 = arith.index_cast %scan3A_31 : i32 to index
      %swap3A_48 = arith.constant 32 : index
      %swap3A_49 = tpu.vector_load %arg9[%swap3A_47, %swap3A_48] {strides = array<i32>} : memref<128x128xf32, #tpu.memory_space<vmem>>, vector<1x16xf32>,
      %swap3A_50 = vector.shape_cast %swap3A_49 : vector<1x16xf32> to vector<16xf32>
      %swap3A_51 = vector.shape_cast %broadcast_in_dim3A_46 : vector<16xf32> to vector<1x16xf32>
      tpu.vector_store %arg9[%swap3A_47, %swap3A_48], %swap3A_51 {strides = array<i32>} : memref<128x128xf32, #tpu.memory_space<vmem>>, vector<1x16xf32>,
      %broadcast_in_dim3A_52 = arith.constant 0.000000e+00 : f32
      %broadcast_in_dim3A_53 = vector.broadcast %broadcast_in_dim3A_52 : f32 to vector<16xf32>
      %swap3A_54 = arith.index_cast %scan3A_31 : i32 to index
      %swap3A_55 = arith.constant 48 : index
      %swap3A_56 = tpu.vector_load %arg9[%swap3A_54, %swap3A_55] {strides = array<i32>} : memref<128x128xf32, #tpu.memory_space<vmem>>, vector<1x16xf32>,
      %swap3A_57 = vector.shape_cast %swap3A_56 : vector<1x16xf32> to vector<16xf32>
      %swap3A_58 = vector.shape_cast %broadcast_in_dim3A_53 : vector<16xf32> to vector<1x16xf32>
      tpu.vector_store %arg9[%swap3A_54, %swap3A_55], %swap3A_58 {strides = array<i32>} : memref<128x128xf32, #tpu.memory_space<vmem>>, vector<1x16xf32>,
      %broadcast_in_dim3A_59 = arith.constant 0.000000e+00 : f32
      %broadcast_in_dim3A_60 = vector.broadcast %broadcast_in_dim3A_59 : f32 to vector<16xf32>
      %swap3A_61 = arith.index_cast %scan3A_31 : i32 to index
      %swap3A_62 = arith.constant 64 : index
      %swap3A_63 = tpu.vector_load %arg9[%swap3A_61, %swap3A_62] {strides = array<i32>} : memref<128x128xf32, #tpu.memory_space<vmem>>, vector<1x16xf32>,
      %swap3A_64 = vector.shape_cast %swap3A_63 : vector<1x16xf32> to vector<16xf32>
      %swap3A_65 = vector.shape_cast %broadcast_in_dim3A_60 : vector<16xf32> to vector<1x16xf32>
      tpu.vector_store %arg9[%swap3A_61, %swap3A_62], %swap3A_65 {strides = array<i32>} : memref<128x128xf32, #tpu.memory_space<vmem>>, vector<1x16xf32>,
      %broadcast_in_dim3A_66 = arith.constant 0.000000e+00 : f32
      %broadcast_in_dim3A_67 = vector.broadcast %broadcast_in_dim3A_66 : f32 to vector<16xf32>
      %swap3A_68 = arith.index_cast %scan3A_31 : i32 to index
      %swap3A_69 = arith.constant 80 : index
      %swap3A_70 = tpu.vector_load %arg9[%swap3A_68, %swap3A_69] {strides = array<i32>} : memref<128x128xf32, #tpu.memory_space<vmem>>, vector<1x16xf32>,
      %swap3A_71 = vector.shape_cast %swap3A_70 : vector<1x16xf32> to vector<16xf32>
      %swap3A_72 = vector.shape_cast %broadcast_in_dim3A_67 : vector<16xf32> to vector<1x16xf32>
      tpu.vector_store %arg9[%swap3A_68, %swap3A_69], %swap3A_72 {strides = array<i32>} : memref<128x128xf32, #tpu.memory_space<vmem>>, vector<1x16xf32>,
      %broadcast_in_dim3A_73 = arith.constant 0.000000e+00 : f32
      %broadcast_in_dim3A_74 = vector.broadcast %broadcast_in_dim3A_73 : f32 to vector<16xf32>
      %swap3A_75 = arith.index_cast %scan3A_31 : i32 to index
      %swap3A_76 = arith.constant 96 : index
      %swap3A_77 = tpu.vector_load %arg9[%swap3A_75, %swap3A_76] {strides = array<i32>} : memref<128x128xf32, #tpu.memory_space<vmem>>, vector<1x16xf32>,
      %swap3A_78 = vector.shape_cast %swap3A_77 : vector<1x16xf32> to vector<16xf32>
      %swap3A_79 = vector.shape_cast %broadcast_in_dim3A_74 : vector<16xf32> to vector<1x16xf32>
      tpu.vector_store %arg9[%swap3A_75, %swap3A_76], %swap3A_79 {strides = array<i32>} : memref<128x128xf32, #tpu.memory_space<vmem>>, vector<1x16xf32>,
      %broadcast_in_dim3A_80 = arith.constant 0.000000e+00 : f32
      %broadcast_in_dim3A_81 = vector.broadcast %broadcast_in_dim3A_80 : f32 to vector<16xf32>
      %swap3A_82 = arith.index_cast %scan3A_31 : i32 to index
      %swap3A_83 = arith.constant 112 : index
      %swap3A_84 = tpu.vector_load %arg9[%swap3A_82, %swap3A_83] {strides = array<i32>} : memref<128x128xf32, #tpu.memory_space<vmem>>, vector<1x16xf32>,
      %swap3A_85 = vector.shape_cast %swap3A_84 : vector<1x16xf32> to vector<16xf32>
      %swap3A_86 = vector.shape_cast %broadcast_in_dim3A_81 : vector<16xf32> to vector<1x16xf32>
      tpu.vector_store %arg9[%swap3A_82, %swap3A_83], %swap3A_86 {strides = array<i32>} : memref<128x128xf32, #tpu.memory_space<vmem>>, vector<1x16xf32>,
      %scan3A_87 = arith.constant 0 : i32
      scf.yield %scan3A_87 : i32
    }
    %scan3A_5 = arith.constant 128 : i32
    %mul3A = arith.constant 632 : i32
    %mul3A_6 = arith.muli %arg1, %mul3A : i32
    %add3A = arith.constant 0 : i32
    %add3A_7 = arith.addi %mul3A_6, %add3A : i32
    "tpu.region"() ({
      %run_scoped3A = tpu.sem_alloc : memref<!tpu.dma_semaphore, #tpu.memory_space<semaphore_mem>>
      %dma_start3A = arith.constant 0 : i32
      %dma_start3A_31 = arith.constant 0 : i32
      %dma_start3A_32 = tpu.memref_slice %arg9[%dma_start3A, %dma_start3A_31] : memref<128x128xf32, #tpu.memory_space<vmem>> -> memref<128x128xf32, #tpu.memory_space<vmem>>
      %dma_start3A_33 = arith.constant 0 : i32
      %dma_start3A_34 = tpu.memref_slice %arg6[%add3A_7, %dma_start3A_33] : memref<10112x128xf32, #tpu.memory_space<vmem_shared>> -> memref<128x128xf32, #tpu.memory_space<vmem_shared>>
      %dma_start3A_35 = arith.constant 0 : i32
      %dma_start3A_36 = tpu.memref_slice %arg6[%add3A_7, %dma_start3A_35] : memref<10112x128xf32, #tpu.memory_space<vmem_shared>> -> memref<128x128xf32, #tpu.memory_space<vmem_shared>>
      %dma_start3A_37 = arith.constant 0 : i32
      %dma_start3A_38 = arith.constant 0 : i32
      %dma_start3A_39 = tpu.memref_slice %arg9[%dma_start3A_37, %dma_start3A_38] : memref<128x128xf32, #tpu.memory_space<vmem>> -> memref<128x128xf32, #tpu.memory_space<vmem>>
      tpu.enqueue_dma source(%dma_start3A_39 : memref<128x128xf32, #tpu.memory_space<vmem>>) target(%dma_start3A_36 : memref<128x128xf32, #tpu.memory_space<vmem_shared>>) target_semaphore(%run_scoped3A : memref<!tpu.dma_semaphore, #tpu.memory_space<semaphore_mem>>)
      %dma_wait3A = arith.constant 0 : i32
      %dma_wait3A_40 = arith.constant 0 : i32
      %dma_wait3A_41 = tpu.memref_slice %arg9[%dma_wait3A, %dma_wait3A_40] : memref<128x128xf32, #tpu.memory_space<vmem>> -> memref<128x128xf32, #tpu.memory_space<vmem>>
      %dma_wait3A_42 = arith.constant 0 : i32
      %dma_wait3A_43 = tpu.memref_slice %arg6[%add3A_7, %dma_wait3A_42] : memref<10112x128xf32, #tpu.memory_space<vmem_shared>> -> memref<128x128xf32, #tpu.memory_space<vmem_shared>>
      %dma_wait3A_44 = arith.constant 0 : i32
      %dma_wait3A_45 = tpu.memref_slice %arg6[%add3A_7, %dma_wait3A_44] : memref<10112x128xf32, #tpu.memory_space<vmem_shared>> -> memref<128x128xf32, #tpu.memory_space<vmem_shared>>
      %dma_wait3A_46 = arith.constant 0 : i32
      %dma_wait3A_47 = arith.constant 0 : i32
      %dma_wait3A_48 = tpu.memref_slice %arg9[%dma_wait3A_46, %dma_wait3A_47] : memref<128x128xf32, #tpu.memory_space<vmem>> -> memref<128x128xf32, #tpu.memory_space<vmem>>
      tpu.wait_dma2 semaphore(%run_scoped3A : memref<!tpu.dma_semaphore, #tpu.memory_space<semaphore_mem>>) src(%dma_wait3A_48 : memref<128x128xf32, #tpu.memory_space<vmem>>) dst(%dma_wait3A_45 : memref<128x128xf32, #tpu.memory_space<vmem_shared>>)
      tpu.yield
    }) : () -> ()
    %add3A_8 = arith.constant 128 : i32
    %add3A_9 = arith.addi %mul3A_6, %add3A_8 : i32
    "tpu.region"() ({
      %run_scoped3A = tpu.sem_alloc : memref<!tpu.dma_semaphore, #tpu.memory_space<semaphore_mem>>
      %dma_start3A = arith.constant 0 : i32
      %dma_start3A_31 = arith.constant 0 : i32
      %dma_start3A_32 = tpu.memref_slice %arg9[%dma_start3A, %dma_start3A_31] : memref<128x128xf32, #tpu.memory_space<vmem>> -> memref<128x128xf32, #tpu.memory_space<vmem>>
      %dma_start3A_33 = arith.constant 0 : i32
      %dma_start3A_34 = tpu.memref_slice %arg6[%add3A_9, %dma_start3A_33] : memref<10112x128xf32, #tpu.memory_space<vmem_shared>> -> memref<128x128xf32, #tpu.memory_space<vmem_shared>>
      %dma_start3A_35 = arith.constant 0 : i32
      %dma_start3A_36 = tpu.memref_slice %arg6[%add3A_9, %dma_start3A_35] : memref<10112x128xf32, #tpu.memory_space<vmem_shared>> -> memref<128x128xf32, #tpu.memory_space<vmem_shared>>
      %dma_start3A_37 = arith.constant 0 : i32
      %dma_start3A_38 = arith.constant 0 : i32
      %dma_start3A_39 = tpu.memref_slice %arg9[%dma_start3A_37, %dma_start3A_38] : memref<128x128xf32, #tpu.memory_space<vmem>> -> memref<128x128xf32, #tpu.memory_space<vmem>>
      tpu.enqueue_dma source(%dma_start3A_39 : memref<128x128xf32, #tpu.memory_space<vmem>>) target(%dma_start3A_36 : memref<128x128xf32, #tpu.memory_space<vmem_shared>>) target_semaphore(%run_scoped3A : memref<!tpu.dma_semaphore, #tpu.memory_space<semaphore_mem>>)
      %dma_wait3A = arith.constant 0 : i32
      %dma_wait3A_40 = arith.constant 0 : i32
      %dma_wait3A_41 = tpu.memref_slice %arg9[%dma_wait3A, %dma_wait3A_40] : memref<128x128xf32, #tpu.memory_space<vmem>> -> memref<128x128xf32, #tpu.memory_space<vmem>>
      %dma_wait3A_42 = arith.constant 0 : i32
      %dma_wait3A_43 = tpu.memref_slice %arg6[%add3A_9, %dma_wait3A_42] : memref<10112x128xf32, #tpu.memory_space<vmem_shared>> -> memref<128x128xf32, #tpu.memory_space<vmem_shared>>
      %dma_wait3A_44 = arith.constant 0 : i32
      %dma_wait3A_45 = tpu.memref_slice %arg6[%add3A_9, %dma_wait3A_44] : memref<10112x128xf32, #tpu.memory_space<vmem_shared>> -> memref<128x128xf32, #tpu.memory_space<vmem_shared>>
      %dma_wait3A_46 = arith.constant 0 : i32
      %dma_wait3A_47 = arith.constant 0 : i32
      %dma_wait3A_48 = tpu.memref_slice %arg9[%dma_wait3A_46, %dma_wait3A_47] : memref<128x128xf32, #tpu.memory_space<vmem>> -> memref<128x128xf32, #tpu.memory_space<vmem>>
      tpu.wait_dma2 semaphore(%run_scoped3A : memref<!tpu.dma_semaphore, #tpu.memory_space<semaphore_mem>>) src(%dma_wait3A_48 : memref<128x128xf32, #tpu.memory_space<vmem>>) dst(%dma_wait3A_45 : memref<128x128xf32, #tpu.memory_space<vmem_shared>>)
      tpu.yield
    }) : () -> ()
    %add3A_10 = arith.constant 256 : i32
    %add3A_11 = arith.addi %mul3A_6, %add3A_10 : i32
    "tpu.region"() ({
      %run_scoped3A = tpu.sem_alloc : memref<!tpu.dma_semaphore, #tpu.memory_space<semaphore_mem>>
      %dma_start3A = arith.constant 0 : i32
      %dma_start3A_31 = arith.constant 0 : i32
      %dma_start3A_32 = tpu.memref_slice %arg9[%dma_start3A, %dma_start3A_31] : memref<128x128xf32, #tpu.memory_space<vmem>> -> memref<128x128xf32, #tpu.memory_space<vmem>>
      %dma_start3A_33 = arith.constant 0 : i32
      %dma_start3A_34 = tpu.memref_slice %arg6[%add3A_11, %dma_start3A_33] : memref<10112x128xf32, #tpu.memory_space<vmem_shared>> -> memref<128x128xf32, #tpu.memory_space<vmem_shared>>
      %dma_start3A_35 = arith.constant 0 : i32
      %dma_start3A_36 = tpu.memref_slice %arg6[%add3A_11, %dma_start3A_35] : memref<10112x128xf32, #tpu.memory_space<vmem_shared>> -> memref<128x128xf32, #tpu.memory_space<vmem_shared>>
      %dma_start3A_37 = arith.constant 0 : i32
      %dma_start3A_38 = arith.constant 0 : i32
      %dma_start3A_39 = tpu.memref_slice %arg9[%dma_start3A_37, %dma_start3A_38] : memref<128x128xf32, #tpu.memory_space<vmem>> -> memref<128x128xf32, #tpu.memory_space<vmem>>
      tpu.enqueue_dma source(%dma_start3A_39 : memref<128x128xf32, #tpu.memory_space<vmem>>) target(%dma_start3A_36 : memref<128x128xf32, #tpu.memory_space<vmem_shared>>) target_semaphore(%run_scoped3A : memref<!tpu.dma_semaphore, #tpu.memory_space<semaphore_mem>>)
      %dma_wait3A = arith.constant 0 : i32
      %dma_wait3A_40 = arith.constant 0 : i32
      %dma_wait3A_41 = tpu.memref_slice %arg9[%dma_wait3A, %dma_wait3A_40] : memref<128x128xf32, #tpu.memory_space<vmem>> -> memref<128x128xf32, #tpu.memory_space<vmem>>
      %dma_wait3A_42 = arith.constant 0 : i32
      %dma_wait3A_43 = tpu.memref_slice %arg6[%add3A_11, %dma_wait3A_42] : memref<10112x128xf32, #tpu.memory_space<vmem_shared>> -> memref<128x128xf32, #tpu.memory_space<vmem_shared>>
      %dma_wait3A_44 = arith.constant 0 : i32
      %dma_wait3A_45 = tpu.memref_slice %arg6[%add3A_11, %dma_wait3A_44] : memref<10112x128xf32, #tpu.memory_space<vmem_shared>> -> memref<128x128xf32, #tpu.memory_space<vmem_shared>>
      %dma_wait3A_46 = arith.constant 0 : i32
      %dma_wait3A_47 = arith.constant 0 : i32
      %dma_wait3A_48 = tpu.memref_slice %arg9[%dma_wait3A_46, %dma_wait3A_47] : memref<128x128xf32, #tpu.memory_space<vmem>> -> memref<128x128xf32, #tpu.memory_space<vmem>>
      tpu.wait_dma2 semaphore(%run_scoped3A : memref<!tpu.dma_semaphore, #tpu.memory_space<semaphore_mem>>) src(%dma_wait3A_48 : memref<128x128xf32, #tpu.memory_space<vmem>>) dst(%dma_wait3A_45 : memref<128x128xf32, #tpu.memory_space<vmem_shared>>)
      tpu.yield
    }) : () -> ()
    %add3A_12 = arith.constant 384 : i32
    %add3A_13 = arith.addi %mul3A_6, %add3A_12 : i32
    "tpu.region"() ({
      %run_scoped3A = tpu.sem_alloc : memref<!tpu.dma_semaphore, #tpu.memory_space<semaphore_mem>>
      %dma_start3A = arith.constant 0 : i32
      %dma_start3A_31 = arith.constant 0 : i32
      %dma_start3A_32 = tpu.memref_slice %arg9[%dma_start3A, %dma_start3A_31] : memref<128x128xf32, #tpu.memory_space<vmem>> -> memref<128x128xf32, #tpu.memory_space<vmem>>
      %dma_start3A_33 = arith.constant 0 : i32
      %dma_start3A_34 = tpu.memref_slice %arg6[%add3A_13, %dma_start3A_33] : memref<10112x128xf32, #tpu.memory_space<vmem_shared>> -> memref<128x128xf32, #tpu.memory_space<vmem_shared>>
      %dma_start3A_35 = arith.constant 0 : i32
      %dma_start3A_36 = tpu.memref_slice %arg6[%add3A_13, %dma_start3A_35] : memref<10112x128xf32, #tpu.memory_space<vmem_shared>> -> memref<128x128xf32, #tpu.memory_space<vmem_shared>>
      %dma_start3A_37 = arith.constant 0 : i32
      %dma_start3A_38 = arith.constant 0 : i32
      %dma_start3A_39 = tpu.memref_slice %arg9[%dma_start3A_37, %dma_start3A_38] : memref<128x128xf32, #tpu.memory_space<vmem>> -> memref<128x128xf32, #tpu.memory_space<vmem>>
      tpu.enqueue_dma source(%dma_start3A_39 : memref<128x128xf32, #tpu.memory_space<vmem>>) target(%dma_start3A_36 : memref<128x128xf32, #tpu.memory_space<vmem_shared>>) target_semaphore(%run_scoped3A : memref<!tpu.dma_semaphore, #tpu.memory_space<semaphore_mem>>)
      %dma_wait3A = arith.constant 0 : i32
      %dma_wait3A_40 = arith.constant 0 : i32
      %dma_wait3A_41 = tpu.memref_slice %arg9[%dma_wait3A, %dma_wait3A_40] : memref<128x128xf32, #tpu.memory_space<vmem>> -> memref<128x128xf32, #tpu.memory_space<vmem>>
      %dma_wait3A_42 = arith.constant 0 : i32
      %dma_wait3A_43 = tpu.memref_slice %arg6[%add3A_13, %dma_wait3A_42] : memref<10112x128xf32, #tpu.memory_space<vmem_shared>> -> memref<128x128xf32, #tpu.memory_space<vmem_shared>>
      %dma_wait3A_44 = arith.constant 0 : i32
      %dma_wait3A_45 = tpu.memref_slice %arg6[%add3A_13, %dma_wait3A_44] : memref<10112x128xf32, #tpu.memory_space<vmem_shared>> -> memref<128x128xf32, #tpu.memory_space<vmem_shared>>
      %dma_wait3A_46 = arith.constant 0 : i32
      %dma_wait3A_47 = arith.constant 0 : i32
      %dma_wait3A_48 = tpu.memref_slice %arg9[%dma_wait3A_46, %dma_wait3A_47] : memref<128x128xf32, #tpu.memory_space<vmem>> -> memref<128x128xf32, #tpu.memory_space<vmem>>
      tpu.wait_dma2 semaphore(%run_scoped3A : memref<!tpu.dma_semaphore, #tpu.memory_space<semaphore_mem>>) src(%dma_wait3A_48 : memref<128x128xf32, #tpu.memory_space<vmem>>) dst(%dma_wait3A_45 : memref<128x128xf32, #tpu.memory_space<vmem_shared>>)
      tpu.yield
    }) : () -> ()
    %add3A_14 = arith.constant 512 : i32
    %add3A_15 = arith.addi %mul3A_6, %add3A_14 : i32
    "tpu.region"() ({
      %run_scoped3A = tpu.sem_alloc : memref<!tpu.dma_semaphore, #tpu.memory_space<semaphore_mem>>
      %dma_start3A = arith.constant 0 : i32
      %dma_start3A_31 = arith.constant 0 : i32
      %dma_start3A_32 = tpu.memref_slice %arg9[%dma_start3A, %dma_start3A_31] : memref<128x128xf32, #tpu.memory_space<vmem>> -> memref<120x128xf32, #tpu.memory_space<vmem>>
      %dma_start3A_33 = arith.constant 0 : i32
      %dma_start3A_34 = tpu.memref_slice %arg6[%add3A_15, %dma_start3A_33] : memref<10112x128xf32, #tpu.memory_space<vmem_shared>> -> memref<120x128xf32, #tpu.memory_space<vmem_shared>>
      %dma_start3A_35 = arith.constant 0 : i32
      %dma_start3A_36 = tpu.memref_slice %arg6[%add3A_15, %dma_start3A_35] : memref<10112x128xf32, #tpu.memory_space<vmem_shared>> -> memref<120x128xf32, #tpu.memory_space<vmem_shared>>
      %dma_start3A_37 = arith.constant 0 : i32
      %dma_start3A_38 = arith.constant 0 : i32
      %dma_start3A_39 = tpu.memref_slice %arg9[%dma_start3A_37, %dma_start3A_38] : memref<128x128xf32, #tpu.memory_space<vmem>> -> memref<120x128xf32, #tpu.memory_space<vmem>>
      tpu.enqueue_dma source(%dma_start3A_39 : memref<120x128xf32, #tpu.memory_space<vmem>>) target(%dma_start3A_36 : memref<120x128xf32, #tpu.memory_space<vmem_shared>>) target_semaphore(%run_scoped3A : memref<!tpu.dma_semaphore, #tpu.memory_space<semaphore_mem>>)
      %dma_wait3A = arith.constant 0 : i32
      %dma_wait3A_40 = arith.constant 0 : i32
      %dma_wait3A_41 = tpu.memref_slice %arg9[%dma_wait3A, %dma_wait3A_40] : memref<128x128xf32, #tpu.memory_space<vmem>> -> memref<120x128xf32, #tpu.memory_space<vmem>>
      %dma_wait3A_42 = arith.constant 0 : i32
      %dma_wait3A_43 = tpu.memref_slice %arg6[%add3A_15, %dma_wait3A_42] : memref<10112x128xf32, #tpu.memory_space<vmem_shared>> -> memref<120x128xf32, #tpu.memory_space<vmem_shared>>
      %dma_wait3A_44 = arith.constant 0 : i32
      %dma_wait3A_45 = tpu.memref_slice %arg6[%add3A_15, %dma_wait3A_44] : memref<10112x128xf32, #tpu.memory_space<vmem_shared>> -> memref<120x128xf32, #tpu.memory_space<vmem_shared>>
      %dma_wait3A_46 = arith.constant 0 : i32
      %dma_wait3A_47 = arith.constant 0 : i32
      %dma_wait3A_48 = tpu.memref_slice %arg9[%dma_wait3A_46, %dma_wait3A_47] : memref<128x128xf32, #tpu.memory_space<vmem>> -> memref<120x128xf32, #tpu.memory_space<vmem>>
      tpu.wait_dma2 semaphore(%run_scoped3A : memref<!tpu.dma_semaphore, #tpu.memory_space<semaphore_mem>>) src(%dma_wait3A_48 : memref<120x128xf32, #tpu.memory_space<vmem>>) dst(%dma_wait3A_45 : memref<120x128xf32, #tpu.memory_space<vmem_shared>>)
      tpu.yield
    }) : () -> ()
    %barrier3A = arith.constant 0 : index
    tpu.barrier barrier_id(%barrier3A)
    "tpu.region"() ({
      %run_scoped3A = tpu.sem_alloc : memref<!tpu.dma_semaphore, #tpu.memory_space<semaphore_mem>>
      %dma_start3A = arith.constant 0 : i32
      %dma_start3A_31 = arith.constant 0 : i32
      %dma_start3A_32 = tpu.memref_slice %arg3[%arg0, %arg1, %dma_start3A, %dma_start3A_31] : memref<2x16x80x128xi32, #tpu.memory_space<hbm>> -> memref<1x1x40x128xi32, #tpu.memory_space<hbm>>
      %dma_start3A_33 = tpu.memref_squeeze %dma_start3A_32 : memref<1x1x40x128xi32, #tpu.memory_space<hbm>> -> memref<40x128xi32, #tpu.memory_space<hbm>>
      %dma_start3A_34 = arith.constant 0 : i32
      %dma_start3A_35 = arith.constant 0 : i32
      %dma_start3A_36 = tpu.memref_slice %arg3[%arg0, %arg1, %dma_start3A_34, %dma_start3A_35] : memref<2x16x80x128xi32, #tpu.memory_space<hbm>> -> memref<1x1x40x128xi32, #tpu.memory_space<hbm>>
      %dma_start3A_37 = tpu.memref_squeeze %dma_start3A_36 : memref<1x1x40x128xi32, #tpu.memory_space<hbm>> -> memref<40x128xi32, #tpu.memory_space<hbm>>
      tpu.enqueue_dma source(%dma_start3A_37 : memref<40x128xi32, #tpu.memory_space<hbm>>) target(%arg7 : memref<40x128xi32, #tpu.memory_space<vmem>>) target_semaphore(%run_scoped3A : memref<!tpu.dma_semaphore, #tpu.memory_space<semaphore_mem>>)
      %dma_wait3A = arith.constant 0 : i32
      %dma_wait3A_38 = arith.constant 0 : i32
      %dma_wait3A_39 = tpu.memref_slice %arg3[%arg0, %arg1, %dma_wait3A, %dma_wait3A_38] : memref<2x16x80x128xi32, #tpu.memory_space<hbm>> -> memref<1x1x40x128xi32, #tpu.memory_space<hbm>>
      %dma_wait3A_40 = tpu.memref_squeeze %dma_wait3A_39 : memref<1x1x40x128xi32, #tpu.memory_space<hbm>> -> memref<40x128xi32, #tpu.memory_space<hbm>>
      %dma_wait3A_41 = arith.constant 0 : i32
      %dma_wait3A_42 = arith.constant 0 : i32
      %dma_wait3A_43 = tpu.memref_slice %arg3[%arg0, %arg1, %dma_wait3A_41, %dma_wait3A_42] : memref<2x16x80x128xi32, #tpu.memory_space<hbm>> -> memref<1x1x40x128xi32, #tpu.memory_space<hbm>>
      %dma_wait3A_44 = tpu.memref_squeeze %dma_wait3A_43 : memref<1x1x40x128xi32, #tpu.memory_space<hbm>> -> memref<40x128xi32, #tpu.memory_space<hbm>>
      tpu.wait_dma2 semaphore(%run_scoped3A : memref<!tpu.dma_semaphore, #tpu.memory_space<semaphore_mem>>) src(%dma_wait3A_44 : memref<40x128xi32, #tpu.memory_space<hbm>>) dst(%arg7 : memref<40x128xi32, #tpu.memory_space<vmem>>)
      tpu.yield
    }) : () -> ()
    "tpu.region"() ({
      %run_scoped3A = tpu.sem_alloc : memref<!tpu.dma_semaphore, #tpu.memory_space<semaphore_mem>>
      %dma_start3A = arith.constant 0 : i32
      %dma_start3A_31 = arith.constant 0 : i32
      %dma_start3A_32 = tpu.memref_slice %arg4[%arg1, %dma_start3A, %dma_start3A_31] : memref<16x80x128xi32, #tpu.memory_space<hbm>> -> memref<1x40x128xi32, #tpu.memory_space<hbm>>
      %dma_start3A_33 = tpu.memref_squeeze %dma_start3A_32 : memref<1x40x128xi32, #tpu.memory_space<hbm>> -> memref<40x128xi32, #tpu.memory_space<hbm>>
      %dma_start3A_34 = arith.constant 0 : i32
      %dma_start3A_35 = arith.constant 0 : i32
      %dma_start3A_36 = tpu.memref_slice %arg4[%arg1, %dma_start3A_34, %dma_start3A_35] : memref<16x80x128xi32, #tpu.memory_space<hbm>> -> memref<1x40x128xi32, #tpu.memory_space<hbm>>
      %dma_start3A_37 = tpu.memref_squeeze %dma_start3A_36 : memref<1x40x128xi32, #tpu.memory_space<hbm>> -> memref<40x128xi32, #tpu.memory_space<hbm>>
      tpu.enqueue_dma source(%dma_start3A_37 : memref<40x128xi32, #tpu.memory_space<hbm>>) target(%arg8 : memref<40x128xi32, #tpu.memory_space<vmem>>) target_semaphore(%run_scoped3A : memref<!tpu.dma_semaphore, #tpu.memory_space<semaphore_mem>>)
      %dma_wait3A = arith.constant 0 : i32
      %dma_wait3A_38 = arith.constant 0 : i32
      %dma_wait3A_39 = tpu.memref_slice %arg4[%arg1, %dma_wait3A, %dma_wait3A_38] : memref<16x80x128xi32, #tpu.memory_space<hbm>> -> memref<1x40x128xi32, #tpu.memory_space<hbm>>
      %dma_wait3A_40 = tpu.memref_squeeze %dma_wait3A_39 : memref<1x40x128xi32, #tpu.memory_space<hbm>> -> memref<40x128xi32, #tpu.memory_space<hbm>>
      %dma_wait3A_41 = arith.constant 0 : i32
      %dma_wait3A_42 = arith.constant 0 : i32
      %dma_wait3A_43 = tpu.memref_slice %arg4[%arg1, %dma_wait3A_41, %dma_wait3A_42] : memref<16x80x128xi32, #tpu.memory_space<hbm>> -> memref<1x40x128xi32, #tpu.memory_space<hbm>>
      %dma_wait3A_44 = tpu.memref_squeeze %dma_wait3A_43 : memref<1x40x128xi32, #tpu.memory_space<hbm>> -> memref<40x128xi32, #tpu.memory_space<hbm>>
      tpu.wait_dma2 semaphore(%run_scoped3A : memref<!tpu.dma_semaphore, #tpu.memory_space<semaphore_mem>>) src(%dma_wait3A_44 : memref<40x128xi32, #tpu.memory_space<hbm>>) dst(%arg8 : memref<40x128xi32, #tpu.memory_space<vmem>>)
      tpu.yield
    }) : () -> ()
    %scan3A_16 = arith.constant 0 : i32
    %scan3A_17 = arith.constant 0 : i32
    %scan3A_18 = arith.constant 10 : i32
    %scan3A_19 = arith.addi %scan3A_17, %scan3A_18 : i32
    %scan3A_20 = arith.constant 1 : i32
    %scan3A_21 = scf.for %scan3A_31 = %scan3A_17 to %scan3A_19 step %scan3A_20 iter_args(%scan3A_32 = %scan3A_16) -> (i32)  : i32 {
      %mul3A_33 = arith.constant 4 : i32
      %mul3A_34 = arith.muli %scan3A_31, %mul3A_33 : i32
      %dma_start3A = arith.constant 0 : i32
      %dma_start3A_35 = tpu.memref_slice %arg7[%mul3A_34, %dma_start3A] : memref<40x128xi32, #tpu.memory_space<vmem>> -> memref<1x128xi32, #tpu.memory_space<vmem>>
      %dma_start3A_36 = tpu.memref_squeeze %dma_start3A_35 : memref<1x128xi32, #tpu.memory_space<vmem>> -> memref<128xi32, #tpu.memory_space<vmem>>
      %dma_start3A_37 = arith.constant 0 : i32
      %dma_start3A_38 = arith.constant 0 : i32
      %dma_start3A_39 = tpu.memref_slice %arg2[%dma_start3A_37, %dma_start3A_38] : memref<20000x128xf32, #tpu.memory_space<hbm>> -> memref<20000x128xf32, #tpu.memory_space<hbm>>
      tpu.enqueue_indirect_dma source(%dma_start3A_39 : memref<20000x128xf32, #tpu.memory_space<hbm>>) target(%arg9 : memref<128x128xf32, #tpu.memory_space<vmem>>) offsets(%dma_start3A_36 : memref<128xi32, #tpu.memory_space<vmem>>) semaphore(%arg11 : memref<!tpu.dma_semaphore, #tpu.memory_space<semaphore_mem>>)
      %add3A_40 = arith.constant 1 : i32
      %add3A_41 = arith.addi %mul3A_34, %add3A_40 : i32
      %dma_start3A_42 = arith.constant 0 : i32
      %dma_start3A_43 = tpu.memref_slice %arg7[%add3A_41, %dma_start3A_42] : memref<40x128xi32, #tpu.memory_space<vmem>> -> memref<1x128xi32, #tpu.memory_space<vmem>>
      %dma_start3A_44 = tpu.memref_squeeze %dma_start3A_43 : memref<1x128xi32, #tpu.memory_space<vmem>> -> memref<128xi32, #tpu.memory_space<vmem>>
      %dma_start3A_45 = arith.constant 0 : i32
      %dma_start3A_46 = arith.constant 0 : i32
      %dma_start3A_47 = tpu.memref_slice %arg2[%dma_start3A_45, %dma_start3A_46] : memref<20000x128xf32, #tpu.memory_space<hbm>> -> memref<20000x128xf32, #tpu.memory_space<hbm>>
      tpu.enqueue_indirect_dma source(%dma_start3A_47 : memref<20000x128xf32, #tpu.memory_space<hbm>>) target(%arg10 : memref<128x128xf32, #tpu.memory_space<vmem>>) offsets(%dma_start3A_44 : memref<128xi32, #tpu.memory_space<vmem>>) semaphore(%arg12 : memref<!tpu.dma_semaphore, #tpu.memory_space<semaphore_mem>>)
      %dma_wait3A = arith.constant 0 : i32
      %dma_wait3A_48 = tpu.memref_slice %arg7[%mul3A_34, %dma_wait3A] : memref<40x128xi32, #tpu.memory_space<vmem>> -> memref<1x128xi32, #tpu.memory_space<vmem>>
      %dma_wait3A_49 = tpu.memref_squeeze %dma_wait3A_48 : memref<1x128xi32, #tpu.memory_space<vmem>> -> memref<128xi32, #tpu.memory_space<vmem>>
      %dma_wait3A_50 = arith.constant 0 : i32
      %dma_wait3A_51 = arith.constant 0 : i32
      %dma_wait3A_52 = tpu.memref_slice %arg2[%dma_wait3A_50, %dma_wait3A_51] : memref<20000x128xf32, #tpu.memory_space<hbm>> -> memref<20000x128xf32, #tpu.memory_space<hbm>>
      tpu.wait_indirect_dma semaphore(%arg11 : memref<!tpu.dma_semaphore, #tpu.memory_space<semaphore_mem>>) src(%dma_wait3A_52 : memref<20000x128xf32, #tpu.memory_space<hbm>>) dst(%arg9 : memref<128x128xf32, #tpu.memory_space<vmem>>)
      %dma_start3A_53 = arith.constant 0 : i32
      %dma_start3A_54 = tpu.memref_slice %arg8[%mul3A_34, %dma_start3A_53] : memref<40x128xi32, #tpu.memory_space<vmem>> -> memref<1x128xi32, #tpu.memory_space<vmem>>
      %dma_start3A_55 = tpu.memref_squeeze %dma_start3A_54 : memref<1x128xi32, #tpu.memory_space<vmem>> -> memref<128xi32, #tpu.memory_space<vmem>>
      %dma_start3A_56 = arith.constant 0 : i32
      %dma_start3A_57 = arith.constant 0 : i32
      %dma_start3A_58 = tpu.memref_slice %arg6[%dma_start3A_56, %dma_start3A_57] : memref<10112x128xf32, #tpu.memory_space<vmem_shared>> -> memref<10112x128xf32, #tpu.memory_space<vmem_shared>>
      tpu.enqueue_indirect_dma source(%arg9 : memref<128x128xf32, #tpu.memory_space<vmem>>) target(%dma_start3A_58 : memref<10112x128xf32, #tpu.memory_space<vmem_shared>>) offsets(%dma_start3A_55 : memref<128xi32, #tpu.memory_space<vmem>>) semaphore(%arg13 : memref<!tpu.dma_semaphore, #tpu.memory_space<semaphore_mem>>) {add = true}
      %dma_wait3A_59 = arith.constant 0 : i32
      %dma_wait3A_60 = tpu.memref_slice %arg7[%add3A_41, %dma_wait3A_59] : memref<40x128xi32, #tpu.memory_space<vmem>> -> memref<1x128xi32, #tpu.memory_space<vmem>>
      %dma_wait3A_61 = tpu.memref_squeeze %dma_wait3A_60 : memref<1x128xi32, #tpu.memory_space<vmem>> -> memref<128xi32, #tpu.memory_space<vmem>>
      %dma_wait3A_62 = arith.constant 0 : i32
      %dma_wait3A_63 = arith.constant 0 : i32
      %dma_wait3A_64 = tpu.memref_slice %arg2[%dma_wait3A_62, %dma_wait3A_63] : memref<20000x128xf32, #tpu.memory_space<hbm>> -> memref<20000x128xf32, #tpu.memory_space<hbm>>
      tpu.wait_indirect_dma semaphore(%arg12 : memref<!tpu.dma_semaphore, #tpu.memory_space<semaphore_mem>>) src(%dma_wait3A_64 : memref<20000x128xf32, #tpu.memory_space<hbm>>) dst(%arg10 : memref<128x128xf32, #tpu.memory_space<vmem>>)
      %add3A_65 = arith.constant 1 : i32
      %add3A_66 = arith.addi %mul3A_34, %add3A_65 : i32
      %dma_start3A_67 = arith.constant 0 : i32
      %dma_start3A_68 = tpu.memref_slice %arg8[%add3A_66, %dma_start3A_67] : memref<40x128xi32, #tpu.memory_space<vmem>> -> memref<1x128xi32, #tpu.memory_space<vmem>>
      %dma_start3A_69 = tpu.memref_squeeze %dma_start3A_68 : memref<1x128xi32, #tpu.memory_space<vmem>> -> memref<128xi32, #tpu.memory_space<vmem>>
      %dma_start3A_70 = arith.constant 0 : i32
      %dma_start3A_71 = arith.constant 0 : i32
      %dma_start3A_72 = tpu.memref_slice %arg6[%dma_start3A_70, %dma_start3A_71] : memref<10112x128xf32, #tpu.memory_space<vmem_shared>> -> memref<10112x128xf32, #tpu.memory_space<vmem_shared>>
      tpu.enqueue_indirect_dma source(%arg10 : memref<128x128xf32, #tpu.memory_space<vmem>>) target(%dma_start3A_72 : memref<10112x128xf32, #tpu.memory_space<vmem_shared>>) offsets(%dma_start3A_69 : memref<128xi32, #tpu.memory_space<vmem>>) semaphore(%arg14 : memref<!tpu.dma_semaphore, #tpu.memory_space<semaphore_mem>>) {add = true}
      %dma_wait3A_73 = arith.constant 0 : i32
      %dma_wait3A_74 = tpu.memref_slice %arg8[%mul3A_34, %dma_wait3A_73] : memref<40x128xi32, #tpu.memory_space<vmem>> -> memref<1x128xi32, #tpu.memory_space<vmem>>
      %dma_wait3A_75 = tpu.memref_squeeze %dma_wait3A_74 : memref<1x128xi32, #tpu.memory_space<vmem>> -> memref<128xi32, #tpu.memory_space<vmem>>
      %dma_wait3A_76 = arith.constant 0 : i32
      %dma_wait3A_77 = arith.constant 0 : i32
      %dma_wait3A_78 = tpu.memref_slice %arg6[%dma_wait3A_76, %dma_wait3A_77] : memref<10112x128xf32, #tpu.memory_space<vmem_shared>> -> memref<10112x128xf32, #tpu.memory_space<vmem_shared>>
      tpu.wait_indirect_dma semaphore(%arg13 : memref<!tpu.dma_semaphore, #tpu.memory_space<semaphore_mem>>) src(%arg9 : memref<128x128xf32, #tpu.memory_space<vmem>>) dst(%dma_wait3A_78 : memref<10112x128xf32, #tpu.memory_space<vmem_shared>>)
      %add3A_79 = arith.constant 2 : i32
      %add3A_80 = arith.addi %mul3A_34, %add3A_79 : i32
      %dma_start3A_81 = arith.constant 0 : i32
      %dma_start3A_82 = tpu.memref_slice %arg7[%add3A_80, %dma_start3A_81] : memref<40x128xi32, #tpu.memory_space<vmem>> -> memref<1x128xi32, #tpu.memory_space<vmem>>
      %dma_start3A_83 = tpu.memref_squeeze %dma_start3A_82 : memref<1x128xi32, #tpu.memory_space<vmem>> -> memref<128xi32, #tpu.memory_space<vmem>>
      %dma_start3A_84 = arith.constant 0 : i32
      %dma_start3A_85 = arith.constant 0 : i32
      %dma_start3A_86 = tpu.memref_slice %arg2[%dma_start3A_84, %dma_start3A_85] : memref<20000x128xf32, #tpu.memory_space<hbm>> -> memref<20000x128xf32, #tpu.memory_space<hbm>>
      tpu.enqueue_indirect_dma source(%dma_start3A_86 : memref<20000x128xf32, #tpu.memory_space<hbm>>) target(%arg9 : memref<128x128xf32, #tpu.memory_space<vmem>>) offsets(%dma_start3A_83 : memref<128xi32, #tpu.memory_space<vmem>>) semaphore(%arg11 : memref<!tpu.dma_semaphore, #tpu.memory_space<semaphore_mem>>)
      %dma_wait3A_87 = arith.constant 0 : i32
      %dma_wait3A_88 = tpu.memref_slice %arg8[%add3A_66, %dma_wait3A_87] : memref<40x128xi32, #tpu.memory_space<vmem>> -> memref<1x128xi32, #tpu.memory_space<vmem>>
      %dma_wait3A_89 = tpu.memref_squeeze %dma_wait3A_88 : memref<1x128xi32, #tpu.memory_space<vmem>> -> memref<128xi32, #tpu.memory_space<vmem>>
      %dma_wait3A_90 = arith.constant 0 : i32
      %dma_wait3A_91 = arith.constant 0 : i32
      %dma_wait3A_92 = tpu.memref_slice %arg6[%dma_wait3A_90, %dma_wait3A_91] : memref<10112x128xf32, #tpu.memory_space<vmem_shared>> -> memref<10112x128xf32, #tpu.memory_space<vmem_shared>>
      tpu.wait_indirect_dma semaphore(%arg14 : memref<!tpu.dma_semaphore, #tpu.memory_space<semaphore_mem>>) src(%arg10 : memref<128x128xf32, #tpu.memory_space<vmem>>) dst(%dma_wait3A_92 : memref<10112x128xf32, #tpu.memory_space<vmem_shared>>)
      %add3A_93 = arith.constant 3 : i32
      %add3A_94 = arith.addi %mul3A_34, %add3A_93 : i32
      %dma_start3A_95 = arith.constant 0 : i32
      %dma_start3A_96 = tpu.memref_slice %arg7[%add3A_94, %dma_start3A_95] : memref<40x128xi32, #tpu.memory_space<vmem>> -> memref<1x128xi32, #tpu.memory_space<vmem>>
      %dma_start3A_97 = tpu.memref_squeeze %dma_start3A_96 : memref<1x128xi32, #tpu.memory_space<vmem>> -> memref<128xi32, #tpu.memory_space<vmem>>
      %dma_start3A_98 = arith.constant 0 : i32
      %dma_start3A_99 = arith.constant 0 : i32
      %dma_start3A_100 = tpu.memref_slice %arg2[%dma_start3A_98, %dma_start3A_99] : memref<20000x128xf32, #tpu.memory_space<hbm>> -> memref<20000x128xf32, #tpu.memory_space<hbm>>
      tpu.enqueue_indirect_dma source(%dma_start3A_100 : memref<20000x128xf32, #tpu.memory_space<hbm>>) target(%arg10 : memref<128x128xf32, #tpu.memory_space<vmem>>) offsets(%dma_start3A_97 : memref<128xi32, #tpu.memory_space<vmem>>) semaphore(%arg12 : memref<!tpu.dma_semaphore, #tpu.memory_space<semaphore_mem>>)
      %dma_wait3A_101 = arith.constant 0 : i32
      %dma_wait3A_102 = tpu.memref_slice %arg7[%add3A_80, %dma_wait3A_101] : memref<40x128xi32, #tpu.memory_space<vmem>> -> memref<1x128xi32, #tpu.memory_space<vmem>>
      %dma_wait3A_103 = tpu.memref_squeeze %dma_wait3A_102 : memref<1x128xi32, #tpu.memory_space<vmem>> -> memref<128xi32, #tpu.memory_space<vmem>>
      %dma_wait3A_104 = arith.constant 0 : i32
      %dma_wait3A_105 = arith.constant 0 : i32
      %dma_wait3A_106 = tpu.memref_slice %arg2[%dma_wait3A_104, %dma_wait3A_105] : memref<20000x128xf32, #tpu.memory_space<hbm>> -> memref<20000x128xf32, #tpu.memory_space<hbm>>
      tpu.wait_indirect_dma semaphore(%arg11 : memref<!tpu.dma_semaphore, #tpu.memory_space<semaphore_mem>>) src(%dma_wait3A_106 : memref<20000x128xf32, #tpu.memory_space<hbm>>) dst(%arg9 : memref<128x128xf32, #tpu.memory_space<vmem>>)
      %add3A_107 = arith.constant 2 : i32
      %add3A_108 = arith.addi %mul3A_34, %add3A_107 : i32
      %dma_start3A_109 = arith.constant 0 : i32
      %dma_start3A_110 = tpu.memref_slice %arg8[%add3A_108, %dma_start3A_109] : memref<40x128xi32, #tpu.memory_space<vmem>> -> memref<1x128xi32, #tpu.memory_space<vmem>>
      %dma_start3A_111 = tpu.memref_squeeze %dma_start3A_110 : memref<1x128xi32, #tpu.memory_space<vmem>> -> memref<128xi32, #tpu.memory_space<vmem>>
      %dma_start3A_112 = arith.constant 0 : i32
      %dma_start3A_113 = arith.constant 0 : i32
      %dma_start3A_114 = tpu.memref_slice %arg6[%dma_start3A_112, %dma_start3A_113] : memref<10112x128xf32, #tpu.memory_space<vmem_shared>> -> memref<10112x128xf32, #tpu.memory_space<vmem_shared>>
      tpu.enqueue_indirect_dma source(%arg9 : memref<128x128xf32, #tpu.memory_space<vmem>>) target(%dma_start3A_114 : memref<10112x128xf32, #tpu.memory_space<vmem_shared>>) offsets(%dma_start3A_111 : memref<128xi32, #tpu.memory_space<vmem>>) semaphore(%arg13 : memref<!tpu.dma_semaphore, #tpu.memory_space<semaphore_mem>>) {add = true}
      %dma_wait3A_115 = arith.constant 0 : i32
      %dma_wait3A_116 = tpu.memref_slice %arg7[%add3A_94, %dma_wait3A_115] : memref<40x128xi32, #tpu.memory_space<vmem>> -> memref<1x128xi32, #tpu.memory_space<vmem>>
      %dma_wait3A_117 = tpu.memref_squeeze %dma_wait3A_116 : memref<1x128xi32, #tpu.memory_space<vmem>> -> memref<128xi32, #tpu.memory_space<vmem>>
      %dma_wait3A_118 = arith.constant 0 : i32
      %dma_wait3A_119 = arith.constant 0 : i32
      %dma_wait3A_120 = tpu.memref_slice %arg2[%dma_wait3A_118, %dma_wait3A_119] : memref<20000x128xf32, #tpu.memory_space<hbm>> -> memref<20000x128xf32, #tpu.memory_space<hbm>>
      tpu.wait_indirect_dma semaphore(%arg12 : memref<!tpu.dma_semaphore, #tpu.memory_space<semaphore_mem>>) src(%dma_wait3A_120 : memref<20000x128xf32, #tpu.memory_space<hbm>>) dst(%arg10 : memref<128x128xf32, #tpu.memory_space<vmem>>)
      %add3A_121 = arith.constant 3 : i32
      %add3A_122 = arith.addi %mul3A_34, %add3A_121 : i32
      %dma_start3A_123 = arith.constant 0 : i32
      %dma_start3A_124 = tpu.memref_slice %arg8[%add3A_122, %dma_start3A_123] : memref<40x128xi32, #tpu.memory_space<vmem>> -> memref<1x128xi32, #tpu.memory_space<vmem>>
      %dma_start3A_125 = tpu.memref_squeeze %dma_start3A_124 : memref<1x128xi32, #tpu.memory_space<vmem>> -> memref<128xi32, #tpu.memory_space<vmem>>
      %dma_start3A_126 = arith.constant 0 : i32
      %dma_start3A_127 = arith.constant 0 : i32
      %dma_start3A_128 = tpu.memref_slice %arg6[%dma_start3A_126, %dma_start3A_127] : memref<10112x128xf32, #tpu.memory_space<vmem_shared>> -> memref<10112x128xf32, #tpu.memory_space<vmem_shared>>
      tpu.enqueue_indirect_dma source(%arg10 : memref<128x128xf32, #tpu.memory_space<vmem>>) target(%dma_start3A_128 : memref<10112x128xf32, #tpu.memory_space<vmem_shared>>) offsets(%dma_start3A_125 : memref<128xi32, #tpu.memory_space<vmem>>) semaphore(%arg14 : memref<!tpu.dma_semaphore, #tpu.memory_space<semaphore_mem>>) {add = true}
      %dma_wait3A_129 = arith.constant 0 : i32
      %dma_wait3A_130 = tpu.memref_slice %arg8[%add3A_108, %dma_wait3A_129] : memref<40x128xi32, #tpu.memory_space<vmem>> -> memref<1x128xi32, #tpu.memory_space<vmem>>
      %dma_wait3A_131 = tpu.memref_squeeze %dma_wait3A_130 : memref<1x128xi32, #tpu.memory_space<vmem>> -> memref<128xi32, #tpu.memory_space<vmem>>
      %dma_wait3A_132 = arith.constant 0 : i32
      %dma_wait3A_133 = arith.constant 0 : i32
      %dma_wait3A_134 = tpu.memref_slice %arg6[%dma_wait3A_132, %dma_wait3A_133] : memref<10112x128xf32, #tpu.memory_space<vmem_shared>> -> memref<10112x128xf32, #tpu.memory_space<vmem_shared>>
      tpu.wait_indirect_dma semaphore(%arg13 : memref<!tpu.dma_semaphore, #tpu.memory_space<semaphore_mem>>) src(%arg9 : memref<128x128xf32, #tpu.memory_space<vmem>>) dst(%dma_wait3A_134 : memref<10112x128xf32, #tpu.memory_space<vmem_shared>>)
      %dma_wait3A_135 = arith.constant 0 : i32
      %dma_wait3A_136 = tpu.memref_slice %arg8[%add3A_122, %dma_wait3A_135] : memref<40x128xi32, #tpu.memory_space<vmem>> -> memref<1x128xi32, #tpu.memory_space<vmem>>
      %dma_wait3A_137 = tpu.memref_squeeze %dma_wait3A_136 : memref<1x128xi32, #tpu.memory_space<vmem>> -> memref<128xi32, #tpu.memory_space<vmem>>
      %dma_wait3A_138 = arith.constant 0 : i32
      %dma_wait3A_139 = arith.constant 0 : i32
      %dma_wait3A_140 = tpu.memref_slice %arg6[%dma_wait3A_138, %dma_wait3A_139] : memref<10112x128xf32, #tpu.memory_space<vmem_shared>> -> memref<10112x128xf32, #tpu.memory_space<vmem_shared>>
      tpu.wait_indirect_dma semaphore(%arg14 : memref<!tpu.dma_semaphore, #tpu.memory_space<semaphore_mem>>) src(%arg10 : memref<128x128xf32, #tpu.memory_space<vmem>>) dst(%dma_wait3A_140 : memref<10112x128xf32, #tpu.memory_space<vmem_shared>>)
      %scan3A_141 = arith.constant 0 : i32
      scf.yield %scan3A_141 : i32
    }
    %scan3A_22 = arith.constant 10 : i32
    "tpu.region"() ({
      %run_scoped3A = tpu.sem_alloc : memref<!tpu.dma_semaphore, #tpu.memory_space<semaphore_mem>>
      %dma_start3A = arith.constant 40 : i32
      %dma_start3A_31 = arith.constant 0 : i32
      %dma_start3A_32 = tpu.memref_slice %arg3[%arg0, %arg1, %dma_start3A, %dma_start3A_31] : memref<2x16x80x128xi32, #tpu.memory_space<hbm>> -> memref<1x1x40x128xi32, #tpu.memory_space<hbm>>
      %dma_start3A_33 = tpu.memref_squeeze %dma_start3A_32 : memref<1x1x40x128xi32, #tpu.memory_space<hbm>> -> memref<40x128xi32, #tpu.memory_space<hbm>>
      %dma_start3A_34 = arith.constant 40 : i32
      %dma_start3A_35 = arith.constant 0 : i32
      %dma_start3A_36 = tpu.memref_slice %arg3[%arg0, %arg1, %dma_start3A_34, %dma_start3A_35] : memref<2x16x80x128xi32, #tpu.memory_space<hbm>> -> memref<1x1x40x128xi32, #tpu.memory_space<hbm>>
      %dma_start3A_37 = tpu.memref_squeeze %dma_start3A_36 : memref<1x1x40x128xi32, #tpu.memory_space<hbm>> -> memref<40x128xi32, #tpu.memory_space<hbm>>
      tpu.enqueue_dma source(%dma_start3A_37 : memref<40x128xi32, #tpu.memory_space<hbm>>) target(%arg7 : memref<40x128xi32, #tpu.memory_space<vmem>>) target_semaphore(%run_scoped3A : memref<!tpu.dma_semaphore, #tpu.memory_space<semaphore_mem>>)
      %dma_wait3A = arith.constant 40 : i32
      %dma_wait3A_38 = arith.constant 0 : i32
      %dma_wait3A_39 = tpu.memref_slice %arg3[%arg0, %arg1, %dma_wait3A, %dma_wait3A_38] : memref<2x16x80x128xi32, #tpu.memory_space<hbm>> -> memref<1x1x40x128xi32, #tpu.memory_space<hbm>>
      %dma_wait3A_40 = tpu.memref_squeeze %dma_wait3A_39 : memref<1x1x40x128xi32, #tpu.memory_space<hbm>> -> memref<40x128xi32, #tpu.memory_space<hbm>>
      %dma_wait3A_41 = arith.constant 40 : i32
      %dma_wait3A_42 = arith.constant 0 : i32
      %dma_wait3A_43 = tpu.memref_slice %arg3[%arg0, %arg1, %dma_wait3A_41, %dma_wait3A_42] : memref<2x16x80x128xi32, #tpu.memory_space<hbm>> -> memref<1x1x40x128xi32, #tpu.memory_space<hbm>>
      %dma_wait3A_44 = tpu.memref_squeeze %dma_wait3A_43 : memref<1x1x40x128xi32, #tpu.memory_space<hbm>> -> memref<40x128xi32, #tpu.memory_space<hbm>>
      tpu.wait_dma2 semaphore(%run_scoped3A : memref<!tpu.dma_semaphore, #tpu.memory_space<semaphore_mem>>) src(%dma_wait3A_44 : memref<40x128xi32, #tpu.memory_space<hbm>>) dst(%arg7 : memref<40x128xi32, #tpu.memory_space<vmem>>)
      tpu.yield
    }) : () -> ()
    "tpu.region"() ({
      %run_scoped3A = tpu.sem_alloc : memref<!tpu.dma_semaphore, #tpu.memory_space<semaphore_mem>>
      %dma_start3A = arith.constant 40 : i32
      %dma_start3A_31 = arith.constant 0 : i32
      %dma_start3A_32 = tpu.memref_slice %arg4[%arg1, %dma_start3A, %dma_start3A_31] : memref<16x80x128xi32, #tpu.memory_space<hbm>> -> memref<1x40x128xi32, #tpu.memory_space<hbm>>
      %dma_start3A_33 = tpu.memref_squeeze %dma_start3A_32 : memref<1x40x128xi32, #tpu.memory_space<hbm>> -> memref<40x128xi32, #tpu.memory_space<hbm>>
      %dma_start3A_34 = arith.constant 40 : i32
      %dma_start3A_35 = arith.constant 0 : i32
      %dma_start3A_36 = tpu.memref_slice %arg4[%arg1, %dma_start3A_34, %dma_start3A_35] : memref<16x80x128xi32, #tpu.memory_space<hbm>> -> memref<1x40x128xi32, #tpu.memory_space<hbm>>
      %dma_start3A_37 = tpu.memref_squeeze %dma_start3A_36 : memref<1x40x128xi32, #tpu.memory_space<hbm>> -> memref<40x128xi32, #tpu.memory_space<hbm>>
      tpu.enqueue_dma source(%dma_start3A_37 : memref<40x128xi32, #tpu.memory_space<hbm>>) target(%arg8 : memref<40x128xi32, #tpu.memory_space<vmem>>) target_semaphore(%run_scoped3A : memref<!tpu.dma_semaphore, #tpu.memory_space<semaphore_mem>>)
      %dma_wait3A = arith.constant 40 : i32
      %dma_wait3A_38 = arith.constant 0 : i32
      %dma_wait3A_39 = tpu.memref_slice %arg4[%arg1, %dma_wait3A, %dma_wait3A_38] : memref<16x80x128xi32, #tpu.memory_space<hbm>> -> memref<1x40x128xi32, #tpu.memory_space<hbm>>
      %dma_wait3A_40 = tpu.memref_squeeze %dma_wait3A_39 : memref<1x40x128xi32, #tpu.memory_space<hbm>> -> memref<40x128xi32, #tpu.memory_space<hbm>>
      %dma_wait3A_41 = arith.constant 40 : i32
      %dma_wait3A_42 = arith.constant 0 : i32
      %dma_wait3A_43 = tpu.memref_slice %arg4[%arg1, %dma_wait3A_41, %dma_wait3A_42] : memref<16x80x128xi32, #tpu.memory_space<hbm>> -> memref<1x40x128xi32, #tpu.memory_space<hbm>>
      %dma_wait3A_44 = tpu.memref_squeeze %dma_wait3A_43 : memref<1x40x128xi32, #tpu.memory_space<hbm>> -> memref<40x128xi32, #tpu.memory_space<hbm>>
      tpu.wait_dma2 semaphore(%run_scoped3A : memref<!tpu.dma_semaphore, #tpu.memory_space<semaphore_mem>>) src(%dma_wait3A_44 : memref<40x128xi32, #tpu.memory_space<hbm>>) dst(%arg8 : memref<40x128xi32, #tpu.memory_space<vmem>>)
      tpu.yield
    }) : () -> ()
    %scan3A_23 = arith.constant 0 : i32
    %scan3A_24 = arith.constant 0 : i32
    %scan3A_25 = arith.constant 10 : i32
    %scan3A_26 = arith.addi %scan3A_24, %scan3A_25 : i32
    %scan3A_27 = arith.constant 1 : i32
    %scan3A_28 = scf.for %scan3A_31 = %scan3A_24 to %scan3A_26 step %scan3A_27 iter_args(%scan3A_32 = %scan3A_23) -> (i32)  : i32 {
      %mul3A_33 = arith.constant 4 : i32
      %mul3A_34 = arith.muli %scan3A_31, %mul3A_33 : i32
      %dma_start3A = arith.constant 0 : i32
      %dma_start3A_35 = tpu.memref_slice %arg7[%mul3A_34, %dma_start3A] : memref<40x128xi32, #tpu.memory_space<vmem>> -> memref<1x128xi32, #tpu.memory_space<vmem>>
      %dma_start3A_36 = tpu.memref_squeeze %dma_start3A_35 : memref<1x128xi32, #tpu.memory_space<vmem>> -> memref<128xi32, #tpu.memory_space<vmem>>
      %dma_start3A_37 = arith.constant 0 : i32
      %dma_start3A_38 = arith.constant 0 : i32
      %dma_start3A_39 = tpu.memref_slice %arg2[%dma_start3A_37, %dma_start3A_38] : memref<20000x128xf32, #tpu.memory_space<hbm>> -> memref<20000x128xf32, #tpu.memory_space<hbm>>
      tpu.enqueue_indirect_dma source(%dma_start3A_39 : memref<20000x128xf32, #tpu.memory_space<hbm>>) target(%arg9 : memref<128x128xf32, #tpu.memory_space<vmem>>) offsets(%dma_start3A_36 : memref<128xi32, #tpu.memory_space<vmem>>) semaphore(%arg11 : memref<!tpu.dma_semaphore, #tpu.memory_space<semaphore_mem>>)
      %add3A_40 = arith.constant 1 : i32
      %add3A_41 = arith.addi %mul3A_34, %add3A_40 : i32
      %dma_start3A_42 = arith.constant 0 : i32
      %dma_start3A_43 = tpu.memref_slice %arg7[%add3A_41, %dma_start3A_42] : memref<40x128xi32, #tpu.memory_space<vmem>> -> memref<1x128xi32, #tpu.memory_space<vmem>>
      %dma_start3A_44 = tpu.memref_squeeze %dma_start3A_43 : memref<1x128xi32, #tpu.memory_space<vmem>> -> memref<128xi32, #tpu.memory_space<vmem>>
      %dma_start3A_45 = arith.constant 0 : i32
      %dma_start3A_46 = arith.constant 0 : i32
      %dma_start3A_47 = tpu.memref_slice %arg2[%dma_start3A_45, %dma_start3A_46] : memref<20000x128xf32, #tpu.memory_space<hbm>> -> memref<20000x128xf32, #tpu.memory_space<hbm>>
      tpu.enqueue_indirect_dma source(%dma_start3A_47 : memref<20000x128xf32, #tpu.memory_space<hbm>>) target(%arg10 : memref<128x128xf32, #tpu.memory_space<vmem>>) offsets(%dma_start3A_44 : memref<128xi32, #tpu.memory_space<vmem>>) semaphore(%arg12 : memref<!tpu.dma_semaphore, #tpu.memory_space<semaphore_mem>>)
      %dma_wait3A = arith.constant 0 : i32
      %dma_wait3A_48 = tpu.memref_slice %arg7[%mul3A_34, %dma_wait3A] : memref<40x128xi32, #tpu.memory_space<vmem>> -> memref<1x128xi32, #tpu.memory_space<vmem>>
      %dma_wait3A_49 = tpu.memref_squeeze %dma_wait3A_48 : memref<1x128xi32, #tpu.memory_space<vmem>> -> memref<128xi32, #tpu.memory_space<vmem>>
      %dma_wait3A_50 = arith.constant 0 : i32
      %dma_wait3A_51 = arith.constant 0 : i32
      %dma_wait3A_52 = tpu.memref_slice %arg2[%dma_wait3A_50, %dma_wait3A_51] : memref<20000x128xf32, #tpu.memory_space<hbm>> -> memref<20000x128xf32, #tpu.memory_space<hbm>>
      tpu.wait_indirect_dma semaphore(%arg11 : memref<!tpu.dma_semaphore, #tpu.memory_space<semaphore_mem>>) src(%dma_wait3A_52 : memref<20000x128xf32, #tpu.memory_space<hbm>>) dst(%arg9 : memref<128x128xf32, #tpu.memory_space<vmem>>)
      %dma_start3A_53 = arith.constant 0 : i32
      %dma_start3A_54 = tpu.memref_slice %arg8[%mul3A_34, %dma_start3A_53] : memref<40x128xi32, #tpu.memory_space<vmem>> -> memref<1x128xi32, #tpu.memory_space<vmem>>
      %dma_start3A_55 = tpu.memref_squeeze %dma_start3A_54 : memref<1x128xi32, #tpu.memory_space<vmem>> -> memref<128xi32, #tpu.memory_space<vmem>>
      %dma_start3A_56 = arith.constant 0 : i32
      %dma_start3A_57 = arith.constant 0 : i32
      %dma_start3A_58 = tpu.memref_slice %arg6[%dma_start3A_56, %dma_start3A_57] : memref<10112x128xf32, #tpu.memory_space<vmem_shared>> -> memref<10112x128xf32, #tpu.memory_space<vmem_shared>>
      tpu.enqueue_indirect_dma source(%arg9 : memref<128x128xf32, #tpu.memory_space<vmem>>) target(%dma_start3A_58 : memref<10112x128xf32, #tpu.memory_space<vmem_shared>>) offsets(%dma_start3A_55 : memref<128xi32, #tpu.memory_space<vmem>>) semaphore(%arg13 : memref<!tpu.dma_semaphore, #tpu.memory_space<semaphore_mem>>) {add = true}
      %dma_wait3A_59 = arith.constant 0 : i32
      %dma_wait3A_60 = tpu.memref_slice %arg7[%add3A_41, %dma_wait3A_59] : memref<40x128xi32, #tpu.memory_space<vmem>> -> memref<1x128xi32, #tpu.memory_space<vmem>>
      %dma_wait3A_61 = tpu.memref_squeeze %dma_wait3A_60 : memref<1x128xi32, #tpu.memory_space<vmem>> -> memref<128xi32, #tpu.memory_space<vmem>>
      %dma_wait3A_62 = arith.constant 0 : i32
      %dma_wait3A_63 = arith.constant 0 : i32
      %dma_wait3A_64 = tpu.memref_slice %arg2[%dma_wait3A_62, %dma_wait3A_63] : memref<20000x128xf32, #tpu.memory_space<hbm>> -> memref<20000x128xf32, #tpu.memory_space<hbm>>
      tpu.wait_indirect_dma semaphore(%arg12 : memref<!tpu.dma_semaphore, #tpu.memory_space<semaphore_mem>>) src(%dma_wait3A_64 : memref<20000x128xf32, #tpu.memory_space<hbm>>) dst(%arg10 : memref<128x128xf32, #tpu.memory_space<vmem>>)
      %add3A_65 = arith.constant 1 : i32
      %add3A_66 = arith.addi %mul3A_34, %add3A_65 : i32
      %dma_start3A_67 = arith.constant 0 : i32
      %dma_start3A_68 = tpu.memref_slice %arg8[%add3A_66, %dma_start3A_67] : memref<40x128xi32, #tpu.memory_space<vmem>> -> memref<1x128xi32, #tpu.memory_space<vmem>>
      %dma_start3A_69 = tpu.memref_squeeze %dma_start3A_68 : memref<1x128xi32, #tpu.memory_space<vmem>> -> memref<128xi32, #tpu.memory_space<vmem>>
      %dma_start3A_70 = arith.constant 0 : i32
      %dma_start3A_71 = arith.constant 0 : i32
      %dma_start3A_72 = tpu.memref_slice %arg6[%dma_start3A_70, %dma_start3A_71] : memref<10112x128xf32, #tpu.memory_space<vmem_shared>> -> memref<10112x128xf32, #tpu.memory_space<vmem_shared>>
      tpu.enqueue_indirect_dma source(%arg10 : memref<128x128xf32, #tpu.memory_space<vmem>>) target(%dma_start3A_72 : memref<10112x128xf32, #tpu.memory_space<vmem_shared>>) offsets(%dma_start3A_69 : memref<128xi32, #tpu.memory_space<vmem>>) semaphore(%arg14 : memref<!tpu.dma_semaphore, #tpu.memory_space<semaphore_mem>>) {add = true}
      %dma_wait3A_73 = arith.constant 0 : i32
      %dma_wait3A_74 = tpu.memref_slice %arg8[%mul3A_34, %dma_wait3A_73] : memref<40x128xi32, #tpu.memory_space<vmem>> -> memref<1x128xi32, #tpu.memory_space<vmem>>
      %dma_wait3A_75 = tpu.memref_squeeze %dma_wait3A_74 : memref<1x128xi32, #tpu.memory_space<vmem>> -> memref<128xi32, #tpu.memory_space<vmem>>
      %dma_wait3A_76 = arith.constant 0 : i32
      %dma_wait3A_77 = arith.constant 0 : i32
      %dma_wait3A_78 = tpu.memref_slice %arg6[%dma_wait3A_76, %dma_wait3A_77] : memref<10112x128xf32, #tpu.memory_space<vmem_shared>> -> memref<10112x128xf32, #tpu.memory_space<vmem_shared>>
      tpu.wait_indirect_dma semaphore(%arg13 : memref<!tpu.dma_semaphore, #tpu.memory_space<semaphore_mem>>) src(%arg9 : memref<128x128xf32, #tpu.memory_space<vmem>>) dst(%dma_wait3A_78 : memref<10112x128xf32, #tpu.memory_space<vmem_shared>>)
      %add3A_79 = arith.constant 2 : i32
      %add3A_80 = arith.addi %mul3A_34, %add3A_79 : i32
      %dma_start3A_81 = arith.constant 0 : i32
      %dma_start3A_82 = tpu.memref_slice %arg7[%add3A_80, %dma_start3A_81] : memref<40x128xi32, #tpu.memory_space<vmem>> -> memref<1x128xi32, #tpu.memory_space<vmem>>
      %dma_start3A_83 = tpu.memref_squeeze %dma_start3A_82 : memref<1x128xi32, #tpu.memory_space<vmem>> -> memref<128xi32, #tpu.memory_space<vmem>>
      %dma_start3A_84 = arith.constant 0 : i32
      %dma_start3A_85 = arith.constant 0 : i32
      %dma_start3A_86 = tpu.memref_slice %arg2[%dma_start3A_84, %dma_start3A_85] : memref<20000x128xf32, #tpu.memory_space<hbm>> -> memref<20000x128xf32, #tpu.memory_space<hbm>>
      tpu.enqueue_indirect_dma source(%dma_start3A_86 : memref<20000x128xf32, #tpu.memory_space<hbm>>) target(%arg9 : memref<128x128xf32, #tpu.memory_space<vmem>>) offsets(%dma_start3A_83 : memref<128xi32, #tpu.memory_space<vmem>>) semaphore(%arg11 : memref<!tpu.dma_semaphore, #tpu.memory_space<semaphore_mem>>)
      %dma_wait3A_87 = arith.constant 0 : i32
      %dma_wait3A_88 = tpu.memref_slice %arg8[%add3A_66, %dma_wait3A_87] : memref<40x128xi32, #tpu.memory_space<vmem>> -> memref<1x128xi32, #tpu.memory_space<vmem>>
      %dma_wait3A_89 = tpu.memref_squeeze %dma_wait3A_88 : memref<1x128xi32, #tpu.memory_space<vmem>> -> memref<128xi32, #tpu.memory_space<vmem>>
      %dma_wait3A_90 = arith.constant 0 : i32
      %dma_wait3A_91 = arith.constant 0 : i32
      %dma_wait3A_92 = tpu.memref_slice %arg6[%dma_wait3A_90, %dma_wait3A_91] : memref<10112x128xf32, #tpu.memory_space<vmem_shared>> -> memref<10112x128xf32, #tpu.memory_space<vmem_shared>>
      tpu.wait_indirect_dma semaphore(%arg14 : memref<!tpu.dma_semaphore, #tpu.memory_space<semaphore_mem>>) src(%arg10 : memref<128x128xf32, #tpu.memory_space<vmem>>) dst(%dma_wait3A_92 : memref<10112x128xf32, #tpu.memory_space<vmem_shared>>)
      %add3A_93 = arith.constant 3 : i32
      %add3A_94 = arith.addi %mul3A_34, %add3A_93 : i32
      %dma_start3A_95 = arith.constant 0 : i32
      %dma_start3A_96 = tpu.memref_slice %arg7[%add3A_94, %dma_start3A_95] : memref<40x128xi32, #tpu.memory_space<vmem>> -> memref<1x128xi32, #tpu.memory_space<vmem>>
      %dma_start3A_97 = tpu.memref_squeeze %dma_start3A_96 : memref<1x128xi32, #tpu.memory_space<vmem>> -> memref<128xi32, #tpu.memory_space<vmem>>
      %dma_start3A_98 = arith.constant 0 : i32
      %dma_start3A_99 = arith.constant 0 : i32
      %dma_start3A_100 = tpu.memref_slice %arg2[%dma_start3A_98, %dma_start3A_99] : memref<20000x128xf32, #tpu.memory_space<hbm>> -> memref<20000x128xf32, #tpu.memory_space<hbm>>
      tpu.enqueue_indirect_dma source(%dma_start3A_100 : memref<20000x128xf32, #tpu.memory_space<hbm>>) target(%arg10 : memref<128x128xf32, #tpu.memory_space<vmem>>) offsets(%dma_start3A_97 : memref<128xi32, #tpu.memory_space<vmem>>) semaphore(%arg12 : memref<!tpu.dma_semaphore, #tpu.memory_space<semaphore_mem>>)
      %dma_wait3A_101 = arith.constant 0 : i32
      %dma_wait3A_102 = tpu.memref_slice %arg7[%add3A_80, %dma_wait3A_101] : memref<40x128xi32, #tpu.memory_space<vmem>> -> memref<1x128xi32, #tpu.memory_space<vmem>>
      %dma_wait3A_103 = tpu.memref_squeeze %dma_wait3A_102 : memref<1x128xi32, #tpu.memory_space<vmem>> -> memref<128xi32, #tpu.memory_space<vmem>>
      %dma_wait3A_104 = arith.constant 0 : i32
      %dma_wait3A_105 = arith.constant 0 : i32
      %dma_wait3A_106 = tpu.memref_slice %arg2[%dma_wait3A_104, %dma_wait3A_105] : memref<20000x128xf32, #tpu.memory_space<hbm>> -> memref<20000x128xf32, #tpu.memory_space<hbm>>
      tpu.wait_indirect_dma semaphore(%arg11 : memref<!tpu.dma_semaphore, #tpu.memory_space<semaphore_mem>>) src(%dma_wait3A_106 : memref<20000x128xf32, #tpu.memory_space<hbm>>) dst(%arg9 : memref<128x128xf32, #tpu.memory_space<vmem>>)
      %add3A_107 = arith.constant 2 : i32
      %add3A_108 = arith.addi %mul3A_34, %add3A_107 : i32
      %dma_start3A_109 = arith.constant 0 : i32
      %dma_start3A_110 = tpu.memref_slice %arg8[%add3A_108, %dma_start3A_109] : memref<40x128xi32, #tpu.memory_space<vmem>> -> memref<1x128xi32, #tpu.memory_space<vmem>>
      %dma_start3A_111 = tpu.memref_squeeze %dma_start3A_110 : memref<1x128xi32, #tpu.memory_space<vmem>> -> memref<128xi32, #tpu.memory_space<vmem>>
      %dma_start3A_112 = arith.constant 0 : i32
      %dma_start3A_113 = arith.constant 0 : i32
      %dma_start3A_114 = tpu.memref_slice %arg6[%dma_start3A_112, %dma_start3A_113] : memref<10112x128xf32, #tpu.memory_space<vmem_shared>> -> memref<10112x128xf32, #tpu.memory_space<vmem_shared>>
      tpu.enqueue_indirect_dma source(%arg9 : memref<128x128xf32, #tpu.memory_space<vmem>>) target(%dma_start3A_114 : memref<10112x128xf32, #tpu.memory_space<vmem_shared>>) offsets(%dma_start3A_111 : memref<128xi32, #tpu.memory_space<vmem>>) semaphore(%arg13 : memref<!tpu.dma_semaphore, #tpu.memory_space<semaphore_mem>>) {add = true}
      %dma_wait3A_115 = arith.constant 0 : i32
      %dma_wait3A_116 = tpu.memref_slice %arg7[%add3A_94, %dma_wait3A_115] : memref<40x128xi32, #tpu.memory_space<vmem>> -> memref<1x128xi32, #tpu.memory_space<vmem>>
      %dma_wait3A_117 = tpu.memref_squeeze %dma_wait3A_116 : memref<1x128xi32, #tpu.memory_space<vmem>> -> memref<128xi32, #tpu.memory_space<vmem>>
      %dma_wait3A_118 = arith.constant 0 : i32
      %dma_wait3A_119 = arith.constant 0 : i32
      %dma_wait3A_120 = tpu.memref_slice %arg2[%dma_wait3A_118, %dma_wait3A_119] : memref<20000x128xf32, #tpu.memory_space<hbm>> -> memref<20000x128xf32, #tpu.memory_space<hbm>>
      tpu.wait_indirect_dma semaphore(%arg12 : memref<!tpu.dma_semaphore, #tpu.memory_space<semaphore_mem>>) src(%dma_wait3A_120 : memref<20000x128xf32, #tpu.memory_space<hbm>>) dst(%arg10 : memref<128x128xf32, #tpu.memory_space<vmem>>)
      %add3A_121 = arith.constant 3 : i32
      %add3A_122 = arith.addi %mul3A_34, %add3A_121 : i32
      %dma_start3A_123 = arith.constant 0 : i32
      %dma_start3A_124 = tpu.memref_slice %arg8[%add3A_122, %dma_start3A_123] : memref<40x128xi32, #tpu.memory_space<vmem>> -> memref<1x128xi32, #tpu.memory_space<vmem>>
      %dma_start3A_125 = tpu.memref_squeeze %dma_start3A_124 : memref<1x128xi32, #tpu.memory_space<vmem>> -> memref<128xi32, #tpu.memory_space<vmem>>
      %dma_start3A_126 = arith.constant 0 : i32
      %dma_start3A_127 = arith.constant 0 : i32
      %dma_start3A_128 = tpu.memref_slice %arg6[%dma_start3A_126, %dma_start3A_127] : memref<10112x128xf32, #tpu.memory_space<vmem_shared>> -> memref<10112x128xf32, #tpu.memory_space<vmem_shared>>
      tpu.enqueue_indirect_dma source(%arg10 : memref<128x128xf32, #tpu.memory_space<vmem>>) target(%dma_start3A_128 : memref<10112x128xf32, #tpu.memory_space<vmem_shared>>) offsets(%dma_start3A_125 : memref<128xi32, #tpu.memory_space<vmem>>) semaphore(%arg14 : memref<!tpu.dma_semaphore, #tpu.memory_space<semaphore_mem>>) {add = true}
      %dma_wait3A_129 = arith.constant 0 : i32
      %dma_wait3A_130 = tpu.memref_slice %arg8[%add3A_108, %dma_wait3A_129] : memref<40x128xi32, #tpu.memory_space<vmem>> -> memref<1x128xi32, #tpu.memory_space<vmem>>
      %dma_wait3A_131 = tpu.memref_squeeze %dma_wait3A_130 : memref<1x128xi32, #tpu.memory_space<vmem>> -> memref<128xi32, #tpu.memory_space<vmem>>
      %dma_wait3A_132 = arith.constant 0 : i32
      %dma_wait3A_133 = arith.constant 0 : i32
      %dma_wait3A_134 = tpu.memref_slice %arg6[%dma_wait3A_132, %dma_wait3A_133] : memref<10112x128xf32, #tpu.memory_space<vmem_shared>> -> memref<10112x128xf32, #tpu.memory_space<vmem_shared>>
      tpu.wait_indirect_dma semaphore(%arg13 : memref<!tpu.dma_semaphore, #tpu.memory_space<semaphore_mem>>) src(%arg9 : memref<128x128xf32, #tpu.memory_space<vmem>>) dst(%dma_wait3A_134 : memref<10112x128xf32, #tpu.memory_space<vmem_shared>>)
      %dma_wait3A_135 = arith.constant 0 : i32
      %dma_wait3A_136 = tpu.memref_slice %arg8[%add3A_122, %dma_wait3A_135] : memref<40x128xi32, #tpu.memory_space<vmem>> -> memref<1x128xi32, #tpu.memory_space<vmem>>
      %dma_wait3A_137 = tpu.memref_squeeze %dma_wait3A_136 : memref<1x128xi32, #tpu.memory_space<vmem>> -> memref<128xi32, #tpu.memory_space<vmem>>
      %dma_wait3A_138 = arith.constant 0 : i32
      %dma_wait3A_139 = arith.constant 0 : i32
      %dma_wait3A_140 = tpu.memref_slice %arg6[%dma_wait3A_138, %dma_wait3A_139] : memref<10112x128xf32, #tpu.memory_space<vmem_shared>> -> memref<10112x128xf32, #tpu.memory_space<vmem_shared>>
      tpu.wait_indirect_dma semaphore(%arg14 : memref<!tpu.dma_semaphore, #tpu.memory_space<semaphore_mem>>) src(%arg10 : memref<128x128xf32, #tpu.memory_space<vmem>>) dst(%dma_wait3A_140 : memref<10112x128xf32, #tpu.memory_space<vmem_shared>>)
      %scan3A_141 = arith.constant 0 : i32
      scf.yield %scan3A_141 : i32
    }
    %scan3A_29 = arith.constant 10 : i32
    %barrier3A_30 = arith.constant 0 : index
    tpu.barrier barrier_id(%barrier3A_30)
    "tpu.region"() ({
      %run_scoped3A = tpu.sem_alloc : memref<!tpu.dma_semaphore, #tpu.memory_space<semaphore_mem>>
      %dma_start3A = arith.constant 0 : i32
      %dma_start3A_31 = tpu.memref_slice %arg5[%arg0, %mul3A_6, %dma_start3A] : memref<2x10112x128xf32, #tpu.memory_space<hbm>> -> memref<1x632x128xf32, #tpu.memory_space<hbm>>
      %dma_start3A_32 = tpu.memref_squeeze %dma_start3A_31 : memref<1x632x128xf32, #tpu.memory_space<hbm>> -> memref<632x128xf32, #tpu.memory_space<hbm>>
      %dma_start3A_33 = arith.constant 0 : i32
      %dma_start3A_34 = tpu.memref_slice %arg6[%mul3A_6, %dma_start3A_33] : memref<10112x128xf32, #tpu.memory_space<vmem_shared>> -> memref<632x128xf32, #tpu.memory_space<vmem_shared>>
      tpu.enqueue_dma source(%dma_start3A_34 : memref<632x128xf32, #tpu.memory_space<vmem_shared>>) target(%dma_start3A_32 : memref<632x128xf32, #tpu.memory_space<hbm>>) target_semaphore(%run_scoped3A : memref<!tpu.dma_semaphore, #tpu.memory_space<semaphore_mem>>)
      %dma_wait3A = arith.constant 0 : i32
      %dma_wait3A_35 = tpu.memref_slice %arg5[%arg0, %mul3A_6, %dma_wait3A] : memref<2x10112x128xf32, #tpu.memory_space<hbm>> -> memref<1x632x128xf32, #tpu.memory_space<hbm>>
      %dma_wait3A_36 = tpu.memref_squeeze %dma_wait3A_35 : memref<1x632x128xf32, #tpu.memory_space<hbm>> -> memref<632x128xf32, #tpu.memory_space<hbm>>
      %dma_wait3A_37 = arith.constant 0 : i32
      %dma_wait3A_38 = tpu.memref_slice %arg6[%mul3A_6, %dma_wait3A_37] : memref<10112x128xf32, #tpu.memory_space<vmem_shared>> -> memref<632x128xf32, #tpu.memory_space<vmem_shared>>
      tpu.wait_dma2 semaphore(%run_scoped3A : memref<!tpu.dma_semaphore, #tpu.memory_space<semaphore_mem>>) src(%dma_wait3A_38 : memref<632x128xf32, #tpu.memory_space<vmem_shared>>) dst(%dma_wait3A_36 : memref<632x128xf32, #tpu.memory_space<hbm>>)
      tpu.yield
    }) : () -> ()
    return
  }
}

#map = affine_map<(d0, d1) -> (0, 0)>
#map1 = affine_map<(d0, d1) -> (0, 0, 0, 0)>
#map2 = affine_map<(d0, d1) -> (0, 0, 0)>
module attributes {stable_mosaic.version = 14 : i64} {
  func.func @_sc_segment(%arg0: i32, %arg1: i32, %arg2: memref<20000x128xf32, #tpu.memory_space<hbm>>, %arg3: memref<2x16x80x128xi32, #tpu.memory_space<hbm>>, %arg4: memref<16x80x128xi32, #tpu.memory_space<hbm>>, %arg5: memref<2x10112x128xf32, #tpu.memory_space<hbm>>, %arg6: memref<10112x128xf32, #tpu.memory_space<vmem_shared>>, %arg7: memref<40x128xi32, #tpu.memory_space<vmem>>, %arg8: memref<40x128xi32, #tpu.memory_space<vmem>>, %arg9: memref<128x128xf32, #tpu.memory_space<vmem>>, %arg10: memref<128x128xf32, #tpu.memory_space<vmem>>, %arg11: memref<!tpu.dma_semaphore, #tpu.memory_space<semaphore_mem>>, %arg12: memref<!tpu.dma_semaphore, #tpu.memory_space<semaphore_mem>>, %arg13: memref<!tpu.dma_semaphore, #tpu.memory_space<semaphore_mem>>, %arg14: memref<!tpu.dma_semaphore, #tpu.memory_space<semaphore_mem>>) attributes {dimension_semantics = [#tpu.dimension_semantics<core_parallel>, #tpu.dimension_semantics<subcore_parallel>], iteration_bounds = array<i64: 2, 16>, scalar_prefetch = 0 : i64, scratch_operands = 9 : i64, tpu.core_type = #tpu.core_type<sc_vector_subcore>, window_params = [{transform_indices = #map}, {transform_indices = #map1}, {transform_indices = #map2}, {transform_indices = #map2}]} {
    %scan3A = arith.constant 0 : i32
    %scan3A_0 = arith.constant 0 : i32
    %scan3A_1 = arith.constant 128 : i32
    %scan3A_2 = arith.addi %scan3A_0, %scan3A_1 : i32
    %scan3A_3 = arith.constant 1 : i32
    %scan3A_4 = scf.for %scan3A_31 = %scan3A_0 to %scan3A_2 step %scan3A_3 iter_args(%scan3A_32 = %scan3A) -> (i32)  : i32 {
      %broadcast_in_dim3A = arith.constant 0.000000e+00 : f32
      %broadcast_in_dim3A_33 = vector.broadcast %broadcast_in_dim3A : f32 to vector<16xf32>
      %swap3A = arith.index_cast %scan3A_31 : i32 to index
      %swap3A_34 = arith.constant 0 : index
      %swap3A_35 = tpu.vector_load %arg9[%swap3A, %swap3A_34] {strides = array<i32>} : memref<128x128xf32, #tpu.memory_space<vmem>>, vector<1x16xf32>,
      %swap3A_36 = vector.shape_cast %swap3A_35 : vector<1x16xf32> to vector<16xf32>
      %swap3A_37 = vector.shape_cast %broadcast_in_dim3A_33 : vector<16xf32> to vector<1x16xf32>
      tpu.vector_store %arg9[%swap3A, %swap3A_34], %swap3A_37 {strides = array<i32>} : memref<128x128xf32, #tpu.memory_space<vmem>>, vector<1x16xf32>,
      %broadcast_in_dim3A_38 = arith.constant 0.000000e+00 : f32
      %broadcast_in_dim3A_39 = vector.broadcast %broadcast_in_dim3A_38 : f32 to vector<16xf32>
      %swap3A_40 = arith.index_cast %scan3A_31 : i32 to index
      %swap3A_41 = arith.constant 16 : index
      %swap3A_42 = tpu.vector_load %arg9[%swap3A_40, %swap3A_41] {strides = array<i32>} : memref<128x128xf32, #tpu.memory_space<vmem>>, vector<1x16xf32>,
      %swap3A_43 = vector.shape_cast %swap3A_42 : vector<1x16xf32> to vector<16xf32>
      %swap3A_44 = vector.shape_cast %broadcast_in_dim3A_39 : vector<16xf32> to vector<1x16xf32>
      tpu.vector_store %arg9[%swap3A_40, %swap3A_41], %swap3A_44 {strides = array<i32>} : memref<128x128xf32, #tpu.memory_space<vmem>>, vector<1x16xf32>,
      %broadcast_in_dim3A_45 = arith.constant 0.000000e+00 : f32
      %broadcast_in_dim3A_46 = vector.broadcast %broadcast_in_dim3A_45 : f32 to vector<16xf32>
      %swap3A_47 = arith.index_cast %scan3A_31 : i32 to index
      %swap3A_48 = arith.constant 32 : index
      %swap3A_49 = tpu.vector_load %arg9[%swap3A_47, %swap3A_48] {strides = array<i32>} : memref<128x128xf32, #tpu.memory_space<vmem>>, vector<1x16xf32>,
      %swap3A_50 = vector.shape_cast %swap3A_49 : vector<1x16xf32> to vector<16xf32>
      %swap3A_51 = vector.shape_cast %broadcast_in_dim3A_46 : vector<16xf32> to vector<1x16xf32>
      tpu.vector_store %arg9[%swap3A_47, %swap3A_48], %swap3A_51 {strides = array<i32>} : memref<128x128xf32, #tpu.memory_space<vmem>>, vector<1x16xf32>,
      %broadcast_in_dim3A_52 = arith.constant 0.000000e+00 : f32
      %broadcast_in_dim3A_53 = vector.broadcast %broadcast_in_dim3A_52 : f32 to vector<16xf32>
      %swap3A_54 = arith.index_cast %scan3A_31 : i32 to index
      %swap3A_55 = arith.constant 48 : index
      %swap3A_56 = tpu.vector_load %arg9[%swap3A_54, %swap3A_55] {strides = array<i32>} : memref<128x128xf32, #tpu.memory_space<vmem>>, vector<1x16xf32>,
      %swap3A_57 = vector.shape_cast %swap3A_56 : vector<1x16xf32> to vector<16xf32>
      %swap3A_58 = vector.shape_cast %broadcast_in_dim3A_53 : vector<16xf32> to vector<1x16xf32>
      tpu.vector_store %arg9[%swap3A_54, %swap3A_55], %swap3A_58 {strides = array<i32>} : memref<128x128xf32, #tpu.memory_space<vmem>>, vector<1x16xf32>,
      %broadcast_in_dim3A_59 = arith.constant 0.000000e+00 : f32
      %broadcast_in_dim3A_60 = vector.broadcast %broadcast_in_dim3A_59 : f32 to vector<16xf32>
      %swap3A_61 = arith.index_cast %scan3A_31 : i32 to index
      %swap3A_62 = arith.constant 64 : index
      %swap3A_63 = tpu.vector_load %arg9[%swap3A_61, %swap3A_62] {strides = array<i32>} : memref<128x128xf32, #tpu.memory_space<vmem>>, vector<1x16xf32>,
      %swap3A_64 = vector.shape_cast %swap3A_63 : vector<1x16xf32> to vector<16xf32>
      %swap3A_65 = vector.shape_cast %broadcast_in_dim3A_60 : vector<16xf32> to vector<1x16xf32>
      tpu.vector_store %arg9[%swap3A_61, %swap3A_62], %swap3A_65 {strides = array<i32>} : memref<128x128xf32, #tpu.memory_space<vmem>>, vector<1x16xf32>,
      %broadcast_in_dim3A_66 = arith.constant 0.000000e+00 : f32
      %broadcast_in_dim3A_67 = vector.broadcast %broadcast_in_dim3A_66 : f32 to vector<16xf32>
      %swap3A_68 = arith.index_cast %scan3A_31 : i32 to index
      %swap3A_69 = arith.constant 80 : index
      %swap3A_70 = tpu.vector_load %arg9[%swap3A_68, %swap3A_69] {strides = array<i32>} : memref<128x128xf32, #tpu.memory_space<vmem>>, vector<1x16xf32>,
      %swap3A_71 = vector.shape_cast %swap3A_70 : vector<1x16xf32> to vector<16xf32>
      %swap3A_72 = vector.shape_cast %broadcast_in_dim3A_67 : vector<16xf32> to vector<1x16xf32>
      tpu.vector_store %arg9[%swap3A_68, %swap3A_69], %swap3A_72 {strides = array<i32>} : memref<128x128xf32, #tpu.memory_space<vmem>>, vector<1x16xf32>,
      %broadcast_in_dim3A_73 = arith.constant 0.000000e+00 : f32
      %broadcast_in_dim3A_74 = vector.broadcast %broadcast_in_dim3A_73 : f32 to vector<16xf32>
      %swap3A_75 = arith.index_cast %scan3A_31 : i32 to index
      %swap3A_76 = arith.constant 96 : index
      %swap3A_77 = tpu.vector_load %arg9[%swap3A_75, %swap3A_76] {strides = array<i32>} : memref<128x128xf32, #tpu.memory_space<vmem>>, vector<1x16xf32>,
      %swap3A_78 = vector.shape_cast %swap3A_77 : vector<1x16xf32> to vector<16xf32>
      %swap3A_79 = vector.shape_cast %broadcast_in_dim3A_74 : vector<16xf32> to vector<1x16xf32>
      tpu.vector_store %arg9[%swap3A_75, %swap3A_76], %swap3A_79 {strides = array<i32>} : memref<128x128xf32, #tpu.memory_space<vmem>>, vector<1x16xf32>,
      %broadcast_in_dim3A_80 = arith.constant 0.000000e+00 : f32
      %broadcast_in_dim3A_81 = vector.broadcast %broadcast_in_dim3A_80 : f32 to vector<16xf32>
      %swap3A_82 = arith.index_cast %scan3A_31 : i32 to index
      %swap3A_83 = arith.constant 112 : index
      %swap3A_84 = tpu.vector_load %arg9[%swap3A_82, %swap3A_83] {strides = array<i32>} : memref<128x128xf32, #tpu.memory_space<vmem>>, vector<1x16xf32>,
      %swap3A_85 = vector.shape_cast %swap3A_84 : vector<1x16xf32> to vector<16xf32>
      %swap3A_86 = vector.shape_cast %broadcast_in_dim3A_81 : vector<16xf32> to vector<1x16xf32>
      tpu.vector_store %arg9[%swap3A_82, %swap3A_83], %swap3A_86 {strides = array<i32>} : memref<128x128xf32, #tpu.memory_space<vmem>>, vector<1x16xf32>,
      %scan3A_87 = arith.constant 0 : i32
      scf.yield %scan3A_87 : i32
    }
    %scan3A_5 = arith.constant 128 : i32
    %mul3A = arith.constant 632 : i32
    %mul3A_6 = arith.muli %arg1, %mul3A : i32
    %add3A = arith.constant 0 : i32
    %add3A_7 = arith.addi %mul3A_6, %add3A : i32
    "tpu.region"() ({
      %run_scoped3A = tpu.sem_alloc : memref<!tpu.dma_semaphore, #tpu.memory_space<semaphore_mem>>
      %dma_start3A = arith.constant 0 : i32
      %dma_start3A_31 = arith.constant 0 : i32
      %dma_start3A_32 = tpu.memref_slice %arg9[%dma_start3A, %dma_start3A_31] : memref<128x128xf32, #tpu.memory_space<vmem>> -> memref<128x128xf32, #tpu.memory_space<vmem>>
      %dma_start3A_33 = arith.constant 0 : i32
      %dma_start3A_34 = tpu.memref_slice %arg6[%add3A_7, %dma_start3A_33] : memref<10112x128xf32, #tpu.memory_space<vmem_shared>> -> memref<128x128xf32, #tpu.memory_space<vmem_shared>>
      %dma_start3A_35 = arith.constant 0 : i32
      %dma_start3A_36 = tpu.memref_slice %arg6[%add3A_7, %dma_start3A_35] : memref<10112x128xf32, #tpu.memory_space<vmem_shared>> -> memref<128x128xf32, #tpu.memory_space<vmem_shared>>
      %dma_start3A_37 = arith.constant 0 : i32
      %dma_start3A_38 = arith.constant 0 : i32
      %dma_start3A_39 = tpu.memref_slice %arg9[%dma_start3A_37, %dma_start3A_38] : memref<128x128xf32, #tpu.memory_space<vmem>> -> memref<128x128xf32, #tpu.memory_space<vmem>>
      tpu.enqueue_dma source(%dma_start3A_39 : memref<128x128xf32, #tpu.memory_space<vmem>>) target(%dma_start3A_36 : memref<128x128xf32, #tpu.memory_space<vmem_shared>>) target_semaphore(%run_scoped3A : memref<!tpu.dma_semaphore, #tpu.memory_space<semaphore_mem>>)
      %dma_wait3A = arith.constant 0 : i32
      %dma_wait3A_40 = arith.constant 0 : i32
      %dma_wait3A_41 = tpu.memref_slice %arg9[%dma_wait3A, %dma_wait3A_40] : memref<128x128xf32, #tpu.memory_space<vmem>> -> memref<128x128xf32, #tpu.memory_space<vmem>>
      %dma_wait3A_42 = arith.constant 0 : i32
      %dma_wait3A_43 = tpu.memref_slice %arg6[%add3A_7, %dma_wait3A_42] : memref<10112x128xf32, #tpu.memory_space<vmem_shared>> -> memref<128x128xf32, #tpu.memory_space<vmem_shared>>
      %dma_wait3A_44 = arith.constant 0 : i32
      %dma_wait3A_45 = tpu.memref_slice %arg6[%add3A_7, %dma_wait3A_44] : memref<10112x128xf32, #tpu.memory_space<vmem_shared>> -> memref<128x128xf32, #tpu.memory_space<vmem_shared>>
      %dma_wait3A_46 = arith.constant 0 : i32
      %dma_wait3A_47 = arith.constant 0 : i32
      %dma_wait3A_48 = tpu.memref_slice %arg9[%dma_wait3A_46, %dma_wait3A_47] : memref<128x128xf32, #tpu.memory_space<vmem>> -> memref<128x128xf32, #tpu.memory_space<vmem>>
      tpu.wait_dma2 semaphore(%run_scoped3A : memref<!tpu.dma_semaphore, #tpu.memory_space<semaphore_mem>>) src(%dma_wait3A_48 : memref<128x128xf32, #tpu.memory_space<vmem>>) dst(%dma_wait3A_45 : memref<128x128xf32, #tpu.memory_space<vmem_shared>>)
      tpu.yield
    }) : () -> ()
    %add3A_8 = arith.constant 128 : i32
    %add3A_9 = arith.addi %mul3A_6, %add3A_8 : i32
    "tpu.region"() ({
      %run_scoped3A = tpu.sem_alloc : memref<!tpu.dma_semaphore, #tpu.memory_space<semaphore_mem>>
      %dma_start3A = arith.constant 0 : i32
      %dma_start3A_31 = arith.constant 0 : i32
      %dma_start3A_32 = tpu.memref_slice %arg9[%dma_start3A, %dma_start3A_31] : memref<128x128xf32, #tpu.memory_space<vmem>> -> memref<128x128xf32, #tpu.memory_space<vmem>>
      %dma_start3A_33 = arith.constant 0 : i32
      %dma_start3A_34 = tpu.memref_slice %arg6[%add3A_9, %dma_start3A_33] : memref<10112x128xf32, #tpu.memory_space<vmem_shared>> -> memref<128x128xf32, #tpu.memory_space<vmem_shared>>
      %dma_start3A_35 = arith.constant 0 : i32
      %dma_start3A_36 = tpu.memref_slice %arg6[%add3A_9, %dma_start3A_35] : memref<10112x128xf32, #tpu.memory_space<vmem_shared>> -> memref<128x128xf32, #tpu.memory_space<vmem_shared>>
      %dma_start3A_37 = arith.constant 0 : i32
      %dma_start3A_38 = arith.constant 0 : i32
      %dma_start3A_39 = tpu.memref_slice %arg9[%dma_start3A_37, %dma_start3A_38] : memref<128x128xf32, #tpu.memory_space<vmem>> -> memref<128x128xf32, #tpu.memory_space<vmem>>
      tpu.enqueue_dma source(%dma_start3A_39 : memref<128x128xf32, #tpu.memory_space<vmem>>) target(%dma_start3A_36 : memref<128x128xf32, #tpu.memory_space<vmem_shared>>) target_semaphore(%run_scoped3A : memref<!tpu.dma_semaphore, #tpu.memory_space<semaphore_mem>>)
      %dma_wait3A = arith.constant 0 : i32
      %dma_wait3A_40 = arith.constant 0 : i32
      %dma_wait3A_41 = tpu.memref_slice %arg9[%dma_wait3A, %dma_wait3A_40] : memref<128x128xf32, #tpu.memory_space<vmem>> -> memref<128x128xf32, #tpu.memory_space<vmem>>
      %dma_wait3A_42 = arith.constant 0 : i32
      %dma_wait3A_43 = tpu.memref_slice %arg6[%add3A_9, %dma_wait3A_42] : memref<10112x128xf32, #tpu.memory_space<vmem_shared>> -> memref<128x128xf32, #tpu.memory_space<vmem_shared>>
      %dma_wait3A_44 = arith.constant 0 : i32
      %dma_wait3A_45 = tpu.memref_slice %arg6[%add3A_9, %dma_wait3A_44] : memref<10112x128xf32, #tpu.memory_space<vmem_shared>> -> memref<128x128xf32, #tpu.memory_space<vmem_shared>>
      %dma_wait3A_46 = arith.constant 0 : i32
      %dma_wait3A_47 = arith.constant 0 : i32
      %dma_wait3A_48 = tpu.memref_slice %arg9[%dma_wait3A_46, %dma_wait3A_47] : memref<128x128xf32, #tpu.memory_space<vmem>> -> memref<128x128xf32, #tpu.memory_space<vmem>>
      tpu.wait_dma2 semaphore(%run_scoped3A : memref<!tpu.dma_semaphore, #tpu.memory_space<semaphore_mem>>) src(%dma_wait3A_48 : memref<128x128xf32, #tpu.memory_space<vmem>>) dst(%dma_wait3A_45 : memref<128x128xf32, #tpu.memory_space<vmem_shared>>)
      tpu.yield
    }) : () -> ()
    %add3A_10 = arith.constant 256 : i32
    %add3A_11 = arith.addi %mul3A_6, %add3A_10 : i32
    "tpu.region"() ({
      %run_scoped3A = tpu.sem_alloc : memref<!tpu.dma_semaphore, #tpu.memory_space<semaphore_mem>>
      %dma_start3A = arith.constant 0 : i32
      %dma_start3A_31 = arith.constant 0 : i32
      %dma_start3A_32 = tpu.memref_slice %arg9[%dma_start3A, %dma_start3A_31] : memref<128x128xf32, #tpu.memory_space<vmem>> -> memref<128x128xf32, #tpu.memory_space<vmem>>
      %dma_start3A_33 = arith.constant 0 : i32
      %dma_start3A_34 = tpu.memref_slice %arg6[%add3A_11, %dma_start3A_33] : memref<10112x128xf32, #tpu.memory_space<vmem_shared>> -> memref<128x128xf32, #tpu.memory_space<vmem_shared>>
      %dma_start3A_35 = arith.constant 0 : i32
      %dma_start3A_36 = tpu.memref_slice %arg6[%add3A_11, %dma_start3A_35] : memref<10112x128xf32, #tpu.memory_space<vmem_shared>> -> memref<128x128xf32, #tpu.memory_space<vmem_shared>>
      %dma_start3A_37 = arith.constant 0 : i32
      %dma_start3A_38 = arith.constant 0 : i32
      %dma_start3A_39 = tpu.memref_slice %arg9[%dma_start3A_37, %dma_start3A_38] : memref<128x128xf32, #tpu.memory_space<vmem>> -> memref<128x128xf32, #tpu.memory_space<vmem>>
      tpu.enqueue_dma source(%dma_start3A_39 : memref<128x128xf32, #tpu.memory_space<vmem>>) target(%dma_start3A_36 : memref<128x128xf32, #tpu.memory_space<vmem_shared>>) target_semaphore(%run_scoped3A : memref<!tpu.dma_semaphore, #tpu.memory_space<semaphore_mem>>)
      %dma_wait3A = arith.constant 0 : i32
      %dma_wait3A_40 = arith.constant 0 : i32
      %dma_wait3A_41 = tpu.memref_slice %arg9[%dma_wait3A, %dma_wait3A_40] : memref<128x128xf32, #tpu.memory_space<vmem>> -> memref<128x128xf32, #tpu.memory_space<vmem>>
      %dma_wait3A_42 = arith.constant 0 : i32
      %dma_wait3A_43 = tpu.memref_slice %arg6[%add3A_11, %dma_wait3A_42] : memref<10112x128xf32, #tpu.memory_space<vmem_shared>> -> memref<128x128xf32, #tpu.memory_space<vmem_shared>>
      %dma_wait3A_44 = arith.constant 0 : i32
      %dma_wait3A_45 = tpu.memref_slice %arg6[%add3A_11, %dma_wait3A_44] : memref<10112x128xf32, #tpu.memory_space<vmem_shared>> -> memref<128x128xf32, #tpu.memory_space<vmem_shared>>
      %dma_wait3A_46 = arith.constant 0 : i32
      %dma_wait3A_47 = arith.constant 0 : i32
      %dma_wait3A_48 = tpu.memref_slice %arg9[%dma_wait3A_46, %dma_wait3A_47] : memref<128x128xf32, #tpu.memory_space<vmem>> -> memref<128x128xf32, #tpu.memory_space<vmem>>
      tpu.wait_dma2 semaphore(%run_scoped3A : memref<!tpu.dma_semaphore, #tpu.memory_space<semaphore_mem>>) src(%dma_wait3A_48 : memref<128x128xf32, #tpu.memory_space<vmem>>) dst(%dma_wait3A_45 : memref<128x128xf32, #tpu.memory_space<vmem_shared>>)
      tpu.yield
    }) : () -> ()
    %add3A_12 = arith.constant 384 : i32
    %add3A_13 = arith.addi %mul3A_6, %add3A_12 : i32
    "tpu.region"() ({
      %run_scoped3A = tpu.sem_alloc : memref<!tpu.dma_semaphore, #tpu.memory_space<semaphore_mem>>
      %dma_start3A = arith.constant 0 : i32
      %dma_start3A_31 = arith.constant 0 : i32
      %dma_start3A_32 = tpu.memref_slice %arg9[%dma_start3A, %dma_start3A_31] : memref<128x128xf32, #tpu.memory_space<vmem>> -> memref<128x128xf32, #tpu.memory_space<vmem>>
      %dma_start3A_33 = arith.constant 0 : i32
      %dma_start3A_34 = tpu.memref_slice %arg6[%add3A_13, %dma_start3A_33] : memref<10112x128xf32, #tpu.memory_space<vmem_shared>> -> memref<128x128xf32, #tpu.memory_space<vmem_shared>>
      %dma_start3A_35 = arith.constant 0 : i32
      %dma_start3A_36 = tpu.memref_slice %arg6[%add3A_13, %dma_start3A_35] : memref<10112x128xf32, #tpu.memory_space<vmem_shared>> -> memref<128x128xf32, #tpu.memory_space<vmem_shared>>
      %dma_start3A_37 = arith.constant 0 : i32
      %dma_start3A_38 = arith.constant 0 : i32
      %dma_start3A_39 = tpu.memref_slice %arg9[%dma_start3A_37, %dma_start3A_38] : memref<128x128xf32, #tpu.memory_space<vmem>> -> memref<128x128xf32, #tpu.memory_space<vmem>>
      tpu.enqueue_dma source(%dma_start3A_39 : memref<128x128xf32, #tpu.memory_space<vmem>>) target(%dma_start3A_36 : memref<128x128xf32, #tpu.memory_space<vmem_shared>>) target_semaphore(%run_scoped3A : memref<!tpu.dma_semaphore, #tpu.memory_space<semaphore_mem>>)
      %dma_wait3A = arith.constant 0 : i32
      %dma_wait3A_40 = arith.constant 0 : i32
      %dma_wait3A_41 = tpu.memref_slice %arg9[%dma_wait3A, %dma_wait3A_40] : memref<128x128xf32, #tpu.memory_space<vmem>> -> memref<128x128xf32, #tpu.memory_space<vmem>>
      %dma_wait3A_42 = arith.constant 0 : i32
      %dma_wait3A_43 = tpu.memref_slice %arg6[%add3A_13, %dma_wait3A_42] : memref<10112x128xf32, #tpu.memory_space<vmem_shared>> -> memref<128x128xf32, #tpu.memory_space<vmem_shared>>
      %dma_wait3A_44 = arith.constant 0 : i32
      %dma_wait3A_45 = tpu.memref_slice %arg6[%add3A_13, %dma_wait3A_44] : memref<10112x128xf32, #tpu.memory_space<vmem_shared>> -> memref<128x128xf32, #tpu.memory_space<vmem_shared>>
      %dma_wait3A_46 = arith.constant 0 : i32
      %dma_wait3A_47 = arith.constant 0 : i32
      %dma_wait3A_48 = tpu.memref_slice %arg9[%dma_wait3A_46, %dma_wait3A_47] : memref<128x128xf32, #tpu.memory_space<vmem>> -> memref<128x128xf32, #tpu.memory_space<vmem>>
      tpu.wait_dma2 semaphore(%run_scoped3A : memref<!tpu.dma_semaphore, #tpu.memory_space<semaphore_mem>>) src(%dma_wait3A_48 : memref<128x128xf32, #tpu.memory_space<vmem>>) dst(%dma_wait3A_45 : memref<128x128xf32, #tpu.memory_space<vmem_shared>>)
      tpu.yield
    }) : () -> ()
    %add3A_14 = arith.constant 512 : i32
    %add3A_15 = arith.addi %mul3A_6, %add3A_14 : i32
    "tpu.region"() ({
      %run_scoped3A = tpu.sem_alloc : memref<!tpu.dma_semaphore, #tpu.memory_space<semaphore_mem>>
      %dma_start3A = arith.constant 0 : i32
      %dma_start3A_31 = arith.constant 0 : i32
      %dma_start3A_32 = tpu.memref_slice %arg9[%dma_start3A, %dma_start3A_31] : memref<128x128xf32, #tpu.memory_space<vmem>> -> memref<120x128xf32, #tpu.memory_space<vmem>>
      %dma_start3A_33 = arith.constant 0 : i32
      %dma_start3A_34 = tpu.memref_slice %arg6[%add3A_15, %dma_start3A_33] : memref<10112x128xf32, #tpu.memory_space<vmem_shared>> -> memref<120x128xf32, #tpu.memory_space<vmem_shared>>
      %dma_start3A_35 = arith.constant 0 : i32
      %dma_start3A_36 = tpu.memref_slice %arg6[%add3A_15, %dma_start3A_35] : memref<10112x128xf32, #tpu.memory_space<vmem_shared>> -> memref<120x128xf32, #tpu.memory_space<vmem_shared>>
      %dma_start3A_37 = arith.constant 0 : i32
      %dma_start3A_38 = arith.constant 0 : i32
      %dma_start3A_39 = tpu.memref_slice %arg9[%dma_start3A_37, %dma_start3A_38] : memref<128x128xf32, #tpu.memory_space<vmem>> -> memref<120x128xf32, #tpu.memory_space<vmem>>
      tpu.enqueue_dma source(%dma_start3A_39 : memref<120x128xf32, #tpu.memory_space<vmem>>) target(%dma_start3A_36 : memref<120x128xf32, #tpu.memory_space<vmem_shared>>) target_semaphore(%run_scoped3A : memref<!tpu.dma_semaphore, #tpu.memory_space<semaphore_mem>>)
      %dma_wait3A = arith.constant 0 : i32
      %dma_wait3A_40 = arith.constant 0 : i32
      %dma_wait3A_41 = tpu.memref_slice %arg9[%dma_wait3A, %dma_wait3A_40] : memref<128x128xf32, #tpu.memory_space<vmem>> -> memref<120x128xf32, #tpu.memory_space<vmem>>
      %dma_wait3A_42 = arith.constant 0 : i32
      %dma_wait3A_43 = tpu.memref_slice %arg6[%add3A_15, %dma_wait3A_42] : memref<10112x128xf32, #tpu.memory_space<vmem_shared>> -> memref<120x128xf32, #tpu.memory_space<vmem_shared>>
      %dma_wait3A_44 = arith.constant 0 : i32
      %dma_wait3A_45 = tpu.memref_slice %arg6[%add3A_15, %dma_wait3A_44] : memref<10112x128xf32, #tpu.memory_space<vmem_shared>> -> memref<120x128xf32, #tpu.memory_space<vmem_shared>>
      %dma_wait3A_46 = arith.constant 0 : i32
      %dma_wait3A_47 = arith.constant 0 : i32
      %dma_wait3A_48 = tpu.memref_slice %arg9[%dma_wait3A_46, %dma_wait3A_47] : memref<128x128xf32, #tpu.memory_space<vmem>> -> memref<120x128xf32, #tpu.memory_space<vmem>>
      tpu.wait_dma2 semaphore(%run_scoped3A : memref<!tpu.dma_semaphore, #tpu.memory_space<semaphore_mem>>) src(%dma_wait3A_48 : memref<120x128xf32, #tpu.memory_space<vmem>>) dst(%dma_wait3A_45 : memref<120x128xf32, #tpu.memory_space<vmem_shared>>)
      tpu.yield
    }) : () -> ()
    %barrier3A = arith.constant 0 : index
    tpu.barrier barrier_id(%barrier3A)
    "tpu.region"() ({
      %run_scoped3A = tpu.sem_alloc : memref<!tpu.dma_semaphore, #tpu.memory_space<semaphore_mem>>
      %dma_start3A = arith.constant 0 : i32
      %dma_start3A_31 = arith.constant 0 : i32
      %dma_start3A_32 = tpu.memref_slice %arg3[%arg0, %arg1, %dma_start3A, %dma_start3A_31] : memref<2x16x80x128xi32, #tpu.memory_space<hbm>> -> memref<1x1x40x128xi32, #tpu.memory_space<hbm>>
      %dma_start3A_33 = tpu.memref_squeeze %dma_start3A_32 : memref<1x1x40x128xi32, #tpu.memory_space<hbm>> -> memref<40x128xi32, #tpu.memory_space<hbm>>
      %dma_start3A_34 = arith.constant 0 : i32
      %dma_start3A_35 = arith.constant 0 : i32
      %dma_start3A_36 = tpu.memref_slice %arg3[%arg0, %arg1, %dma_start3A_34, %dma_start3A_35] : memref<2x16x80x128xi32, #tpu.memory_space<hbm>> -> memref<1x1x40x128xi32, #tpu.memory_space<hbm>>
      %dma_start3A_37 = tpu.memref_squeeze %dma_start3A_36 : memref<1x1x40x128xi32, #tpu.memory_space<hbm>> -> memref<40x128xi32, #tpu.memory_space<hbm>>
      tpu.enqueue_dma source(%dma_start3A_37 : memref<40x128xi32, #tpu.memory_space<hbm>>) target(%arg7 : memref<40x128xi32, #tpu.memory_space<vmem>>) target_semaphore(%run_scoped3A : memref<!tpu.dma_semaphore, #tpu.memory_space<semaphore_mem>>)
      %dma_wait3A = arith.constant 0 : i32
      %dma_wait3A_38 = arith.constant 0 : i32
      %dma_wait3A_39 = tpu.memref_slice %arg3[%arg0, %arg1, %dma_wait3A, %dma_wait3A_38] : memref<2x16x80x128xi32, #tpu.memory_space<hbm>> -> memref<1x1x40x128xi32, #tpu.memory_space<hbm>>
      %dma_wait3A_40 = tpu.memref_squeeze %dma_wait3A_39 : memref<1x1x40x128xi32, #tpu.memory_space<hbm>> -> memref<40x128xi32, #tpu.memory_space<hbm>>
      %dma_wait3A_41 = arith.constant 0 : i32
      %dma_wait3A_42 = arith.constant 0 : i32
      %dma_wait3A_43 = tpu.memref_slice %arg3[%arg0, %arg1, %dma_wait3A_41, %dma_wait3A_42] : memref<2x16x80x128xi32, #tpu.memory_space<hbm>> -> memref<1x1x40x128xi32, #tpu.memory_space<hbm>>
      %dma_wait3A_44 = tpu.memref_squeeze %dma_wait3A_43 : memref<1x1x40x128xi32, #tpu.memory_space<hbm>> -> memref<40x128xi32, #tpu.memory_space<hbm>>
      tpu.wait_dma2 semaphore(%run_scoped3A : memref<!tpu.dma_semaphore, #tpu.memory_space<semaphore_mem>>) src(%dma_wait3A_44 : memref<40x128xi32, #tpu.memory_space<hbm>>) dst(%arg7 : memref<40x128xi32, #tpu.memory_space<vmem>>)
      tpu.yield
    }) : () -> ()
    "tpu.region"() ({
      %run_scoped3A = tpu.sem_alloc : memref<!tpu.dma_semaphore, #tpu.memory_space<semaphore_mem>>
      %dma_start3A = arith.constant 0 : i32
      %dma_start3A_31 = arith.constant 0 : i32
      %dma_start3A_32 = tpu.memref_slice %arg4[%arg1, %dma_start3A, %dma_start3A_31] : memref<16x80x128xi32, #tpu.memory_space<hbm>> -> memref<1x40x128xi32, #tpu.memory_space<hbm>>
      %dma_start3A_33 = tpu.memref_squeeze %dma_start3A_32 : memref<1x40x128xi32, #tpu.memory_space<hbm>> -> memref<40x128xi32, #tpu.memory_space<hbm>>
      %dma_start3A_34 = arith.constant 0 : i32
      %dma_start3A_35 = arith.constant 0 : i32
      %dma_start3A_36 = tpu.memref_slice %arg4[%arg1, %dma_start3A_34, %dma_start3A_35] : memref<16x80x128xi32, #tpu.memory_space<hbm>> -> memref<1x40x128xi32, #tpu.memory_space<hbm>>
      %dma_start3A_37 = tpu.memref_squeeze %dma_start3A_36 : memref<1x40x128xi32, #tpu.memory_space<hbm>> -> memref<40x128xi32, #tpu.memory_space<hbm>>
      tpu.enqueue_dma source(%dma_start3A_37 : memref<40x128xi32, #tpu.memory_space<hbm>>) target(%arg8 : memref<40x128xi32, #tpu.memory_space<vmem>>) target_semaphore(%run_scoped3A : memref<!tpu.dma_semaphore, #tpu.memory_space<semaphore_mem>>)
      %dma_wait3A = arith.constant 0 : i32
      %dma_wait3A_38 = arith.constant 0 : i32
      %dma_wait3A_39 = tpu.memref_slice %arg4[%arg1, %dma_wait3A, %dma_wait3A_38] : memref<16x80x128xi32, #tpu.memory_space<hbm>> -> memref<1x40x128xi32, #tpu.memory_space<hbm>>
      %dma_wait3A_40 = tpu.memref_squeeze %dma_wait3A_39 : memref<1x40x128xi32, #tpu.memory_space<hbm>> -> memref<40x128xi32, #tpu.memory_space<hbm>>
      %dma_wait3A_41 = arith.constant 0 : i32
      %dma_wait3A_42 = arith.constant 0 : i32
      %dma_wait3A_43 = tpu.memref_slice %arg4[%arg1, %dma_wait3A_41, %dma_wait3A_42] : memref<16x80x128xi32, #tpu.memory_space<hbm>> -> memref<1x40x128xi32, #tpu.memory_space<hbm>>
      %dma_wait3A_44 = tpu.memref_squeeze %dma_wait3A_43 : memref<1x40x128xi32, #tpu.memory_space<hbm>> -> memref<40x128xi32, #tpu.memory_space<hbm>>
      tpu.wait_dma2 semaphore(%run_scoped3A : memref<!tpu.dma_semaphore, #tpu.memory_space<semaphore_mem>>) src(%dma_wait3A_44 : memref<40x128xi32, #tpu.memory_space<hbm>>) dst(%arg8 : memref<40x128xi32, #tpu.memory_space<vmem>>)
      tpu.yield
    }) : () -> ()
    %scan3A_16 = arith.constant 0 : i32
    %scan3A_17 = arith.constant 0 : i32
    %scan3A_18 = arith.constant 10 : i32
    %scan3A_19 = arith.addi %scan3A_17, %scan3A_18 : i32
    %scan3A_20 = arith.constant 1 : i32
    %scan3A_21 = scf.for %scan3A_31 = %scan3A_17 to %scan3A_19 step %scan3A_20 iter_args(%scan3A_32 = %scan3A_16) -> (i32)  : i32 {
      %mul3A_33 = arith.constant 4 : i32
      %mul3A_34 = arith.muli %scan3A_31, %mul3A_33 : i32
      %dma_start3A = arith.constant 0 : i32
      %dma_start3A_35 = tpu.memref_slice %arg7[%mul3A_34, %dma_start3A] : memref<40x128xi32, #tpu.memory_space<vmem>> -> memref<1x128xi32, #tpu.memory_space<vmem>>
      %dma_start3A_36 = tpu.memref_squeeze %dma_start3A_35 : memref<1x128xi32, #tpu.memory_space<vmem>> -> memref<128xi32, #tpu.memory_space<vmem>>
      %dma_start3A_37 = arith.constant 0 : i32
      %dma_start3A_38 = arith.constant 0 : i32
      %dma_start3A_39 = tpu.memref_slice %arg2[%dma_start3A_37, %dma_start3A_38] : memref<20000x128xf32, #tpu.memory_space<hbm>> -> memref<20000x128xf32, #tpu.memory_space<hbm>>
      tpu.enqueue_indirect_dma source(%dma_start3A_39 : memref<20000x128xf32, #tpu.memory_space<hbm>>) target(%arg9 : memref<128x128xf32, #tpu.memory_space<vmem>>) offsets(%dma_start3A_36 : memref<128xi32, #tpu.memory_space<vmem>>) semaphore(%arg11 : memref<!tpu.dma_semaphore, #tpu.memory_space<semaphore_mem>>)
      %add3A_40 = arith.constant 1 : i32
      %add3A_41 = arith.addi %mul3A_34, %add3A_40 : i32
      %dma_start3A_42 = arith.constant 0 : i32
      %dma_start3A_43 = tpu.memref_slice %arg7[%add3A_41, %dma_start3A_42] : memref<40x128xi32, #tpu.memory_space<vmem>> -> memref<1x128xi32, #tpu.memory_space<vmem>>
      %dma_start3A_44 = tpu.memref_squeeze %dma_start3A_43 : memref<1x128xi32, #tpu.memory_space<vmem>> -> memref<128xi32, #tpu.memory_space<vmem>>
      %dma_start3A_45 = arith.constant 0 : i32
      %dma_start3A_46 = arith.constant 0 : i32
      %dma_start3A_47 = tpu.memref_slice %arg2[%dma_start3A_45, %dma_start3A_46] : memref<20000x128xf32, #tpu.memory_space<hbm>> -> memref<20000x128xf32, #tpu.memory_space<hbm>>
      tpu.enqueue_indirect_dma source(%dma_start3A_47 : memref<20000x128xf32, #tpu.memory_space<hbm>>) target(%arg10 : memref<128x128xf32, #tpu.memory_space<vmem>>) offsets(%dma_start3A_44 : memref<128xi32, #tpu.memory_space<vmem>>) semaphore(%arg12 : memref<!tpu.dma_semaphore, #tpu.memory_space<semaphore_mem>>)
      %dma_wait3A = arith.constant 0 : i32
      %dma_wait3A_48 = tpu.memref_slice %arg7[%mul3A_34, %dma_wait3A] : memref<40x128xi32, #tpu.memory_space<vmem>> -> memref<1x128xi32, #tpu.memory_space<vmem>>
      %dma_wait3A_49 = tpu.memref_squeeze %dma_wait3A_48 : memref<1x128xi32, #tpu.memory_space<vmem>> -> memref<128xi32, #tpu.memory_space<vmem>>
      %dma_wait3A_50 = arith.constant 0 : i32
      %dma_wait3A_51 = arith.constant 0 : i32
      %dma_wait3A_52 = tpu.memref_slice %arg2[%dma_wait3A_50, %dma_wait3A_51] : memref<20000x128xf32, #tpu.memory_space<hbm>> -> memref<20000x128xf32, #tpu.memory_space<hbm>>
      tpu.wait_indirect_dma semaphore(%arg11 : memref<!tpu.dma_semaphore, #tpu.memory_space<semaphore_mem>>) src(%dma_wait3A_52 : memref<20000x128xf32, #tpu.memory_space<hbm>>) dst(%arg9 : memref<128x128xf32, #tpu.memory_space<vmem>>)
      %dma_start3A_53 = arith.constant 0 : i32
      %dma_start3A_54 = tpu.memref_slice %arg8[%mul3A_34, %dma_start3A_53] : memref<40x128xi32, #tpu.memory_space<vmem>> -> memref<1x128xi32, #tpu.memory_space<vmem>>
      %dma_start3A_55 = tpu.memref_squeeze %dma_start3A_54 : memref<1x128xi32, #tpu.memory_space<vmem>> -> memref<128xi32, #tpu.memory_space<vmem>>
      %dma_start3A_56 = arith.constant 0 : i32
      %dma_start3A_57 = arith.constant 0 : i32
      %dma_start3A_58 = tpu.memref_slice %arg6[%dma_start3A_56, %dma_start3A_57] : memref<10112x128xf32, #tpu.memory_space<vmem_shared>> -> memref<10112x128xf32, #tpu.memory_space<vmem_shared>>
      tpu.enqueue_indirect_dma source(%arg9 : memref<128x128xf32, #tpu.memory_space<vmem>>) target(%dma_start3A_58 : memref<10112x128xf32, #tpu.memory_space<vmem_shared>>) offsets(%dma_start3A_55 : memref<128xi32, #tpu.memory_space<vmem>>) semaphore(%arg13 : memref<!tpu.dma_semaphore, #tpu.memory_space<semaphore_mem>>) {add = true}
      %dma_wait3A_59 = arith.constant 0 : i32
      %dma_wait3A_60 = tpu.memref_slice %arg7[%add3A_41, %dma_wait3A_59] : memref<40x128xi32, #tpu.memory_space<vmem>> -> memref<1x128xi32, #tpu.memory_space<vmem>>
      %dma_wait3A_61 = tpu.memref_squeeze %dma_wait3A_60 : memref<1x128xi32, #tpu.memory_space<vmem>> -> memref<128xi32, #tpu.memory_space<vmem>>
      %dma_wait3A_62 = arith.constant 0 : i32
      %dma_wait3A_63 = arith.constant 0 : i32
      %dma_wait3A_64 = tpu.memref_slice %arg2[%dma_wait3A_62, %dma_wait3A_63] : memref<20000x128xf32, #tpu.memory_space<hbm>> -> memref<20000x128xf32, #tpu.memory_space<hbm>>
      tpu.wait_indirect_dma semaphore(%arg12 : memref<!tpu.dma_semaphore, #tpu.memory_space<semaphore_mem>>) src(%dma_wait3A_64 : memref<20000x128xf32, #tpu.memory_space<hbm>>) dst(%arg10 : memref<128x128xf32, #tpu.memory_space<vmem>>)
      %add3A_65 = arith.constant 1 : i32
      %add3A_66 = arith.addi %mul3A_34, %add3A_65 : i32
      %dma_start3A_67 = arith.constant 0 : i32
      %dma_start3A_68 = tpu.memref_slice %arg8[%add3A_66, %dma_start3A_67] : memref<40x128xi32, #tpu.memory_space<vmem>> -> memref<1x128xi32, #tpu.memory_space<vmem>>
      %dma_start3A_69 = tpu.memref_squeeze %dma_start3A_68 : memref<1x128xi32, #tpu.memory_space<vmem>> -> memref<128xi32, #tpu.memory_space<vmem>>
      %dma_start3A_70 = arith.constant 0 : i32
      %dma_start3A_71 = arith.constant 0 : i32
      %dma_start3A_72 = tpu.memref_slice %arg6[%dma_start3A_70, %dma_start3A_71] : memref<10112x128xf32, #tpu.memory_space<vmem_shared>> -> memref<10112x128xf32, #tpu.memory_space<vmem_shared>>
      tpu.enqueue_indirect_dma source(%arg10 : memref<128x128xf32, #tpu.memory_space<vmem>>) target(%dma_start3A_72 : memref<10112x128xf32, #tpu.memory_space<vmem_shared>>) offsets(%dma_start3A_69 : memref<128xi32, #tpu.memory_space<vmem>>) semaphore(%arg14 : memref<!tpu.dma_semaphore, #tpu.memory_space<semaphore_mem>>) {add = true}
      %dma_wait3A_73 = arith.constant 0 : i32
      %dma_wait3A_74 = tpu.memref_slice %arg8[%mul3A_34, %dma_wait3A_73] : memref<40x128xi32, #tpu.memory_space<vmem>> -> memref<1x128xi32, #tpu.memory_space<vmem>>
      %dma_wait3A_75 = tpu.memref_squeeze %dma_wait3A_74 : memref<1x128xi32, #tpu.memory_space<vmem>> -> memref<128xi32, #tpu.memory_space<vmem>>
      %dma_wait3A_76 = arith.constant 0 : i32
      %dma_wait3A_77 = arith.constant 0 : i32
      %dma_wait3A_78 = tpu.memref_slice %arg6[%dma_wait3A_76, %dma_wait3A_77] : memref<10112x128xf32, #tpu.memory_space<vmem_shared>> -> memref<10112x128xf32, #tpu.memory_space<vmem_shared>>
      tpu.wait_indirect_dma semaphore(%arg13 : memref<!tpu.dma_semaphore, #tpu.memory_space<semaphore_mem>>) src(%arg9 : memref<128x128xf32, #tpu.memory_space<vmem>>) dst(%dma_wait3A_78 : memref<10112x128xf32, #tpu.memory_space<vmem_shared>>)
      %add3A_79 = arith.constant 2 : i32
      %add3A_80 = arith.addi %mul3A_34, %add3A_79 : i32
      %dma_start3A_81 = arith.constant 0 : i32
      %dma_start3A_82 = tpu.memref_slice %arg7[%add3A_80, %dma_start3A_81] : memref<40x128xi32, #tpu.memory_space<vmem>> -> memref<1x128xi32, #tpu.memory_space<vmem>>
      %dma_start3A_83 = tpu.memref_squeeze %dma_start3A_82 : memref<1x128xi32, #tpu.memory_space<vmem>> -> memref<128xi32, #tpu.memory_space<vmem>>
      %dma_start3A_84 = arith.constant 0 : i32
      %dma_start3A_85 = arith.constant 0 : i32
      %dma_start3A_86 = tpu.memref_slice %arg2[%dma_start3A_84, %dma_start3A_85] : memref<20000x128xf32, #tpu.memory_space<hbm>> -> memref<20000x128xf32, #tpu.memory_space<hbm>>
      tpu.enqueue_indirect_dma source(%dma_start3A_86 : memref<20000x128xf32, #tpu.memory_space<hbm>>) target(%arg9 : memref<128x128xf32, #tpu.memory_space<vmem>>) offsets(%dma_start3A_83 : memref<128xi32, #tpu.memory_space<vmem>>) semaphore(%arg11 : memref<!tpu.dma_semaphore, #tpu.memory_space<semaphore_mem>>)
      %dma_wait3A_87 = arith.constant 0 : i32
      %dma_wait3A_88 = tpu.memref_slice %arg8[%add3A_66, %dma_wait3A_87] : memref<40x128xi32, #tpu.memory_space<vmem>> -> memref<1x128xi32, #tpu.memory_space<vmem>>
      %dma_wait3A_89 = tpu.memref_squeeze %dma_wait3A_88 : memref<1x128xi32, #tpu.memory_space<vmem>> -> memref<128xi32, #tpu.memory_space<vmem>>
      %dma_wait3A_90 = arith.constant 0 : i32
      %dma_wait3A_91 = arith.constant 0 : i32
      %dma_wait3A_92 = tpu.memref_slice %arg6[%dma_wait3A_90, %dma_wait3A_91] : memref<10112x128xf32, #tpu.memory_space<vmem_shared>> -> memref<10112x128xf32, #tpu.memory_space<vmem_shared>>
      tpu.wait_indirect_dma semaphore(%arg14 : memref<!tpu.dma_semaphore, #tpu.memory_space<semaphore_mem>>) src(%arg10 : memref<128x128xf32, #tpu.memory_space<vmem>>) dst(%dma_wait3A_92 : memref<10112x128xf32, #tpu.memory_space<vmem_shared>>)
      %add3A_93 = arith.constant 3 : i32
      %add3A_94 = arith.addi %mul3A_34, %add3A_93 : i32
      %dma_start3A_95 = arith.constant 0 : i32
      %dma_start3A_96 = tpu.memref_slice %arg7[%add3A_94, %dma_start3A_95] : memref<40x128xi32, #tpu.memory_space<vmem>> -> memref<1x128xi32, #tpu.memory_space<vmem>>
      %dma_start3A_97 = tpu.memref_squeeze %dma_start3A_96 : memref<1x128xi32, #tpu.memory_space<vmem>> -> memref<128xi32, #tpu.memory_space<vmem>>
      %dma_start3A_98 = arith.constant 0 : i32
      %dma_start3A_99 = arith.constant 0 : i32
      %dma_start3A_100 = tpu.memref_slice %arg2[%dma_start3A_98, %dma_start3A_99] : memref<20000x128xf32, #tpu.memory_space<hbm>> -> memref<20000x128xf32, #tpu.memory_space<hbm>>
      tpu.enqueue_indirect_dma source(%dma_start3A_100 : memref<20000x128xf32, #tpu.memory_space<hbm>>) target(%arg10 : memref<128x128xf32, #tpu.memory_space<vmem>>) offsets(%dma_start3A_97 : memref<128xi32, #tpu.memory_space<vmem>>) semaphore(%arg12 : memref<!tpu.dma_semaphore, #tpu.memory_space<semaphore_mem>>)
      %dma_wait3A_101 = arith.constant 0 : i32
      %dma_wait3A_102 = tpu.memref_slice %arg7[%add3A_80, %dma_wait3A_101] : memref<40x128xi32, #tpu.memory_space<vmem>> -> memref<1x128xi32, #tpu.memory_space<vmem>>
      %dma_wait3A_103 = tpu.memref_squeeze %dma_wait3A_102 : memref<1x128xi32, #tpu.memory_space<vmem>> -> memref<128xi32, #tpu.memory_space<vmem>>
      %dma_wait3A_104 = arith.constant 0 : i32
      %dma_wait3A_105 = arith.constant 0 : i32
      %dma_wait3A_106 = tpu.memref_slice %arg2[%dma_wait3A_104, %dma_wait3A_105] : memref<20000x128xf32, #tpu.memory_space<hbm>> -> memref<20000x128xf32, #tpu.memory_space<hbm>>
      tpu.wait_indirect_dma semaphore(%arg11 : memref<!tpu.dma_semaphore, #tpu.memory_space<semaphore_mem>>) src(%dma_wait3A_106 : memref<20000x128xf32, #tpu.memory_space<hbm>>) dst(%arg9 : memref<128x128xf32, #tpu.memory_space<vmem>>)
      %add3A_107 = arith.constant 2 : i32
      %add3A_108 = arith.addi %mul3A_34, %add3A_107 : i32
      %dma_start3A_109 = arith.constant 0 : i32
      %dma_start3A_110 = tpu.memref_slice %arg8[%add3A_108, %dma_start3A_109] : memref<40x128xi32, #tpu.memory_space<vmem>> -> memref<1x128xi32, #tpu.memory_space<vmem>>
      %dma_start3A_111 = tpu.memref_squeeze %dma_start3A_110 : memref<1x128xi32, #tpu.memory_space<vmem>> -> memref<128xi32, #tpu.memory_space<vmem>>
      %dma_start3A_112 = arith.constant 0 : i32
      %dma_start3A_113 = arith.constant 0 : i32
      %dma_start3A_114 = tpu.memref_slice %arg6[%dma_start3A_112, %dma_start3A_113] : memref<10112x128xf32, #tpu.memory_space<vmem_shared>> -> memref<10112x128xf32, #tpu.memory_space<vmem_shared>>
      tpu.enqueue_indirect_dma source(%arg9 : memref<128x128xf32, #tpu.memory_space<vmem>>) target(%dma_start3A_114 : memref<10112x128xf32, #tpu.memory_space<vmem_shared>>) offsets(%dma_start3A_111 : memref<128xi32, #tpu.memory_space<vmem>>) semaphore(%arg13 : memref<!tpu.dma_semaphore, #tpu.memory_space<semaphore_mem>>) {add = true}
      %dma_wait3A_115 = arith.constant 0 : i32
      %dma_wait3A_116 = tpu.memref_slice %arg7[%add3A_94, %dma_wait3A_115] : memref<40x128xi32, #tpu.memory_space<vmem>> -> memref<1x128xi32, #tpu.memory_space<vmem>>
      %dma_wait3A_117 = tpu.memref_squeeze %dma_wait3A_116 : memref<1x128xi32, #tpu.memory_space<vmem>> -> memref<128xi32, #tpu.memory_space<vmem>>
      %dma_wait3A_118 = arith.constant 0 : i32
      %dma_wait3A_119 = arith.constant 0 : i32
      %dma_wait3A_120 = tpu.memref_slice %arg2[%dma_wait3A_118, %dma_wait3A_119] : memref<20000x128xf32, #tpu.memory_space<hbm>> -> memref<20000x128xf32, #tpu.memory_space<hbm>>
      tpu.wait_indirect_dma semaphore(%arg12 : memref<!tpu.dma_semaphore, #tpu.memory_space<semaphore_mem>>) src(%dma_wait3A_120 : memref<20000x128xf32, #tpu.memory_space<hbm>>) dst(%arg10 : memref<128x128xf32, #tpu.memory_space<vmem>>)
      %add3A_121 = arith.constant 3 : i32
      %add3A_122 = arith.addi %mul3A_34, %add3A_121 : i32
      %dma_start3A_123 = arith.constant 0 : i32
      %dma_start3A_124 = tpu.memref_slice %arg8[%add3A_122, %dma_start3A_123] : memref<40x128xi32, #tpu.memory_space<vmem>> -> memref<1x128xi32, #tpu.memory_space<vmem>>
      %dma_start3A_125 = tpu.memref_squeeze %dma_start3A_124 : memref<1x128xi32, #tpu.memory_space<vmem>> -> memref<128xi32, #tpu.memory_space<vmem>>
      %dma_start3A_126 = arith.constant 0 : i32
      %dma_start3A_127 = arith.constant 0 : i32
      %dma_start3A_128 = tpu.memref_slice %arg6[%dma_start3A_126, %dma_start3A_127] : memref<10112x128xf32, #tpu.memory_space<vmem_shared>> -> memref<10112x128xf32, #tpu.memory_space<vmem_shared>>
      tpu.enqueue_indirect_dma source(%arg10 : memref<128x128xf32, #tpu.memory_space<vmem>>) target(%dma_start3A_128 : memref<10112x128xf32, #tpu.memory_space<vmem_shared>>) offsets(%dma_start3A_125 : memref<128xi32, #tpu.memory_space<vmem>>) semaphore(%arg14 : memref<!tpu.dma_semaphore, #tpu.memory_space<semaphore_mem>>) {add = true}
      %dma_wait3A_129 = arith.constant 0 : i32
      %dma_wait3A_130 = tpu.memref_slice %arg8[%add3A_108, %dma_wait3A_129] : memref<40x128xi32, #tpu.memory_space<vmem>> -> memref<1x128xi32, #tpu.memory_space<vmem>>
      %dma_wait3A_131 = tpu.memref_squeeze %dma_wait3A_130 : memref<1x128xi32, #tpu.memory_space<vmem>> -> memref<128xi32, #tpu.memory_space<vmem>>
      %dma_wait3A_132 = arith.constant 0 : i32
      %dma_wait3A_133 = arith.constant 0 : i32
      %dma_wait3A_134 = tpu.memref_slice %arg6[%dma_wait3A_132, %dma_wait3A_133] : memref<10112x128xf32, #tpu.memory_space<vmem_shared>> -> memref<10112x128xf32, #tpu.memory_space<vmem_shared>>
      tpu.wait_indirect_dma semaphore(%arg13 : memref<!tpu.dma_semaphore, #tpu.memory_space<semaphore_mem>>) src(%arg9 : memref<128x128xf32, #tpu.memory_space<vmem>>) dst(%dma_wait3A_134 : memref<10112x128xf32, #tpu.memory_space<vmem_shared>>)
      %dma_wait3A_135 = arith.constant 0 : i32
      %dma_wait3A_136 = tpu.memref_slice %arg8[%add3A_122, %dma_wait3A_135] : memref<40x128xi32, #tpu.memory_space<vmem>> -> memref<1x128xi32, #tpu.memory_space<vmem>>
      %dma_wait3A_137 = tpu.memref_squeeze %dma_wait3A_136 : memref<1x128xi32, #tpu.memory_space<vmem>> -> memref<128xi32, #tpu.memory_space<vmem>>
      %dma_wait3A_138 = arith.constant 0 : i32
      %dma_wait3A_139 = arith.constant 0 : i32
      %dma_wait3A_140 = tpu.memref_slice %arg6[%dma_wait3A_138, %dma_wait3A_139] : memref<10112x128xf32, #tpu.memory_space<vmem_shared>> -> memref<10112x128xf32, #tpu.memory_space<vmem_shared>>
      tpu.wait_indirect_dma semaphore(%arg14 : memref<!tpu.dma_semaphore, #tpu.memory_space<semaphore_mem>>) src(%arg10 : memref<128x128xf32, #tpu.memory_space<vmem>>) dst(%dma_wait3A_140 : memref<10112x128xf32, #tpu.memory_space<vmem_shared>>)
      %scan3A_141 = arith.constant 0 : i32
      scf.yield %scan3A_141 : i32
    }
    %scan3A_22 = arith.constant 10 : i32
    "tpu.region"() ({
      %run_scoped3A = tpu.sem_alloc : memref<!tpu.dma_semaphore, #tpu.memory_space<semaphore_mem>>
      %dma_start3A = arith.constant 40 : i32
      %dma_start3A_31 = arith.constant 0 : i32
      %dma_start3A_32 = tpu.memref_slice %arg3[%arg0, %arg1, %dma_start3A, %dma_start3A_31] : memref<2x16x80x128xi32, #tpu.memory_space<hbm>> -> memref<1x1x40x128xi32, #tpu.memory_space<hbm>>
      %dma_start3A_33 = tpu.memref_squeeze %dma_start3A_32 : memref<1x1x40x128xi32, #tpu.memory_space<hbm>> -> memref<40x128xi32, #tpu.memory_space<hbm>>
      %dma_start3A_34 = arith.constant 40 : i32
      %dma_start3A_35 = arith.constant 0 : i32
      %dma_start3A_36 = tpu.memref_slice %arg3[%arg0, %arg1, %dma_start3A_34, %dma_start3A_35] : memref<2x16x80x128xi32, #tpu.memory_space<hbm>> -> memref<1x1x40x128xi32, #tpu.memory_space<hbm>>
      %dma_start3A_37 = tpu.memref_squeeze %dma_start3A_36 : memref<1x1x40x128xi32, #tpu.memory_space<hbm>> -> memref<40x128xi32, #tpu.memory_space<hbm>>
      tpu.enqueue_dma source(%dma_start3A_37 : memref<40x128xi32, #tpu.memory_space<hbm>>) target(%arg7 : memref<40x128xi32, #tpu.memory_space<vmem>>) target_semaphore(%run_scoped3A : memref<!tpu.dma_semaphore, #tpu.memory_space<semaphore_mem>>)
      %dma_wait3A = arith.constant 40 : i32
      %dma_wait3A_38 = arith.constant 0 : i32
      %dma_wait3A_39 = tpu.memref_slice %arg3[%arg0, %arg1, %dma_wait3A, %dma_wait3A_38] : memref<2x16x80x128xi32, #tpu.memory_space<hbm>> -> memref<1x1x40x128xi32, #tpu.memory_space<hbm>>
      %dma_wait3A_40 = tpu.memref_squeeze %dma_wait3A_39 : memref<1x1x40x128xi32, #tpu.memory_space<hbm>> -> memref<40x128xi32, #tpu.memory_space<hbm>>
      %dma_wait3A_41 = arith.constant 40 : i32
      %dma_wait3A_42 = arith.constant 0 : i32
      %dma_wait3A_43 = tpu.memref_slice %arg3[%arg0, %arg1, %dma_wait3A_41, %dma_wait3A_42] : memref<2x16x80x128xi32, #tpu.memory_space<hbm>> -> memref<1x1x40x128xi32, #tpu.memory_space<hbm>>
      %dma_wait3A_44 = tpu.memref_squeeze %dma_wait3A_43 : memref<1x1x40x128xi32, #tpu.memory_space<hbm>> -> memref<40x128xi32, #tpu.memory_space<hbm>>
      tpu.wait_dma2 semaphore(%run_scoped3A : memref<!tpu.dma_semaphore, #tpu.memory_space<semaphore_mem>>) src(%dma_wait3A_44 : memref<40x128xi32, #tpu.memory_space<hbm>>) dst(%arg7 : memref<40x128xi32, #tpu.memory_space<vmem>>)
      tpu.yield
    }) : () -> ()
    "tpu.region"() ({
      %run_scoped3A = tpu.sem_alloc : memref<!tpu.dma_semaphore, #tpu.memory_space<semaphore_mem>>
      %dma_start3A = arith.constant 40 : i32
      %dma_start3A_31 = arith.constant 0 : i32
      %dma_start3A_32 = tpu.memref_slice %arg4[%arg1, %dma_start3A, %dma_start3A_31] : memref<16x80x128xi32, #tpu.memory_space<hbm>> -> memref<1x40x128xi32, #tpu.memory_space<hbm>>
      %dma_start3A_33 = tpu.memref_squeeze %dma_start3A_32 : memref<1x40x128xi32, #tpu.memory_space<hbm>> -> memref<40x128xi32, #tpu.memory_space<hbm>>
      %dma_start3A_34 = arith.constant 40 : i32
      %dma_start3A_35 = arith.constant 0 : i32
      %dma_start3A_36 = tpu.memref_slice %arg4[%arg1, %dma_start3A_34, %dma_start3A_35] : memref<16x80x128xi32, #tpu.memory_space<hbm>> -> memref<1x40x128xi32, #tpu.memory_space<hbm>>
      %dma_start3A_37 = tpu.memref_squeeze %dma_start3A_36 : memref<1x40x128xi32, #tpu.memory_space<hbm>> -> memref<40x128xi32, #tpu.memory_space<hbm>>
      tpu.enqueue_dma source(%dma_start3A_37 : memref<40x128xi32, #tpu.memory_space<hbm>>) target(%arg8 : memref<40x128xi32, #tpu.memory_space<vmem>>) target_semaphore(%run_scoped3A : memref<!tpu.dma_semaphore, #tpu.memory_space<semaphore_mem>>)
      %dma_wait3A = arith.constant 40 : i32
      %dma_wait3A_38 = arith.constant 0 : i32
      %dma_wait3A_39 = tpu.memref_slice %arg4[%arg1, %dma_wait3A, %dma_wait3A_38] : memref<16x80x128xi32, #tpu.memory_space<hbm>> -> memref<1x40x128xi32, #tpu.memory_space<hbm>>
      %dma_wait3A_40 = tpu.memref_squeeze %dma_wait3A_39 : memref<1x40x128xi32, #tpu.memory_space<hbm>> -> memref<40x128xi32, #tpu.memory_space<hbm>>
      %dma_wait3A_41 = arith.constant 40 : i32
      %dma_wait3A_42 = arith.constant 0 : i32
      %dma_wait3A_43 = tpu.memref_slice %arg4[%arg1, %dma_wait3A_41, %dma_wait3A_42] : memref<16x80x128xi32, #tpu.memory_space<hbm>> -> memref<1x40x128xi32, #tpu.memory_space<hbm>>
      %dma_wait3A_44 = tpu.memref_squeeze %dma_wait3A_43 : memref<1x40x128xi32, #tpu.memory_space<hbm>> -> memref<40x128xi32, #tpu.memory_space<hbm>>
      tpu.wait_dma2 semaphore(%run_scoped3A : memref<!tpu.dma_semaphore, #tpu.memory_space<semaphore_mem>>) src(%dma_wait3A_44 : memref<40x128xi32, #tpu.memory_space<hbm>>) dst(%arg8 : memref<40x128xi32, #tpu.memory_space<vmem>>)
      tpu.yield
    }) : () -> ()
    %scan3A_23 = arith.constant 0 : i32
    %scan3A_24 = arith.constant 0 : i32
    %scan3A_25 = arith.constant 10 : i32
    %scan3A_26 = arith.addi %scan3A_24, %scan3A_25 : i32
    %scan3A_27 = arith.constant 1 : i32
    %scan3A_28 = scf.for %scan3A_31 = %scan3A_24 to %scan3A_26 step %scan3A_27 iter_args(%scan3A_32 = %scan3A_23) -> (i32)  : i32 {
      %mul3A_33 = arith.constant 4 : i32
      %mul3A_34 = arith.muli %scan3A_31, %mul3A_33 : i32
      %dma_start3A = arith.constant 0 : i32
      %dma_start3A_35 = tpu.memref_slice %arg7[%mul3A_34, %dma_start3A] : memref<40x128xi32, #tpu.memory_space<vmem>> -> memref<1x128xi32, #tpu.memory_space<vmem>>
      %dma_start3A_36 = tpu.memref_squeeze %dma_start3A_35 : memref<1x128xi32, #tpu.memory_space<vmem>> -> memref<128xi32, #tpu.memory_space<vmem>>
      %dma_start3A_37 = arith.constant 0 : i32
      %dma_start3A_38 = arith.constant 0 : i32
      %dma_start3A_39 = tpu.memref_slice %arg2[%dma_start3A_37, %dma_start3A_38] : memref<20000x128xf32, #tpu.memory_space<hbm>> -> memref<20000x128xf32, #tpu.memory_space<hbm>>
      tpu.enqueue_indirect_dma source(%dma_start3A_39 : memref<20000x128xf32, #tpu.memory_space<hbm>>) target(%arg9 : memref<128x128xf32, #tpu.memory_space<vmem>>) offsets(%dma_start3A_36 : memref<128xi32, #tpu.memory_space<vmem>>) semaphore(%arg11 : memref<!tpu.dma_semaphore, #tpu.memory_space<semaphore_mem>>)
      %add3A_40 = arith.constant 1 : i32
      %add3A_41 = arith.addi %mul3A_34, %add3A_40 : i32
      %dma_start3A_42 = arith.constant 0 : i32
      %dma_start3A_43 = tpu.memref_slice %arg7[%add3A_41, %dma_start3A_42] : memref<40x128xi32, #tpu.memory_space<vmem>> -> memref<1x128xi32, #tpu.memory_space<vmem>>
      %dma_start3A_44 = tpu.memref_squeeze %dma_start3A_43 : memref<1x128xi32, #tpu.memory_space<vmem>> -> memref<128xi32, #tpu.memory_space<vmem>>
      %dma_start3A_45 = arith.constant 0 : i32
      %dma_start3A_46 = arith.constant 0 : i32
      %dma_start3A_47 = tpu.memref_slice %arg2[%dma_start3A_45, %dma_start3A_46] : memref<20000x128xf32, #tpu.memory_space<hbm>> -> memref<20000x128xf32, #tpu.memory_space<hbm>>
      tpu.enqueue_indirect_dma source(%dma_start3A_47 : memref<20000x128xf32, #tpu.memory_space<hbm>>) target(%arg10 : memref<128x128xf32, #tpu.memory_space<vmem>>) offsets(%dma_start3A_44 : memref<128xi32, #tpu.memory_space<vmem>>) semaphore(%arg12 : memref<!tpu.dma_semaphore, #tpu.memory_space<semaphore_mem>>)
      %dma_wait3A = arith.constant 0 : i32
      %dma_wait3A_48 = tpu.memref_slice %arg7[%mul3A_34, %dma_wait3A] : memref<40x128xi32, #tpu.memory_space<vmem>> -> memref<1x128xi32, #tpu.memory_space<vmem>>
      %dma_wait3A_49 = tpu.memref_squeeze %dma_wait3A_48 : memref<1x128xi32, #tpu.memory_space<vmem>> -> memref<128xi32, #tpu.memory_space<vmem>>
      %dma_wait3A_50 = arith.constant 0 : i32
      %dma_wait3A_51 = arith.constant 0 : i32
      %dma_wait3A_52 = tpu.memref_slice %arg2[%dma_wait3A_50, %dma_wait3A_51] : memref<20000x128xf32, #tpu.memory_space<hbm>> -> memref<20000x128xf32, #tpu.memory_space<hbm>>
      tpu.wait_indirect_dma semaphore(%arg11 : memref<!tpu.dma_semaphore, #tpu.memory_space<semaphore_mem>>) src(%dma_wait3A_52 : memref<20000x128xf32, #tpu.memory_space<hbm>>) dst(%arg9 : memref<128x128xf32, #tpu.memory_space<vmem>>)
      %dma_start3A_53 = arith.constant 0 : i32
      %dma_start3A_54 = tpu.memref_slice %arg8[%mul3A_34, %dma_start3A_53] : memref<40x128xi32, #tpu.memory_space<vmem>> -> memref<1x128xi32, #tpu.memory_space<vmem>>
      %dma_start3A_55 = tpu.memref_squeeze %dma_start3A_54 : memref<1x128xi32, #tpu.memory_space<vmem>> -> memref<128xi32, #tpu.memory_space<vmem>>
      %dma_start3A_56 = arith.constant 0 : i32
      %dma_start3A_57 = arith.constant 0 : i32
      %dma_start3A_58 = tpu.memref_slice %arg6[%dma_start3A_56, %dma_start3A_57] : memref<10112x128xf32, #tpu.memory_space<vmem_shared>> -> memref<10112x128xf32, #tpu.memory_space<vmem_shared>>
      tpu.enqueue_indirect_dma source(%arg9 : memref<128x128xf32, #tpu.memory_space<vmem>>) target(%dma_start3A_58 : memref<10112x128xf32, #tpu.memory_space<vmem_shared>>) offsets(%dma_start3A_55 : memref<128xi32, #tpu.memory_space<vmem>>) semaphore(%arg13 : memref<!tpu.dma_semaphore, #tpu.memory_space<semaphore_mem>>) {add = true}
      %dma_wait3A_59 = arith.constant 0 : i32
      %dma_wait3A_60 = tpu.memref_slice %arg7[%add3A_41, %dma_wait3A_59] : memref<40x128xi32, #tpu.memory_space<vmem>> -> memref<1x128xi32, #tpu.memory_space<vmem>>
      %dma_wait3A_61 = tpu.memref_squeeze %dma_wait3A_60 : memref<1x128xi32, #tpu.memory_space<vmem>> -> memref<128xi32, #tpu.memory_space<vmem>>
      %dma_wait3A_62 = arith.constant 0 : i32
      %dma_wait3A_63 = arith.constant 0 : i32
      %dma_wait3A_64 = tpu.memref_slice %arg2[%dma_wait3A_62, %dma_wait3A_63] : memref<20000x128xf32, #tpu.memory_space<hbm>> -> memref<20000x128xf32, #tpu.memory_space<hbm>>
      tpu.wait_indirect_dma semaphore(%arg12 : memref<!tpu.dma_semaphore, #tpu.memory_space<semaphore_mem>>) src(%dma_wait3A_64 : memref<20000x128xf32, #tpu.memory_space<hbm>>) dst(%arg10 : memref<128x128xf32, #tpu.memory_space<vmem>>)
      %add3A_65 = arith.constant 1 : i32
      %add3A_66 = arith.addi %mul3A_34, %add3A_65 : i32
      %dma_start3A_67 = arith.constant 0 : i32
      %dma_start3A_68 = tpu.memref_slice %arg8[%add3A_66, %dma_start3A_67] : memref<40x128xi32, #tpu.memory_space<vmem>> -> memref<1x128xi32, #tpu.memory_space<vmem>>
      %dma_start3A_69 = tpu.memref_squeeze %dma_start3A_68 : memref<1x128xi32, #tpu.memory_space<vmem>> -> memref<128xi32, #tpu.memory_space<vmem>>
      %dma_start3A_70 = arith.constant 0 : i32
      %dma_start3A_71 = arith.constant 0 : i32
      %dma_start3A_72 = tpu.memref_slice %arg6[%dma_start3A_70, %dma_start3A_71] : memref<10112x128xf32, #tpu.memory_space<vmem_shared>> -> memref<10112x128xf32, #tpu.memory_space<vmem_shared>>
      tpu.enqueue_indirect_dma source(%arg10 : memref<128x128xf32, #tpu.memory_space<vmem>>) target(%dma_start3A_72 : memref<10112x128xf32, #tpu.memory_space<vmem_shared>>) offsets(%dma_start3A_69 : memref<128xi32, #tpu.memory_space<vmem>>) semaphore(%arg14 : memref<!tpu.dma_semaphore, #tpu.memory_space<semaphore_mem>>) {add = true}
      %dma_wait3A_73 = arith.constant 0 : i32
      %dma_wait3A_74 = tpu.memref_slice %arg8[%mul3A_34, %dma_wait3A_73] : memref<40x128xi32, #tpu.memory_space<vmem>> -> memref<1x128xi32, #tpu.memory_space<vmem>>
      %dma_wait3A_75 = tpu.memref_squeeze %dma_wait3A_74 : memref<1x128xi32, #tpu.memory_space<vmem>> -> memref<128xi32, #tpu.memory_space<vmem>>
      %dma_wait3A_76 = arith.constant 0 : i32
      %dma_wait3A_77 = arith.constant 0 : i32
      %dma_wait3A_78 = tpu.memref_slice %arg6[%dma_wait3A_76, %dma_wait3A_77] : memref<10112x128xf32, #tpu.memory_space<vmem_shared>> -> memref<10112x128xf32, #tpu.memory_space<vmem_shared>>
      tpu.wait_indirect_dma semaphore(%arg13 : memref<!tpu.dma_semaphore, #tpu.memory_space<semaphore_mem>>) src(%arg9 : memref<128x128xf32, #tpu.memory_space<vmem>>) dst(%dma_wait3A_78 : memref<10112x128xf32, #tpu.memory_space<vmem_shared>>)
      %add3A_79 = arith.constant 2 : i32
      %add3A_80 = arith.addi %mul3A_34, %add3A_79 : i32
      %dma_start3A_81 = arith.constant 0 : i32
      %dma_start3A_82 = tpu.memref_slice %arg7[%add3A_80, %dma_start3A_81] : memref<40x128xi32, #tpu.memory_space<vmem>> -> memref<1x128xi32, #tpu.memory_space<vmem>>
      %dma_start3A_83 = tpu.memref_squeeze %dma_start3A_82 : memref<1x128xi32, #tpu.memory_space<vmem>> -> memref<128xi32, #tpu.memory_space<vmem>>
      %dma_start3A_84 = arith.constant 0 : i32
      %dma_start3A_85 = arith.constant 0 : i32
      %dma_start3A_86 = tpu.memref_slice %arg2[%dma_start3A_84, %dma_start3A_85] : memref<20000x128xf32, #tpu.memory_space<hbm>> -> memref<20000x128xf32, #tpu.memory_space<hbm>>
      tpu.enqueue_indirect_dma source(%dma_start3A_86 : memref<20000x128xf32, #tpu.memory_space<hbm>>) target(%arg9 : memref<128x128xf32, #tpu.memory_space<vmem>>) offsets(%dma_start3A_83 : memref<128xi32, #tpu.memory_space<vmem>>) semaphore(%arg11 : memref<!tpu.dma_semaphore, #tpu.memory_space<semaphore_mem>>)
      %dma_wait3A_87 = arith.constant 0 : i32
      %dma_wait3A_88 = tpu.memref_slice %arg8[%add3A_66, %dma_wait3A_87] : memref<40x128xi32, #tpu.memory_space<vmem>> -> memref<1x128xi32, #tpu.memory_space<vmem>>
      %dma_wait3A_89 = tpu.memref_squeeze %dma_wait3A_88 : memref<1x128xi32, #tpu.memory_space<vmem>> -> memref<128xi32, #tpu.memory_space<vmem>>
      %dma_wait3A_90 = arith.constant 0 : i32
      %dma_wait3A_91 = arith.constant 0 : i32
      %dma_wait3A_92 = tpu.memref_slice %arg6[%dma_wait3A_90, %dma_wait3A_91] : memref<10112x128xf32, #tpu.memory_space<vmem_shared>> -> memref<10112x128xf32, #tpu.memory_space<vmem_shared>>
      tpu.wait_indirect_dma semaphore(%arg14 : memref<!tpu.dma_semaphore, #tpu.memory_space<semaphore_mem>>) src(%arg10 : memref<128x128xf32, #tpu.memory_space<vmem>>) dst(%dma_wait3A_92 : memref<10112x128xf32, #tpu.memory_space<vmem_shared>>)
      %add3A_93 = arith.constant 3 : i32
      %add3A_94 = arith.addi %mul3A_34, %add3A_93 : i32
      %dma_start3A_95 = arith.constant 0 : i32
      %dma_start3A_96 = tpu.memref_slice %arg7[%add3A_94, %dma_start3A_95] : memref<40x128xi32, #tpu.memory_space<vmem>> -> memref<1x128xi32, #tpu.memory_space<vmem>>
      %dma_start3A_97 = tpu.memref_squeeze %dma_start3A_96 : memref<1x128xi32, #tpu.memory_space<vmem>> -> memref<128xi32, #tpu.memory_space<vmem>>
      %dma_start3A_98 = arith.constant 0 : i32
      %dma_start3A_99 = arith.constant 0 : i32
      %dma_start3A_100 = tpu.memref_slice %arg2[%dma_start3A_98, %dma_start3A_99] : memref<20000x128xf32, #tpu.memory_space<hbm>> -> memref<20000x128xf32, #tpu.memory_space<hbm>>
      tpu.enqueue_indirect_dma source(%dma_start3A_100 : memref<20000x128xf32, #tpu.memory_space<hbm>>) target(%arg10 : memref<128x128xf32, #tpu.memory_space<vmem>>) offsets(%dma_start3A_97 : memref<128xi32, #tpu.memory_space<vmem>>) semaphore(%arg12 : memref<!tpu.dma_semaphore, #tpu.memory_space<semaphore_mem>>)
      %dma_wait3A_101 = arith.constant 0 : i32
      %dma_wait3A_102 = tpu.memref_slice %arg7[%add3A_80, %dma_wait3A_101] : memref<40x128xi32, #tpu.memory_space<vmem>> -> memref<1x128xi32, #tpu.memory_space<vmem>>
      %dma_wait3A_103 = tpu.memref_squeeze %dma_wait3A_102 : memref<1x128xi32, #tpu.memory_space<vmem>> -> memref<128xi32, #tpu.memory_space<vmem>>
      %dma_wait3A_104 = arith.constant 0 : i32
      %dma_wait3A_105 = arith.constant 0 : i32
      %dma_wait3A_106 = tpu.memref_slice %arg2[%dma_wait3A_104, %dma_wait3A_105] : memref<20000x128xf32, #tpu.memory_space<hbm>> -> memref<20000x128xf32, #tpu.memory_space<hbm>>
      tpu.wait_indirect_dma semaphore(%arg11 : memref<!tpu.dma_semaphore, #tpu.memory_space<semaphore_mem>>) src(%dma_wait3A_106 : memref<20000x128xf32, #tpu.memory_space<hbm>>) dst(%arg9 : memref<128x128xf32, #tpu.memory_space<vmem>>)
      %add3A_107 = arith.constant 2 : i32
      %add3A_108 = arith.addi %mul3A_34, %add3A_107 : i32
      %dma_start3A_109 = arith.constant 0 : i32
      %dma_start3A_110 = tpu.memref_slice %arg8[%add3A_108, %dma_start3A_109] : memref<40x128xi32, #tpu.memory_space<vmem>> -> memref<1x128xi32, #tpu.memory_space<vmem>>
      %dma_start3A_111 = tpu.memref_squeeze %dma_start3A_110 : memref<1x128xi32, #tpu.memory_space<vmem>> -> memref<128xi32, #tpu.memory_space<vmem>>
      %dma_start3A_112 = arith.constant 0 : i32
      %dma_start3A_113 = arith.constant 0 : i32
      %dma_start3A_114 = tpu.memref_slice %arg6[%dma_start3A_112, %dma_start3A_113] : memref<10112x128xf32, #tpu.memory_space<vmem_shared>> -> memref<10112x128xf32, #tpu.memory_space<vmem_shared>>
      tpu.enqueue_indirect_dma source(%arg9 : memref<128x128xf32, #tpu.memory_space<vmem>>) target(%dma_start3A_114 : memref<10112x128xf32, #tpu.memory_space<vmem_shared>>) offsets(%dma_start3A_111 : memref<128xi32, #tpu.memory_space<vmem>>) semaphore(%arg13 : memref<!tpu.dma_semaphore, #tpu.memory_space<semaphore_mem>>) {add = true}
      %dma_wait3A_115 = arith.constant 0 : i32
      %dma_wait3A_116 = tpu.memref_slice %arg7[%add3A_94, %dma_wait3A_115] : memref<40x128xi32, #tpu.memory_space<vmem>> -> memref<1x128xi32, #tpu.memory_space<vmem>>
      %dma_wait3A_117 = tpu.memref_squeeze %dma_wait3A_116 : memref<1x128xi32, #tpu.memory_space<vmem>> -> memref<128xi32, #tpu.memory_space<vmem>>
      %dma_wait3A_118 = arith.constant 0 : i32
      %dma_wait3A_119 = arith.constant 0 : i32
      %dma_wait3A_120 = tpu.memref_slice %arg2[%dma_wait3A_118, %dma_wait3A_119] : memref<20000x128xf32, #tpu.memory_space<hbm>> -> memref<20000x128xf32, #tpu.memory_space<hbm>>
      tpu.wait_indirect_dma semaphore(%arg12 : memref<!tpu.dma_semaphore, #tpu.memory_space<semaphore_mem>>) src(%dma_wait3A_120 : memref<20000x128xf32, #tpu.memory_space<hbm>>) dst(%arg10 : memref<128x128xf32, #tpu.memory_space<vmem>>)
      %add3A_121 = arith.constant 3 : i32
      %add3A_122 = arith.addi %mul3A_34, %add3A_121 : i32
      %dma_start3A_123 = arith.constant 0 : i32
      %dma_start3A_124 = tpu.memref_slice %arg8[%add3A_122, %dma_start3A_123] : memref<40x128xi32, #tpu.memory_space<vmem>> -> memref<1x128xi32, #tpu.memory_space<vmem>>
      %dma_start3A_125 = tpu.memref_squeeze %dma_start3A_124 : memref<1x128xi32, #tpu.memory_space<vmem>> -> memref<128xi32, #tpu.memory_space<vmem>>
      %dma_start3A_126 = arith.constant 0 : i32
      %dma_start3A_127 = arith.constant 0 : i32
      %dma_start3A_128 = tpu.memref_slice %arg6[%dma_start3A_126, %dma_start3A_127] : memref<10112x128xf32, #tpu.memory_space<vmem_shared>> -> memref<10112x128xf32, #tpu.memory_space<vmem_shared>>
      tpu.enqueue_indirect_dma source(%arg10 : memref<128x128xf32, #tpu.memory_space<vmem>>) target(%dma_start3A_128 : memref<10112x128xf32, #tpu.memory_space<vmem_shared>>) offsets(%dma_start3A_125 : memref<128xi32, #tpu.memory_space<vmem>>) semaphore(%arg14 : memref<!tpu.dma_semaphore, #tpu.memory_space<semaphore_mem>>) {add = true}
      %dma_wait3A_129 = arith.constant 0 : i32
      %dma_wait3A_130 = tpu.memref_slice %arg8[%add3A_108, %dma_wait3A_129] : memref<40x128xi32, #tpu.memory_space<vmem>> -> memref<1x128xi32, #tpu.memory_space<vmem>>
      %dma_wait3A_131 = tpu.memref_squeeze %dma_wait3A_130 : memref<1x128xi32, #tpu.memory_space<vmem>> -> memref<128xi32, #tpu.memory_space<vmem>>
      %dma_wait3A_132 = arith.constant 0 : i32
      %dma_wait3A_133 = arith.constant 0 : i32
      %dma_wait3A_134 = tpu.memref_slice %arg6[%dma_wait3A_132, %dma_wait3A_133] : memref<10112x128xf32, #tpu.memory_space<vmem_shared>> -> memref<10112x128xf32, #tpu.memory_space<vmem_shared>>
      tpu.wait_indirect_dma semaphore(%arg13 : memref<!tpu.dma_semaphore, #tpu.memory_space<semaphore_mem>>) src(%arg9 : memref<128x128xf32, #tpu.memory_space<vmem>>) dst(%dma_wait3A_134 : memref<10112x128xf32, #tpu.memory_space<vmem_shared>>)
      %dma_wait3A_135 = arith.constant 0 : i32
      %dma_wait3A_136 = tpu.memref_slice %arg8[%add3A_122, %dma_wait3A_135] : memref<40x128xi32, #tpu.memory_space<vmem>> -> memref<1x128xi32, #tpu.memory_space<vmem>>
      %dma_wait3A_137 = tpu.memref_squeeze %dma_wait3A_136 : memref<1x128xi32, #tpu.memory_space<vmem>> -> memref<128xi32, #tpu.memory_space<vmem>>
      %dma_wait3A_138 = arith.constant 0 : i32
      %dma_wait3A_139 = arith.constant 0 : i32
      %dma_wait3A_140 = tpu.memref_slice %arg6[%dma_wait3A_138, %dma_wait3A_139] : memref<10112x128xf32, #tpu.memory_space<vmem_shared>> -> memref<10112x128xf32, #tpu.memory_space<vmem_shared>>
      tpu.wait_indirect_dma semaphore(%arg14 : memref<!tpu.dma_semaphore, #tpu.memory_space<semaphore_mem>>) src(%arg10 : memref<128x128xf32, #tpu.memory_space<vmem>>) dst(%dma_wait3A_140 : memref<10112x128xf32, #tpu.memory_space<vmem_shared>>)
      %scan3A_141 = arith.constant 0 : i32
      scf.yield %scan3A_141 : i32
    }
    %scan3A_29 = arith.constant 10 : i32
    %barrier3A_30 = arith.constant 0 : index
    tpu.barrier barrier_id(%barrier3A_30)
    "tpu.region"() ({
      %run_scoped3A = tpu.sem_alloc : memref<!tpu.dma_semaphore, #tpu.memory_space<semaphore_mem>>
      %dma_start3A = arith.constant 0 : i32
      %dma_start3A_31 = tpu.memref_slice %arg5[%arg0, %mul3A_6, %dma_start3A] : memref<2x10112x128xf32, #tpu.memory_space<hbm>> -> memref<1x632x128xf32, #tpu.memory_space<hbm>>
      %dma_start3A_32 = tpu.memref_squeeze %dma_start3A_31 : memref<1x632x128xf32, #tpu.memory_space<hbm>> -> memref<632x128xf32, #tpu.memory_space<hbm>>
      %dma_start3A_33 = arith.constant 0 : i32
      %dma_start3A_34 = tpu.memref_slice %arg6[%mul3A_6, %dma_start3A_33] : memref<10112x128xf32, #tpu.memory_space<vmem_shared>> -> memref<632x128xf32, #tpu.memory_space<vmem_shared>>
      tpu.enqueue_dma source(%dma_start3A_34 : memref<632x128xf32, #tpu.memory_space<vmem_shared>>) target(%dma_start3A_32 : memref<632x128xf32, #tpu.memory_space<hbm>>) target_semaphore(%run_scoped3A : memref<!tpu.dma_semaphore, #tpu.memory_space<semaphore_mem>>)
      %dma_wait3A = arith.constant 0 : i32
      %dma_wait3A_35 = tpu.memref_slice %arg5[%arg0, %mul3A_6, %dma_wait3A] : memref<2x10112x128xf32, #tpu.memory_space<hbm>> -> memref<1x632x128xf32, #tpu.memory_space<hbm>>
      %dma_wait3A_36 = tpu.memref_squeeze %dma_wait3A_35 : memref<1x632x128xf32, #tpu.memory_space<hbm>> -> memref<632x128xf32, #tpu.memory_space<hbm>>
      %dma_wait3A_37 = arith.constant 0 : i32
      %dma_wait3A_38 = tpu.memref_slice %arg6[%mul3A_6, %dma_wait3A_37] : memref<10112x128xf32, #tpu.memory_space<vmem_shared>> -> memref<632x128xf32, #tpu.memory_space<vmem_shared>>
      tpu.wait_dma2 semaphore(%run_scoped3A : memref<!tpu.dma_semaphore, #tpu.memory_space<semaphore_mem>>) src(%dma_wait3A_38 : memref<632x128xf32, #tpu.memory_space<vmem_shared>>) dst(%dma_wait3A_36 : memref<632x128xf32, #tpu.memory_space<hbm>>)
      tpu.yield
    }) : () -> ()
    return
  }
}

#map = affine_map<(d0, d1) -> (0, 0)>
#map1 = affine_map<(d0, d1) -> (0, 0, 0, 0)>
#map2 = affine_map<(d0, d1) -> (0, 0, 0)>
module attributes {stable_mosaic.version = 14 : i64} {
  func.func @_sc_segment(%arg0: i32, %arg1: i32, %arg2: memref<20000x128xf32, #tpu.memory_space<hbm>>, %arg3: memref<2x16x80x128xi32, #tpu.memory_space<hbm>>, %arg4: memref<16x80x128xi32, #tpu.memory_space<hbm>>, %arg5: memref<2x10112x128xf32, #tpu.memory_space<hbm>>, %arg6: memref<10112x128xf32, #tpu.memory_space<vmem_shared>>, %arg7: memref<40x128xi32, #tpu.memory_space<vmem>>, %arg8: memref<40x128xi32, #tpu.memory_space<vmem>>, %arg9: memref<128x128xf32, #tpu.memory_space<vmem>>, %arg10: memref<128x128xf32, #tpu.memory_space<vmem>>, %arg11: memref<!tpu.dma_semaphore, #tpu.memory_space<semaphore_mem>>, %arg12: memref<!tpu.dma_semaphore, #tpu.memory_space<semaphore_mem>>, %arg13: memref<!tpu.dma_semaphore, #tpu.memory_space<semaphore_mem>>, %arg14: memref<!tpu.dma_semaphore, #tpu.memory_space<semaphore_mem>>) attributes {dimension_semantics = [#tpu.dimension_semantics<core_parallel>, #tpu.dimension_semantics<subcore_parallel>], iteration_bounds = array<i64: 2, 16>, scalar_prefetch = 0 : i64, scratch_operands = 9 : i64, tpu.core_type = #tpu.core_type<sc_vector_subcore>, window_params = [{transform_indices = #map}, {transform_indices = #map1}, {transform_indices = #map2}, {transform_indices = #map2}]} {
    %scan3A = arith.constant 0 : i32
    %scan3A_0 = arith.constant 0 : i32
    %scan3A_1 = arith.constant 128 : i32
    %scan3A_2 = arith.addi %scan3A_0, %scan3A_1 : i32
    %scan3A_3 = arith.constant 1 : i32
    %scan3A_4 = scf.for %scan3A_31 = %scan3A_0 to %scan3A_2 step %scan3A_3 iter_args(%scan3A_32 = %scan3A) -> (i32)  : i32 {
      %broadcast_in_dim3A = arith.constant 0.000000e+00 : f32
      %broadcast_in_dim3A_33 = vector.broadcast %broadcast_in_dim3A : f32 to vector<16xf32>
      %swap3A = arith.index_cast %scan3A_31 : i32 to index
      %swap3A_34 = arith.constant 0 : index
      %swap3A_35 = tpu.vector_load %arg9[%swap3A, %swap3A_34] {strides = array<i32>} : memref<128x128xf32, #tpu.memory_space<vmem>>, vector<1x16xf32>,
      %swap3A_36 = vector.shape_cast %swap3A_35 : vector<1x16xf32> to vector<16xf32>
      %swap3A_37 = vector.shape_cast %broadcast_in_dim3A_33 : vector<16xf32> to vector<1x16xf32>
      tpu.vector_store %arg9[%swap3A, %swap3A_34], %swap3A_37 {strides = array<i32>} : memref<128x128xf32, #tpu.memory_space<vmem>>, vector<1x16xf32>,
      %broadcast_in_dim3A_38 = arith.constant 0.000000e+00 : f32
      %broadcast_in_dim3A_39 = vector.broadcast %broadcast_in_dim3A_38 : f32 to vector<16xf32>
      %swap3A_40 = arith.index_cast %scan3A_31 : i32 to index
      %swap3A_41 = arith.constant 16 : index
      %swap3A_42 = tpu.vector_load %arg9[%swap3A_40, %swap3A_41] {strides = array<i32>} : memref<128x128xf32, #tpu.memory_space<vmem>>, vector<1x16xf32>,
      %swap3A_43 = vector.shape_cast %swap3A_42 : vector<1x16xf32> to vector<16xf32>
      %swap3A_44 = vector.shape_cast %broadcast_in_dim3A_39 : vector<16xf32> to vector<1x16xf32>
      tpu.vector_store %arg9[%swap3A_40, %swap3A_41], %swap3A_44 {strides = array<i32>} : memref<128x128xf32, #tpu.memory_space<vmem>>, vector<1x16xf32>,
      %broadcast_in_dim3A_45 = arith.constant 0.000000e+00 : f32
      %broadcast_in_dim3A_46 = vector.broadcast %broadcast_in_dim3A_45 : f32 to vector<16xf32>
      %swap3A_47 = arith.index_cast %scan3A_31 : i32 to index
      %swap3A_48 = arith.constant 32 : index
      %swap3A_49 = tpu.vector_load %arg9[%swap3A_47, %swap3A_48] {strides = array<i32>} : memref<128x128xf32, #tpu.memory_space<vmem>>, vector<1x16xf32>,
      %swap3A_50 = vector.shape_cast %swap3A_49 : vector<1x16xf32> to vector<16xf32>
      %swap3A_51 = vector.shape_cast %broadcast_in_dim3A_46 : vector<16xf32> to vector<1x16xf32>
      tpu.vector_store %arg9[%swap3A_47, %swap3A_48], %swap3A_51 {strides = array<i32>} : memref<128x128xf32, #tpu.memory_space<vmem>>, vector<1x16xf32>,
      %broadcast_in_dim3A_52 = arith.constant 0.000000e+00 : f32
      %broadcast_in_dim3A_53 = vector.broadcast %broadcast_in_dim3A_52 : f32 to vector<16xf32>
      %swap3A_54 = arith.index_cast %scan3A_31 : i32 to index
      %swap3A_55 = arith.constant 48 : index
      %swap3A_56 = tpu.vector_load %arg9[%swap3A_54, %swap3A_55] {strides = array<i32>} : memref<128x128xf32, #tpu.memory_space<vmem>>, vector<1x16xf32>,
      %swap3A_57 = vector.shape_cast %swap3A_56 : vector<1x16xf32> to vector<16xf32>
      %swap3A_58 = vector.shape_cast %broadcast_in_dim3A_53 : vector<16xf32> to vector<1x16xf32>
      tpu.vector_store %arg9[%swap3A_54, %swap3A_55], %swap3A_58 {strides = array<i32>} : memref<128x128xf32, #tpu.memory_space<vmem>>, vector<1x16xf32>,
      %broadcast_in_dim3A_59 = arith.constant 0.000000e+00 : f32
      %broadcast_in_dim3A_60 = vector.broadcast %broadcast_in_dim3A_59 : f32 to vector<16xf32>
      %swap3A_61 = arith.index_cast %scan3A_31 : i32 to index
      %swap3A_62 = arith.constant 64 : index
      %swap3A_63 = tpu.vector_load %arg9[%swap3A_61, %swap3A_62] {strides = array<i32>} : memref<128x128xf32, #tpu.memory_space<vmem>>, vector<1x16xf32>,
      %swap3A_64 = vector.shape_cast %swap3A_63 : vector<1x16xf32> to vector<16xf32>
      %swap3A_65 = vector.shape_cast %broadcast_in_dim3A_60 : vector<16xf32> to vector<1x16xf32>
      tpu.vector_store %arg9[%swap3A_61, %swap3A_62], %swap3A_65 {strides = array<i32>} : memref<128x128xf32, #tpu.memory_space<vmem>>, vector<1x16xf32>,
      %broadcast_in_dim3A_66 = arith.constant 0.000000e+00 : f32
      %broadcast_in_dim3A_67 = vector.broadcast %broadcast_in_dim3A_66 : f32 to vector<16xf32>
      %swap3A_68 = arith.index_cast %scan3A_31 : i32 to index
      %swap3A_69 = arith.constant 80 : index
      %swap3A_70 = tpu.vector_load %arg9[%swap3A_68, %swap3A_69] {strides = array<i32>} : memref<128x128xf32, #tpu.memory_space<vmem>>, vector<1x16xf32>,
      %swap3A_71 = vector.shape_cast %swap3A_70 : vector<1x16xf32> to vector<16xf32>
      %swap3A_72 = vector.shape_cast %broadcast_in_dim3A_67 : vector<16xf32> to vector<1x16xf32>
      tpu.vector_store %arg9[%swap3A_68, %swap3A_69], %swap3A_72 {strides = array<i32>} : memref<128x128xf32, #tpu.memory_space<vmem>>, vector<1x16xf32>,
      %broadcast_in_dim3A_73 = arith.constant 0.000000e+00 : f32
      %broadcast_in_dim3A_74 = vector.broadcast %broadcast_in_dim3A_73 : f32 to vector<16xf32>
      %swap3A_75 = arith.index_cast %scan3A_31 : i32 to index
      %swap3A_76 = arith.constant 96 : index
      %swap3A_77 = tpu.vector_load %arg9[%swap3A_75, %swap3A_76] {strides = array<i32>} : memref<128x128xf32, #tpu.memory_space<vmem>>, vector<1x16xf32>,
      %swap3A_78 = vector.shape_cast %swap3A_77 : vector<1x16xf32> to vector<16xf32>
      %swap3A_79 = vector.shape_cast %broadcast_in_dim3A_74 : vector<16xf32> to vector<1x16xf32>
      tpu.vector_store %arg9[%swap3A_75, %swap3A_76], %swap3A_79 {strides = array<i32>} : memref<128x128xf32, #tpu.memory_space<vmem>>, vector<1x16xf32>,
      %broadcast_in_dim3A_80 = arith.constant 0.000000e+00 : f32
      %broadcast_in_dim3A_81 = vector.broadcast %broadcast_in_dim3A_80 : f32 to vector<16xf32>
      %swap3A_82 = arith.index_cast %scan3A_31 : i32 to index
      %swap3A_83 = arith.constant 112 : index
      %swap3A_84 = tpu.vector_load %arg9[%swap3A_82, %swap3A_83] {strides = array<i32>} : memref<128x128xf32, #tpu.memory_space<vmem>>, vector<1x16xf32>,
      %swap3A_85 = vector.shape_cast %swap3A_84 : vector<1x16xf32> to vector<16xf32>
      %swap3A_86 = vector.shape_cast %broadcast_in_dim3A_81 : vector<16xf32> to vector<1x16xf32>
      tpu.vector_store %arg9[%swap3A_82, %swap3A_83], %swap3A_86 {strides = array<i32>} : memref<128x128xf32, #tpu.memory_space<vmem>>, vector<1x16xf32>,
      %scan3A_87 = arith.constant 0 : i32
      scf.yield %scan3A_87 : i32
    }
    %scan3A_5 = arith.constant 128 : i32
    %mul3A = arith.constant 632 : i32
    %mul3A_6 = arith.muli %arg1, %mul3A : i32
    %add3A = arith.constant 0 : i32
    %add3A_7 = arith.addi %mul3A_6, %add3A : i32
    "tpu.region"() ({
      %run_scoped3A = tpu.sem_alloc : memref<!tpu.dma_semaphore, #tpu.memory_space<semaphore_mem>>
      %dma_start3A = arith.constant 0 : i32
      %dma_start3A_31 = arith.constant 0 : i32
      %dma_start3A_32 = tpu.memref_slice %arg9[%dma_start3A, %dma_start3A_31] : memref<128x128xf32, #tpu.memory_space<vmem>> -> memref<128x128xf32, #tpu.memory_space<vmem>>
      %dma_start3A_33 = arith.constant 0 : i32
      %dma_start3A_34 = tpu.memref_slice %arg6[%add3A_7, %dma_start3A_33] : memref<10112x128xf32, #tpu.memory_space<vmem_shared>> -> memref<128x128xf32, #tpu.memory_space<vmem_shared>>
      %dma_start3A_35 = arith.constant 0 : i32
      %dma_start3A_36 = tpu.memref_slice %arg6[%add3A_7, %dma_start3A_35] : memref<10112x128xf32, #tpu.memory_space<vmem_shared>> -> memref<128x128xf32, #tpu.memory_space<vmem_shared>>
      %dma_start3A_37 = arith.constant 0 : i32
      %dma_start3A_38 = arith.constant 0 : i32
      %dma_start3A_39 = tpu.memref_slice %arg9[%dma_start3A_37, %dma_start3A_38] : memref<128x128xf32, #tpu.memory_space<vmem>> -> memref<128x128xf32, #tpu.memory_space<vmem>>
      tpu.enqueue_dma source(%dma_start3A_39 : memref<128x128xf32, #tpu.memory_space<vmem>>) target(%dma_start3A_36 : memref<128x128xf32, #tpu.memory_space<vmem_shared>>) target_semaphore(%run_scoped3A : memref<!tpu.dma_semaphore, #tpu.memory_space<semaphore_mem>>)
      %dma_wait3A = arith.constant 0 : i32
      %dma_wait3A_40 = arith.constant 0 : i32
      %dma_wait3A_41 = tpu.memref_slice %arg9[%dma_wait3A, %dma_wait3A_40] : memref<128x128xf32, #tpu.memory_space<vmem>> -> memref<128x128xf32, #tpu.memory_space<vmem>>
      %dma_wait3A_42 = arith.constant 0 : i32
      %dma_wait3A_43 = tpu.memref_slice %arg6[%add3A_7, %dma_wait3A_42] : memref<10112x128xf32, #tpu.memory_space<vmem_shared>> -> memref<128x128xf32, #tpu.memory_space<vmem_shared>>
      %dma_wait3A_44 = arith.constant 0 : i32
      %dma_wait3A_45 = tpu.memref_slice %arg6[%add3A_7, %dma_wait3A_44] : memref<10112x128xf32, #tpu.memory_space<vmem_shared>> -> memref<128x128xf32, #tpu.memory_space<vmem_shared>>
      %dma_wait3A_46 = arith.constant 0 : i32
      %dma_wait3A_47 = arith.constant 0 : i32
      %dma_wait3A_48 = tpu.memref_slice %arg9[%dma_wait3A_46, %dma_wait3A_47] : memref<128x128xf32, #tpu.memory_space<vmem>> -> memref<128x128xf32, #tpu.memory_space<vmem>>
      tpu.wait_dma2 semaphore(%run_scoped3A : memref<!tpu.dma_semaphore, #tpu.memory_space<semaphore_mem>>) src(%dma_wait3A_48 : memref<128x128xf32, #tpu.memory_space<vmem>>) dst(%dma_wait3A_45 : memref<128x128xf32, #tpu.memory_space<vmem_shared>>)
      tpu.yield
    }) : () -> ()
    %add3A_8 = arith.constant 128 : i32
    %add3A_9 = arith.addi %mul3A_6, %add3A_8 : i32
    "tpu.region"() ({
      %run_scoped3A = tpu.sem_alloc : memref<!tpu.dma_semaphore, #tpu.memory_space<semaphore_mem>>
      %dma_start3A = arith.constant 0 : i32
      %dma_start3A_31 = arith.constant 0 : i32
      %dma_start3A_32 = tpu.memref_slice %arg9[%dma_start3A, %dma_start3A_31] : memref<128x128xf32, #tpu.memory_space<vmem>> -> memref<128x128xf32, #tpu.memory_space<vmem>>
      %dma_start3A_33 = arith.constant 0 : i32
      %dma_start3A_34 = tpu.memref_slice %arg6[%add3A_9, %dma_start3A_33] : memref<10112x128xf32, #tpu.memory_space<vmem_shared>> -> memref<128x128xf32, #tpu.memory_space<vmem_shared>>
      %dma_start3A_35 = arith.constant 0 : i32
      %dma_start3A_36 = tpu.memref_slice %arg6[%add3A_9, %dma_start3A_35] : memref<10112x128xf32, #tpu.memory_space<vmem_shared>> -> memref<128x128xf32, #tpu.memory_space<vmem_shared>>
      %dma_start3A_37 = arith.constant 0 : i32
      %dma_start3A_38 = arith.constant 0 : i32
      %dma_start3A_39 = tpu.memref_slice %arg9[%dma_start3A_37, %dma_start3A_38] : memref<128x128xf32, #tpu.memory_space<vmem>> -> memref<128x128xf32, #tpu.memory_space<vmem>>
      tpu.enqueue_dma source(%dma_start3A_39 : memref<128x128xf32, #tpu.memory_space<vmem>>) target(%dma_start3A_36 : memref<128x128xf32, #tpu.memory_space<vmem_shared>>) target_semaphore(%run_scoped3A : memref<!tpu.dma_semaphore, #tpu.memory_space<semaphore_mem>>)
      %dma_wait3A = arith.constant 0 : i32
      %dma_wait3A_40 = arith.constant 0 : i32
      %dma_wait3A_41 = tpu.memref_slice %arg9[%dma_wait3A, %dma_wait3A_40] : memref<128x128xf32, #tpu.memory_space<vmem>> -> memref<128x128xf32, #tpu.memory_space<vmem>>
      %dma_wait3A_42 = arith.constant 0 : i32
      %dma_wait3A_43 = tpu.memref_slice %arg6[%add3A_9, %dma_wait3A_42] : memref<10112x128xf32, #tpu.memory_space<vmem_shared>> -> memref<128x128xf32, #tpu.memory_space<vmem_shared>>
      %dma_wait3A_44 = arith.constant 0 : i32
      %dma_wait3A_45 = tpu.memref_slice %arg6[%add3A_9, %dma_wait3A_44] : memref<10112x128xf32, #tpu.memory_space<vmem_shared>> -> memref<128x128xf32, #tpu.memory_space<vmem_shared>>
      %dma_wait3A_46 = arith.constant 0 : i32
      %dma_wait3A_47 = arith.constant 0 : i32
      %dma_wait3A_48 = tpu.memref_slice %arg9[%dma_wait3A_46, %dma_wait3A_47] : memref<128x128xf32, #tpu.memory_space<vmem>> -> memref<128x128xf32, #tpu.memory_space<vmem>>
      tpu.wait_dma2 semaphore(%run_scoped3A : memref<!tpu.dma_semaphore, #tpu.memory_space<semaphore_mem>>) src(%dma_wait3A_48 : memref<128x128xf32, #tpu.memory_space<vmem>>) dst(%dma_wait3A_45 : memref<128x128xf32, #tpu.memory_space<vmem_shared>>)
      tpu.yield
    }) : () -> ()
    %add3A_10 = arith.constant 256 : i32
    %add3A_11 = arith.addi %mul3A_6, %add3A_10 : i32
    "tpu.region"() ({
      %run_scoped3A = tpu.sem_alloc : memref<!tpu.dma_semaphore, #tpu.memory_space<semaphore_mem>>
      %dma_start3A = arith.constant 0 : i32
      %dma_start3A_31 = arith.constant 0 : i32
      %dma_start3A_32 = tpu.memref_slice %arg9[%dma_start3A, %dma_start3A_31] : memref<128x128xf32, #tpu.memory_space<vmem>> -> memref<128x128xf32, #tpu.memory_space<vmem>>
      %dma_start3A_33 = arith.constant 0 : i32
      %dma_start3A_34 = tpu.memref_slice %arg6[%add3A_11, %dma_start3A_33] : memref<10112x128xf32, #tpu.memory_space<vmem_shared>> -> memref<128x128xf32, #tpu.memory_space<vmem_shared>>
      %dma_start3A_35 = arith.constant 0 : i32
      %dma_start3A_36 = tpu.memref_slice %arg6[%add3A_11, %dma_start3A_35] : memref<10112x128xf32, #tpu.memory_space<vmem_shared>> -> memref<128x128xf32, #tpu.memory_space<vmem_shared>>
      %dma_start3A_37 = arith.constant 0 : i32
      %dma_start3A_38 = arith.constant 0 : i32
      %dma_start3A_39 = tpu.memref_slice %arg9[%dma_start3A_37, %dma_start3A_38] : memref<128x128xf32, #tpu.memory_space<vmem>> -> memref<128x128xf32, #tpu.memory_space<vmem>>
      tpu.enqueue_dma source(%dma_start3A_39 : memref<128x128xf32, #tpu.memory_space<vmem>>) target(%dma_start3A_36 : memref<128x128xf32, #tpu.memory_space<vmem_shared>>) target_semaphore(%run_scoped3A : memref<!tpu.dma_semaphore, #tpu.memory_space<semaphore_mem>>)
      %dma_wait3A = arith.constant 0 : i32
      %dma_wait3A_40 = arith.constant 0 : i32
      %dma_wait3A_41 = tpu.memref_slice %arg9[%dma_wait3A, %dma_wait3A_40] : memref<128x128xf32, #tpu.memory_space<vmem>> -> memref<128x128xf32, #tpu.memory_space<vmem>>
      %dma_wait3A_42 = arith.constant 0 : i32
      %dma_wait3A_43 = tpu.memref_slice %arg6[%add3A_11, %dma_wait3A_42] : memref<10112x128xf32, #tpu.memory_space<vmem_shared>> -> memref<128x128xf32, #tpu.memory_space<vmem_shared>>
      %dma_wait3A_44 = arith.constant 0 : i32
      %dma_wait3A_45 = tpu.memref_slice %arg6[%add3A_11, %dma_wait3A_44] : memref<10112x128xf32, #tpu.memory_space<vmem_shared>> -> memref<128x128xf32, #tpu.memory_space<vmem_shared>>
      %dma_wait3A_46 = arith.constant 0 : i32
      %dma_wait3A_47 = arith.constant 0 : i32
      %dma_wait3A_48 = tpu.memref_slice %arg9[%dma_wait3A_46, %dma_wait3A_47] : memref<128x128xf32, #tpu.memory_space<vmem>> -> memref<128x128xf32, #tpu.memory_space<vmem>>
      tpu.wait_dma2 semaphore(%run_scoped3A : memref<!tpu.dma_semaphore, #tpu.memory_space<semaphore_mem>>) src(%dma_wait3A_48 : memref<128x128xf32, #tpu.memory_space<vmem>>) dst(%dma_wait3A_45 : memref<128x128xf32, #tpu.memory_space<vmem_shared>>)
      tpu.yield
    }) : () -> ()
    %add3A_12 = arith.constant 384 : i32
    %add3A_13 = arith.addi %mul3A_6, %add3A_12 : i32
    "tpu.region"() ({
      %run_scoped3A = tpu.sem_alloc : memref<!tpu.dma_semaphore, #tpu.memory_space<semaphore_mem>>
      %dma_start3A = arith.constant 0 : i32
      %dma_start3A_31 = arith.constant 0 : i32
      %dma_start3A_32 = tpu.memref_slice %arg9[%dma_start3A, %dma_start3A_31] : memref<128x128xf32, #tpu.memory_space<vmem>> -> memref<128x128xf32, #tpu.memory_space<vmem>>
      %dma_start3A_33 = arith.constant 0 : i32
      %dma_start3A_34 = tpu.memref_slice %arg6[%add3A_13, %dma_start3A_33] : memref<10112x128xf32, #tpu.memory_space<vmem_shared>> -> memref<128x128xf32, #tpu.memory_space<vmem_shared>>
      %dma_start3A_35 = arith.constant 0 : i32
      %dma_start3A_36 = tpu.memref_slice %arg6[%add3A_13, %dma_start3A_35] : memref<10112x128xf32, #tpu.memory_space<vmem_shared>> -> memref<128x128xf32, #tpu.memory_space<vmem_shared>>
      %dma_start3A_37 = arith.constant 0 : i32
      %dma_start3A_38 = arith.constant 0 : i32
      %dma_start3A_39 = tpu.memref_slice %arg9[%dma_start3A_37, %dma_start3A_38] : memref<128x128xf32, #tpu.memory_space<vmem>> -> memref<128x128xf32, #tpu.memory_space<vmem>>
      tpu.enqueue_dma source(%dma_start3A_39 : memref<128x128xf32, #tpu.memory_space<vmem>>) target(%dma_start3A_36 : memref<128x128xf32, #tpu.memory_space<vmem_shared>>) target_semaphore(%run_scoped3A : memref<!tpu.dma_semaphore, #tpu.memory_space<semaphore_mem>>)
      %dma_wait3A = arith.constant 0 : i32
      %dma_wait3A_40 = arith.constant 0 : i32
      %dma_wait3A_41 = tpu.memref_slice %arg9[%dma_wait3A, %dma_wait3A_40] : memref<128x128xf32, #tpu.memory_space<vmem>> -> memref<128x128xf32, #tpu.memory_space<vmem>>
      %dma_wait3A_42 = arith.constant 0 : i32
      %dma_wait3A_43 = tpu.memref_slice %arg6[%add3A_13, %dma_wait3A_42] : memref<10112x128xf32, #tpu.memory_space<vmem_shared>> -> memref<128x128xf32, #tpu.memory_space<vmem_shared>>
      %dma_wait3A_44 = arith.constant 0 : i32
      %dma_wait3A_45 = tpu.memref_slice %arg6[%add3A_13, %dma_wait3A_44] : memref<10112x128xf32, #tpu.memory_space<vmem_shared>> -> memref<128x128xf32, #tpu.memory_space<vmem_shared>>
      %dma_wait3A_46 = arith.constant 0 : i32
      %dma_wait3A_47 = arith.constant 0 : i32
      %dma_wait3A_48 = tpu.memref_slice %arg9[%dma_wait3A_46, %dma_wait3A_47] : memref<128x128xf32, #tpu.memory_space<vmem>> -> memref<128x128xf32, #tpu.memory_space<vmem>>
      tpu.wait_dma2 semaphore(%run_scoped3A : memref<!tpu.dma_semaphore, #tpu.memory_space<semaphore_mem>>) src(%dma_wait3A_48 : memref<128x128xf32, #tpu.memory_space<vmem>>) dst(%dma_wait3A_45 : memref<128x128xf32, #tpu.memory_space<vmem_shared>>)
      tpu.yield
    }) : () -> ()
    %add3A_14 = arith.constant 512 : i32
    %add3A_15 = arith.addi %mul3A_6, %add3A_14 : i32
    "tpu.region"() ({
      %run_scoped3A = tpu.sem_alloc : memref<!tpu.dma_semaphore, #tpu.memory_space<semaphore_mem>>
      %dma_start3A = arith.constant 0 : i32
      %dma_start3A_31 = arith.constant 0 : i32
      %dma_start3A_32 = tpu.memref_slice %arg9[%dma_start3A, %dma_start3A_31] : memref<128x128xf32, #tpu.memory_space<vmem>> -> memref<120x128xf32, #tpu.memory_space<vmem>>
      %dma_start3A_33 = arith.constant 0 : i32
      %dma_start3A_34 = tpu.memref_slice %arg6[%add3A_15, %dma_start3A_33] : memref<10112x128xf32, #tpu.memory_space<vmem_shared>> -> memref<120x128xf32, #tpu.memory_space<vmem_shared>>
      %dma_start3A_35 = arith.constant 0 : i32
      %dma_start3A_36 = tpu.memref_slice %arg6[%add3A_15, %dma_start3A_35] : memref<10112x128xf32, #tpu.memory_space<vmem_shared>> -> memref<120x128xf32, #tpu.memory_space<vmem_shared>>
      %dma_start3A_37 = arith.constant 0 : i32
      %dma_start3A_38 = arith.constant 0 : i32
      %dma_start3A_39 = tpu.memref_slice %arg9[%dma_start3A_37, %dma_start3A_38] : memref<128x128xf32, #tpu.memory_space<vmem>> -> memref<120x128xf32, #tpu.memory_space<vmem>>
      tpu.enqueue_dma source(%dma_start3A_39 : memref<120x128xf32, #tpu.memory_space<vmem>>) target(%dma_start3A_36 : memref<120x128xf32, #tpu.memory_space<vmem_shared>>) target_semaphore(%run_scoped3A : memref<!tpu.dma_semaphore, #tpu.memory_space<semaphore_mem>>)
      %dma_wait3A = arith.constant 0 : i32
      %dma_wait3A_40 = arith.constant 0 : i32
      %dma_wait3A_41 = tpu.memref_slice %arg9[%dma_wait3A, %dma_wait3A_40] : memref<128x128xf32, #tpu.memory_space<vmem>> -> memref<120x128xf32, #tpu.memory_space<vmem>>
      %dma_wait3A_42 = arith.constant 0 : i32
      %dma_wait3A_43 = tpu.memref_slice %arg6[%add3A_15, %dma_wait3A_42] : memref<10112x128xf32, #tpu.memory_space<vmem_shared>> -> memref<120x128xf32, #tpu.memory_space<vmem_shared>>
      %dma_wait3A_44 = arith.constant 0 : i32
      %dma_wait3A_45 = tpu.memref_slice %arg6[%add3A_15, %dma_wait3A_44] : memref<10112x128xf32, #tpu.memory_space<vmem_shared>> -> memref<120x128xf32, #tpu.memory_space<vmem_shared>>
      %dma_wait3A_46 = arith.constant 0 : i32
      %dma_wait3A_47 = arith.constant 0 : i32
      %dma_wait3A_48 = tpu.memref_slice %arg9[%dma_wait3A_46, %dma_wait3A_47] : memref<128x128xf32, #tpu.memory_space<vmem>> -> memref<120x128xf32, #tpu.memory_space<vmem>>
      tpu.wait_dma2 semaphore(%run_scoped3A : memref<!tpu.dma_semaphore, #tpu.memory_space<semaphore_mem>>) src(%dma_wait3A_48 : memref<120x128xf32, #tpu.memory_space<vmem>>) dst(%dma_wait3A_45 : memref<120x128xf32, #tpu.memory_space<vmem_shared>>)
      tpu.yield
    }) : () -> ()
    %barrier3A = arith.constant 0 : index
    tpu.barrier barrier_id(%barrier3A)
    "tpu.region"() ({
      %run_scoped3A = tpu.sem_alloc : memref<!tpu.dma_semaphore, #tpu.memory_space<semaphore_mem>>
      %dma_start3A = arith.constant 0 : i32
      %dma_start3A_31 = arith.constant 0 : i32
      %dma_start3A_32 = tpu.memref_slice %arg3[%arg0, %arg1, %dma_start3A, %dma_start3A_31] : memref<2x16x80x128xi32, #tpu.memory_space<hbm>> -> memref<1x1x40x128xi32, #tpu.memory_space<hbm>>
      %dma_start3A_33 = tpu.memref_squeeze %dma_start3A_32 : memref<1x1x40x128xi32, #tpu.memory_space<hbm>> -> memref<40x128xi32, #tpu.memory_space<hbm>>
      %dma_start3A_34 = arith.constant 0 : i32
      %dma_start3A_35 = arith.constant 0 : i32
      %dma_start3A_36 = tpu.memref_slice %arg3[%arg0, %arg1, %dma_start3A_34, %dma_start3A_35] : memref<2x16x80x128xi32, #tpu.memory_space<hbm>> -> memref<1x1x40x128xi32, #tpu.memory_space<hbm>>
      %dma_start3A_37 = tpu.memref_squeeze %dma_start3A_36 : memref<1x1x40x128xi32, #tpu.memory_space<hbm>> -> memref<40x128xi32, #tpu.memory_space<hbm>>
      tpu.enqueue_dma source(%dma_start3A_37 : memref<40x128xi32, #tpu.memory_space<hbm>>) target(%arg7 : memref<40x128xi32, #tpu.memory_space<vmem>>) target_semaphore(%run_scoped3A : memref<!tpu.dma_semaphore, #tpu.memory_space<semaphore_mem>>)
      %dma_wait3A = arith.constant 0 : i32
      %dma_wait3A_38 = arith.constant 0 : i32
      %dma_wait3A_39 = tpu.memref_slice %arg3[%arg0, %arg1, %dma_wait3A, %dma_wait3A_38] : memref<2x16x80x128xi32, #tpu.memory_space<hbm>> -> memref<1x1x40x128xi32, #tpu.memory_space<hbm>>
      %dma_wait3A_40 = tpu.memref_squeeze %dma_wait3A_39 : memref<1x1x40x128xi32, #tpu.memory_space<hbm>> -> memref<40x128xi32, #tpu.memory_space<hbm>>
      %dma_wait3A_41 = arith.constant 0 : i32
      %dma_wait3A_42 = arith.constant 0 : i32
      %dma_wait3A_43 = tpu.memref_slice %arg3[%arg0, %arg1, %dma_wait3A_41, %dma_wait3A_42] : memref<2x16x80x128xi32, #tpu.memory_space<hbm>> -> memref<1x1x40x128xi32, #tpu.memory_space<hbm>>
      %dma_wait3A_44 = tpu.memref_squeeze %dma_wait3A_43 : memref<1x1x40x128xi32, #tpu.memory_space<hbm>> -> memref<40x128xi32, #tpu.memory_space<hbm>>
      tpu.wait_dma2 semaphore(%run_scoped3A : memref<!tpu.dma_semaphore, #tpu.memory_space<semaphore_mem>>) src(%dma_wait3A_44 : memref<40x128xi32, #tpu.memory_space<hbm>>) dst(%arg7 : memref<40x128xi32, #tpu.memory_space<vmem>>)
      tpu.yield
    }) : () -> ()
    "tpu.region"() ({
      %run_scoped3A = tpu.sem_alloc : memref<!tpu.dma_semaphore, #tpu.memory_space<semaphore_mem>>
      %dma_start3A = arith.constant 0 : i32
      %dma_start3A_31 = arith.constant 0 : i32
      %dma_start3A_32 = tpu.memref_slice %arg4[%arg1, %dma_start3A, %dma_start3A_31] : memref<16x80x128xi32, #tpu.memory_space<hbm>> -> memref<1x40x128xi32, #tpu.memory_space<hbm>>
      %dma_start3A_33 = tpu.memref_squeeze %dma_start3A_32 : memref<1x40x128xi32, #tpu.memory_space<hbm>> -> memref<40x128xi32, #tpu.memory_space<hbm>>
      %dma_start3A_34 = arith.constant 0 : i32
      %dma_start3A_35 = arith.constant 0 : i32
      %dma_start3A_36 = tpu.memref_slice %arg4[%arg1, %dma_start3A_34, %dma_start3A_35] : memref<16x80x128xi32, #tpu.memory_space<hbm>> -> memref<1x40x128xi32, #tpu.memory_space<hbm>>
      %dma_start3A_37 = tpu.memref_squeeze %dma_start3A_36 : memref<1x40x128xi32, #tpu.memory_space<hbm>> -> memref<40x128xi32, #tpu.memory_space<hbm>>
      tpu.enqueue_dma source(%dma_start3A_37 : memref<40x128xi32, #tpu.memory_space<hbm>>) target(%arg8 : memref<40x128xi32, #tpu.memory_space<vmem>>) target_semaphore(%run_scoped3A : memref<!tpu.dma_semaphore, #tpu.memory_space<semaphore_mem>>)
      %dma_wait3A = arith.constant 0 : i32
      %dma_wait3A_38 = arith.constant 0 : i32
      %dma_wait3A_39 = tpu.memref_slice %arg4[%arg1, %dma_wait3A, %dma_wait3A_38] : memref<16x80x128xi32, #tpu.memory_space<hbm>> -> memref<1x40x128xi32, #tpu.memory_space<hbm>>
      %dma_wait3A_40 = tpu.memref_squeeze %dma_wait3A_39 : memref<1x40x128xi32, #tpu.memory_space<hbm>> -> memref<40x128xi32, #tpu.memory_space<hbm>>
      %dma_wait3A_41 = arith.constant 0 : i32
      %dma_wait3A_42 = arith.constant 0 : i32
      %dma_wait3A_43 = tpu.memref_slice %arg4[%arg1, %dma_wait3A_41, %dma_wait3A_42] : memref<16x80x128xi32, #tpu.memory_space<hbm>> -> memref<1x40x128xi32, #tpu.memory_space<hbm>>
      %dma_wait3A_44 = tpu.memref_squeeze %dma_wait3A_43 : memref<1x40x128xi32, #tpu.memory_space<hbm>> -> memref<40x128xi32, #tpu.memory_space<hbm>>
      tpu.wait_dma2 semaphore(%run_scoped3A : memref<!tpu.dma_semaphore, #tpu.memory_space<semaphore_mem>>) src(%dma_wait3A_44 : memref<40x128xi32, #tpu.memory_space<hbm>>) dst(%arg8 : memref<40x128xi32, #tpu.memory_space<vmem>>)
      tpu.yield
    }) : () -> ()
    %scan3A_16 = arith.constant 0 : i32
    %scan3A_17 = arith.constant 0 : i32
    %scan3A_18 = arith.constant 10 : i32
    %scan3A_19 = arith.addi %scan3A_17, %scan3A_18 : i32
    %scan3A_20 = arith.constant 1 : i32
    %scan3A_21 = scf.for %scan3A_31 = %scan3A_17 to %scan3A_19 step %scan3A_20 iter_args(%scan3A_32 = %scan3A_16) -> (i32)  : i32 {
      %mul3A_33 = arith.constant 4 : i32
      %mul3A_34 = arith.muli %scan3A_31, %mul3A_33 : i32
      %dma_start3A = arith.constant 0 : i32
      %dma_start3A_35 = tpu.memref_slice %arg7[%mul3A_34, %dma_start3A] : memref<40x128xi32, #tpu.memory_space<vmem>> -> memref<1x128xi32, #tpu.memory_space<vmem>>
      %dma_start3A_36 = tpu.memref_squeeze %dma_start3A_35 : memref<1x128xi32, #tpu.memory_space<vmem>> -> memref<128xi32, #tpu.memory_space<vmem>>
      %dma_start3A_37 = arith.constant 0 : i32
      %dma_start3A_38 = arith.constant 0 : i32
      %dma_start3A_39 = tpu.memref_slice %arg2[%dma_start3A_37, %dma_start3A_38] : memref<20000x128xf32, #tpu.memory_space<hbm>> -> memref<20000x128xf32, #tpu.memory_space<hbm>>
      tpu.enqueue_indirect_dma source(%dma_start3A_39 : memref<20000x128xf32, #tpu.memory_space<hbm>>) target(%arg9 : memref<128x128xf32, #tpu.memory_space<vmem>>) offsets(%dma_start3A_36 : memref<128xi32, #tpu.memory_space<vmem>>) semaphore(%arg11 : memref<!tpu.dma_semaphore, #tpu.memory_space<semaphore_mem>>)
      %add3A_40 = arith.constant 1 : i32
      %add3A_41 = arith.addi %mul3A_34, %add3A_40 : i32
      %dma_start3A_42 = arith.constant 0 : i32
      %dma_start3A_43 = tpu.memref_slice %arg7[%add3A_41, %dma_start3A_42] : memref<40x128xi32, #tpu.memory_space<vmem>> -> memref<1x128xi32, #tpu.memory_space<vmem>>
      %dma_start3A_44 = tpu.memref_squeeze %dma_start3A_43 : memref<1x128xi32, #tpu.memory_space<vmem>> -> memref<128xi32, #tpu.memory_space<vmem>>
      %dma_start3A_45 = arith.constant 0 : i32
      %dma_start3A_46 = arith.constant 0 : i32
      %dma_start3A_47 = tpu.memref_slice %arg2[%dma_start3A_45, %dma_start3A_46] : memref<20000x128xf32, #tpu.memory_space<hbm>> -> memref<20000x128xf32, #tpu.memory_space<hbm>>
      tpu.enqueue_indirect_dma source(%dma_start3A_47 : memref<20000x128xf32, #tpu.memory_space<hbm>>) target(%arg10 : memref<128x128xf32, #tpu.memory_space<vmem>>) offsets(%dma_start3A_44 : memref<128xi32, #tpu.memory_space<vmem>>) semaphore(%arg12 : memref<!tpu.dma_semaphore, #tpu.memory_space<semaphore_mem>>)
      %dma_wait3A = arith.constant 0 : i32
      %dma_wait3A_48 = tpu.memref_slice %arg7[%mul3A_34, %dma_wait3A] : memref<40x128xi32, #tpu.memory_space<vmem>> -> memref<1x128xi32, #tpu.memory_space<vmem>>
      %dma_wait3A_49 = tpu.memref_squeeze %dma_wait3A_48 : memref<1x128xi32, #tpu.memory_space<vmem>> -> memref<128xi32, #tpu.memory_space<vmem>>
      %dma_wait3A_50 = arith.constant 0 : i32
      %dma_wait3A_51 = arith.constant 0 : i32
      %dma_wait3A_52 = tpu.memref_slice %arg2[%dma_wait3A_50, %dma_wait3A_51] : memref<20000x128xf32, #tpu.memory_space<hbm>> -> memref<20000x128xf32, #tpu.memory_space<hbm>>
      tpu.wait_indirect_dma semaphore(%arg11 : memref<!tpu.dma_semaphore, #tpu.memory_space<semaphore_mem>>) src(%dma_wait3A_52 : memref<20000x128xf32, #tpu.memory_space<hbm>>) dst(%arg9 : memref<128x128xf32, #tpu.memory_space<vmem>>)
      %dma_start3A_53 = arith.constant 0 : i32
      %dma_start3A_54 = tpu.memref_slice %arg8[%mul3A_34, %dma_start3A_53] : memref<40x128xi32, #tpu.memory_space<vmem>> -> memref<1x128xi32, #tpu.memory_space<vmem>>
      %dma_start3A_55 = tpu.memref_squeeze %dma_start3A_54 : memref<1x128xi32, #tpu.memory_space<vmem>> -> memref<128xi32, #tpu.memory_space<vmem>>
      %dma_start3A_56 = arith.constant 0 : i32
      %dma_start3A_57 = arith.constant 0 : i32
      %dma_start3A_58 = tpu.memref_slice %arg6[%dma_start3A_56, %dma_start3A_57] : memref<10112x128xf32, #tpu.memory_space<vmem_shared>> -> memref<10112x128xf32, #tpu.memory_space<vmem_shared>>
      tpu.enqueue_indirect_dma source(%arg9 : memref<128x128xf32, #tpu.memory_space<vmem>>) target(%dma_start3A_58 : memref<10112x128xf32, #tpu.memory_space<vmem_shared>>) offsets(%dma_start3A_55 : memref<128xi32, #tpu.memory_space<vmem>>) semaphore(%arg13 : memref<!tpu.dma_semaphore, #tpu.memory_space<semaphore_mem>>) {add = true}
      %dma_wait3A_59 = arith.constant 0 : i32
      %dma_wait3A_60 = tpu.memref_slice %arg7[%add3A_41, %dma_wait3A_59] : memref<40x128xi32, #tpu.memory_space<vmem>> -> memref<1x128xi32, #tpu.memory_space<vmem>>
      %dma_wait3A_61 = tpu.memref_squeeze %dma_wait3A_60 : memref<1x128xi32, #tpu.memory_space<vmem>> -> memref<128xi32, #tpu.memory_space<vmem>>
      %dma_wait3A_62 = arith.constant 0 : i32
      %dma_wait3A_63 = arith.constant 0 : i32
      %dma_wait3A_64 = tpu.memref_slice %arg2[%dma_wait3A_62, %dma_wait3A_63] : memref<20000x128xf32, #tpu.memory_space<hbm>> -> memref<20000x128xf32, #tpu.memory_space<hbm>>
      tpu.wait_indirect_dma semaphore(%arg12 : memref<!tpu.dma_semaphore, #tpu.memory_space<semaphore_mem>>) src(%dma_wait3A_64 : memref<20000x128xf32, #tpu.memory_space<hbm>>) dst(%arg10 : memref<128x128xf32, #tpu.memory_space<vmem>>)
      %add3A_65 = arith.constant 1 : i32
      %add3A_66 = arith.addi %mul3A_34, %add3A_65 : i32
      %dma_start3A_67 = arith.constant 0 : i32
      %dma_start3A_68 = tpu.memref_slice %arg8[%add3A_66, %dma_start3A_67] : memref<40x128xi32, #tpu.memory_space<vmem>> -> memref<1x128xi32, #tpu.memory_space<vmem>>
      %dma_start3A_69 = tpu.memref_squeeze %dma_start3A_68 : memref<1x128xi32, #tpu.memory_space<vmem>> -> memref<128xi32, #tpu.memory_space<vmem>>
      %dma_start3A_70 = arith.constant 0 : i32
      %dma_start3A_71 = arith.constant 0 : i32
      %dma_start3A_72 = tpu.memref_slice %arg6[%dma_start3A_70, %dma_start3A_71] : memref<10112x128xf32, #tpu.memory_space<vmem_shared>> -> memref<10112x128xf32, #tpu.memory_space<vmem_shared>>
      tpu.enqueue_indirect_dma source(%arg10 : memref<128x128xf32, #tpu.memory_space<vmem>>) target(%dma_start3A_72 : memref<10112x128xf32, #tpu.memory_space<vmem_shared>>) offsets(%dma_start3A_69 : memref<128xi32, #tpu.memory_space<vmem>>) semaphore(%arg14 : memref<!tpu.dma_semaphore, #tpu.memory_space<semaphore_mem>>) {add = true}
      %dma_wait3A_73 = arith.constant 0 : i32
      %dma_wait3A_74 = tpu.memref_slice %arg8[%mul3A_34, %dma_wait3A_73] : memref<40x128xi32, #tpu.memory_space<vmem>> -> memref<1x128xi32, #tpu.memory_space<vmem>>
      %dma_wait3A_75 = tpu.memref_squeeze %dma_wait3A_74 : memref<1x128xi32, #tpu.memory_space<vmem>> -> memref<128xi32, #tpu.memory_space<vmem>>
      %dma_wait3A_76 = arith.constant 0 : i32
      %dma_wait3A_77 = arith.constant 0 : i32
      %dma_wait3A_78 = tpu.memref_slice %arg6[%dma_wait3A_76, %dma_wait3A_77] : memref<10112x128xf32, #tpu.memory_space<vmem_shared>> -> memref<10112x128xf32, #tpu.memory_space<vmem_shared>>
      tpu.wait_indirect_dma semaphore(%arg13 : memref<!tpu.dma_semaphore, #tpu.memory_space<semaphore_mem>>) src(%arg9 : memref<128x128xf32, #tpu.memory_space<vmem>>) dst(%dma_wait3A_78 : memref<10112x128xf32, #tpu.memory_space<vmem_shared>>)
      %add3A_79 = arith.constant 2 : i32
      %add3A_80 = arith.addi %mul3A_34, %add3A_79 : i32
      %dma_start3A_81 = arith.constant 0 : i32
      %dma_start3A_82 = tpu.memref_slice %arg7[%add3A_80, %dma_start3A_81] : memref<40x128xi32, #tpu.memory_space<vmem>> -> memref<1x128xi32, #tpu.memory_space<vmem>>
      %dma_start3A_83 = tpu.memref_squeeze %dma_start3A_82 : memref<1x128xi32, #tpu.memory_space<vmem>> -> memref<128xi32, #tpu.memory_space<vmem>>
      %dma_start3A_84 = arith.constant 0 : i32
      %dma_start3A_85 = arith.constant 0 : i32
      %dma_start3A_86 = tpu.memref_slice %arg2[%dma_start3A_84, %dma_start3A_85] : memref<20000x128xf32, #tpu.memory_space<hbm>> -> memref<20000x128xf32, #tpu.memory_space<hbm>>
      tpu.enqueue_indirect_dma source(%dma_start3A_86 : memref<20000x128xf32, #tpu.memory_space<hbm>>) target(%arg9 : memref<128x128xf32, #tpu.memory_space<vmem>>) offsets(%dma_start3A_83 : memref<128xi32, #tpu.memory_space<vmem>>) semaphore(%arg11 : memref<!tpu.dma_semaphore, #tpu.memory_space<semaphore_mem>>)
      %dma_wait3A_87 = arith.constant 0 : i32
      %dma_wait3A_88 = tpu.memref_slice %arg8[%add3A_66, %dma_wait3A_87] : memref<40x128xi32, #tpu.memory_space<vmem>> -> memref<1x128xi32, #tpu.memory_space<vmem>>
      %dma_wait3A_89 = tpu.memref_squeeze %dma_wait3A_88 : memref<1x128xi32, #tpu.memory_space<vmem>> -> memref<128xi32, #tpu.memory_space<vmem>>
      %dma_wait3A_90 = arith.constant 0 : i32
      %dma_wait3A_91 = arith.constant 0 : i32
      %dma_wait3A_92 = tpu.memref_slice %arg6[%dma_wait3A_90, %dma_wait3A_91] : memref<10112x128xf32, #tpu.memory_space<vmem_shared>> -> memref<10112x128xf32, #tpu.memory_space<vmem_shared>>
      tpu.wait_indirect_dma semaphore(%arg14 : memref<!tpu.dma_semaphore, #tpu.memory_space<semaphore_mem>>) src(%arg10 : memref<128x128xf32, #tpu.memory_space<vmem>>) dst(%dma_wait3A_92 : memref<10112x128xf32, #tpu.memory_space<vmem_shared>>)
      %add3A_93 = arith.constant 3 : i32
      %add3A_94 = arith.addi %mul3A_34, %add3A_93 : i32
      %dma_start3A_95 = arith.constant 0 : i32
      %dma_start3A_96 = tpu.memref_slice %arg7[%add3A_94, %dma_start3A_95] : memref<40x128xi32, #tpu.memory_space<vmem>> -> memref<1x128xi32, #tpu.memory_space<vmem>>
      %dma_start3A_97 = tpu.memref_squeeze %dma_start3A_96 : memref<1x128xi32, #tpu.memory_space<vmem>> -> memref<128xi32, #tpu.memory_space<vmem>>
      %dma_start3A_98 = arith.constant 0 : i32
      %dma_start3A_99 = arith.constant 0 : i32
      %dma_start3A_100 = tpu.memref_slice %arg2[%dma_start3A_98, %dma_start3A_99] : memref<20000x128xf32, #tpu.memory_space<hbm>> -> memref<20000x128xf32, #tpu.memory_space<hbm>>
      tpu.enqueue_indirect_dma source(%dma_start3A_100 : memref<20000x128xf32, #tpu.memory_space<hbm>>) target(%arg10 : memref<128x128xf32, #tpu.memory_space<vmem>>) offsets(%dma_start3A_97 : memref<128xi32, #tpu.memory_space<vmem>>) semaphore(%arg12 : memref<!tpu.dma_semaphore, #tpu.memory_space<semaphore_mem>>)
      %dma_wait3A_101 = arith.constant 0 : i32
      %dma_wait3A_102 = tpu.memref_slice %arg7[%add3A_80, %dma_wait3A_101] : memref<40x128xi32, #tpu.memory_space<vmem>> -> memref<1x128xi32, #tpu.memory_space<vmem>>
      %dma_wait3A_103 = tpu.memref_squeeze %dma_wait3A_102 : memref<1x128xi32, #tpu.memory_space<vmem>> -> memref<128xi32, #tpu.memory_space<vmem>>
      %dma_wait3A_104 = arith.constant 0 : i32
      %dma_wait3A_105 = arith.constant 0 : i32
      %dma_wait3A_106 = tpu.memref_slice %arg2[%dma_wait3A_104, %dma_wait3A_105] : memref<20000x128xf32, #tpu.memory_space<hbm>> -> memref<20000x128xf32, #tpu.memory_space<hbm>>
      tpu.wait_indirect_dma semaphore(%arg11 : memref<!tpu.dma_semaphore, #tpu.memory_space<semaphore_mem>>) src(%dma_wait3A_106 : memref<20000x128xf32, #tpu.memory_space<hbm>>) dst(%arg9 : memref<128x128xf32, #tpu.memory_space<vmem>>)
      %add3A_107 = arith.constant 2 : i32
      %add3A_108 = arith.addi %mul3A_34, %add3A_107 : i32
      %dma_start3A_109 = arith.constant 0 : i32
      %dma_start3A_110 = tpu.memref_slice %arg8[%add3A_108, %dma_start3A_109] : memref<40x128xi32, #tpu.memory_space<vmem>> -> memref<1x128xi32, #tpu.memory_space<vmem>>
      %dma_start3A_111 = tpu.memref_squeeze %dma_start3A_110 : memref<1x128xi32, #tpu.memory_space<vmem>> -> memref<128xi32, #tpu.memory_space<vmem>>
      %dma_start3A_112 = arith.constant 0 : i32
      %dma_start3A_113 = arith.constant 0 : i32
      %dma_start3A_114 = tpu.memref_slice %arg6[%dma_start3A_112, %dma_start3A_113] : memref<10112x128xf32, #tpu.memory_space<vmem_shared>> -> memref<10112x128xf32, #tpu.memory_space<vmem_shared>>
      tpu.enqueue_indirect_dma source(%arg9 : memref<128x128xf32, #tpu.memory_space<vmem>>) target(%dma_start3A_114 : memref<10112x128xf32, #tpu.memory_space<vmem_shared>>) offsets(%dma_start3A_111 : memref<128xi32, #tpu.memory_space<vmem>>) semaphore(%arg13 : memref<!tpu.dma_semaphore, #tpu.memory_space<semaphore_mem>>) {add = true}
      %dma_wait3A_115 = arith.constant 0 : i32
      %dma_wait3A_116 = tpu.memref_slice %arg7[%add3A_94, %dma_wait3A_115] : memref<40x128xi32, #tpu.memory_space<vmem>> -> memref<1x128xi32, #tpu.memory_space<vmem>>
      %dma_wait3A_117 = tpu.memref_squeeze %dma_wait3A_116 : memref<1x128xi32, #tpu.memory_space<vmem>> -> memref<128xi32, #tpu.memory_space<vmem>>
      %dma_wait3A_118 = arith.constant 0 : i32
      %dma_wait3A_119 = arith.constant 0 : i32
      %dma_wait3A_120 = tpu.memref_slice %arg2[%dma_wait3A_118, %dma_wait3A_119] : memref<20000x128xf32, #tpu.memory_space<hbm>> -> memref<20000x128xf32, #tpu.memory_space<hbm>>
      tpu.wait_indirect_dma semaphore(%arg12 : memref<!tpu.dma_semaphore, #tpu.memory_space<semaphore_mem>>) src(%dma_wait3A_120 : memref<20000x128xf32, #tpu.memory_space<hbm>>) dst(%arg10 : memref<128x128xf32, #tpu.memory_space<vmem>>)
      %add3A_121 = arith.constant 3 : i32
      %add3A_122 = arith.addi %mul3A_34, %add3A_121 : i32
      %dma_start3A_123 = arith.constant 0 : i32
      %dma_start3A_124 = tpu.memref_slice %arg8[%add3A_122, %dma_start3A_123] : memref<40x128xi32, #tpu.memory_space<vmem>> -> memref<1x128xi32, #tpu.memory_space<vmem>>
      %dma_start3A_125 = tpu.memref_squeeze %dma_start3A_124 : memref<1x128xi32, #tpu.memory_space<vmem>> -> memref<128xi32, #tpu.memory_space<vmem>>
      %dma_start3A_126 = arith.constant 0 : i32
      %dma_start3A_127 = arith.constant 0 : i32
      %dma_start3A_128 = tpu.memref_slice %arg6[%dma_start3A_126, %dma_start3A_127] : memref<10112x128xf32, #tpu.memory_space<vmem_shared>> -> memref<10112x128xf32, #tpu.memory_space<vmem_shared>>
      tpu.enqueue_indirect_dma source(%arg10 : memref<128x128xf32, #tpu.memory_space<vmem>>) target(%dma_start3A_128 : memref<10112x128xf32, #tpu.memory_space<vmem_shared>>) offsets(%dma_start3A_125 : memref<128xi32, #tpu.memory_space<vmem>>) semaphore(%arg14 : memref<!tpu.dma_semaphore, #tpu.memory_space<semaphore_mem>>) {add = true}
      %dma_wait3A_129 = arith.constant 0 : i32
      %dma_wait3A_130 = tpu.memref_slice %arg8[%add3A_108, %dma_wait3A_129] : memref<40x128xi32, #tpu.memory_space<vmem>> -> memref<1x128xi32, #tpu.memory_space<vmem>>
      %dma_wait3A_131 = tpu.memref_squeeze %dma_wait3A_130 : memref<1x128xi32, #tpu.memory_space<vmem>> -> memref<128xi32, #tpu.memory_space<vmem>>
      %dma_wait3A_132 = arith.constant 0 : i32
      %dma_wait3A_133 = arith.constant 0 : i32
      %dma_wait3A_134 = tpu.memref_slice %arg6[%dma_wait3A_132, %dma_wait3A_133] : memref<10112x128xf32, #tpu.memory_space<vmem_shared>> -> memref<10112x128xf32, #tpu.memory_space<vmem_shared>>
      tpu.wait_indirect_dma semaphore(%arg13 : memref<!tpu.dma_semaphore, #tpu.memory_space<semaphore_mem>>) src(%arg9 : memref<128x128xf32, #tpu.memory_space<vmem>>) dst(%dma_wait3A_134 : memref<10112x128xf32, #tpu.memory_space<vmem_shared>>)
      %dma_wait3A_135 = arith.constant 0 : i32
      %dma_wait3A_136 = tpu.memref_slice %arg8[%add3A_122, %dma_wait3A_135] : memref<40x128xi32, #tpu.memory_space<vmem>> -> memref<1x128xi32, #tpu.memory_space<vmem>>
      %dma_wait3A_137 = tpu.memref_squeeze %dma_wait3A_136 : memref<1x128xi32, #tpu.memory_space<vmem>> -> memref<128xi32, #tpu.memory_space<vmem>>
      %dma_wait3A_138 = arith.constant 0 : i32
      %dma_wait3A_139 = arith.constant 0 : i32
      %dma_wait3A_140 = tpu.memref_slice %arg6[%dma_wait3A_138, %dma_wait3A_139] : memref<10112x128xf32, #tpu.memory_space<vmem_shared>> -> memref<10112x128xf32, #tpu.memory_space<vmem_shared>>
      tpu.wait_indirect_dma semaphore(%arg14 : memref<!tpu.dma_semaphore, #tpu.memory_space<semaphore_mem>>) src(%arg10 : memref<128x128xf32, #tpu.memory_space<vmem>>) dst(%dma_wait3A_140 : memref<10112x128xf32, #tpu.memory_space<vmem_shared>>)
      %scan3A_141 = arith.constant 0 : i32
      scf.yield %scan3A_141 : i32
    }
    %scan3A_22 = arith.constant 10 : i32
    "tpu.region"() ({
      %run_scoped3A = tpu.sem_alloc : memref<!tpu.dma_semaphore, #tpu.memory_space<semaphore_mem>>
      %dma_start3A = arith.constant 40 : i32
      %dma_start3A_31 = arith.constant 0 : i32
      %dma_start3A_32 = tpu.memref_slice %arg3[%arg0, %arg1, %dma_start3A, %dma_start3A_31] : memref<2x16x80x128xi32, #tpu.memory_space<hbm>> -> memref<1x1x40x128xi32, #tpu.memory_space<hbm>>
      %dma_start3A_33 = tpu.memref_squeeze %dma_start3A_32 : memref<1x1x40x128xi32, #tpu.memory_space<hbm>> -> memref<40x128xi32, #tpu.memory_space<hbm>>
      %dma_start3A_34 = arith.constant 40 : i32
      %dma_start3A_35 = arith.constant 0 : i32
      %dma_start3A_36 = tpu.memref_slice %arg3[%arg0, %arg1, %dma_start3A_34, %dma_start3A_35] : memref<2x16x80x128xi32, #tpu.memory_space<hbm>> -> memref<1x1x40x128xi32, #tpu.memory_space<hbm>>
      %dma_start3A_37 = tpu.memref_squeeze %dma_start3A_36 : memref<1x1x40x128xi32, #tpu.memory_space<hbm>> -> memref<40x128xi32, #tpu.memory_space<hbm>>
      tpu.enqueue_dma source(%dma_start3A_37 : memref<40x128xi32, #tpu.memory_space<hbm>>) target(%arg7 : memref<40x128xi32, #tpu.memory_space<vmem>>) target_semaphore(%run_scoped3A : memref<!tpu.dma_semaphore, #tpu.memory_space<semaphore_mem>>)
      %dma_wait3A = arith.constant 40 : i32
      %dma_wait3A_38 = arith.constant 0 : i32
      %dma_wait3A_39 = tpu.memref_slice %arg3[%arg0, %arg1, %dma_wait3A, %dma_wait3A_38] : memref<2x16x80x128xi32, #tpu.memory_space<hbm>> -> memref<1x1x40x128xi32, #tpu.memory_space<hbm>>
      %dma_wait3A_40 = tpu.memref_squeeze %dma_wait3A_39 : memref<1x1x40x128xi32, #tpu.memory_space<hbm>> -> memref<40x128xi32, #tpu.memory_space<hbm>>
      %dma_wait3A_41 = arith.constant 40 : i32
      %dma_wait3A_42 = arith.constant 0 : i32
      %dma_wait3A_43 = tpu.memref_slice %arg3[%arg0, %arg1, %dma_wait3A_41, %dma_wait3A_42] : memref<2x16x80x128xi32, #tpu.memory_space<hbm>> -> memref<1x1x40x128xi32, #tpu.memory_space<hbm>>
      %dma_wait3A_44 = tpu.memref_squeeze %dma_wait3A_43 : memref<1x1x40x128xi32, #tpu.memory_space<hbm>> -> memref<40x128xi32, #tpu.memory_space<hbm>>
      tpu.wait_dma2 semaphore(%run_scoped3A : memref<!tpu.dma_semaphore, #tpu.memory_space<semaphore_mem>>) src(%dma_wait3A_44 : memref<40x128xi32, #tpu.memory_space<hbm>>) dst(%arg7 : memref<40x128xi32, #tpu.memory_space<vmem>>)
      tpu.yield
    }) : () -> ()
    "tpu.region"() ({
      %run_scoped3A = tpu.sem_alloc : memref<!tpu.dma_semaphore, #tpu.memory_space<semaphore_mem>>
      %dma_start3A = arith.constant 40 : i32
      %dma_start3A_31 = arith.constant 0 : i32
      %dma_start3A_32 = tpu.memref_slice %arg4[%arg1, %dma_start3A, %dma_start3A_31] : memref<16x80x128xi32, #tpu.memory_space<hbm>> -> memref<1x40x128xi32, #tpu.memory_space<hbm>>
      %dma_start3A_33 = tpu.memref_squeeze %dma_start3A_32 : memref<1x40x128xi32, #tpu.memory_space<hbm>> -> memref<40x128xi32, #tpu.memory_space<hbm>>
      %dma_start3A_34 = arith.constant 40 : i32
      %dma_start3A_35 = arith.constant 0 : i32
      %dma_start3A_36 = tpu.memref_slice %arg4[%arg1, %dma_start3A_34, %dma_start3A_35] : memref<16x80x128xi32, #tpu.memory_space<hbm>> -> memref<1x40x128xi32, #tpu.memory_space<hbm>>
      %dma_start3A_37 = tpu.memref_squeeze %dma_start3A_36 : memref<1x40x128xi32, #tpu.memory_space<hbm>> -> memref<40x128xi32, #tpu.memory_space<hbm>>
      tpu.enqueue_dma source(%dma_start3A_37 : memref<40x128xi32, #tpu.memory_space<hbm>>) target(%arg8 : memref<40x128xi32, #tpu.memory_space<vmem>>) target_semaphore(%run_scoped3A : memref<!tpu.dma_semaphore, #tpu.memory_space<semaphore_mem>>)
      %dma_wait3A = arith.constant 40 : i32
      %dma_wait3A_38 = arith.constant 0 : i32
      %dma_wait3A_39 = tpu.memref_slice %arg4[%arg1, %dma_wait3A, %dma_wait3A_38] : memref<16x80x128xi32, #tpu.memory_space<hbm>> -> memref<1x40x128xi32, #tpu.memory_space<hbm>>
      %dma_wait3A_40 = tpu.memref_squeeze %dma_wait3A_39 : memref<1x40x128xi32, #tpu.memory_space<hbm>> -> memref<40x128xi32, #tpu.memory_space<hbm>>
      %dma_wait3A_41 = arith.constant 40 : i32
      %dma_wait3A_42 = arith.constant 0 : i32
      %dma_wait3A_43 = tpu.memref_slice %arg4[%arg1, %dma_wait3A_41, %dma_wait3A_42] : memref<16x80x128xi32, #tpu.memory_space<hbm>> -> memref<1x40x128xi32, #tpu.memory_space<hbm>>
      %dma_wait3A_44 = tpu.memref_squeeze %dma_wait3A_43 : memref<1x40x128xi32, #tpu.memory_space<hbm>> -> memref<40x128xi32, #tpu.memory_space<hbm>>
      tpu.wait_dma2 semaphore(%run_scoped3A : memref<!tpu.dma_semaphore, #tpu.memory_space<semaphore_mem>>) src(%dma_wait3A_44 : memref<40x128xi32, #tpu.memory_space<hbm>>) dst(%arg8 : memref<40x128xi32, #tpu.memory_space<vmem>>)
      tpu.yield
    }) : () -> ()
    %scan3A_23 = arith.constant 0 : i32
    %scan3A_24 = arith.constant 0 : i32
    %scan3A_25 = arith.constant 10 : i32
    %scan3A_26 = arith.addi %scan3A_24, %scan3A_25 : i32
    %scan3A_27 = arith.constant 1 : i32
    %scan3A_28 = scf.for %scan3A_31 = %scan3A_24 to %scan3A_26 step %scan3A_27 iter_args(%scan3A_32 = %scan3A_23) -> (i32)  : i32 {
      %mul3A_33 = arith.constant 4 : i32
      %mul3A_34 = arith.muli %scan3A_31, %mul3A_33 : i32
      %dma_start3A = arith.constant 0 : i32
      %dma_start3A_35 = tpu.memref_slice %arg7[%mul3A_34, %dma_start3A] : memref<40x128xi32, #tpu.memory_space<vmem>> -> memref<1x128xi32, #tpu.memory_space<vmem>>
      %dma_start3A_36 = tpu.memref_squeeze %dma_start3A_35 : memref<1x128xi32, #tpu.memory_space<vmem>> -> memref<128xi32, #tpu.memory_space<vmem>>
      %dma_start3A_37 = arith.constant 0 : i32
      %dma_start3A_38 = arith.constant 0 : i32
      %dma_start3A_39 = tpu.memref_slice %arg2[%dma_start3A_37, %dma_start3A_38] : memref<20000x128xf32, #tpu.memory_space<hbm>> -> memref<20000x128xf32, #tpu.memory_space<hbm>>
      tpu.enqueue_indirect_dma source(%dma_start3A_39 : memref<20000x128xf32, #tpu.memory_space<hbm>>) target(%arg9 : memref<128x128xf32, #tpu.memory_space<vmem>>) offsets(%dma_start3A_36 : memref<128xi32, #tpu.memory_space<vmem>>) semaphore(%arg11 : memref<!tpu.dma_semaphore, #tpu.memory_space<semaphore_mem>>)
      %add3A_40 = arith.constant 1 : i32
      %add3A_41 = arith.addi %mul3A_34, %add3A_40 : i32
      %dma_start3A_42 = arith.constant 0 : i32
      %dma_start3A_43 = tpu.memref_slice %arg7[%add3A_41, %dma_start3A_42] : memref<40x128xi32, #tpu.memory_space<vmem>> -> memref<1x128xi32, #tpu.memory_space<vmem>>
      %dma_start3A_44 = tpu.memref_squeeze %dma_start3A_43 : memref<1x128xi32, #tpu.memory_space<vmem>> -> memref<128xi32, #tpu.memory_space<vmem>>
      %dma_start3A_45 = arith.constant 0 : i32
      %dma_start3A_46 = arith.constant 0 : i32
      %dma_start3A_47 = tpu.memref_slice %arg2[%dma_start3A_45, %dma_start3A_46] : memref<20000x128xf32, #tpu.memory_space<hbm>> -> memref<20000x128xf32, #tpu.memory_space<hbm>>
      tpu.enqueue_indirect_dma source(%dma_start3A_47 : memref<20000x128xf32, #tpu.memory_space<hbm>>) target(%arg10 : memref<128x128xf32, #tpu.memory_space<vmem>>) offsets(%dma_start3A_44 : memref<128xi32, #tpu.memory_space<vmem>>) semaphore(%arg12 : memref<!tpu.dma_semaphore, #tpu.memory_space<semaphore_mem>>)
      %dma_wait3A = arith.constant 0 : i32
      %dma_wait3A_48 = tpu.memref_slice %arg7[%mul3A_34, %dma_wait3A] : memref<40x128xi32, #tpu.memory_space<vmem>> -> memref<1x128xi32, #tpu.memory_space<vmem>>
      %dma_wait3A_49 = tpu.memref_squeeze %dma_wait3A_48 : memref<1x128xi32, #tpu.memory_space<vmem>> -> memref<128xi32, #tpu.memory_space<vmem>>
      %dma_wait3A_50 = arith.constant 0 : i32
      %dma_wait3A_51 = arith.constant 0 : i32
      %dma_wait3A_52 = tpu.memref_slice %arg2[%dma_wait3A_50, %dma_wait3A_51] : memref<20000x128xf32, #tpu.memory_space<hbm>> -> memref<20000x128xf32, #tpu.memory_space<hbm>>
      tpu.wait_indirect_dma semaphore(%arg11 : memref<!tpu.dma_semaphore, #tpu.memory_space<semaphore_mem>>) src(%dma_wait3A_52 : memref<20000x128xf32, #tpu.memory_space<hbm>>) dst(%arg9 : memref<128x128xf32, #tpu.memory_space<vmem>>)
      %dma_start3A_53 = arith.constant 0 : i32
      %dma_start3A_54 = tpu.memref_slice %arg8[%mul3A_34, %dma_start3A_53] : memref<40x128xi32, #tpu.memory_space<vmem>> -> memref<1x128xi32, #tpu.memory_space<vmem>>
      %dma_start3A_55 = tpu.memref_squeeze %dma_start3A_54 : memref<1x128xi32, #tpu.memory_space<vmem>> -> memref<128xi32, #tpu.memory_space<vmem>>
      %dma_start3A_56 = arith.constant 0 : i32
      %dma_start3A_57 = arith.constant 0 : i32
      %dma_start3A_58 = tpu.memref_slice %arg6[%dma_start3A_56, %dma_start3A_57] : memref<10112x128xf32, #tpu.memory_space<vmem_shared>> -> memref<10112x128xf32, #tpu.memory_space<vmem_shared>>
      tpu.enqueue_indirect_dma source(%arg9 : memref<128x128xf32, #tpu.memory_space<vmem>>) target(%dma_start3A_58 : memref<10112x128xf32, #tpu.memory_space<vmem_shared>>) offsets(%dma_start3A_55 : memref<128xi32, #tpu.memory_space<vmem>>) semaphore(%arg13 : memref<!tpu.dma_semaphore, #tpu.memory_space<semaphore_mem>>) {add = true}
      %dma_wait3A_59 = arith.constant 0 : i32
      %dma_wait3A_60 = tpu.memref_slice %arg7[%add3A_41, %dma_wait3A_59] : memref<40x128xi32, #tpu.memory_space<vmem>> -> memref<1x128xi32, #tpu.memory_space<vmem>>
      %dma_wait3A_61 = tpu.memref_squeeze %dma_wait3A_60 : memref<1x128xi32, #tpu.memory_space<vmem>> -> memref<128xi32, #tpu.memory_space<vmem>>
      %dma_wait3A_62 = arith.constant 0 : i32
      %dma_wait3A_63 = arith.constant 0 : i32
      %dma_wait3A_64 = tpu.memref_slice %arg2[%dma_wait3A_62, %dma_wait3A_63] : memref<20000x128xf32, #tpu.memory_space<hbm>> -> memref<20000x128xf32, #tpu.memory_space<hbm>>
      tpu.wait_indirect_dma semaphore(%arg12 : memref<!tpu.dma_semaphore, #tpu.memory_space<semaphore_mem>>) src(%dma_wait3A_64 : memref<20000x128xf32, #tpu.memory_space<hbm>>) dst(%arg10 : memref<128x128xf32, #tpu.memory_space<vmem>>)
      %add3A_65 = arith.constant 1 : i32
      %add3A_66 = arith.addi %mul3A_34, %add3A_65 : i32
      %dma_start3A_67 = arith.constant 0 : i32
      %dma_start3A_68 = tpu.memref_slice %arg8[%add3A_66, %dma_start3A_67] : memref<40x128xi32, #tpu.memory_space<vmem>> -> memref<1x128xi32, #tpu.memory_space<vmem>>
      %dma_start3A_69 = tpu.memref_squeeze %dma_start3A_68 : memref<1x128xi32, #tpu.memory_space<vmem>> -> memref<128xi32, #tpu.memory_space<vmem>>
      %dma_start3A_70 = arith.constant 0 : i32
      %dma_start3A_71 = arith.constant 0 : i32
      %dma_start3A_72 = tpu.memref_slice %arg6[%dma_start3A_70, %dma_start3A_71] : memref<10112x128xf32, #tpu.memory_space<vmem_shared>> -> memref<10112x128xf32, #tpu.memory_space<vmem_shared>>
      tpu.enqueue_indirect_dma source(%arg10 : memref<128x128xf32, #tpu.memory_space<vmem>>) target(%dma_start3A_72 : memref<10112x128xf32, #tpu.memory_space<vmem_shared>>) offsets(%dma_start3A_69 : memref<128xi32, #tpu.memory_space<vmem>>) semaphore(%arg14 : memref<!tpu.dma_semaphore, #tpu.memory_space<semaphore_mem>>) {add = true}
      %dma_wait3A_73 = arith.constant 0 : i32
      %dma_wait3A_74 = tpu.memref_slice %arg8[%mul3A_34, %dma_wait3A_73] : memref<40x128xi32, #tpu.memory_space<vmem>> -> memref<1x128xi32, #tpu.memory_space<vmem>>
      %dma_wait3A_75 = tpu.memref_squeeze %dma_wait3A_74 : memref<1x128xi32, #tpu.memory_space<vmem>> -> memref<128xi32, #tpu.memory_space<vmem>>
      %dma_wait3A_76 = arith.constant 0 : i32
      %dma_wait3A_77 = arith.constant 0 : i32
      %dma_wait3A_78 = tpu.memref_slice %arg6[%dma_wait3A_76, %dma_wait3A_77] : memref<10112x128xf32, #tpu.memory_space<vmem_shared>> -> memref<10112x128xf32, #tpu.memory_space<vmem_shared>>
      tpu.wait_indirect_dma semaphore(%arg13 : memref<!tpu.dma_semaphore, #tpu.memory_space<semaphore_mem>>) src(%arg9 : memref<128x128xf32, #tpu.memory_space<vmem>>) dst(%dma_wait3A_78 : memref<10112x128xf32, #tpu.memory_space<vmem_shared>>)
      %add3A_79 = arith.constant 2 : i32
      %add3A_80 = arith.addi %mul3A_34, %add3A_79 : i32
      %dma_start3A_81 = arith.constant 0 : i32
      %dma_start3A_82 = tpu.memref_slice %arg7[%add3A_80, %dma_start3A_81] : memref<40x128xi32, #tpu.memory_space<vmem>> -> memref<1x128xi32, #tpu.memory_space<vmem>>
      %dma_start3A_83 = tpu.memref_squeeze %dma_start3A_82 : memref<1x128xi32, #tpu.memory_space<vmem>> -> memref<128xi32, #tpu.memory_space<vmem>>
      %dma_start3A_84 = arith.constant 0 : i32
      %dma_start3A_85 = arith.constant 0 : i32
      %dma_start3A_86 = tpu.memref_slice %arg2[%dma_start3A_84, %dma_start3A_85] : memref<20000x128xf32, #tpu.memory_space<hbm>> -> memref<20000x128xf32, #tpu.memory_space<hbm>>
      tpu.enqueue_indirect_dma source(%dma_start3A_86 : memref<20000x128xf32, #tpu.memory_space<hbm>>) target(%arg9 : memref<128x128xf32, #tpu.memory_space<vmem>>) offsets(%dma_start3A_83 : memref<128xi32, #tpu.memory_space<vmem>>) semaphore(%arg11 : memref<!tpu.dma_semaphore, #tpu.memory_space<semaphore_mem>>)
      %dma_wait3A_87 = arith.constant 0 : i32
      %dma_wait3A_88 = tpu.memref_slice %arg8[%add3A_66, %dma_wait3A_87] : memref<40x128xi32, #tpu.memory_space<vmem>> -> memref<1x128xi32, #tpu.memory_space<vmem>>
      %dma_wait3A_89 = tpu.memref_squeeze %dma_wait3A_88 : memref<1x128xi32, #tpu.memory_space<vmem>> -> memref<128xi32, #tpu.memory_space<vmem>>
      %dma_wait3A_90 = arith.constant 0 : i32
      %dma_wait3A_91 = arith.constant 0 : i32
      %dma_wait3A_92 = tpu.memref_slice %arg6[%dma_wait3A_90, %dma_wait3A_91] : memref<10112x128xf32, #tpu.memory_space<vmem_shared>> -> memref<10112x128xf32, #tpu.memory_space<vmem_shared>>
      tpu.wait_indirect_dma semaphore(%arg14 : memref<!tpu.dma_semaphore, #tpu.memory_space<semaphore_mem>>) src(%arg10 : memref<128x128xf32, #tpu.memory_space<vmem>>) dst(%dma_wait3A_92 : memref<10112x128xf32, #tpu.memory_space<vmem_shared>>)
      %add3A_93 = arith.constant 3 : i32
      %add3A_94 = arith.addi %mul3A_34, %add3A_93 : i32
      %dma_start3A_95 = arith.constant 0 : i32
      %dma_start3A_96 = tpu.memref_slice %arg7[%add3A_94, %dma_start3A_95] : memref<40x128xi32, #tpu.memory_space<vmem>> -> memref<1x128xi32, #tpu.memory_space<vmem>>
      %dma_start3A_97 = tpu.memref_squeeze %dma_start3A_96 : memref<1x128xi32, #tpu.memory_space<vmem>> -> memref<128xi32, #tpu.memory_space<vmem>>
      %dma_start3A_98 = arith.constant 0 : i32
      %dma_start3A_99 = arith.constant 0 : i32
      %dma_start3A_100 = tpu.memref_slice %arg2[%dma_start3A_98, %dma_start3A_99] : memref<20000x128xf32, #tpu.memory_space<hbm>> -> memref<20000x128xf32, #tpu.memory_space<hbm>>
      tpu.enqueue_indirect_dma source(%dma_start3A_100 : memref<20000x128xf32, #tpu.memory_space<hbm>>) target(%arg10 : memref<128x128xf32, #tpu.memory_space<vmem>>) offsets(%dma_start3A_97 : memref<128xi32, #tpu.memory_space<vmem>>) semaphore(%arg12 : memref<!tpu.dma_semaphore, #tpu.memory_space<semaphore_mem>>)
      %dma_wait3A_101 = arith.constant 0 : i32
      %dma_wait3A_102 = tpu.memref_slice %arg7[%add3A_80, %dma_wait3A_101] : memref<40x128xi32, #tpu.memory_space<vmem>> -> memref<1x128xi32, #tpu.memory_space<vmem>>
      %dma_wait3A_103 = tpu.memref_squeeze %dma_wait3A_102 : memref<1x128xi32, #tpu.memory_space<vmem>> -> memref<128xi32, #tpu.memory_space<vmem>>
      %dma_wait3A_104 = arith.constant 0 : i32
      %dma_wait3A_105 = arith.constant 0 : i32
      %dma_wait3A_106 = tpu.memref_slice %arg2[%dma_wait3A_104, %dma_wait3A_105] : memref<20000x128xf32, #tpu.memory_space<hbm>> -> memref<20000x128xf32, #tpu.memory_space<hbm>>
      tpu.wait_indirect_dma semaphore(%arg11 : memref<!tpu.dma_semaphore, #tpu.memory_space<semaphore_mem>>) src(%dma_wait3A_106 : memref<20000x128xf32, #tpu.memory_space<hbm>>) dst(%arg9 : memref<128x128xf32, #tpu.memory_space<vmem>>)
      %add3A_107 = arith.constant 2 : i32
      %add3A_108 = arith.addi %mul3A_34, %add3A_107 : i32
      %dma_start3A_109 = arith.constant 0 : i32
      %dma_start3A_110 = tpu.memref_slice %arg8[%add3A_108, %dma_start3A_109] : memref<40x128xi32, #tpu.memory_space<vmem>> -> memref<1x128xi32, #tpu.memory_space<vmem>>
      %dma_start3A_111 = tpu.memref_squeeze %dma_start3A_110 : memref<1x128xi32, #tpu.memory_space<vmem>> -> memref<128xi32, #tpu.memory_space<vmem>>
      %dma_start3A_112 = arith.constant 0 : i32
      %dma_start3A_113 = arith.constant 0 : i32
      %dma_start3A_114 = tpu.memref_slice %arg6[%dma_start3A_112, %dma_start3A_113] : memref<10112x128xf32, #tpu.memory_space<vmem_shared>> -> memref<10112x128xf32, #tpu.memory_space<vmem_shared>>
      tpu.enqueue_indirect_dma source(%arg9 : memref<128x128xf32, #tpu.memory_space<vmem>>) target(%dma_start3A_114 : memref<10112x128xf32, #tpu.memory_space<vmem_shared>>) offsets(%dma_start3A_111 : memref<128xi32, #tpu.memory_space<vmem>>) semaphore(%arg13 : memref<!tpu.dma_semaphore, #tpu.memory_space<semaphore_mem>>) {add = true}
      %dma_wait3A_115 = arith.constant 0 : i32
      %dma_wait3A_116 = tpu.memref_slice %arg7[%add3A_94, %dma_wait3A_115] : memref<40x128xi32, #tpu.memory_space<vmem>> -> memref<1x128xi32, #tpu.memory_space<vmem>>
      %dma_wait3A_117 = tpu.memref_squeeze %dma_wait3A_116 : memref<1x128xi32, #tpu.memory_space<vmem>> -> memref<128xi32, #tpu.memory_space<vmem>>
      %dma_wait3A_118 = arith.constant 0 : i32
      %dma_wait3A_119 = arith.constant 0 : i32
      %dma_wait3A_120 = tpu.memref_slice %arg2[%dma_wait3A_118, %dma_wait3A_119] : memref<20000x128xf32, #tpu.memory_space<hbm>> -> memref<20000x128xf32, #tpu.memory_space<hbm>>
      tpu.wait_indirect_dma semaphore(%arg12 : memref<!tpu.dma_semaphore, #tpu.memory_space<semaphore_mem>>) src(%dma_wait3A_120 : memref<20000x128xf32, #tpu.memory_space<hbm>>) dst(%arg10 : memref<128x128xf32, #tpu.memory_space<vmem>>)
      %add3A_121 = arith.constant 3 : i32
      %add3A_122 = arith.addi %mul3A_34, %add3A_121 : i32
      %dma_start3A_123 = arith.constant 0 : i32
      %dma_start3A_124 = tpu.memref_slice %arg8[%add3A_122, %dma_start3A_123] : memref<40x128xi32, #tpu.memory_space<vmem>> -> memref<1x128xi32, #tpu.memory_space<vmem>>
      %dma_start3A_125 = tpu.memref_squeeze %dma_start3A_124 : memref<1x128xi32, #tpu.memory_space<vmem>> -> memref<128xi32, #tpu.memory_space<vmem>>
      %dma_start3A_126 = arith.constant 0 : i32
      %dma_start3A_127 = arith.constant 0 : i32
      %dma_start3A_128 = tpu.memref_slice %arg6[%dma_start3A_126, %dma_start3A_127] : memref<10112x128xf32, #tpu.memory_space<vmem_shared>> -> memref<10112x128xf32, #tpu.memory_space<vmem_shared>>
      tpu.enqueue_indirect_dma source(%arg10 : memref<128x128xf32, #tpu.memory_space<vmem>>) target(%dma_start3A_128 : memref<10112x128xf32, #tpu.memory_space<vmem_shared>>) offsets(%dma_start3A_125 : memref<128xi32, #tpu.memory_space<vmem>>) semaphore(%arg14 : memref<!tpu.dma_semaphore, #tpu.memory_space<semaphore_mem>>) {add = true}
      %dma_wait3A_129 = arith.constant 0 : i32
      %dma_wait3A_130 = tpu.memref_slice %arg8[%add3A_108, %dma_wait3A_129] : memref<40x128xi32, #tpu.memory_space<vmem>> -> memref<1x128xi32, #tpu.memory_space<vmem>>
      %dma_wait3A_131 = tpu.memref_squeeze %dma_wait3A_130 : memref<1x128xi32, #tpu.memory_space<vmem>> -> memref<128xi32, #tpu.memory_space<vmem>>
      %dma_wait3A_132 = arith.constant 0 : i32
      %dma_wait3A_133 = arith.constant 0 : i32
      %dma_wait3A_134 = tpu.memref_slice %arg6[%dma_wait3A_132, %dma_wait3A_133] : memref<10112x128xf32, #tpu.memory_space<vmem_shared>> -> memref<10112x128xf32, #tpu.memory_space<vmem_shared>>
      tpu.wait_indirect_dma semaphore(%arg13 : memref<!tpu.dma_semaphore, #tpu.memory_space<semaphore_mem>>) src(%arg9 : memref<128x128xf32, #tpu.memory_space<vmem>>) dst(%dma_wait3A_134 : memref<10112x128xf32, #tpu.memory_space<vmem_shared>>)
      %dma_wait3A_135 = arith.constant 0 : i32
      %dma_wait3A_136 = tpu.memref_slice %arg8[%add3A_122, %dma_wait3A_135] : memref<40x128xi32, #tpu.memory_space<vmem>> -> memref<1x128xi32, #tpu.memory_space<vmem>>
      %dma_wait3A_137 = tpu.memref_squeeze %dma_wait3A_136 : memref<1x128xi32, #tpu.memory_space<vmem>> -> memref<128xi32, #tpu.memory_space<vmem>>
      %dma_wait3A_138 = arith.constant 0 : i32
      %dma_wait3A_139 = arith.constant 0 : i32
      %dma_wait3A_140 = tpu.memref_slice %arg6[%dma_wait3A_138, %dma_wait3A_139] : memref<10112x128xf32, #tpu.memory_space<vmem_shared>> -> memref<10112x128xf32, #tpu.memory_space<vmem_shared>>
      tpu.wait_indirect_dma semaphore(%arg14 : memref<!tpu.dma_semaphore, #tpu.memory_space<semaphore_mem>>) src(%arg10 : memref<128x128xf32, #tpu.memory_space<vmem>>) dst(%dma_wait3A_140 : memref<10112x128xf32, #tpu.memory_space<vmem_shared>>)
      %scan3A_141 = arith.constant 0 : i32
      scf.yield %scan3A_141 : i32
    }
    %scan3A_29 = arith.constant 10 : i32
    %barrier3A_30 = arith.constant 0 : index
    tpu.barrier barrier_id(%barrier3A_30)
    "tpu.region"() ({
      %run_scoped3A = tpu.sem_alloc : memref<!tpu.dma_semaphore, #tpu.memory_space<semaphore_mem>>
      %dma_start3A = arith.constant 0 : i32
      %dma_start3A_31 = tpu.memref_slice %arg5[%arg0, %mul3A_6, %dma_start3A] : memref<2x10112x128xf32, #tpu.memory_space<hbm>> -> memref<1x632x128xf32, #tpu.memory_space<hbm>>
      %dma_start3A_32 = tpu.memref_squeeze %dma_start3A_31 : memref<1x632x128xf32, #tpu.memory_space<hbm>> -> memref<632x128xf32, #tpu.memory_space<hbm>>
      %dma_start3A_33 = arith.constant 0 : i32
      %dma_start3A_34 = tpu.memref_slice %arg6[%mul3A_6, %dma_start3A_33] : memref<10112x128xf32, #tpu.memory_space<vmem_shared>> -> memref<632x128xf32, #tpu.memory_space<vmem_shared>>
      tpu.enqueue_dma source(%dma_start3A_34 : memref<632x128xf32, #tpu.memory_space<vmem_shared>>) target(%dma_start3A_32 : memref<632x128xf32, #tpu.memory_space<hbm>>) target_semaphore(%run_scoped3A : memref<!tpu.dma_semaphore, #tpu.memory_space<semaphore_mem>>)
      %dma_wait3A = arith.constant 0 : i32
      %dma_wait3A_35 = tpu.memref_slice %arg5[%arg0, %mul3A_6, %dma_wait3A] : memref<2x10112x128xf32, #tpu.memory_space<hbm>> -> memref<1x632x128xf32, #tpu.memory_space<hbm>>
      %dma_wait3A_36 = tpu.memref_squeeze %dma_wait3A_35 : memref<1x632x128xf32, #tpu.memory_space<hbm>> -> memref<632x128xf32, #tpu.memory_space<hbm>>
      %dma_wait3A_37 = arith.constant 0 : i32
      %dma_wait3A_38 = tpu.memref_slice %arg6[%mul3A_6, %dma_wait3A_37] : memref<10112x128xf32, #tpu.memory_space<vmem_shared>> -> memref<632x128xf32, #tpu.memory_space<vmem_shared>>
      tpu.wait_dma2 semaphore(%run_scoped3A : memref<!tpu.dma_semaphore, #tpu.memory_space<semaphore_mem>>) src(%dma_wait3A_38 : memref<632x128xf32, #tpu.memory_space<vmem_shared>>) dst(%dma_wait3A_36 : memref<632x128xf32, #tpu.memory_space<hbm>>)
      tpu.yield
    }) : () -> ()
    return
  }
}

module attributes {stable_mosaic.version = 14 : i64} {
  func.func @_tc_first_body(%arg0: i32, %arg1: memref<2000x256xf32, #tpu.memory_space<vmem>>, %arg2: memref<256x256xf32, #tpu.memory_space<vmem>>, %arg3: memref<2000x1xf32, #tpu.memory_space<vmem>>, %arg4: memref<2000x1xf32, #tpu.memory_space<vmem>>, %arg5: memref<2x2000x128xf32, #tpu.memory_space<vmem>>, %arg6: memref<2000x1xf32, #tpu.memory_space<vmem>>) attributes {dimension_semantics = [#tpu.dimension_semantics<arbitrary>], iteration_bounds = array<i64: 5>, scalar_prefetch = 0 : i64, scratch_operands = 0 : i64, tpu.core_type = #tpu.core_type<tc>, window_params = [{transform_indices = @transform_0, window_bounds = array<i64: 2000, 256>}, {pipeline_mode = #tpu.pipeline_mode<synchronous>, transform_indices = @transform_1, window_bounds = array<i64: 256, 256>}, {transform_indices = @transform_2, window_bounds = array<i64: 2000, 1>}, {transform_indices = @transform_3, window_bounds = array<i64: 2000, 1>}, {transform_indices = @transform_4, window_bounds = array<i64: 2, 2000, 128>}, {transform_indices = @transform_5, window_bounds = array<i64: 2000, 1>}]} {
    %get3A = arith.constant 0 : index
    %get3A_0 = arith.constant 0 : index
    %get3A_1 = vector.load %arg3[%get3A, %get3A_0] : memref<2000x1xf32, #tpu.memory_space<vmem>>, vector<2000x1xf32>
    %get3A_2 = arith.constant 0 : index
    %get3A_3 = arith.constant 0 : index
    %get3A_4 = vector.load %arg4[%get3A_2, %get3A_3] : memref<2000x1xf32, #tpu.memory_space<vmem>>, vector<2000x1xf32>
    %add3A = arith.addf %get3A_1, %get3A_4 : vector<2000x1xf32>
    %add3A_5 = arith.constant 1.000000e+00 : f32
    %add3A_6 = vector.broadcast %add3A_5 : f32 to vector<2000x1xf32>
    %add3A_7 = arith.addf %add3A, %add3A_6 : vector<2000x1xf32>
    %rsqrt3A = math.rsqrt %add3A_7 : vector<2000x1xf32>
    %get3A_8 = arith.constant 0 : index
    %get3A_9 = arith.constant 0 : index
    %get3A_10 = vector.load %arg1[%get3A_8, %get3A_9] : memref<2000x256xf32, #tpu.memory_space<vmem>>, vector<2000x256xf32>
    %get3A_11 = arith.constant 0 : index
    %get3A_12 = arith.constant 0 : index
    %get3A_13 = vector.load %arg2[%get3A_11, %get3A_12] : memref<256x256xf32, #tpu.memory_space<vmem>>, vector<256x256xf32>
    %dot_general3A = arith.constant dense<0.000000e+00> : vector<2000x256xf32>
    %dot_general3A_14 = tpu.matmul %get3A_10, %get3A_13, %dot_general3A {dimension_numbers = #tpu.dot_dimension_numbers<[1], [0], [0], [1], [0, 0, 1, 1], [], []>, transpose_lhs_hint = false} : vector<2000x256xf32>, vector<256x256xf32>, vector<2000x256xf32> -> vector<2000x256xf32>
    %mul3A = vector.broadcast %rsqrt3A : vector<2000x1xf32> to vector<2000x256xf32>
    %mul3A_15 = arith.mulf %dot_general3A_14, %mul3A : vector<2000x256xf32>
    %slice3A = vector.extract_strided_slice %mul3A_15 {offsets = [0, 0], sizes = [2000, 128], strides = [1, 1]} : vector<2000x256xf32> to vector<2000x128xf32>
    %swap3A = arith.constant 0 : index
    %swap3A_16 = arith.constant 0 : index
    %swap3A_17 = arith.constant 0 : index
    %swap3A_18 = vector.load %arg5[%swap3A, %swap3A_16, %swap3A_17] : memref<2x2000x128xf32, #tpu.memory_space<vmem>>, vector<1x2000x128xf32>
    %swap3A_19 = vector.shape_cast %swap3A_18 : vector<1x2000x128xf32> to vector<2000x128xf32>
    %swap3A_20 = vector.shape_cast %slice3A : vector<2000x128xf32> to vector<1x2000x128xf32>
    tpu.vector_store %arg5[%swap3A, %swap3A_16, %swap3A_17], %swap3A_20 {strides = array<i32>} : memref<2x2000x128xf32, #tpu.memory_space<vmem>>, vector<1x2000x128xf32>,
    %slice3A_21 = vector.extract_strided_slice %mul3A_15 {offsets = [0, 128], sizes = [2000, 128], strides = [1, 1]} : vector<2000x256xf32> to vector<2000x128xf32>
    %swap3A_22 = arith.constant 1 : index
    %swap3A_23 = arith.constant 0 : index
    %swap3A_24 = arith.constant 0 : index
    %swap3A_25 = vector.load %arg5[%swap3A_22, %swap3A_23, %swap3A_24] : memref<2x2000x128xf32, #tpu.memory_space<vmem>>, vector<1x2000x128xf32>
    %swap3A_26 = vector.shape_cast %swap3A_25 : vector<1x2000x128xf32> to vector<2000x128xf32>
    %swap3A_27 = vector.shape_cast %slice3A_21 : vector<2000x128xf32> to vector<1x2000x128xf32>
    tpu.vector_store %arg5[%swap3A_22, %swap3A_23, %swap3A_24], %swap3A_27 {strides = array<i32>} : memref<2x2000x128xf32, #tpu.memory_space<vmem>>, vector<1x2000x128xf32>,
    %swap3A_28 = arith.constant 0 : index
    %swap3A_29 = arith.constant 0 : index
    %swap3A_30 = vector.load %arg6[%swap3A_28, %swap3A_29] : memref<2000x1xf32, #tpu.memory_space<vmem>>, vector<2000x1xf32>
    tpu.vector_store %arg6[%swap3A_28, %swap3A_29], %rsqrt3A {strides = array<i32>} : memref<2000x1xf32, #tpu.memory_space<vmem>>, vector<2000x1xf32>,
    return
  }
  func.func @transform_0(%arg0: i32) -> (i32, i32) {
    %c0_i32 = arith.constant 0 : i32
    %c0_i32_0 = arith.constant 0 : i32
    return %arg0, %c0_i32 : i32, i32
  }
  func.func @transform_1(%arg0: i32) -> (i32, i32) {
    %c0_i32 = arith.constant 0 : i32
    %c0_i32_0 = arith.constant 0 : i32
    %c0_i32_1 = arith.constant 0 : i32
    return %c0_i32, %c0_i32_0 : i32, i32
  }
  func.func @transform_2(%arg0: i32) -> (i32, i32) {
    %c0_i32 = arith.constant 0 : i32
    %c0_i32_0 = arith.constant 0 : i32
    return %arg0, %c0_i32 : i32, i32
  }
  func.func @transform_3(%arg0: i32) -> (i32, i32) {
    %c0_i32 = arith.constant 0 : i32
    %c0_i32_0 = arith.constant 0 : i32
    return %arg0, %c0_i32 : i32, i32
  }
  func.func @transform_4(%arg0: i32) -> (i32, i32, i32) {
    %c0_i32 = arith.constant 0 : i32
    %c0_i32_0 = arith.constant 0 : i32
    %c0_i32_1 = arith.constant 0 : i32
    return %c0_i32, %arg0, %c0_i32_0 : i32, i32, i32
  }
  func.func @transform_5(%arg0: i32) -> (i32, i32) {
    %c0_i32 = arith.constant 0 : i32
    %c0_i32_0 = arith.constant 0 : i32
    return %arg0, %c0_i32 : i32, i32
  }
}

module attributes {stable_mosaic.version = 14 : i64} {
  func.func @_tc_mid_body(%arg0: i32, %arg1: memref<2x2000x128xf32, #tpu.memory_space<vmem>>, %arg2: memref<2x2000x128xf32, #tpu.memory_space<vmem>>, %arg3: memref<2000x1xf32, #tpu.memory_space<vmem>>, %arg4: memref<1x256xf32, #tpu.memory_space<vmem>>, %arg5: memref<1x256xf32, #tpu.memory_space<vmem>>, %arg6: memref<1x256xf32, #tpu.memory_space<vmem>>, %arg7: memref<256x256xf32, #tpu.memory_space<vmem>>, %arg8: memref<2x2000x128xf32, #tpu.memory_space<vmem>>) attributes {dimension_semantics = [#tpu.dimension_semantics<arbitrary>], iteration_bounds = array<i64: 5>, scalar_prefetch = 0 : i64, scratch_operands = 0 : i64, tpu.core_type = #tpu.core_type<tc>, window_params = [{transform_indices = @transform_0, window_bounds = array<i64: 2, 2000, 128>}, {transform_indices = @transform_1, window_bounds = array<i64: 2, 2000, 128>}, {transform_indices = @transform_2, window_bounds = array<i64: 2000, 1>}, {pipeline_mode = #tpu.pipeline_mode<synchronous>, transform_indices = @transform_3, window_bounds = array<i64: 1, 256>}, {pipeline_mode = #tpu.pipeline_mode<synchronous>, transform_indices = @transform_4, window_bounds = array<i64: 1, 256>}, {pipeline_mode = #tpu.pipeline_mode<synchronous>, transform_indices = @transform_5, window_bounds = array<i64: 1, 256>}, {pipeline_mode = #tpu.pipeline_mode<synchronous>, transform_indices = @transform_6, window_bounds = array<i64: 256, 256>}, {transform_indices = @transform_7, window_bounds = array<i64: 2, 2000, 128>}]} {
    %get3A = arith.constant 0 : index
    %get3A_0 = arith.constant 0 : index
    %get3A_1 = arith.constant 0 : index
    %get3A_2 = vector.load %arg1[%get3A, %get3A_0, %get3A_1] : memref<2x2000x128xf32, #tpu.memory_space<vmem>>, vector<1x2000x128xf32>
    %get3A_3 = vector.shape_cast %get3A_2 : vector<1x2000x128xf32> to vector<2000x128xf32>
    %get3A_4 = arith.constant 0 : index
    %get3A_5 = arith.constant 0 : index
    %get3A_6 = arith.constant 0 : index
    %get3A_7 = vector.load %arg2[%get3A_4, %get3A_5, %get3A_6] : memref<2x2000x128xf32, #tpu.memory_space<vmem>>, vector<1x2000x128xf32>
    %get3A_8 = vector.shape_cast %get3A_7 : vector<1x2000x128xf32> to vector<2000x128xf32>
    %add3A = arith.addf %get3A_3, %get3A_8 : vector<2000x128xf32>
    %get3A_9 = arith.constant 1 : index
    %get3A_10 = arith.constant 0 : index
    %get3A_11 = arith.constant 0 : index
    %get3A_12 = vector.load %arg1[%get3A_9, %get3A_10, %get3A_11] : memref<2x2000x128xf32, #tpu.memory_space<vmem>>, vector<1x2000x128xf32>
    %get3A_13 = vector.shape_cast %get3A_12 : vector<1x2000x128xf32> to vector<2000x128xf32>
    %get3A_14 = arith.constant 1 : index
    %get3A_15 = arith.constant 0 : index
    %get3A_16 = arith.constant 0 : index
    %get3A_17 = vector.load %arg2[%get3A_14, %get3A_15, %get3A_16] : memref<2x2000x128xf32, #tpu.memory_space<vmem>>, vector<1x2000x128xf32>
    %get3A_18 = vector.shape_cast %get3A_17 : vector<1x2000x128xf32> to vector<2000x128xf32>
    %add3A_19 = arith.addf %get3A_13, %get3A_18 : vector<2000x128xf32>
    %concatenate3A = tpu.concatenate %add3A, %add3A_19 in 1 : vector<2000x128xf32>, vector<2000x128xf32> -> vector<2000x256xf32>
    %get3A_20 = arith.constant 0 : index
    %get3A_21 = arith.constant 0 : index
    %get3A_22 = vector.load %arg3[%get3A_20, %get3A_21] : memref<2000x1xf32, #tpu.memory_space<vmem>>, vector<2000x1xf32>
    %mul3A = vector.broadcast %get3A_22 : vector<2000x1xf32> to vector<2000x256xf32>
    %mul3A_23 = arith.mulf %concatenate3A, %mul3A : vector<2000x256xf32>
    %get3A_24 = arith.constant 0 : index
    %get3A_25 = arith.constant 0 : index
    %get3A_26 = vector.load %arg4[%get3A_24, %get3A_25] : memref<1x256xf32, #tpu.memory_space<vmem>>, vector<1x256xf32>
    %add3A_27 = vector.broadcast %get3A_26 : vector<1x256xf32> to vector<2000x256xf32>
    %add3A_28 = arith.addf %mul3A_23, %add3A_27 : vector<2000x256xf32>
    %max3A = arith.constant 0.000000e+00 : f32
    %max3A_29 = vector.broadcast %max3A : f32 to vector<2000x256xf32>
    %max3A_30 = arith.maximumf %add3A_28, %max3A_29 : vector<2000x256xf32>
    %reduce_sum3A = arith.constant dense<0.000000e+00> : vector<2000xf32>
    %reduce_sum3A_31 = vector.multi_reduction <add>, %max3A_30, %reduce_sum3A [1] : vector<2000x256xf32> to vector<2000xf32>
    %broadcast_in_dim3A = vector.shape_cast %reduce_sum3A_31 : vector<2000xf32> to vector<2000x1xf32>
    %div3A = arith.constant 2.560000e+02 : f32
    %div3A_32 = vector.broadcast %div3A : f32 to vector<2000x1xf32>
    %div3A_33 = arith.divf %broadcast_in_dim3A, %div3A_32 : vector<2000x1xf32>
    %sub3A = vector.broadcast %div3A_33 : vector<2000x1xf32> to vector<2000x256xf32>
    %sub3A_34 = arith.subf %max3A_30, %sub3A : vector<2000x256xf32>
    %mul3A_35 = arith.mulf %sub3A_34, %sub3A_34 : vector<2000x256xf32>
    %reduce_sum3A_36 = arith.constant dense<0.000000e+00> : vector<2000xf32>
    %reduce_sum3A_37 = vector.multi_reduction <add>, %mul3A_35, %reduce_sum3A_36 [1] : vector<2000x256xf32> to vector<2000xf32>
    %broadcast_in_dim3A_38 = vector.shape_cast %reduce_sum3A_37 : vector<2000xf32> to vector<2000x1xf32>
    %div3A_39 = arith.constant 2.560000e+02 : f32
    %div3A_40 = vector.broadcast %div3A_39 : f32 to vector<2000x1xf32>
    %div3A_41 = arith.divf %broadcast_in_dim3A_38, %div3A_40 : vector<2000x1xf32>
    %add3A_42 = arith.constant 9.99999974E-6 : f32
    %add3A_43 = vector.broadcast %add3A_42 : f32 to vector<2000x1xf32>
    %add3A_44 = arith.addf %div3A_41, %add3A_43 : vector<2000x1xf32>
    %rsqrt3A = math.rsqrt %add3A_44 : vector<2000x1xf32>
    %mul3A_45 = vector.broadcast %rsqrt3A : vector<2000x1xf32> to vector<2000x256xf32>
    %mul3A_46 = arith.mulf %sub3A_34, %mul3A_45 : vector<2000x256xf32>
    %get3A_47 = arith.constant 0 : index
    %get3A_48 = arith.constant 0 : index
    %get3A_49 = vector.load %arg5[%get3A_47, %get3A_48] : memref<1x256xf32, #tpu.memory_space<vmem>>, vector<1x256xf32>
    %mul3A_50 = vector.broadcast %get3A_49 : vector<1x256xf32> to vector<2000x256xf32>
    %mul3A_51 = arith.mulf %mul3A_46, %mul3A_50 : vector<2000x256xf32>
    %get3A_52 = arith.constant 0 : index
    %get3A_53 = arith.constant 0 : index
    %get3A_54 = vector.load %arg6[%get3A_52, %get3A_53] : memref<1x256xf32, #tpu.memory_space<vmem>>, vector<1x256xf32>
    %add3A_55 = vector.broadcast %get3A_54 : vector<1x256xf32> to vector<2000x256xf32>
    %add3A_56 = arith.addf %mul3A_51, %add3A_55 : vector<2000x256xf32>
    %get3A_57 = arith.constant 0 : index
    %get3A_58 = arith.constant 0 : index
    %get3A_59 = vector.load %arg7[%get3A_57, %get3A_58] : memref<256x256xf32, #tpu.memory_space<vmem>>, vector<256x256xf32>
    %dot_general3A = arith.constant dense<0.000000e+00> : vector<2000x256xf32>
    %dot_general3A_60 = tpu.matmul %add3A_56, %get3A_59, %dot_general3A {dimension_numbers = #tpu.dot_dimension_numbers<[1], [0], [0], [1], [0, 0, 1, 1], [], []>, transpose_lhs_hint = false} : vector<2000x256xf32>, vector<256x256xf32>, vector<2000x256xf32> -> vector<2000x256xf32>
    %mul3A_61 = vector.broadcast %get3A_22 : vector<2000x1xf32> to vector<2000x256xf32>
    %mul3A_62 = arith.mulf %dot_general3A_60, %mul3A_61 : vector<2000x256xf32>
    %slice3A = vector.extract_strided_slice %mul3A_62 {offsets = [0, 0], sizes = [2000, 128], strides = [1, 1]} : vector<2000x256xf32> to vector<2000x128xf32>
    %swap3A = arith.constant 0 : index
    %swap3A_63 = arith.constant 0 : index
    %swap3A_64 = arith.constant 0 : index
    %swap3A_65 = vector.load %arg8[%swap3A, %swap3A_63, %swap3A_64] : memref<2x2000x128xf32, #tpu.memory_space<vmem>>, vector<1x2000x128xf32>
    %swap3A_66 = vector.shape_cast %swap3A_65 : vector<1x2000x128xf32> to vector<2000x128xf32>
    %swap3A_67 = vector.shape_cast %slice3A : vector<2000x128xf32> to vector<1x2000x128xf32>
    tpu.vector_store %arg8[%swap3A, %swap3A_63, %swap3A_64], %swap3A_67 {strides = array<i32>} : memref<2x2000x128xf32, #tpu.memory_space<vmem>>, vector<1x2000x128xf32>,
    %slice3A_68 = vector.extract_strided_slice %mul3A_62 {offsets = [0, 128], sizes = [2000, 128], strides = [1, 1]} : vector<2000x256xf32> to vector<2000x128xf32>
    %swap3A_69 = arith.constant 1 : index
    %swap3A_70 = arith.constant 0 : index
    %swap3A_71 = arith.constant 0 : index
    %swap3A_72 = vector.load %arg8[%swap3A_69, %swap3A_70, %swap3A_71] : memref<2x2000x128xf32, #tpu.memory_space<vmem>>, vector<1x2000x128xf32>
    %swap3A_73 = vector.shape_cast %swap3A_72 : vector<1x2000x128xf32> to vector<2000x128xf32>
    %swap3A_74 = vector.shape_cast %slice3A_68 : vector<2000x128xf32> to vector<1x2000x128xf32>
    tpu.vector_store %arg8[%swap3A_69, %swap3A_70, %swap3A_71], %swap3A_74 {strides = array<i32>} : memref<2x2000x128xf32, #tpu.memory_space<vmem>>, vector<1x2000x128xf32>,
    return
  }
  func.func @transform_0(%arg0: i32) -> (i32, i32, i32) {
    %c0_i32 = arith.constant 0 : i32
    %c0_i32_0 = arith.constant 0 : i32
    %c0_i32_1 = arith.constant 0 : i32
    return %c0_i32, %arg0, %c0_i32_0 : i32, i32, i32
  }
  func.func @transform_1(%arg0: i32) -> (i32, i32, i32) {
    %c0_i32 = arith.constant 0 : i32
    %c0_i32_0 = arith.constant 0 : i32
    %c0_i32_1 = arith.constant 0 : i32
    return %c0_i32, %arg0, %c0_i32_0 : i32, i32, i32
  }
  func.func @transform_2(%arg0: i32) -> (i32, i32) {
    %c0_i32 = arith.constant 0 : i32
    %c0_i32_0 = arith.constant 0 : i32
    return %arg0, %c0_i32 : i32, i32
  }
  func.func @transform_3(%arg0: i32) -> (i32, i32) {
    %c0_i32 = arith.constant 0 : i32
    %c0_i32_0 = arith.constant 0 : i32
    %c0_i32_1 = arith.constant 0 : i32
    return %c0_i32, %c0_i32_0 : i32, i32
  }
  func.func @transform_4(%arg0: i32) -> (i32, i32) {
    %c0_i32 = arith.constant 0 : i32
    %c0_i32_0 = arith.constant 0 : i32
    %c0_i32_1 = arith.constant 0 : i32
    return %c0_i32, %c0_i32_0 : i32, i32
  }
  func.func @transform_5(%arg0: i32) -> (i32, i32) {
    %c0_i32 = arith.constant 0 : i32
    %c0_i32_0 = arith.constant 0 : i32
    %c0_i32_1 = arith.constant 0 : i32
    return %c0_i32, %c0_i32_0 : i32, i32
  }
  func.func @transform_6(%arg0: i32) -> (i32, i32) {
    %c0_i32 = arith.constant 0 : i32
    %c0_i32_0 = arith.constant 0 : i32
    %c0_i32_1 = arith.constant 0 : i32
    return %c0_i32, %c0_i32_0 : i32, i32
  }
  func.func @transform_7(%arg0: i32) -> (i32, i32, i32) {
    %c0_i32 = arith.constant 0 : i32
    %c0_i32_0 = arith.constant 0 : i32
    %c0_i32_1 = arith.constant 0 : i32
    return %c0_i32, %arg0, %c0_i32_0 : i32, i32, i32
  }
}

module attributes {stable_mosaic.version = 14 : i64} {
  func.func @_tc_final_body(%arg0: i32, %arg1: memref<2x2000x128xf32, #tpu.memory_space<vmem>>, %arg2: memref<2x2000x128xf32, #tpu.memory_space<vmem>>, %arg3: memref<2000x1xf32, #tpu.memory_space<vmem>>, %arg4: memref<1x256xf32, #tpu.memory_space<vmem>>, %arg5: memref<256x256xf32, #tpu.memory_space<vmem>>, %arg6: memref<1x256xf32, #tpu.memory_space<vmem>>, %arg7: memref<256x64xf32, #tpu.memory_space<vmem>>, %arg8: memref<1x64xf32, #tpu.memory_space<vmem>>, %arg9: memref<2000x256xf32, #tpu.memory_space<vmem>>, %arg10: memref<2000x64xf32, #tpu.memory_space<vmem>>) attributes {dimension_semantics = [#tpu.dimension_semantics<arbitrary>], iteration_bounds = array<i64: 5>, scalar_prefetch = 0 : i64, scratch_operands = 0 : i64, tpu.core_type = #tpu.core_type<tc>, window_params = [{transform_indices = @transform_0, window_bounds = array<i64: 2, 2000, 128>}, {transform_indices = @transform_1, window_bounds = array<i64: 2, 2000, 128>}, {transform_indices = @transform_2, window_bounds = array<i64: 2000, 1>}, {pipeline_mode = #tpu.pipeline_mode<synchronous>, transform_indices = @transform_3, window_bounds = array<i64: 1, 256>}, {pipeline_mode = #tpu.pipeline_mode<synchronous>, transform_indices = @transform_4, window_bounds = array<i64: 256, 256>}, {pipeline_mode = #tpu.pipeline_mode<synchronous>, transform_indices = @transform_5, window_bounds = array<i64: 1, 256>}, {pipeline_mode = #tpu.pipeline_mode<synchronous>, transform_indices = @transform_6, window_bounds = array<i64: 256, 64>}, {pipeline_mode = #tpu.pipeline_mode<synchronous>, transform_indices = @transform_7, window_bounds = array<i64: 1, 64>}, {transform_indices = @transform_8, window_bounds = array<i64: 2000, 256>}, {transform_indices = @transform_9, window_bounds = array<i64: 2000, 64>}]} {
    %get3A = arith.constant 0 : index
    %get3A_0 = arith.constant 0 : index
    %get3A_1 = arith.constant 0 : index
    %get3A_2 = vector.load %arg1[%get3A, %get3A_0, %get3A_1] : memref<2x2000x128xf32, #tpu.memory_space<vmem>>, vector<1x2000x128xf32>
    %get3A_3 = vector.shape_cast %get3A_2 : vector<1x2000x128xf32> to vector<2000x128xf32>
    %get3A_4 = arith.constant 0 : index
    %get3A_5 = arith.constant 0 : index
    %get3A_6 = arith.constant 0 : index
    %get3A_7 = vector.load %arg2[%get3A_4, %get3A_5, %get3A_6] : memref<2x2000x128xf32, #tpu.memory_space<vmem>>, vector<1x2000x128xf32>
    %get3A_8 = vector.shape_cast %get3A_7 : vector<1x2000x128xf32> to vector<2000x128xf32>
    %add3A = arith.addf %get3A_3, %get3A_8 : vector<2000x128xf32>
    %get3A_9 = arith.constant 1 : index
    %get3A_10 = arith.constant 0 : index
    %get3A_11 = arith.constant 0 : index
    %get3A_12 = vector.load %arg1[%get3A_9, %get3A_10, %get3A_11] : memref<2x2000x128xf32, #tpu.memory_space<vmem>>, vector<1x2000x128xf32>
    %get3A_13 = vector.shape_cast %get3A_12 : vector<1x2000x128xf32> to vector<2000x128xf32>
    %get3A_14 = arith.constant 1 : index
    %get3A_15 = arith.constant 0 : index
    %get3A_16 = arith.constant 0 : index
    %get3A_17 = vector.load %arg2[%get3A_14, %get3A_15, %get3A_16] : memref<2x2000x128xf32, #tpu.memory_space<vmem>>, vector<1x2000x128xf32>
    %get3A_18 = vector.shape_cast %get3A_17 : vector<1x2000x128xf32> to vector<2000x128xf32>
    %add3A_19 = arith.addf %get3A_13, %get3A_18 : vector<2000x128xf32>
    %concatenate3A = tpu.concatenate %add3A, %add3A_19 in 1 : vector<2000x128xf32>, vector<2000x128xf32> -> vector<2000x256xf32>
    %get3A_20 = arith.constant 0 : index
    %get3A_21 = arith.constant 0 : index
    %get3A_22 = vector.load %arg3[%get3A_20, %get3A_21] : memref<2000x1xf32, #tpu.memory_space<vmem>>, vector<2000x1xf32>
    %mul3A = vector.broadcast %get3A_22 : vector<2000x1xf32> to vector<2000x256xf32>
    %mul3A_23 = arith.mulf %concatenate3A, %mul3A : vector<2000x256xf32>
    %get3A_24 = arith.constant 0 : index
    %get3A_25 = arith.constant 0 : index
    %get3A_26 = vector.load %arg4[%get3A_24, %get3A_25] : memref<1x256xf32, #tpu.memory_space<vmem>>, vector<1x256xf32>
    %add3A_27 = vector.broadcast %get3A_26 : vector<1x256xf32> to vector<2000x256xf32>
    %add3A_28 = arith.addf %mul3A_23, %add3A_27 : vector<2000x256xf32>
    %max3A = arith.constant 0.000000e+00 : f32
    %max3A_29 = vector.broadcast %max3A : f32 to vector<2000x256xf32>
    %max3A_30 = arith.maximumf %add3A_28, %max3A_29 : vector<2000x256xf32>
    %get3A_31 = arith.constant 0 : index
    %get3A_32 = arith.constant 0 : index
    %get3A_33 = vector.load %arg5[%get3A_31, %get3A_32] : memref<256x256xf32, #tpu.memory_space<vmem>>, vector<256x256xf32>
    %dot_general3A = arith.constant dense<0.000000e+00> : vector<2000x256xf32>
    %dot_general3A_34 = tpu.matmul %max3A_30, %get3A_33, %dot_general3A {dimension_numbers = #tpu.dot_dimension_numbers<[1], [0], [0], [1], [0, 0, 1, 1], [], []>, transpose_lhs_hint = false} : vector<2000x256xf32>, vector<256x256xf32>, vector<2000x256xf32> -> vector<2000x256xf32>
    %get3A_35 = arith.constant 0 : index
    %get3A_36 = arith.constant 0 : index
    %get3A_37 = vector.load %arg6[%get3A_35, %get3A_36] : memref<1x256xf32, #tpu.memory_space<vmem>>, vector<1x256xf32>
    %add3A_38 = vector.broadcast %get3A_37 : vector<1x256xf32> to vector<2000x256xf32>
    %add3A_39 = arith.addf %dot_general3A_34, %add3A_38 : vector<2000x256xf32>
    %get3A_40 = arith.constant 0 : index
    %get3A_41 = arith.constant 0 : index
    %get3A_42 = vector.load %arg7[%get3A_40, %get3A_41] : memref<256x64xf32, #tpu.memory_space<vmem>>, vector<256x64xf32>
    %dot_general3A_43 = arith.constant dense<0.000000e+00> : vector<2000x64xf32>
    %dot_general3A_44 = tpu.matmul %add3A_39, %get3A_42, %dot_general3A_43 {dimension_numbers = #tpu.dot_dimension_numbers<[1], [0], [0], [1], [0, 0, 1, 1], [], []>, transpose_lhs_hint = false} : vector<2000x256xf32>, vector<256x64xf32>, vector<2000x64xf32> -> vector<2000x64xf32>
    %get3A_45 = arith.constant 0 : index
    %get3A_46 = arith.constant 0 : index
    %get3A_47 = vector.load %arg8[%get3A_45, %get3A_46] : memref<1x64xf32, #tpu.memory_space<vmem>>, vector<1x64xf32>
    %add3A_48 = vector.broadcast %get3A_47 : vector<1x64xf32> to vector<2000x64xf32>
    %add3A_49 = arith.addf %dot_general3A_44, %add3A_48 : vector<2000x64xf32>
    %reduce_max3A = arith.constant dense<0xFF800000> : vector<2000xf32>
    %reduce_max3A_50 = vector.multi_reduction <maximumf>, %add3A_49, %reduce_max3A [1] : vector<2000x64xf32> to vector<2000xf32>
    %broadcast_in_dim3A = vector.shape_cast %reduce_max3A_50 : vector<2000xf32> to vector<2000x1xf32>
    %sub3A = vector.broadcast %broadcast_in_dim3A : vector<2000x1xf32> to vector<2000x64xf32>
    %sub3A_51 = arith.subf %add3A_49, %sub3A : vector<2000x64xf32>
    %exp3A = math.exp %sub3A_51 : vector<2000x64xf32>
    %reduce_sum3A = arith.constant dense<0.000000e+00> : vector<2000xf32>
    %reduce_sum3A_52 = vector.multi_reduction <add>, %exp3A, %reduce_sum3A [1] : vector<2000x64xf32> to vector<2000xf32>
    %broadcast_in_dim3A_53 = vector.shape_cast %reduce_sum3A_52 : vector<2000xf32> to vector<2000x1xf32>
    %log3A = math.log %broadcast_in_dim3A_53 : vector<2000x1xf32>
    %swap3A = arith.constant 0 : index
    %swap3A_54 = arith.constant 0 : index
    %swap3A_55 = vector.load %arg9[%swap3A, %swap3A_54] : memref<2000x256xf32, #tpu.memory_space<vmem>>, vector<2000x256xf32>
    tpu.vector_store %arg9[%swap3A, %swap3A_54], %add3A_28 {strides = array<i32>} : memref<2000x256xf32, #tpu.memory_space<vmem>>, vector<2000x256xf32>,
    %sub3A_56 = vector.broadcast %log3A : vector<2000x1xf32> to vector<2000x64xf32>
    %sub3A_57 = arith.subf %sub3A_51, %sub3A_56 : vector<2000x64xf32>
    %swap3A_58 = arith.constant 0 : index
    %swap3A_59 = arith.constant 0 : index
    %swap3A_60 = vector.load %arg10[%swap3A_58, %swap3A_59] : memref<2000x64xf32, #tpu.memory_space<vmem>>, vector<2000x64xf32>
    tpu.vector_store %arg10[%swap3A_58, %swap3A_59], %sub3A_57 {strides = array<i32>} : memref<2000x64xf32, #tpu.memory_space<vmem>>, vector<2000x64xf32>,
    return
  }
  func.func @transform_0(%arg0: i32) -> (i32, i32, i32) {
    %c0_i32 = arith.constant 0 : i32
    %c0_i32_0 = arith.constant 0 : i32
    %c0_i32_1 = arith.constant 0 : i32
    return %c0_i32, %arg0, %c0_i32_0 : i32, i32, i32
  }
  func.func @transform_1(%arg0: i32) -> (i32, i32, i32) {
    %c0_i32 = arith.constant 0 : i32
    %c0_i32_0 = arith.constant 0 : i32
    %c0_i32_1 = arith.constant 0 : i32
    return %c0_i32, %arg0, %c0_i32_0 : i32, i32, i32
  }
  func.func @transform_2(%arg0: i32) -> (i32, i32) {
    %c0_i32 = arith.constant 0 : i32
    %c0_i32_0 = arith.constant 0 : i32
    return %arg0, %c0_i32 : i32, i32
  }
  func.func @transform_3(%arg0: i32) -> (i32, i32) {
    %c0_i32 = arith.constant 0 : i32
    %c0_i32_0 = arith.constant 0 : i32
    %c0_i32_1 = arith.constant 0 : i32
    return %c0_i32, %c0_i32_0 : i32, i32
  }
  func.func @transform_4(%arg0: i32) -> (i32, i32) {
    %c0_i32 = arith.constant 0 : i32
    %c0_i32_0 = arith.constant 0 : i32
    %c0_i32_1 = arith.constant 0 : i32
    return %c0_i32, %c0_i32_0 : i32, i32
  }
  func.func @transform_5(%arg0: i32) -> (i32, i32) {
    %c0_i32 = arith.constant 0 : i32
    %c0_i32_0 = arith.constant 0 : i32
    %c0_i32_1 = arith.constant 0 : i32
    return %c0_i32, %c0_i32_0 : i32, i32
  }
  func.func @transform_6(%arg0: i32) -> (i32, i32) {
    %c0_i32 = arith.constant 0 : i32
    %c0_i32_0 = arith.constant 0 : i32
    %c0_i32_1 = arith.constant 0 : i32
    return %c0_i32, %c0_i32_0 : i32, i32
  }
  func.func @transform_7(%arg0: i32) -> (i32, i32) {
    %c0_i32 = arith.constant 0 : i32
    %c0_i32_0 = arith.constant 0 : i32
    %c0_i32_1 = arith.constant 0 : i32
    return %c0_i32, %c0_i32_0 : i32, i32
  }
  func.func @transform_8(%arg0: i32) -> (i32, i32) {
    %c0_i32 = arith.constant 0 : i32
    %c0_i32_0 = arith.constant 0 : i32
    return %arg0, %c0_i32 : i32, i32
  }
  func.func @transform_9(%arg0: i32) -> (i32, i32) {
    %c0_i32 = arith.constant 0 : i32
    %c0_i32_0 = arith.constant 0 : i32
    return %arg0, %c0_i32 : i32, i32
  }
}

</mosaic_0001>

<sc_bundles>
// kernel: kernel.10.cloned.1.call-start
scs
__scs_entry_jumppad:
0x0: {  	(pc) =	sbr.rel $0x88, $3  }
0x1: {  	(tag) =	ssettag $0x0;
	lr =	simm.s32 $0x1  }
0x2: {  	[smem:$0x3F91] =	sst lr;
	_ =	strace $0xD0000000  }
0x3: {  	_ = 	snop  }
0x4: {  	_ = 	snop  }
0x5: {  	_ = 	snop  }
0x6: {  	_ = 	snop  }
0x7: {  	_ = 	snop  }
__scs_overlays_trampoline_lowered:
0x8: {  	[smem:$0x3FA0] =	sst s0  }
0x9: {  	[smem:$0x3FA1] =	sst s1  }
0xa: {  	[smem:$0x3FA2] =	sst s2  }
0xb: {  	[smem:$0x3FA3] =	sst s3  }
0xc: {  	[smem:$0x3FA4] =	sst s4  }
0xd: {  	[smem:$0x3FA5] =	sst s5  }
0xe: {  	[smem:$0x3FA6] =	sst s6  }
0xf: {  	[smem:$0x3FA7] =	sst s7  }
0x10: {  	[smem:$0x3FA8] =	sst s8  }
0x11: {  	[smem:$0x3FA9] =	sst s9;
	s0 =	simm.s32 @!p0 $0x0  }
0x12: {  	s1 =	sld [smem:$0x3F8F];
	s0 =	simm.s32 @p0 $0x1  }
0x13: {  	[smem:$0x3FAA] =	sst s0;
	s0 =	simm.s32 @!p1 $0x0  }
0x14: {  	s2 =	sld [smem:$0x3F8E];
	s0 =	simm.s32 @p1 $0x1  }
0x15: {  	[smem:$0x3FAB] =	sst s0;
	s0 =	simm.s32 @!p2 $0x0  }
0x16: {  	s3 =	sld [smem:$0x3FDB];
	s0 =	simm.s32 @p2 $0x1  }
0x17: {  	s4 =	simm.s32 $0x1BF5;
	[smem:$0x3FAD] =	sst s0  }
0x18: {  	s0 =	sld [smem:$0x3F90];
	_ =	swait.ge [sflag:s4], $0x0  }
0x19: {  	s7 =	sld [smem:$0x3F91]  }
0x1a: {  	s8 =	sadd.s32 $0xFFFFE003, lr  }
0x1b: {  	s9 =	sadd.s32 $0xFFFFFEF7, lr;
	s5 =	simm.s32 $0xFFFFFFFF;
	p2 =	slt.u32 s8, $0xFFFFF086  }
0x1c: {  	p1 =	slt.u32 s9, $0xF7A;
	s5 =	simm.s32 @!p2 $0x0  }
0x1d: {  	s5 =	simm.s32 @p1 $0x1;
	p0 =	seq.s32 s7, s2  }
0x1e: {  	s7 =	smul.u32 @!p0 $0xF7A, s2;
	p2 =	seq.s32 @!p0 s5, $0x0  }
0x1f: {  	s9 =	smul.u32 $0xF7A, s1;
	s8 =	simm.s32 @!p0 $0x1BF5;
	p2 =	por !p2, p0  }
0x20: {  	[sflag:s8] =	ssyncset.s32 @!p0 $0xFFFFF086;
	s6 =	sadd.s32 @!p0 s3, s7;
	s7 =	simm.s32 @!p0 $0x108  }
0x21: {  	s3 =	sadd.s32 s3, s9;
	s6 =	sadd.s32 @!p0 $0x88, s6;
	s7 =	simm.s32 @p2 $0x1082  }
0x22: {  	[simem:s7], [sflag:s8] =	dma.local @!p0 [hbm:s6], $0xF7A  }
0x23: {  	s9 =	sor.u32 $0xD0000000, s2;
	s6 =	simm.s32 $0x108;
	_ =	swait.ge @!p0 [sflag:s8], $0x0  }
0x24: {  	s3 =	sadd.s32 $0x88, s3;
	s6 =	simm.s32 @!p1 $0x1082;
	[sflag:s4] =	ssyncset.s32 $0xFFFFF086  }
0x25: {  	[simem:s6], [sflag:s4] =	dma.local [hbm:s3], $0xF7A  }
0x26: {  	[smem:$0x3F91] =	sst s1;
	(tag) =	ssettag s2;
	_ =	strace s9  }
0x27: {  	s1 =	sld [smem:$0x3FA1]  }
0x28: {  	s2 =	sld [smem:$0x3FA2]  }
0x29: {  	s4 =	sld [smem:$0x3FA4]  }
0x2a: {  	p0 =	seq.s32 s5, $0x0;
	s5 =	sld [smem:$0x3FA5]  }
0x2b: {  	s6 =	sld [smem:$0x3FA6]  }
0x2c: {  	s7 =	sld [smem:$0x3FA7]  }
0x2d: {  	s3 =	simm.s32 $0x108;
	s8 =	sld [smem:$0x3FA8]  }
0x2e: {  	s3 =	simm.s32 @!p0 $0x1082;
	s9 =	sld [smem:$0x3FA9]  }
0x2f: {  	lr =	sadd.s32 s0, s3;
	s0 =	sld [smem:$0x3FA0]  }
0x30: {  	s3 =	sld [smem:$0x3FA3]  }
0x31: {  	[smem:$0x3FAC] =	sst s10  }
0x32: {  	s10 =	sld [smem:$0x3FAA];
	_ =	sdelay $0x3  }
0x33: {  	p0 =	seq.s32 s10, $0x1;
	s10 =	sld [smem:$0x3FAC];
	_ =	sdelay $0x3  }
0x34: {  	[smem:$0x3FAC] =	sst s10  }
0x35: {  	s10 =	sld [smem:$0x3FAB];
	_ =	sdelay $0x3  }
0x36: {  	p1 =	seq.s32 s10, $0x1;
	s10 =	sld [smem:$0x3FAC];
	_ =	sdelay $0x3  }
0x37: {  	[smem:$0x3FAC] =	sst s10  }
0x38: {  	s10 =	sld [smem:$0x3FAD]  }
0x39: {  	_ = 	snop;
	(pc) =	sbr.ind lr, $3  }
0x3a: {  	_ = 	snop  }
0x3b: {  	_ = 	snop  }
0x3c: {  	p2 =	seq.s32 s10, $0x1;
	s10 =	sld [smem:$0x3FAC]  }
0x3d: {  	_ =	shalt  }
0x3e: {  	_ =	shalt  }
0x3f: {  	_ =	shalt  }
0x40: {  	_ =	shalt  }
0x41: {  	_ =	shalt  }
0x42: {  	_ =	shalt  }
0x43: {  	_ =	shalt  }
0x44: {  	_ =	shalt  }
0x45: {  	_ =	shalt  }
0x46: {  	_ =	shalt  }
0x47: {  	_ =	shalt  }
0x48: {  	_ =	shalt  }
0x49: {  	_ =	shalt  }
0x4a: {  	_ =	shalt  }
0x4b: {  	_ =	shalt  }
0x4c: {  	_ =	shalt  }
0x4d: {  	_ =	shalt  }
0x4e: {  	_ =	shalt  }
0x4f: {  	_ =	shalt  }
0x50: {  	_ =	shalt  }
0x51: {  	_ =	shalt  }
0x52: {  	_ =	shalt  }
0x53: {  	_ =	shalt  }
0x54: {  	_ =	shalt  }
0x55: {  	_ =	shalt  }
0x56: {  	_ =	shalt  }
0x57: {  	_ =	shalt  }
0x58: {  	_ =	shalt  }
0x59: {  	_ =	shalt  }
0x5a: {  	_ =	shalt  }
0x5b: {  	_ =	shalt  }
0x5c: {  	_ =	shalt  }
0x5d: {  	_ =	shalt  }
0x5e: {  	_ =	shalt  }
0x5f: {  	_ =	shalt  }
0x60: {  	_ =	shalt  }
0x61: {  	_ =	shalt  }
0x62: {  	_ =	shalt  }
0x63: {  	_ =	shalt  }
0x64: {  	_ =	shalt  }
0x65: {  	_ =	shalt  }
0x66: {  	_ =	shalt  }
0x67: {  	_ =	shalt  }
0x68: {  	_ =	shalt  }
0x69: {  	_ =	shalt  }
0x6a: {  	_ =	shalt  }
0x6b: {  	_ =	shalt  }
0x6c: {  	_ =	shalt  }
0x6d: {  	_ =	shalt  }
0x6e: {  	_ =	shalt  }
0x6f: {  	_ =	shalt  }
0x70: {  	_ =	shalt  }
0x71: {  	_ =	shalt  }
0x72: {  	_ =	shalt  }
0x73: {  	_ =	shalt  }
0x74: {  	_ =	shalt  }
0x75: {  	_ =	shalt  }
0x76: {  	_ =	shalt  }
0x77: {  	_ =	shalt  }
0x78: {  	_ =	shalt  }
0x79: {  	_ =	shalt  }
0x7a: {  	_ =	shalt  }
0x7b: {  	_ =	shalt  }
0x7c: {  	_ =	shalt  }
0x7d: {  	_ =	shalt  }
0x7e: {  	_ =	shalt  }
0x7f: {  	_ =	shalt  }
0x80: {  	_ =	shalt  }
0x81: {  	_ =	shalt  }
0x82: {  	_ =	shalt  }
0x83: {  	_ =	shalt  }
0x84: {  	_ =	shalt  }
0x85: {  	_ =	shalt  }
0x86: {  	_ =	shalt  }
0x87: {  	_ =	shalt  }
.Lfunc_end0:
.L_simem_size_0:
called_computation_lowered:
.L_overlay_start_0:
0x88: {  	s2 =	sld [smem:$0x3FD9]  }
0x89: {  	s3 =	sld [smem:$0x3FFE];
	_ =	sdelay $0x1  }
0x8a: {  	s1 =	srdreg.scid  }
0x8b: {  	s0 =	sand.u32 $0x1, s1  }
0x8c: {  	s16 =	sshll.u32 s0, $0xA;
	s2 =	sadd.s32 s3, s2  }
0x8d: {  	s2 =	sadd.s32 s2, s16  }
0x8e: {  	[smem:$0x3FB8] =	sst s2  }
0x8f: {  	_ = 	snop  }
0x90: {  	(tm) =	ssettm $0x1  }
0x91: {  	s17 =	sld [smem:$0x3FFB];
	_ =	sdelay $0x3  }
0x92: {  	_ =	strace s17  }
0x93: {  	s2 =	sld [smem:$0x3FFC];
	_ =	sdelay $0x3  }
0x94: {  	_ =	strace s2  }
0x95: {  	s2 =	sld [smem:$0x3FFD];
	_ =	sdelay $0x3  }
0x96: {  	_ =	strace s2  }
0x97: {  	_ =	strace $0x8FFFFFFF  }
0x98: {  	s18 =	sld [smem:$0x3FDB];
	_ =	sdelay $0x1  }
0x99: {  	s19 =	simm.s32 $_scs_section_size  }
0x9a: {  	s4 =	simm.s32 $_size__tile_overlayer_lowered;
	s5 =	simm.s32 $_tile_overlayer_lowered  }
0x9b: {  	s22 =	simm.s32 $0x1BFF;
	s21 =	sshll.u32 s5, $0x1;
	s2 =	sadd.s32 s19, s18  }
0x9c: {  	s6 =	simm.s32 $0x0;
	s20 =	sshll.u32 s4, $0x1;
	s4 =	sadd.s32 s21, s2  }
0x9d: {  	[timem:s6], [sflag:s22] =	dma.local [hbm:s4], s20  }
0x9e: {  	_ =	swait.ge [sflag:s22], s20  }
0x9f: {  	s3 =	ssub.s32 $0x0, s20;
	[sflag:s22] =	ssyncset.done $0x0  }
0xa0: {  	[sflag:s22] =	ssyncadd.s32 s3;
	_ =	sdelay $0x1  }
0xa1: {  	s23 =	simm.s32 $0x1B8B  }
0xa2: {  	_ =	swait.ge [sflag:s23], $0x1  }
0xa3: {  	[sflag:s23] =	ssyncset.done $0x0  }
0xa4: {  	s25 =	simm.s32 $0x1B8E;
	s24 =	sld [smem:$0x3FFE];
	[sflag:s23] =	ssyncadd.s32 $0xFFFFFFFF  }
0xa5: {  	s26 =	simm.s32 $execute0_lowered;
	[smem:$0x3FD2] =	sst s25  }
0xa6: {  	s4 =	sshll.u32 s26, $0x1;
	_ =	strace $0x80000046;
	[dreg:$0x1] =	wrdreg $0xFFFFFFFF  }
0xa7: {  	s28 =	simm.s32 $_size_execute0_lowered;
	s2 =	sadd.s32 s2, s4;
	[dreg:$0x0] =	wrdreg $0x0  }
0xa8: {  	s4 =	sshll.u32 s28, $0x1;
	[dreg:$0x2] =	wrdreg s2  }
0xa9: {  	[dreg:$0x3] =	wrdreg s4  }
0xaa: {  	[dreg:$0x4] =	wrdreg $0xC0  }
0xab: {  	_ =	task [dreg:s6], $0x5FFFF  }
0xac: {  	[dreg:$0x1] =	wrdreg $0xFFFFFFFF  }
0xad: {  	[dreg:$0x0] =	wrdreg $0x60  }
0xae: {  	[dreg:$0x2] =	wrdreg s24  }
0xaf: {  	[dreg:$0x3] =	wrdreg $0x0  }
0xb0: {  	[dreg:$0x4] =	wrdreg $0x9  }
0xb1: {  	_ =	task.clear_ibuf [dreg:s6], $0x5FFFF;
	_ =	strace $0x90000046  }
0xb2: {  	s29 =	simm.s32 $0x9;
	_ =	strace $0x80000048  }
0xb3: {  	_ =	swait.ge [sflag:s29], $0x1  }
0xb4: {  	[sflag:s29] =	ssyncadd.s32 $0xFFFFFFFF  }
0xb5: {  	_ =	strace $0x90000048  }
0xb6: {  	_ =	sfence  }
0xb7: {  	s30 =	sld [smem:$0x0];
	_ =	sdelay $0x2  }
0xb8: {  	s31 =	sshll.u32 s1, $0xD;
	s1 =	sshrl.u32 s1, $0x2  }
0xb9: {  	s3 =	sand.u32 $0x4000, s31;
	s1 =	sadd.s32 s1, s30  }
0xba: {  	s0 =	sor.u32 s3, s0;
	s1 =	sshll.u32 s1, $0x11  }
0xbb: {  	s0 =	sor.u32 s1, s0  }
0xbc: {  	s0 =	sadd.s32 $0x8F2B, s0  }
0xbd: {  	[sflag:s0] =	ssyncadd.remote.s32 $0x1  }
0xbe: {  	_ =	sfence.sel $0xFFFF  }
0xbf: {  	[dreg:$0x0] =	wrdreg $0xFFFFFFFF;
	(pc) =	sbr.abs _section_cstart, $3  }
0xc0: {  	[dreg:$0x1] =	wrdreg $0xFFFFFFFF  }
0xc1: {  	_ =	task.clear_ibuf [dreg:s6], $0x2FFFF;
	_ =	strace $0x9FFFFFFF  }
0xc2: {  	(tm) =	ssettm $0x7FFFFFFF  }
0xc3: {  	_ =	shalt  }
tec
execute0_lowered:
.L_overlay_start_1:
0x0: {  	(tag) =	ssettag $0x1  }
0x1: {  	s5 =	rddreg [dreg:$0x0]  }
0x2: {  	s0 =	srdreg.scid;
	s2 =	rddreg [dreg:$0x1]  }
0x3: {  	s3 =	simm.s32 $0x0;
	s13 =	simm.s32 $0x1;
	s4 =	sand.u32 $0x1, s0  }
0x4: {  	s14 =	simm.s32 $0x13C00;
	s0 =	stileid.u32;
	s7 =	smul.u32 $0x13C000, s4  }
0x5: {  	s15 =	simm.s32 $0x80;
	s16 =	simm.s32 $0x15000;
	s8 =	smul.u32 $0x13C00, s0  }
0x6: {  	[smem:$0x7FF] =	sst s3;
	s1 =	sshll.u32 s4, $0x4;
	s9 =	smul.u32 $0x4F000, s0  }
0x7: {  	s4 =	ssub.s32 $0x2, s4;
	s17 =	sshll.u32 s0, $0x6;
	s1 =	sor.u32 s0, s1  }
0x8: {  	s30 =	sshrl.u32 s4, $0x1;
	s17 =	sor.u32 $0x1C01, s17;
	s6 =	smul.u32 $0x280, s1  }
0x9: {  	s1 =	rddreg [dreg:$0x2];
	_ =	strace $0x80000047;
	s31 =	sshrl.u32 s9, $0x2  }
0xa: {  	s29 =	sadd.s32 s8, s7;
	s12 =	ssub.s32 s4, s30;
	s4 =	sadd.s32 s31, s2  }
0xb: {  	s10 =	sadd.s32 s6, s5;
	s6 =	sshrl.u32 s29, $0x3;
	s7 =	sadd.s32 $0xC000, s4  }
0xc: {  	s8 =	sadd.s32 $0x10000, s4;
	s18 =	sshrl.u32 s4, $0x3;
	s11 =	sadd.s32 s6, s5  }
0xd: {  	s5 =	sadd.s32 $0x4000, s4;
	s6 =	sadd.s32 $0x8000, s4;
	s9 =	sadd.s32 $0x3C00, s10  }
0xe: {  	v0 =	vimm.f32 $1.000000000e+00;
	v1 =	vimm.f32 $0.0e+00;
	s10 =	sadd.s32 $0x8C00, s11;
	s11 =	smax.u32 s12, $0x1;
	s12 =	simm.s32 $0x19000  }
.LBB2_1:
0xf: {  	s19 =	simm.s32 $0x0;
	s20 =	simm.s32 $0x200  }
.LBB2_2:
0x10: {  	p0 =	sne.s32 s20, $0xFE00;
	[tilespmem:s19+$0x19070] =	vst v1  }
0x11: {  	[tilespmem:s19+$0x15000] =	vst v0  }
0x12: {  	[tilespmem:s19+$0x19000] =	vst v1  }
0x13: {  	[tilespmem:s19+$0x15010] =	vst v0  }
0x14: {  	[tilespmem:s19+$0x19010] =	vst v1  }
0x15: {  	[tilespmem:s19+$0x15020] =	vst v0  }
0x16: {  	[tilespmem:s19+$0x19020] =	vst v1  }
0x17: {  	[tilespmem:s19+$0x15030] =	vst v0  }
0x18: {  	[tilespmem:s19+$0x19030] =	vst v1  }
0x19: {  	[tilespmem:s19+$0x15040] =	vst v0  }
0x1a: {  	[tilespmem:s19+$0x19040] =	vst v1  }
.Ltmp0:
0x1b: {  	[tilespmem:s19+$0x15050] =	vst v0;
	(pc) =	sbr.rel @p0 .LBB2_2-.Ltmp0, $4  }
0x1c: {  	[tilespmem:s19+$0x19050] =	vst v1  }
0x1d: {  	[tilespmem:s19+$0x15060] =	vst v0  }
0x1e: {  	[tilespmem:s19+$0x19060] =	vst v1  }
0x1f: {  	[tilespmem:s19+$0x15070] =	vst v0;
	s19 =	sshra.s32 s20, $0x2;
	s20 =	sadd.s32 $0x200, s20  }
0x20: {  	[tilespmem:s19+$0x19070] =	vst v1  }
0x21: {  	[tilespmem:s19+$0x15000] =	vst v0  }
0x22: {  	[tilespmem:s19+$0x19000] =	vst v1  }
0x23: {  	[tilespmem:s19+$0x15010] =	vst v0  }
0x24: {  	[tilespmem:s19+$0x19010] =	vst v1  }
0x25: {  	[tilespmem:s19+$0x15020] =	vst v0  }
0x26: {  	[tilespmem:s19+$0x19020] =	vst v1  }
0x27: {  	[tilespmem:s19+$0x15030] =	vst v0  }
0x28: {  	[tilespmem:s19+$0x19030] =	vst v1  }
0x29: {  	[tilespmem:s19+$0x15040] =	vst v0  }
0x2a: {  	[tilespmem:s19+$0x19040] =	vst v1  }
0x2b: {  	[tilespmem:s19+$0x15050] =	vst v0  }
0x2c: {  	[tilespmem:s19+$0x19050] =	vst v1  }
0x2d: {  	[tilespmem:s19+$0x15060] =	vst v0  }
0x2e: {  	[tilespmem:s19+$0x19060] =	vst v1  }
0x2f: {  	[tilespmem:s19+$0x15070] =	vst v0  }
0x30: {  	[spmem:s4] =	stream.linear.scatter [tilespmem:s12], [sflag:$0x1], $0x4000, $0x38;
	[tilespmem:$0x1D000] =	vst v63  }
0x31: {  	_ =	swait.ge [sflag:s13], $0x4000  }
0x32: {  	[sflag:s13] =	ssyncset.done $0x0  }
0x33: {  	[sflag:s13] =	ssyncadd.s32 $0xFFFFC000  }
0x34: {  	[spmem:s5] =	stream.linear.scatter [tilespmem:s12], [sflag:$0x1], $0x4000, $0x38;
	[tilespmem:$0x1D000] =	vst v63  }
0x35: {  	_ =	swait.ge [sflag:s13], $0x4000  }
0x36: {  	[sflag:s13] =	ssyncset.done $0x0  }
0x37: {  	[sflag:s13] =	ssyncadd.s32 $0xFFFFC000  }
0x38: {  	[spmem:s6] =	stream.linear.scatter [tilespmem:s12], [sflag:$0x1], $0x4000, $0x38;
	[tilespmem:$0x1D000] =	vst v63  }
0x39: {  	_ =	swait.ge [sflag:s13], $0x4000  }
0x3a: {  	[sflag:s13] =	ssyncset.done $0x0  }
0x3b: {  	[sflag:s13] =	ssyncadd.s32 $0xFFFFC000  }
0x3c: {  	[spmem:s7] =	stream.linear.scatter [tilespmem:s12], [sflag:$0x1], $0x4000, $0x38;
	[tilespmem:$0x1D000] =	vst v63  }
0x3d: {  	_ =	swait.ge [sflag:s13], $0x4000  }
0x3e: {  	[sflag:s13] =	ssyncset.done $0x0  }
0x3f: {  	[sflag:s13] =	ssyncadd.s32 $0xFFFFC000  }
0x40: {  	[spmem:s8] =	stream.linear.scatter [tilespmem:s12], [sflag:$0x1], $0x3C00, $0x38;
	[tilespmem:$0x1D000] =	vst v63  }
0x41: {  	_ =	swait.ge [sflag:s13], $0x3C00  }
0x42: {  	[sflag:s13] =	ssyncset.done $0x0  }
0x43: {  	s30 =	simm.s32 $0x0;
	[sflag:s13] =	ssyncadd.s32 $0xFFFFC400  }
0x44: {  	[tilespmem:s14], [sflag:$0x1] =	stream.linear.gather [hbm4b:s9+s30], $0x1400, $0x38;
	[tilespmem:$0x1D000] =	vst v63  }
0x45: {  	_ =	swait.ge [sflag:s13], $0x1400  }
0x46: {  	[sflag:s13] =	ssyncset.done $0x0  }
0x47: {  	[sflag:s13] =	ssyncadd.s32 $0xFFFFEC00  }
0x48: {  	s31 =	simm.s32 $0x13C00;
	[bflag:$0x0] =	sbarrier.arrive $0xFFFF  }
0x49: {  	[spmem:s2] =	stream.indirect.scatter.add.f32 [tilespmem:s16], [sflag:$0x1], $0x80, s31, s15, $0xb8;
	[tilespmem:$0x1D000] =	vst v63  }
0x4a: {  	s19 =	simm.s32 $0x200;
	_ =	swait.ge [sflag:s13], $0x4000  }
.LBB2_4:
0x4b: {  	s20 =	sshra.s32 s19, $0x2;
	[sflag:s13] =	ssyncset.done $0x0;
	p0 =	sne.s32 s19, $0x4E00  }
.Ltmp1:
0x4c: {  	s20 =	sadd.s32 $0x13C00, s20;
	[sflag:s13] =	ssyncadd.s32 $0xFFFFC000;
	(pc) =	sbr.rel @p0 .LBB2_4-.Ltmp1, $3  }
0x4d: {  	[spmem:s2] =	stream.indirect.scatter.add.f32 [tilespmem:s16], [sflag:$0x1], $0x80, s20, s15, $0xb8;
	[tilespmem:$0x1D000] =	vst v63  }
0x4e: {  	s19 =	sadd.s32 $0x200, s19;
	_ =	sdelay $0x1  }
0x4f: {  	_ =	swait.ge [sflag:s13], $0x4000  }
0x50: {  	[sflag:s13] =	ssyncset.done $0x0;
	s3 =	sadd.s32 $0x1, s3  }
0x51: {  	[sflag:s13] =	ssyncadd.s32 $0xFFFFC000;
	p0 =	sne.s32 s3, s11  }
.Ltmp2:
0x52: {  	[bflag:$0x0] =	sbarrier.arrive $0xFFFF;
	(pc) =	sbr.rel @p0 .LBB2_1-.Ltmp2, $4  }
0x53: {  	[hbm:s10], [sflag:s17] =	dma.local [spmem:s18], $0x2780  }
0x54: {  	_ =	swait.ge [sflag:s13], $0x2780  }
0x55: {  	[sflag:s13] =	ssyncset.done $0x0  }
0x56: {  	[sflag:s13] =	ssyncadd.s32 $0xFFFFD880  }
0x57: {  	_ =	sfence.sel $0x180000  }
0x58: {  	[bflag:$0x0] =	sbarrier.arrive $0xFFFF  }
0x59: {  	p0 =	sne.s32 s0, $0x0;
	_ =	strace $0x90000047  }
0x5a: {  	s0 =	sadd.s32 @!p0 $0x100000, s1;
	[bflag:$0x2] =	sbarrier.arrive $0xFFFF  }
0x5b: {  	[sflag:s0] =	ssyncadd.tile.s32 @!p0 $0x1;
	_ =	shalt  }
.Lfunc_end2:
_tile_overlayer_lowered:
.L_overlay_start_2:
0x5c: {  	(tag) =	ssettag $0x2  }
0x5d: {  	s0 =	rddreg [dreg:$0x0];
	s2 =	stileid.u32  }
0x5e: {  	s1 =	rddreg [dreg:$0x1];
	p0 =	sne.s32 s2, $0x0  }
0x5f: {  	s3 =	rddreg [dreg:$0x2];
	[bflag:$0x3] =	sbarrier.arrive $0xFFFF;
	s2 =	simm.s32 @!p0 $0x1C01  }
0x60: {  	[timem:s3], [sflag:s2] =	dma.local @!p0 [hbm:s0], s1  }
0x61: {  	s0 =	simm.s32 @!p0 $0x1  }
0x62: {  	_ =	swait.ge @!p0 [sflag:s0], s1  }
0x63: {  	s1 =	ssub.s32 @!p0 $0x0, s1;
	[sflag:s0] =	ssyncset.done @!p0 $0x0  }
0x64: {  	[sflag:s0] =	ssyncadd.s32 @!p0 s1  }
0x65: {  	[bflag:$0x3] =	sbarrier.arrive $0xFFFF  }
0x66: {  	_ =	shalt  }

// kernel: kernel.13.cloned.1.call-start
scs
__scs_entry_jumppad:
0x0: {  	(pc) =	sbr.rel $0x88, $3  }
0x1: {  	(tag) =	ssettag $0x0;
	lr =	simm.s32 $0x1  }
0x2: {  	[smem:$0x3F91] =	sst lr;
	_ =	strace $0xD0000000  }
0x3: {  	_ = 	snop  }
0x4: {  	_ = 	snop  }
0x5: {  	_ = 	snop  }
0x6: {  	_ = 	snop  }
0x7: {  	_ = 	snop  }
__scs_overlays_trampoline_lowered:
0x8: {  	[smem:$0x3FA0] =	sst s0  }
0x9: {  	[smem:$0x3FA1] =	sst s1  }
0xa: {  	[smem:$0x3FA2] =	sst s2  }
0xb: {  	[smem:$0x3FA3] =	sst s3  }
0xc: {  	[smem:$0x3FA4] =	sst s4  }
0xd: {  	[smem:$0x3FA5] =	sst s5  }
0xe: {  	[smem:$0x3FA6] =	sst s6  }
0xf: {  	[smem:$0x3FA7] =	sst s7  }
0x10: {  	[smem:$0x3FA8] =	sst s8  }
0x11: {  	[smem:$0x3FA9] =	sst s9;
	s0 =	simm.s32 @!p0 $0x0  }
0x12: {  	s1 =	sld [smem:$0x3F8F];
	s0 =	simm.s32 @p0 $0x1  }
0x13: {  	[smem:$0x3FAA] =	sst s0;
	s0 =	simm.s32 @!p1 $0x0  }
0x14: {  	s2 =	sld [smem:$0x3F8E];
	s0 =	simm.s32 @p1 $0x1  }
0x15: {  	[smem:$0x3FAB] =	sst s0;
	s0 =	simm.s32 @!p2 $0x0  }
0x16: {  	s3 =	sld [smem:$0x3FDB];
	s0 =	simm.s32 @p2 $0x1  }
0x17: {  	s4 =	simm.s32 $0x1BF5;
	[smem:$0x3FAD] =	sst s0  }
0x18: {  	s0 =	sld [smem:$0x3F90];
	_ =	swait.ge [sflag:s4], $0x0  }
0x19: {  	s7 =	sld [smem:$0x3F91]  }
0x1a: {  	s8 =	sadd.s32 $0xFFFFE003, lr  }
0x1b: {  	s9 =	sadd.s32 $0xFFFFFEF7, lr;
	s5 =	simm.s32 $0xFFFFFFFF;
	p2 =	slt.u32 s8, $0xFFFFF086  }
0x1c: {  	p1 =	slt.u32 s9, $0xF7A;
	s5 =	simm.s32 @!p2 $0x0  }
0x1d: {  	s5 =	simm.s32 @p1 $0x1;
	p0 =	seq.s32 s7, s2  }
0x1e: {  	s7 =	smul.u32 @!p0 $0xF7A, s2;
	p2 =	seq.s32 @!p0 s5, $0x0  }
0x1f: {  	s9 =	smul.u32 $0xF7A, s1;
	s8 =	simm.s32 @!p0 $0x1BF5;
	p2 =	por !p2, p0  }
0x20: {  	[sflag:s8] =	ssyncset.s32 @!p0 $0xFFFFF086;
	s6 =	sadd.s32 @!p0 s3, s7;
	s7 =	simm.s32 @!p0 $0x108  }
0x21: {  	s3 =	sadd.s32 s3, s9;
	s6 =	sadd.s32 @!p0 $0x88, s6;
	s7 =	simm.s32 @p2 $0x1082  }
0x22: {  	[simem:s7], [sflag:s8] =	dma.local @!p0 [hbm:s6], $0xF7A  }
0x23: {  	s9 =	sor.u32 $0xD0000000, s2;
	s6 =	simm.s32 $0x108;
	_ =	swait.ge @!p0 [sflag:s8], $0x0  }
0x24: {  	s3 =	sadd.s32 $0x88, s3;
	s6 =	simm.s32 @!p1 $0x1082;
	[sflag:s4] =	ssyncset.s32 $0xFFFFF086  }
0x25: {  	[simem:s6], [sflag:s4] =	dma.local [hbm:s3], $0xF7A  }
0x26: {  	[smem:$0x3F91] =	sst s1;
	(tag) =	ssettag s2;
	_ =	strace s9  }
0x27: {  	s1 =	sld [smem:$0x3FA1]  }
0x28: {  	s2 =	sld [smem:$0x3FA2]  }
0x29: {  	s4 =	sld [smem:$0x3FA4]  }
0x2a: {  	p0 =	seq.s32 s5, $0x0;
	s5 =	sld [smem:$0x3FA5]  }
0x2b: {  	s6 =	sld [smem:$0x3FA6]  }
0x2c: {  	s7 =	sld [smem:$0x3FA7]  }
0x2d: {  	s3 =	simm.s32 $0x108;
	s8 =	sld [smem:$0x3FA8]  }
0x2e: {  	s3 =	simm.s32 @!p0 $0x1082;
	s9 =	sld [smem:$0x3FA9]  }
0x2f: {  	lr =	sadd.s32 s0, s3;
	s0 =	sld [smem:$0x3FA0]  }
0x30: {  	s3 =	sld [smem:$0x3FA3]  }
0x31: {  	[smem:$0x3FAC] =	sst s10  }
0x32: {  	s10 =	sld [smem:$0x3FAA];
	_ =	sdelay $0x3  }
0x33: {  	p0 =	seq.s32 s10, $0x1;
	s10 =	sld [smem:$0x3FAC];
	_ =	sdelay $0x3  }
0x34: {  	[smem:$0x3FAC] =	sst s10  }
0x35: {  	s10 =	sld [smem:$0x3FAB];
	_ =	sdelay $0x3  }
0x36: {  	p1 =	seq.s32 s10, $0x1;
	s10 =	sld [smem:$0x3FAC];
	_ =	sdelay $0x3  }
0x37: {  	[smem:$0x3FAC] =	sst s10  }
0x38: {  	s10 =	sld [smem:$0x3FAD]  }
0x39: {  	_ = 	snop;
	(pc) =	sbr.ind lr, $3  }
0x3a: {  	_ = 	snop  }
0x3b: {  	_ = 	snop  }
0x3c: {  	p2 =	seq.s32 s10, $0x1;
	s10 =	sld [smem:$0x3FAC]  }
0x3d: {  	_ =	shalt  }
0x3e: {  	_ =	shalt  }
0x3f: {  	_ =	shalt  }
0x40: {  	_ =	shalt  }
0x41: {  	_ =	shalt  }
0x42: {  	_ =	shalt  }
0x43: {  	_ =	shalt  }
0x44: {  	_ =	shalt  }
0x45: {  	_ =	shalt  }
0x46: {  	_ =	shalt  }
0x47: {  	_ =	shalt  }
0x48: {  	_ =	shalt  }
0x49: {  	_ =	shalt  }
0x4a: {  	_ =	shalt  }
0x4b: {  	_ =	shalt  }
0x4c: {  	_ =	shalt  }
0x4d: {  	_ =	shalt  }
0x4e: {  	_ =	shalt  }
0x4f: {  	_ =	shalt  }
0x50: {  	_ =	shalt  }
0x51: {  	_ =	shalt  }
0x52: {  	_ =	shalt  }
0x53: {  	_ =	shalt  }
0x54: {  	_ =	shalt  }
0x55: {  	_ =	shalt  }
0x56: {  	_ =	shalt  }
0x57: {  	_ =	shalt  }
0x58: {  	_ =	shalt  }
0x59: {  	_ =	shalt  }
0x5a: {  	_ =	shalt  }
0x5b: {  	_ =	shalt  }
0x5c: {  	_ =	shalt  }
0x5d: {  	_ =	shalt  }
0x5e: {  	_ =	shalt  }
0x5f: {  	_ =	shalt  }
0x60: {  	_ =	shalt  }
0x61: {  	_ =	shalt  }
0x62: {  	_ =	shalt  }
0x63: {  	_ =	shalt  }
0x64: {  	_ =	shalt  }
0x65: {  	_ =	shalt  }
0x66: {  	_ =	shalt  }
0x67: {  	_ =	shalt  }
0x68: {  	_ =	shalt  }
0x69: {  	_ =	shalt  }
0x6a: {  	_ =	shalt  }
0x6b: {  	_ =	shalt  }
0x6c: {  	_ =	shalt  }
0x6d: {  	_ =	shalt  }
0x6e: {  	_ =	shalt  }
0x6f: {  	_ =	shalt  }
0x70: {  	_ =	shalt  }
0x71: {  	_ =	shalt  }
0x72: {  	_ =	shalt  }
0x73: {  	_ =	shalt  }
0x74: {  	_ =	shalt  }
0x75: {  	_ =	shalt  }
0x76: {  	_ =	shalt  }
0x77: {  	_ =	shalt  }
0x78: {  	_ =	shalt  }
0x79: {  	_ =	shalt  }
0x7a: {  	_ =	shalt  }
0x7b: {  	_ =	shalt  }
0x7c: {  	_ =	shalt  }
0x7d: {  	_ =	shalt  }
0x7e: {  	_ =	shalt  }
0x7f: {  	_ =	shalt  }
0x80: {  	_ =	shalt  }
0x81: {  	_ =	shalt  }
0x82: {  	_ =	shalt  }
0x83: {  	_ =	shalt  }
0x84: {  	_ =	shalt  }
0x85: {  	_ =	shalt  }
0x86: {  	_ =	shalt  }
0x87: {  	_ =	shalt  }
.Lfunc_end0:
.L_simem_size_0:
called_computation.1_lowered:
.L_overlay_start_0:
0x88: {  	s2 =	sld [smem:$0x3FD9]  }
0x89: {  	s3 =	sld [smem:$0x3FFE];
	_ =	sdelay $0x1  }
0x8a: {  	s1 =	srdreg.scid  }
0x8b: {  	s0 =	sand.u32 $0x1, s1  }
0x8c: {  	s14 =	sshll.u32 s0, $0xA;
	s2 =	sadd.s32 s3, s2  }
0x8d: {  	s2 =	sadd.s32 s2, s14  }
0x8e: {  	[smem:$0x3FB8] =	sst s2  }
0x8f: {  	_ = 	snop  }
0x90: {  	s2 =	sld [smem:$0x3FD0];
	_ =	sdelay $0x2  }
0x91: {  	s15 =	simm.s32 $0xA;
	s4 =	simm.s32 $0x10  }
0x92: {  	[smem:s4], [sflag:s15] =	dma.local [hbm:s2], $0x1  }
0x93: {  	_ =	swait.eq [sflag:s15], $0x1  }
0x94: {  	[sflag:s15] =	ssyncset.done $0x0  }
0x95: {  	s16 =	sld [smem:$0x10];
	[sflag:s15] =	ssyncadd.s32 $0xFFFFFFFF  }
0x96: {  	s17 =	sld [smem:$0x11];
	(tm) =	ssettm $0x1  }
0x97: {  	s18 =	sld [smem:$0x3FFB];
	_ =	sdelay $0x3  }
0x98: {  	_ =	strace s18  }
0x99: {  	s4 =	sld [smem:$0x3FFC];
	_ =	sdelay $0x3  }
0x9a: {  	_ =	strace s4  }
0x9b: {  	s4 =	sld [smem:$0x3FFD];
	_ =	sdelay $0x3  }
0x9c: {  	_ =	strace s4  }
0x9d: {  	_ =	strace $0x8FFFFFFF  }
0x9e: {  	s19 =	sld [smem:$0x3FDB];
	_ =	sdelay $0x1  }
0x9f: {  	s5 =	simm.s32 $_scs_section_size  }
0xa0: {  	s6 =	simm.s32 $_size__tile_overlayer_lowered;
	s7 =	simm.s32 $_tile_overlayer_lowered  }
0xa1: {  	s22 =	simm.s32 $0x1BFF;
	s21 =	sshll.u32 s7, $0x1;
	s4 =	sadd.s32 s5, s19  }
0xa2: {  	s8 =	simm.s32 $0x0;
	s20 =	sshll.u32 s6, $0x1;
	s6 =	sadd.s32 s21, s4  }
0xa3: {  	[timem:s8], [sflag:s22] =	dma.local [hbm:s6], s20  }
0xa4: {  	_ =	swait.ge [sflag:s22], s20  }
0xa5: {  	s5 =	ssub.s32 $0x0, s20;
	[sflag:s22] =	ssyncset.done $0x0  }
0xa6: {  	[sflag:s22] =	ssyncadd.s32 s5;
	_ =	sdelay $0x1  }
0xa7: {  	s23 =	simm.s32 $0x1B8B  }
0xa8: {  	_ =	swait.ge [sflag:s23], $0x1  }
0xa9: {  	[sflag:s23] =	ssyncset.done $0x0  }
0xaa: {  	s25 =	simm.s32 $0x1B8E;
	s24 =	sld [smem:$0x3FFE];
	[sflag:s23] =	ssyncadd.s32 $0xFFFFFFFF  }
0xab: {  	s26 =	simm.s32 $execute0_lowered;
	[smem:$0x3FD2] =	sst s25  }
0xac: {  	s6 =	sshll.u32 s26, $0x1;
	_ =	strace $0x80000049;
	[dreg:$0x1] =	wrdreg $0xFFFFFFFF  }
0xad: {  	s28 =	simm.s32 $_size_execute0_lowered;
	s4 =	sadd.s32 s4, s6;
	[dreg:$0x0] =	wrdreg $0x0  }
0xae: {  	s6 =	sshll.u32 s28, $0x1;
	[dreg:$0x2] =	wrdreg s4  }
0xaf: {  	[dreg:$0x3] =	wrdreg s6  }
0xb0: {  	[dreg:$0x4] =	wrdreg $0xC0  }
0xb1: {  	_ =	task [dreg:s8], $0x5FFFF  }
0xb2: {  	[dreg:$0x1] =	wrdreg $0xFFFFFFFF  }
0xb3: {  	[dreg:$0x0] =	wrdreg $0x60  }
0xb4: {  	[dreg:$0x2] =	wrdreg s16  }
0xb5: {  	[dreg:$0x3] =	wrdreg s17  }
0xb6: {  	[dreg:$0x4] =	wrdreg s24  }
0xb7: {  	[dreg:$0x5] =	wrdreg $0x0  }
0xb8: {  	[dreg:$0x6] =	wrdreg $0x9  }
0xb9: {  	_ =	task.clear_ibuf [dreg:s8], $0x7FFFF;
	_ =	strace $0x90000049  }
0xba: {  	s29 =	simm.s32 $0x9;
	_ =	strace $0x8000004B  }
0xbb: {  	_ =	swait.ge [sflag:s29], $0x1  }
0xbc: {  	[sflag:s29] =	ssyncadd.s32 $0xFFFFFFFF  }
0xbd: {  	_ =	strace $0x9000004B  }
0xbe: {  	_ =	sfence  }
0xbf: {  	s30 =	sld [smem:$0x0];
	_ =	sdelay $0x2  }
0xc0: {  	s31 =	sshll.u32 s1, $0xD;
	s1 =	sshrl.u32 s1, $0x2  }
0xc1: {  	s3 =	sand.u32 $0x4000, s31;
	s1 =	sadd.s32 s1, s30  }
0xc2: {  	s0 =	sor.u32 s3, s0;
	s1 =	sshll.u32 s1, $0x11  }
0xc3: {  	s0 =	sor.u32 s1, s0  }
0xc4: {  	s0 =	sadd.s32 $0x8F2B, s0  }
0xc5: {  	[sflag:s0] =	ssyncadd.remote.s32 $0x1  }
0xc6: {  	_ =	sfence.sel $0xFFFF  }
0xc7: {  	[dreg:$0x0] =	wrdreg $0xFFFFFFFF;
	(pc) =	sbr.abs _section_cstart, $3  }
0xc8: {  	[dreg:$0x1] =	wrdreg $0xFFFFFFFF  }
0xc9: {  	_ =	task.clear_ibuf [dreg:s8], $0x2FFFF;
	_ =	strace $0x9FFFFFFF  }
0xca: {  	(tm) =	ssettm $0x7FFFFFFF  }
0xcb: {  	_ =	shalt  }
tec
execute0_lowered:
.L_overlay_start_1:
0x0: {  	(tag) =	ssettag $0x1  }
0x1: {  	s1 =	rddreg [dreg:$0x0]  }
0x2: {  	s10 =	rddreg [dreg:$0x1]  }
0x3: {  	s5 =	rddreg [dreg:$0x2];
	s0 =	stileid.u32  }
0x4: {  	s2 =	srdreg.scid;
	s3 =	rddreg [dreg:$0x3]  }
0x5: {  	s4 =	simm.s32 $0x0;
	s16 =	simm.s32 $0x16400;
	s17 =	simm.s32 $0x5  }
0x6: {  	s18 =	simm.s32 $0x13C00;
	s19 =	simm.s32 $0x15000;
	s20 =	simm.s32 $0x80  }
0x7: {  	s21 =	simm.s32 $0x1A400;
	s22 =	simm.s32 $0x1;
	s6 =	smul.u32 $0x2800, s0  }
0x8: {  	s23 =	simm.s32 $0x2;
	s24 =	simm.s32 $0x3;
	s9 =	smul.u32 $0x13C00, s0  }
0x9: {  	s7 =	sand.u32 $0x1, s2;
	[smem:$0x7FF] =	sst s4;
	s25 =	smul.u32 $0x4F000, s0  }
0xa: {  	s2 =	rddreg [dreg:$0x4];
	s8 =	smul.u32 $0x13C000, s7;
	_ =	strace $0x8000004A  }
0xb: {  	s26 =	ssub.s32 $0x2, s7;
	s7 =	smul.u32 $0x28000, s7;
	s11 =	sshrl.u32 s6, $0x3  }
0xc: {  	s28 =	sshrl.u32 s26, $0x1;
	s29 =	sshrl.u32 s25, $0x2;
	s25 =	simm.s32 $0x4  }
0xd: {  	s13 =	sadd.s32 s11, s5;
	s8 =	sadd.s32 s9, s8;
	s30 =	sadd.s32 s6, s7  }
0xe: {  	s15 =	ssub.s32 s26, s28;
	s8 =	sshrl.u32 s8, $0x3;
	s31 =	sshrl.u32 s30, $0x3  }
0xf: {  	s11 =	sadd.s32 $0x3C00, s13;
	s13 =	sadd.s32 $0x3E80, s13;
	s15 =	smax.u32 s15, $0x1  }
0x10: {  	s14 =	sadd.s32 s8, s5;
	s5 =	sadd.s32 s29, s3;
	s10 =	sadd.s32 s10, s31  }
0x11: {  	s6 =	sadd.s32 $0x4000, s5;
	s7 =	sadd.s32 $0x8000, s5;
	s8 =	sadd.s32 $0xC000, s5  }
0x12: {  	v0 =	vimm.f32 $0.0e+00;
	s9 =	sadd.s32 $0x10000, s5;
	s12 =	sadd.s32 $0x280, s10;
	s14 =	sadd.s32 $0x8C00, s14  }
.LBB2_1:
0x13: {  	s26 =	simm.s32 $0x0;
	s28 =	simm.s32 $0x200  }
.LBB2_2:
0x14: {  	p0 =	sne.s32 s28, $0xFE00;
	[tilespmem:s26+$0x16470] =	vst v0  }
0x15: {  	[tilespmem:s26+$0x16400] =	vst v0  }
0x16: {  	[tilespmem:s26+$0x16410] =	vst v0  }
.Ltmp0:
0x17: {  	[tilespmem:s26+$0x16420] =	vst v0;
	(pc) =	sbr.rel @p0 .LBB2_2-.Ltmp0, $4  }
0x18: {  	[tilespmem:s26+$0x16430] =	vst v0  }
0x19: {  	[tilespmem:s26+$0x16440] =	vst v0  }
0x1a: {  	[tilespmem:s26+$0x16450] =	vst v0  }
0x1b: {  	[tilespmem:s26+$0x16460] =	vst v0;
	s26 =	sshra.s32 s28, $0x2;
	s28 =	sadd.s32 $0x200, s28  }
0x1c: {  	[tilespmem:s26+$0x16470] =	vst v0  }
0x1d: {  	[tilespmem:s26+$0x16400] =	vst v0  }
0x1e: {  	[tilespmem:s26+$0x16410] =	vst v0  }
0x1f: {  	[tilespmem:s26+$0x16420] =	vst v0  }
0x20: {  	[tilespmem:s26+$0x16430] =	vst v0  }
0x21: {  	[tilespmem:s26+$0x16440] =	vst v0  }
0x22: {  	[tilespmem:s26+$0x16450] =	vst v0  }
0x23: {  	[tilespmem:s26+$0x16460] =	vst v0  }
0x24: {  	[spmem:s5] =	stream.linear.scatter [tilespmem:s16], [sflag:$0x5], $0x4000, $0x38;
	[tilespmem:$0x1E400] =	vst v63  }
0x25: {  	_ =	swait.ge [sflag:s17], $0x4000  }
0x26: {  	[sflag:s17] =	ssyncset.done $0x0  }
0x27: {  	[sflag:s17] =	ssyncadd.s32 $0xFFFFC000  }
0x28: {  	[spmem:s6] =	stream.linear.scatter [tilespmem:s16], [sflag:$0x5], $0x4000, $0x38;
	[tilespmem:$0x1E400] =	vst v63  }
0x29: {  	_ =	swait.ge [sflag:s17], $0x4000  }
0x2a: {  	[sflag:s17] =	ssyncset.done $0x0  }
0x2b: {  	[sflag:s17] =	ssyncadd.s32 $0xFFFFC000  }
0x2c: {  	[spmem:s7] =	stream.linear.scatter [tilespmem:s16], [sflag:$0x5], $0x4000, $0x38;
	[tilespmem:$0x1E400] =	vst v63  }
0x2d: {  	_ =	swait.ge [sflag:s17], $0x4000  }
0x2e: {  	[sflag:s17] =	ssyncset.done $0x0  }
0x2f: {  	[sflag:s17] =	ssyncadd.s32 $0xFFFFC000  }
0x30: {  	[spmem:s8] =	stream.linear.scatter [tilespmem:s16], [sflag:$0x5], $0x4000, $0x38;
	[tilespmem:$0x1E400] =	vst v63  }
0x31: {  	_ =	swait.ge [sflag:s17], $0x4000  }
0x32: {  	[sflag:s17] =	ssyncset.done $0x0  }
0x33: {  	[sflag:s17] =	ssyncadd.s32 $0xFFFFC000  }
0x34: {  	[spmem:s9] =	stream.linear.scatter [tilespmem:s16], [sflag:$0x5], $0x3C00, $0x38;
	[tilespmem:$0x1E400] =	vst v63  }
0x35: {  	_ =	swait.ge [sflag:s17], $0x3C00  }
0x36: {  	[sflag:s17] =	ssyncset.done $0x0  }
0x37: {  	[sflag:s17] =	ssyncadd.s32 $0xFFFFC400  }
0x38: {  	s28 =	simm.s32 $0x0;
	[bflag:$0x0] =	sbarrier.arrive $0xFFFF  }
0x39: {  	[tilespmem:s18], [sflag:$0x5] =	stream.linear.gather [hbm4b:s10+s28], $0x1400, $0x38;
	[tilespmem:$0x1E400] =	vst v63  }
0x3a: {  	_ =	swait.ge [sflag:s17], $0x1400  }
0x3b: {  	[sflag:s17] =	ssyncset.done $0x0  }
0x3c: {  	[sflag:s17] =	ssyncadd.s32 $0xFFFFEC00  }
0x3d: {  	[tilespmem:s19], [sflag:$0x5] =	stream.linear.gather [hbm4b:s11+s28], $0x1400, $0x38;
	[tilespmem:$0x1E400] =	vst v63  }
0x3e: {  	_ =	swait.ge [sflag:s17], $0x1400  }
0x3f: {  	[sflag:s17] =	ssyncset.done $0x0  }
0x40: {  	s29 =	simm.s32 $0x13C00;
	[sflag:s17] =	ssyncadd.s32 $0xFFFFEC00  }
0x41: {  	[tilespmem:s16], [sflag:$0x1] =	stream.indirect.gather [hbm4b:s1+s20], $0x80, s29, s20, $0xb8;
	[tilespmem:$0x1E400] =	vst v63  }
0x42: {  	s31 =	simm.s32 $0x13C80  }
0x43: {  	[tilespmem:s21], [sflag:$0x2] =	stream.indirect.gather [hbm4b:s1+s20], $0x80, s31, s20, $0xb8;
	[tilespmem:$0x1E400] =	vst v63  }
0x44: {  	_ =	swait.ge [sflag:s22], $0x4000  }
0x45: {  	[sflag:s22] =	ssyncset.done $0x0  }
0x46: {  	s28 =	simm.s32 $0x15000;
	[sflag:s22] =	ssyncadd.s32 $0xFFFFC000  }
0x47: {  	[spmem:s3] =	stream.indirect.scatter.add.f32 [tilespmem:s16], [sflag:$0x3], $0x80, s28, s20, $0xb8;
	[tilespmem:$0x1E400] =	vst v63  }
0x48: {  	_ =	swait.ge [sflag:s23], $0x4000  }
0x49: {  	[sflag:s23] =	ssyncset.done $0x0  }
0x4a: {  	s29 =	simm.s32 $0x15080;
	[sflag:s23] =	ssyncadd.s32 $0xFFFFC000  }
0x4b: {  	[spmem:s3] =	stream.indirect.scatter.add.f32 [tilespmem:s21], [sflag:$0x4], $0x80, s29, s20, $0xb8;
	[tilespmem:$0x1E400] =	vst v63  }
0x4c: {  	_ =	swait.ge [sflag:s24], $0x4000  }
0x4d: {  	[sflag:s24] =	ssyncset.done $0x0  }
0x4e: {  	s31 =	simm.s32 $0x13D00;
	[sflag:s24] =	ssyncadd.s32 $0xFFFFC000  }
0x4f: {  	[tilespmem:s16], [sflag:$0x1] =	stream.indirect.gather [hbm4b:s1+s20], $0x80, s31, s20, $0xb8;
	[tilespmem:$0x1E400] =	vst v63  }
0x50: {  	_ =	swait.ge [sflag:s25], $0x4000  }
0x51: {  	[sflag:s25] =	ssyncset.done $0x0  }
0x52: {  	s28 =	simm.s32 $0x13D80;
	[sflag:s25] =	ssyncadd.s32 $0xFFFFC000  }
0x53: {  	[tilespmem:s21], [sflag:$0x2] =	stream.indirect.gather [hbm4b:s1+s20], $0x80, s28, s20, $0xb8;
	[tilespmem:$0x1E400] =	vst v63  }
0x54: {  	_ =	swait.ge [sflag:s22], $0x4000  }
0x55: {  	[sflag:s22] =	ssyncset.done $0x0  }
0x56: {  	s29 =	simm.s32 $0x15100;
	[sflag:s22] =	ssyncadd.s32 $0xFFFFC000  }
0x57: {  	[spmem:s3] =	stream.indirect.scatter.add.f32 [tilespmem:s16], [sflag:$0x3], $0x80, s29, s20, $0xb8;
	[tilespmem:$0x1E400] =	vst v63  }
0x58: {  	_ =	swait.ge [sflag:s23], $0x4000  }
0x59: {  	[sflag:s23] =	ssyncset.done $0x0  }
0x5a: {  	s31 =	simm.s32 $0x15180;
	[sflag:s23] =	ssyncadd.s32 $0xFFFFC000  }
0x5b: {  	[spmem:s3] =	stream.indirect.scatter.add.f32 [tilespmem:s21], [sflag:$0x4], $0x80, s31, s20, $0xb8;
	[tilespmem:$0x1E400] =	vst v63  }
0x5c: {  	_ =	swait.ge [sflag:s24], $0x4000  }
0x5d: {  	[sflag:s24] =	ssyncset.done $0x0  }
0x5e: {  	[sflag:s24] =	ssyncadd.s32 $0xFFFFC000  }
0x5f: {  	_ =	swait.ge [sflag:s25], $0x4000  }
0x60: {  	s30 =	simm.s32 $0x1000;
	s26 =	simm.s32 $0x200;
	[sflag:s25] =	ssyncset.done $0x0  }
.LBB2_4:
0x61: {  	s31 =	sadd.s32 $0x13C00, s26  }
0x62: {  	[sflag:s25] =	ssyncadd.s32 $0xFFFFC000;
	s29 =	smov.u32 s30;
	s28 =	sadd.s32 $0x800, s30  }
0x63: {  	[tilespmem:s16], [sflag:$0x1] =	stream.indirect.gather [hbm4b:s1+s20], $0x80, s31, s20, $0xb8;
	[tilespmem:$0x1E400] =	vst v63  }
0x64: {  	p0 =	sne.s32 s30, $0x4800;
	s30 =	sadd.s32 $0x13C80, s26  }
0x65: {  	[tilespmem:s21], [sflag:$0x2] =	stream.indirect.gather [hbm4b:s1+s20], $0x80, s30, s20, $0xb8;
	[tilespmem:$0x1E400] =	vst v63  }
0x66: {  	_ =	swait.ge [sflag:s22], $0x4000  }
0x67: {  	[sflag:s22] =	ssyncset.done $0x0  }
0x68: {  	s30 =	sadd.s32 $0x15000, s26;
	[sflag:s22] =	ssyncadd.s32 $0xFFFFC000  }
0x69: {  	[spmem:s3] =	stream.indirect.scatter.add.f32 [tilespmem:s16], [sflag:$0x3], $0x80, s30, s20, $0xb8;
	[tilespmem:$0x1E400] =	vst v63  }
0x6a: {  	_ =	swait.ge [sflag:s23], $0x4000  }
0x6b: {  	[sflag:s23] =	ssyncset.done $0x0  }
0x6c: {  	s30 =	sadd.s32 $0x15080, s26;
	[sflag:s23] =	ssyncadd.s32 $0xFFFFC000  }
0x6d: {  	[spmem:s3] =	stream.indirect.scatter.add.f32 [tilespmem:s21], [sflag:$0x4], $0x80, s30, s20, $0xb8;
	[tilespmem:$0x1E400] =	vst v63  }
0x6e: {  	_ =	swait.ge [sflag:s24], $0x4000  }
0x6f: {  	[sflag:s24] =	ssyncset.done $0x0  }
0x70: {  	s30 =	sadd.s32 $0x13D00, s26;
	[sflag:s24] =	ssyncadd.s32 $0xFFFFC000  }
0x71: {  	[tilespmem:s16], [sflag:$0x1] =	stream.indirect.gather [hbm4b:s1+s20], $0x80, s30, s20, $0xb8;
	[tilespmem:$0x1E400] =	vst v63  }
0x72: {  	_ =	swait.ge [sflag:s25], $0x4000  }
0x73: {  	[sflag:s25] =	ssyncset.done $0x0  }
0x74: {  	s30 =	sadd.s32 $0x13D80, s26;
	[sflag:s25] =	ssyncadd.s32 $0xFFFFC000  }
0x75: {  	[tilespmem:s21], [sflag:$0x2] =	stream.indirect.gather [hbm4b:s1+s20], $0x80, s30, s20, $0xb8;
	[tilespmem:$0x1E400] =	vst v63  }
0x76: {  	_ =	swait.ge [sflag:s22], $0x4000  }
0x77: {  	[sflag:s22] =	ssyncset.done $0x0  }
0x78: {  	s30 =	sadd.s32 $0x15100, s26;
	[sflag:s22] =	ssyncadd.s32 $0xFFFFC000  }
0x79: {  	[spmem:s3] =	stream.indirect.scatter.add.f32 [tilespmem:s16], [sflag:$0x3], $0x80, s30, s20, $0xb8;
	[tilespmem:$0x1E400] =	vst v63  }
0x7a: {  	_ =	swait.ge [sflag:s23], $0x4000  }
0x7b: {  	[sflag:s23] =	ssyncset.done $0x0  }
0x7c: {  	s26 =	sadd.s32 $0x15180, s26;
	[sflag:s23] =	ssyncadd.s32 $0xFFFFC000  }
0x7d: {  	[spmem:s3] =	stream.indirect.scatter.add.f32 [tilespmem:s21], [sflag:$0x4], $0x80, s26, s20, $0xb8;
	[tilespmem:$0x1E400] =	vst v63  }
.Ltmp1:
0x7e: {  	_ =	swait.ge [sflag:s24], $0x4000;
	(pc) =	sbr.rel @p0 .LBB2_4-.Ltmp1, $4  }
0x7f: {  	[sflag:s24] =	ssyncset.done $0x0  }
0x80: {  	[sflag:s24] =	ssyncadd.s32 $0xFFFFC000  }
0x81: {  	_ =	swait.ge [sflag:s25], $0x4000  }
0x82: {  	s30 =	smov.u32 s28;
	s26 =	sshra.s32 s29, $0x2;
	[sflag:s25] =	ssyncset.done $0x0  }
0x83: {  	s28 =	sadd.s32 $0x13C00, s26;
	[sflag:s25] =	ssyncadd.s32 $0xFFFFC000  }
0x84: {  	[tilespmem:s16], [sflag:$0x1] =	stream.indirect.gather [hbm4b:s1+s20], $0x80, s28, s20, $0xb8;
	[tilespmem:$0x1E400] =	vst v63  }
0x85: {  	s31 =	sadd.s32 $0x13C80, s26  }
0x86: {  	[tilespmem:s21], [sflag:$0x2] =	stream.indirect.gather [hbm4b:s1+s20], $0x80, s31, s20, $0xb8;
	[tilespmem:$0x1E400] =	vst v63  }
0x87: {  	_ =	swait.ge [sflag:s22], $0x4000  }
0x88: {  	[sflag:s22] =	ssyncset.done $0x0  }
0x89: {  	s29 =	sadd.s32 $0x15000, s26;
	[sflag:s22] =	ssyncadd.s32 $0xFFFFC000  }
0x8a: {  	[spmem:s3] =	stream.indirect.scatter.add.f32 [tilespmem:s16], [sflag:$0x3], $0x80, s29, s20, $0xb8;
	[tilespmem:$0x1E400] =	vst v63  }
0x8b: {  	_ =	swait.ge [sflag:s23], $0x4000  }
0x8c: {  	[sflag:s23] =	ssyncset.done $0x0  }
0x8d: {  	s31 =	sadd.s32 $0x15080, s26;
	[sflag:s23] =	ssyncadd.s32 $0xFFFFC000  }
0x8e: {  	[spmem:s3] =	stream.indirect.scatter.add.f32 [tilespmem:s21], [sflag:$0x4], $0x80, s31, s20, $0xb8;
	[tilespmem:$0x1E400] =	vst v63  }
0x8f: {  	_ =	swait.ge [sflag:s24], $0x4000  }
0x90: {  	[sflag:s24] =	ssyncset.done $0x0  }
0x91: {  	s29 =	sadd.s32 $0x13D00, s26;
	[sflag:s24] =	ssyncadd.s32 $0xFFFFC000  }
0x92: {  	[tilespmem:s16], [sflag:$0x1] =	stream.indirect.gather [hbm4b:s1+s20], $0x80, s29, s20, $0xb8;
	[tilespmem:$0x1E400] =	vst v63  }
0x93: {  	_ =	swait.ge [sflag:s25], $0x4000  }
0x94: {  	[sflag:s25] =	ssyncset.done $0x0  }
0x95: {  	s31 =	sadd.s32 $0x13D80, s26;
	[sflag:s25] =	ssyncadd.s32 $0xFFFFC000  }
0x96: {  	[tilespmem:s21], [sflag:$0x2] =	stream.indirect.gather [hbm4b:s1+s20], $0x80, s31, s20, $0xb8;
	[tilespmem:$0x1E400] =	vst v63  }
0x97: {  	_ =	swait.ge [sflag:s22], $0x4000  }
0x98: {  	[sflag:s22] =	ssyncset.done $0x0  }
0x99: {  	s29 =	sadd.s32 $0x15100, s26;
	[sflag:s22] =	ssyncadd.s32 $0xFFFFC000  }
0x9a: {  	[spmem:s3] =	stream.indirect.scatter.add.f32 [tilespmem:s16], [sflag:$0x3], $0x80, s29, s20, $0xb8;
	[tilespmem:$0x1E400] =	vst v63  }
0x9b: {  	_ =	swait.ge [sflag:s23], $0x4000  }
0x9c: {  	[sflag:s23] =	ssyncset.done $0x0  }
0x9d: {  	s31 =	sadd.s32 $0x15180, s26;
	[sflag:s23] =	ssyncadd.s32 $0xFFFFC000  }
0x9e: {  	[spmem:s3] =	stream.indirect.scatter.add.f32 [tilespmem:s21], [sflag:$0x4], $0x80, s31, s20, $0xb8;
	[tilespmem:$0x1E400] =	vst v63  }
0x9f: {  	_ =	swait.ge [sflag:s24], $0x4000  }
0xa0: {  	[sflag:s24] =	ssyncset.done $0x0  }
0xa1: {  	[sflag:s24] =	ssyncadd.s32 $0xFFFFC000  }
0xa2: {  	_ =	swait.ge [sflag:s25], $0x4000  }
0xa3: {  	[sflag:s25] =	ssyncset.done $0x0  }
0xa4: {  	s28 =	simm.s32 $0x0;
	[sflag:s25] =	ssyncadd.s32 $0xFFFFC000  }
0xa5: {  	[tilespmem:s18], [sflag:$0x5] =	stream.linear.gather [hbm4b:s12+s28], $0x1400, $0x38;
	[tilespmem:$0x1E400] =	vst v63  }
0xa6: {  	_ =	swait.ge [sflag:s17], $0x1400  }
0xa7: {  	[sflag:s17] =	ssyncset.done $0x0  }
0xa8: {  	[sflag:s17] =	ssyncadd.s32 $0xFFFFEC00  }
0xa9: {  	[tilespmem:s19], [sflag:$0x5] =	stream.linear.gather [hbm4b:s13+s28], $0x1400, $0x38;
	[tilespmem:$0x1E400] =	vst v63  }
0xaa: {  	_ =	swait.ge [sflag:s17], $0x1400  }
0xab: {  	[sflag:s17] =	ssyncset.done $0x0  }
0xac: {  	s29 =	simm.s32 $0x13C00;
	[sflag:s17] =	ssyncadd.s32 $0xFFFFEC00  }
0xad: {  	[tilespmem:s16], [sflag:$0x1] =	stream.indirect.gather [hbm4b:s1+s20], $0x80, s29, s20, $0xb8;
	[tilespmem:$0x1E400] =	vst v63  }
0xae: {  	s31 =	simm.s32 $0x13C80  }
0xaf: {  	[tilespmem:s21], [sflag:$0x2] =	stream.indirect.gather [hbm4b:s1+s20], $0x80, s31, s20, $0xb8;
	[tilespmem:$0x1E400] =	vst v63  }
0xb0: {  	_ =	swait.ge [sflag:s22], $0x4000  }
0xb1: {  	[sflag:s22] =	ssyncset.done $0x0  }
0xb2: {  	s28 =	simm.s32 $0x15000;
	[sflag:s22] =	ssyncadd.s32 $0xFFFFC000  }
0xb3: {  	[spmem:s3] =	stream.indirect.scatter.add.f32 [tilespmem:s16], [sflag:$0x3], $0x80, s28, s20, $0xb8;
	[tilespmem:$0x1E400] =	vst v63  }
0xb4: {  	_ =	swait.ge [sflag:s23], $0x4000  }
0xb5: {  	[sflag:s23] =	ssyncset.done $0x0  }
0xb6: {  	s29 =	simm.s32 $0x15080;
	[sflag:s23] =	ssyncadd.s32 $0xFFFFC000  }
0xb7: {  	[spmem:s3] =	stream.indirect.scatter.add.f32 [tilespmem:s21], [sflag:$0x4], $0x80, s29, s20, $0xb8;
	[tilespmem:$0x1E400] =	vst v63  }
0xb8: {  	_ =	swait.ge [sflag:s24], $0x4000  }
0xb9: {  	[sflag:s24] =	ssyncset.done $0x0  }
0xba: {  	s31 =	simm.s32 $0x13D00;
	[sflag:s24] =	ssyncadd.s32 $0xFFFFC000  }
0xbb: {  	[tilespmem:s16], [sflag:$0x1] =	stream.indirect.gather [hbm4b:s1+s20], $0x80, s31, s20, $0xb8;
	[tilespmem:$0x1E400] =	vst v63  }
0xbc: {  	_ =	swait.ge [sflag:s25], $0x4000  }
0xbd: {  	[sflag:s25] =	ssyncset.done $0x0  }
0xbe: {  	s28 =	simm.s32 $0x13D80;
	[sflag:s25] =	ssyncadd.s32 $0xFFFFC000  }
0xbf: {  	[tilespmem:s21], [sflag:$0x2] =	stream.indirect.gather [hbm4b:s1+s20], $0x80, s28, s20, $0xb8;
	[tilespmem:$0x1E400] =	vst v63  }
0xc0: {  	_ =	swait.ge [sflag:s22], $0x4000  }
0xc1: {  	[sflag:s22] =	ssyncset.done $0x0  }
0xc2: {  	s29 =	simm.s32 $0x15100;
	[sflag:s22] =	ssyncadd.s32 $0xFFFFC000  }
0xc3: {  	[spmem:s3] =	stream.indirect.scatter.add.f32 [tilespmem:s16], [sflag:$0x3], $0x80, s29, s20, $0xb8;
	[tilespmem:$0x1E400] =	vst v63  }
0xc4: {  	_ =	swait.ge [sflag:s23], $0x4000  }
0xc5: {  	[sflag:s23] =	ssyncset.done $0x0  }
0xc6: {  	s31 =	simm.s32 $0x15180;
	[sflag:s23] =	ssyncadd.s32 $0xFFFFC000  }
0xc7: {  	[spmem:s3] =	stream.indirect.scatter.add.f32 [tilespmem:s21], [sflag:$0x4], $0x80, s31, s20, $0xb8;
	[tilespmem:$0x1E400] =	vst v63  }
0xc8: {  	_ =	swait.ge [sflag:s24], $0x4000  }
0xc9: {  	[sflag:s24] =	ssyncset.done $0x0  }
0xca: {  	[sflag:s24] =	ssyncadd.s32 $0xFFFFC000  }
0xcb: {  	_ =	swait.ge [sflag:s25], $0x4000  }
0xcc: {  	s30 =	simm.s32 $0x1000;
	s26 =	simm.s32 $0x200;
	[sflag:s25] =	ssyncset.done $0x0  }
.LBB2_6:
0xcd: {  	s31 =	sadd.s32 $0x13C00, s26  }
0xce: {  	[sflag:s25] =	ssyncadd.s32 $0xFFFFC000;
	s29 =	smov.u32 s30;
	s28 =	sadd.s32 $0x800, s30  }
0xcf: {  	[tilespmem:s16], [sflag:$0x1] =	stream.indirect.gather [hbm4b:s1+s20], $0x80, s31, s20, $0xb8;
	[tilespmem:$0x1E400] =	vst v63  }
0xd0: {  	p0 =	sne.s32 s30, $0x4800;
	s30 =	sadd.s32 $0x13C80, s26  }
0xd1: {  	[tilespmem:s21], [sflag:$0x2] =	stream.indirect.gather [hbm4b:s1+s20], $0x80, s30, s20, $0xb8;
	[tilespmem:$0x1E400] =	vst v63  }
0xd2: {  	_ =	swait.ge [sflag:s22], $0x4000  }
0xd3: {  	[sflag:s22] =	ssyncset.done $0x0  }
0xd4: {  	s30 =	sadd.s32 $0x15000, s26;
	[sflag:s22] =	ssyncadd.s32 $0xFFFFC000  }
0xd5: {  	[spmem:s3] =	stream.indirect.scatter.add.f32 [tilespmem:s16], [sflag:$0x3], $0x80, s30, s20, $0xb8;
	[tilespmem:$0x1E400] =	vst v63  }
0xd6: {  	_ =	swait.ge [sflag:s23], $0x4000  }
0xd7: {  	[sflag:s23] =	ssyncset.done $0x0  }
0xd8: {  	s30 =	sadd.s32 $0x15080, s26;
	[sflag:s23] =	ssyncadd.s32 $0xFFFFC000  }
0xd9: {  	[spmem:s3] =	stream.indirect.scatter.add.f32 [tilespmem:s21], [sflag:$0x4], $0x80, s30, s20, $0xb8;
	[tilespmem:$0x1E400] =	vst v63  }
0xda: {  	_ =	swait.ge [sflag:s24], $0x4000  }
0xdb: {  	[sflag:s24] =	ssyncset.done $0x0  }
0xdc: {  	s30 =	sadd.s32 $0x13D00, s26;
	[sflag:s24] =	ssyncadd.s32 $0xFFFFC000  }
0xdd: {  	[tilespmem:s16], [sflag:$0x1] =	stream.indirect.gather [hbm4b:s1+s20], $0x80, s30, s20, $0xb8;
	[tilespmem:$0x1E400] =	vst v63  }
0xde: {  	_ =	swait.ge [sflag:s25], $0x4000  }
0xdf: {  	[sflag:s25] =	ssyncset.done $0x0  }
0xe0: {  	s30 =	sadd.s32 $0x13D80, s26;
	[sflag:s25] =	ssyncadd.s32 $0xFFFFC000  }
0xe1: {  	[tilespmem:s21], [sflag:$0x2] =	stream.indirect.gather [hbm4b:s1+s20], $0x80, s30, s20, $0xb8;
	[tilespmem:$0x1E400] =	vst v63  }
0xe2: {  	_ =	swait.ge [sflag:s22], $0x4000  }
0xe3: {  	[sflag:s22] =	ssyncset.done $0x0  }
0xe4: {  	s30 =	sadd.s32 $0x15100, s26;
	[sflag:s22] =	ssyncadd.s32 $0xFFFFC000  }
0xe5: {  	[spmem:s3] =	stream.indirect.scatter.add.f32 [tilespmem:s16], [sflag:$0x3], $0x80, s30, s20, $0xb8;
	[tilespmem:$0x1E400] =	vst v63  }
0xe6: {  	_ =	swait.ge [sflag:s23], $0x4000  }
0xe7: {  	[sflag:s23] =	ssyncset.done $0x0  }
0xe8: {  	s26 =	sadd.s32 $0x15180, s26;
	[sflag:s23] =	ssyncadd.s32 $0xFFFFC000  }
0xe9: {  	[spmem:s3] =	stream.indirect.scatter.add.f32 [tilespmem:s21], [sflag:$0x4], $0x80, s26, s20, $0xb8;
	[tilespmem:$0x1E400] =	vst v63  }
.Ltmp2:
0xea: {  	_ =	swait.ge [sflag:s24], $0x4000;
	(pc) =	sbr.rel @p0 .LBB2_6-.Ltmp2, $4  }
0xeb: {  	[sflag:s24] =	ssyncset.done $0x0  }
0xec: {  	[sflag:s24] =	ssyncadd.s32 $0xFFFFC000  }
0xed: {  	_ =	swait.ge [sflag:s25], $0x4000  }
0xee: {  	s30 =	smov.u32 s28;
	s26 =	sshra.s32 s29, $0x2;
	[sflag:s25] =	ssyncset.done $0x0  }
0xef: {  	s28 =	sadd.s32 $0x13C00, s26;
	[sflag:s25] =	ssyncadd.s32 $0xFFFFC000  }
0xf0: {  	[tilespmem:s16], [sflag:$0x1] =	stream.indirect.gather [hbm4b:s1+s20], $0x80, s28, s20, $0xb8;
	[tilespmem:$0x1E400] =	vst v63  }
0xf1: {  	s29 =	sadd.s32 $0x13C80, s26  }
0xf2: {  	[tilespmem:s21], [sflag:$0x2] =	stream.indirect.gather [hbm4b:s1+s20], $0x80, s29, s20, $0xb8;
	[tilespmem:$0x1E400] =	vst v63  }
0xf3: {  	_ =	swait.ge [sflag:s22], $0x4000  }
0xf4: {  	[sflag:s22] =	ssyncset.done $0x0  }
0xf5: {  	s30 =	sadd.s32 $0x15000, s26;
	[sflag:s22] =	ssyncadd.s32 $0xFFFFC000  }
0xf6: {  	[spmem:s3] =	stream.indirect.scatter.add.f32 [tilespmem:s16], [sflag:$0x3], $0x80, s30, s20, $0xb8;
	[tilespmem:$0x1E400] =	vst v63  }
0xf7: {  	_ =	swait.ge [sflag:s23], $0x4000  }
0xf8: {  	[sflag:s23] =	ssyncset.done $0x0  }
0xf9: {  	s31 =	sadd.s32 $0x15080, s26;
	[sflag:s23] =	ssyncadd.s32 $0xFFFFC000  }
0xfa: {  	[spmem:s3] =	stream.indirect.scatter.add.f32 [tilespmem:s21], [sflag:$0x4], $0x80, s31, s20, $0xb8;
	[tilespmem:$0x1E400] =	vst v63  }
0xfb: {  	_ =	swait.ge [sflag:s24], $0x4000  }
0xfc: {  	[sflag:s24] =	ssyncset.done $0x0  }
0xfd: {  	s29 =	sadd.s32 $0x13D00, s26;
	[sflag:s24] =	ssyncadd.s32 $0xFFFFC000  }
0xfe: {  	[tilespmem:s16], [sflag:$0x1] =	stream.indirect.gather [hbm4b:s1+s20], $0x80, s29, s20, $0xb8;
	[tilespmem:$0x1E400] =	vst v63  }
0xff: {  	_ =	swait.ge [sflag:s25], $0x4000  }
0x100: {  	[sflag:s25] =	ssyncset.done $0x0  }
0x101: {  	s30 =	sadd.s32 $0x13D80, s26;
	[sflag:s25] =	ssyncadd.s32 $0xFFFFC000  }
0x102: {  	[tilespmem:s21], [sflag:$0x2] =	stream.indirect.gather [hbm4b:s1+s20], $0x80, s30, s20, $0xb8;
	[tilespmem:$0x1E400] =	vst v63  }
0x103: {  	_ =	swait.ge [sflag:s22], $0x4000  }
0x104: {  	[sflag:s22] =	ssyncset.done $0x0  }
0x105: {  	s31 =	sadd.s32 $0x15100, s26;
	[sflag:s22] =	ssyncadd.s32 $0xFFFFC000  }
0x106: {  	[spmem:s3] =	stream.indirect.scatter.add.f32 [tilespmem:s16], [sflag:$0x3], $0x80, s31, s20, $0xb8;
	[tilespmem:$0x1E400] =	vst v63  }
0x107: {  	_ =	swait.ge [sflag:s23], $0x4000  }
0x108: {  	[sflag:s23] =	ssyncset.done $0x0  }
0x109: {  	s29 =	sadd.s32 $0x15180, s26;
	[sflag:s23] =	ssyncadd.s32 $0xFFFFC000  }
0x10a: {  	[spmem:s3] =	stream.indirect.scatter.add.f32 [tilespmem:s21], [sflag:$0x4], $0x80, s29, s20, $0xb8;
	[tilespmem:$0x1E400] =	vst v63  }
0x10b: {  	_ =	swait.ge [sflag:s24], $0x4000  }
0x10c: {  	[sflag:s24] =	ssyncset.done $0x0  }
0x10d: {  	[sflag:s24] =	ssyncadd.s32 $0xFFFFC000  }
0x10e: {  	_ =	swait.ge [sflag:s25], $0x4000  }
0x10f: {  	s4 =	sadd.s32 $0x1, s4;
	s30 =	sshll.u32 s0, $0x6;
	[sflag:s25] =	ssyncset.done $0x0  }
0x110: {  	p0 =	sne.s32 s4, s15;
	s26 =	sor.u32 $0x1C05, s30;
	[sflag:s25] =	ssyncadd.s32 $0xFFFFC000  }
.Ltmp3:
0x111: {  	s31 =	sshrl.u32 s5, $0x3;
	[bflag:$0x0] =	sbarrier.arrive $0xFFFF;
	(pc) =	sbr.rel @p0 .LBB2_1-.Ltmp3, $4  }
0x112: {  	[hbm:s14], [sflag:s26] =	dma.local [spmem:s31], $0x2780  }
0x113: {  	_ =	swait.ge [sflag:s17], $0x2780  }
0x114: {  	[sflag:s17] =	ssyncset.done $0x0  }
0x115: {  	[sflag:s17] =	ssyncadd.s32 $0xFFFFD880  }
0x116: {  	_ =	sfence.sel $0x180000  }
0x117: {  	[bflag:$0x0] =	sbarrier.arrive $0xFFFF  }
0x118: {  	p0 =	sne.s32 s0, $0x0;
	_ =	strace $0x9000004A  }
0x119: {  	s0 =	sadd.s32 @!p0 $0x100000, s2;
	[bflag:$0x2] =	sbarrier.arrive $0xFFFF  }
0x11a: {  	[sflag:s0] =	ssyncadd.tile.s32 @!p0 $0x1;
	_ =	shalt  }
.Lfunc_end2:
_tile_overlayer_lowered:
.L_overlay_start_2:
0x11b: {  	(tag) =	ssettag $0x2  }
0x11c: {  	s0 =	rddreg [dreg:$0x0];
	s2 =	stileid.u32  }
0x11d: {  	s1 =	rddreg [dreg:$0x1];
	p0 =	sne.s32 s2, $0x0  }
0x11e: {  	s3 =	rddreg [dreg:$0x2];
	[bflag:$0x3] =	sbarrier.arrive $0xFFFF;
	s2 =	simm.s32 @!p0 $0x1C05  }
0x11f: {  	[timem:s3], [sflag:s2] =	dma.local @!p0 [hbm:s0], s1  }
0x120: {  	s0 =	simm.s32 @!p0 $0x5  }
0x121: {  	_ =	swait.ge @!p0 [sflag:s0], s1  }
0x122: {  	s1 =	ssub.s32 @!p0 $0x0, s1;
	[sflag:s0] =	ssyncset.done @!p0 $0x0  }
0x123: {  	[sflag:s0] =	ssyncadd.s32 @!p0 s1  }
0x124: {  	[bflag:$0x3] =	sbarrier.arrive $0xFFFF  }
0x125: {  	_ =	shalt  }

// kernel: kernel.16.cloned.1.call-start
scs
__scs_entry_jumppad:
0x0: {  	(pc) =	sbr.rel $0x88, $3  }
0x1: {  	(tag) =	ssettag $0x0;
	lr =	simm.s32 $0x1  }
0x2: {  	[smem:$0x3F91] =	sst lr;
	_ =	strace $0xD0000000  }
0x3: {  	_ = 	snop  }
0x4: {  	_ = 	snop  }
0x5: {  	_ = 	snop  }
0x6: {  	_ = 	snop  }
0x7: {  	_ = 	snop  }
__scs_overlays_trampoline_lowered:
0x8: {  	[smem:$0x3FA0] =	sst s0  }
0x9: {  	[smem:$0x3FA1] =	sst s1  }
0xa: {  	[smem:$0x3FA2] =	sst s2  }
0xb: {  	[smem:$0x3FA3] =	sst s3  }
0xc: {  	[smem:$0x3FA4] =	sst s4  }
0xd: {  	[smem:$0x3FA5] =	sst s5  }
0xe: {  	[smem:$0x3FA6] =	sst s6  }
0xf: {  	[smem:$0x3FA7] =	sst s7  }
0x10: {  	[smem:$0x3FA8] =	sst s8  }
0x11: {  	[smem:$0x3FA9] =	sst s9;
	s0 =	simm.s32 @!p0 $0x0  }
0x12: {  	s1 =	sld [smem:$0x3F8F];
	s0 =	simm.s32 @p0 $0x1  }
0x13: {  	[smem:$0x3FAA] =	sst s0;
	s0 =	simm.s32 @!p1 $0x0  }
0x14: {  	s2 =	sld [smem:$0x3F8E];
	s0 =	simm.s32 @p1 $0x1  }
0x15: {  	[smem:$0x3FAB] =	sst s0;
	s0 =	simm.s32 @!p2 $0x0  }
0x16: {  	s3 =	sld [smem:$0x3FDB];
	s0 =	simm.s32 @p2 $0x1  }
0x17: {  	s4 =	simm.s32 $0x1BF5;
	[smem:$0x3FAD] =	sst s0  }
0x18: {  	s0 =	sld [smem:$0x3F90];
	_ =	swait.ge [sflag:s4], $0x0  }
0x19: {  	s7 =	sld [smem:$0x3F91]  }
0x1a: {  	s8 =	sadd.s32 $0xFFFFE003, lr  }
0x1b: {  	s9 =	sadd.s32 $0xFFFFFEF7, lr;
	s5 =	simm.s32 $0xFFFFFFFF;
	p2 =	slt.u32 s8, $0xFFFFF086  }
0x1c: {  	p1 =	slt.u32 s9, $0xF7A;
	s5 =	simm.s32 @!p2 $0x0  }
0x1d: {  	s5 =	simm.s32 @p1 $0x1;
	p0 =	seq.s32 s7, s2  }
0x1e: {  	s7 =	smul.u32 @!p0 $0xF7A, s2;
	p2 =	seq.s32 @!p0 s5, $0x0  }
0x1f: {  	s9 =	smul.u32 $0xF7A, s1;
	s8 =	simm.s32 @!p0 $0x1BF5;
	p2 =	por !p2, p0  }
0x20: {  	[sflag:s8] =	ssyncset.s32 @!p0 $0xFFFFF086;
	s6 =	sadd.s32 @!p0 s3, s7;
	s7 =	simm.s32 @!p0 $0x108  }
0x21: {  	s3 =	sadd.s32 s3, s9;
	s6 =	sadd.s32 @!p0 $0x88, s6;
	s7 =	simm.s32 @p2 $0x1082  }
0x22: {  	[simem:s7], [sflag:s8] =	dma.local @!p0 [hbm:s6], $0xF7A  }
0x23: {  	s9 =	sor.u32 $0xD0000000, s2;
	s6 =	simm.s32 $0x108;
	_ =	swait.ge @!p0 [sflag:s8], $0x0  }
0x24: {  	s3 =	sadd.s32 $0x88, s3;
	s6 =	simm.s32 @!p1 $0x1082;
	[sflag:s4] =	ssyncset.s32 $0xFFFFF086  }
0x25: {  	[simem:s6], [sflag:s4] =	dma.local [hbm:s3], $0xF7A  }
0x26: {  	[smem:$0x3F91] =	sst s1;
	(tag) =	ssettag s2;
	_ =	strace s9  }
0x27: {  	s1 =	sld [smem:$0x3FA1]  }
0x28: {  	s2 =	sld [smem:$0x3FA2]  }
0x29: {  	s4 =	sld [smem:$0x3FA4]  }
0x2a: {  	p0 =	seq.s32 s5, $0x0;
	s5 =	sld [smem:$0x3FA5]  }
0x2b: {  	s6 =	sld [smem:$0x3FA6]  }
0x2c: {  	s7 =	sld [smem:$0x3FA7]  }
0x2d: {  	s3 =	simm.s32 $0x108;
	s8 =	sld [smem:$0x3FA8]  }
0x2e: {  	s3 =	simm.s32 @!p0 $0x1082;
	s9 =	sld [smem:$0x3FA9]  }
0x2f: {  	lr =	sadd.s32 s0, s3;
	s0 =	sld [smem:$0x3FA0]  }
0x30: {  	s3 =	sld [smem:$0x3FA3]  }
0x31: {  	[smem:$0x3FAC] =	sst s10  }
0x32: {  	s10 =	sld [smem:$0x3FAA];
	_ =	sdelay $0x3  }
0x33: {  	p0 =	seq.s32 s10, $0x1;
	s10 =	sld [smem:$0x3FAC];
	_ =	sdelay $0x3  }
0x34: {  	[smem:$0x3FAC] =	sst s10  }
0x35: {  	s10 =	sld [smem:$0x3FAB];
	_ =	sdelay $0x3  }
0x36: {  	p1 =	seq.s32 s10, $0x1;
	s10 =	sld [smem:$0x3FAC];
	_ =	sdelay $0x3  }
0x37: {  	[smem:$0x3FAC] =	sst s10  }
0x38: {  	s10 =	sld [smem:$0x3FAD]  }
0x39: {  	_ = 	snop;
	(pc) =	sbr.ind lr, $3  }
0x3a: {  	_ = 	snop  }
0x3b: {  	_ = 	snop  }
0x3c: {  	p2 =	seq.s32 s10, $0x1;
	s10 =	sld [smem:$0x3FAC]  }
0x3d: {  	_ =	shalt  }
0x3e: {  	_ =	shalt  }
0x3f: {  	_ =	shalt  }
0x40: {  	_ =	shalt  }
0x41: {  	_ =	shalt  }
0x42: {  	_ =	shalt  }
0x43: {  	_ =	shalt  }
0x44: {  	_ =	shalt  }
0x45: {  	_ =	shalt  }
0x46: {  	_ =	shalt  }
0x47: {  	_ =	shalt  }
0x48: {  	_ =	shalt  }
0x49: {  	_ =	shalt  }
0x4a: {  	_ =	shalt  }
0x4b: {  	_ =	shalt  }
0x4c: {  	_ =	shalt  }
0x4d: {  	_ =	shalt  }
0x4e: {  	_ =	shalt  }
0x4f: {  	_ =	shalt  }
0x50: {  	_ =	shalt  }
0x51: {  	_ =	shalt  }
0x52: {  	_ =	shalt  }
0x53: {  	_ =	shalt  }
0x54: {  	_ =	shalt  }
0x55: {  	_ =	shalt  }
0x56: {  	_ =	shalt  }
0x57: {  	_ =	shalt  }
0x58: {  	_ =	shalt  }
0x59: {  	_ =	shalt  }
0x5a: {  	_ =	shalt  }
0x5b: {  	_ =	shalt  }
0x5c: {  	_ =	shalt  }
0x5d: {  	_ =	shalt  }
0x5e: {  	_ =	shalt  }
0x5f: {  	_ =	shalt  }
0x60: {  	_ =	shalt  }
0x61: {  	_ =	shalt  }
0x62: {  	_ =	shalt  }
0x63: {  	_ =	shalt  }
0x64: {  	_ =	shalt  }
0x65: {  	_ =	shalt  }
0x66: {  	_ =	shalt  }
0x67: {  	_ =	shalt  }
0x68: {  	_ =	shalt  }
0x69: {  	_ =	shalt  }
0x6a: {  	_ =	shalt  }
0x6b: {  	_ =	shalt  }
0x6c: {  	_ =	shalt  }
0x6d: {  	_ =	shalt  }
0x6e: {  	_ =	shalt  }
0x6f: {  	_ =	shalt  }
0x70: {  	_ =	shalt  }
0x71: {  	_ =	shalt  }
0x72: {  	_ =	shalt  }
0x73: {  	_ =	shalt  }
0x74: {  	_ =	shalt  }
0x75: {  	_ =	shalt  }
0x76: {  	_ =	shalt  }
0x77: {  	_ =	shalt  }
0x78: {  	_ =	shalt  }
0x79: {  	_ =	shalt  }
0x7a: {  	_ =	shalt  }
0x7b: {  	_ =	shalt  }
0x7c: {  	_ =	shalt  }
0x7d: {  	_ =	shalt  }
0x7e: {  	_ =	shalt  }
0x7f: {  	_ =	shalt  }
0x80: {  	_ =	shalt  }
0x81: {  	_ =	shalt  }
0x82: {  	_ =	shalt  }
0x83: {  	_ =	shalt  }
0x84: {  	_ =	shalt  }
0x85: {  	_ =	shalt  }
0x86: {  	_ =	shalt  }
0x87: {  	_ =	shalt  }
.Lfunc_end0:
.L_simem_size_0:
called_computation.2_lowered:
.L_overlay_start_0:
0x88: {  	s2 =	sld [smem:$0x3FD9]  }
0x89: {  	s3 =	sld [smem:$0x3FFE];
	_ =	sdelay $0x1  }
0x8a: {  	s1 =	srdreg.scid  }
0x8b: {  	s0 =	sand.u32 $0x1, s1  }
0x8c: {  	s14 =	sshll.u32 s0, $0xA;
	s2 =	sadd.s32 s3, s2  }
0x8d: {  	s2 =	sadd.s32 s2, s14  }
0x8e: {  	[smem:$0x3FB8] =	sst s2  }
0x8f: {  	_ = 	snop  }
0x90: {  	s2 =	sld [smem:$0x3FD0];
	_ =	sdelay $0x2  }
0x91: {  	s15 =	simm.s32 $0xA;
	s4 =	simm.s32 $0x10  }
0x92: {  	[smem:s4], [sflag:s15] =	dma.local [hbm:s2], $0x1  }
0x93: {  	_ =	swait.eq [sflag:s15], $0x1  }
0x94: {  	[sflag:s15] =	ssyncset.done $0x0  }
0x95: {  	s16 =	sld [smem:$0x10];
	[sflag:s15] =	ssyncadd.s32 $0xFFFFFFFF  }
0x96: {  	s17 =	sld [smem:$0x11];
	(tm) =	ssettm $0x1  }
0x97: {  	s18 =	sld [smem:$0x3FFB];
	_ =	sdelay $0x3  }
0x98: {  	_ =	strace s18  }
0x99: {  	s4 =	sld [smem:$0x3FFC];
	_ =	sdelay $0x3  }
0x9a: {  	_ =	strace s4  }
0x9b: {  	s4 =	sld [smem:$0x3FFD];
	_ =	sdelay $0x3  }
0x9c: {  	_ =	strace s4  }
0x9d: {  	_ =	strace $0x8FFFFFFF  }
0x9e: {  	s19 =	sld [smem:$0x3FDB];
	_ =	sdelay $0x1  }
0x9f: {  	s5 =	simm.s32 $_scs_section_size  }
0xa0: {  	s6 =	simm.s32 $_size__tile_overlayer_lowered;
	s7 =	simm.s32 $_tile_overlayer_lowered  }
0xa1: {  	s22 =	simm.s32 $0x1BFF;
	s21 =	sshll.u32 s7, $0x1;
	s4 =	sadd.s32 s5, s19  }
0xa2: {  	s8 =	simm.s32 $0x0;
	s20 =	sshll.u32 s6, $0x1;
	s6 =	sadd.s32 s21, s4  }
0xa3: {  	[timem:s8], [sflag:s22] =	dma.local [hbm:s6], s20  }
0xa4: {  	_ =	swait.ge [sflag:s22], s20  }
0xa5: {  	s5 =	ssub.s32 $0x0, s20;
	[sflag:s22] =	ssyncset.done $0x0  }
0xa6: {  	[sflag:s22] =	ssyncadd.s32 s5;
	_ =	sdelay $0x1  }
0xa7: {  	s23 =	simm.s32 $0x1B8B  }
0xa8: {  	_ =	swait.ge [sflag:s23], $0x1  }
0xa9: {  	[sflag:s23] =	ssyncset.done $0x0  }
0xaa: {  	s25 =	simm.s32 $0x1B8E;
	s24 =	sld [smem:$0x3FFE];
	[sflag:s23] =	ssyncadd.s32 $0xFFFFFFFF  }
0xab: {  	s26 =	simm.s32 $execute0_lowered;
	[smem:$0x3FD2] =	sst s25  }
0xac: {  	s6 =	sshll.u32 s26, $0x1;
	_ =	strace $0x8000004C;
	[dreg:$0x1] =	wrdreg $0xFFFFFFFF  }
0xad: {  	s28 =	simm.s32 $_size_execute0_lowered;
	s4 =	sadd.s32 s4, s6;
	[dreg:$0x0] =	wrdreg $0x0  }
0xae: {  	s6 =	sshll.u32 s28, $0x1;
	[dreg:$0x2] =	wrdreg s4  }
0xaf: {  	[dreg:$0x3] =	wrdreg s6  }
0xb0: {  	[dreg:$0x4] =	wrdreg $0xC0  }
0xb1: {  	_ =	task [dreg:s8], $0x5FFFF  }
0xb2: {  	[dreg:$0x1] =	wrdreg $0xFFFFFFFF  }
0xb3: {  	[dreg:$0x0] =	wrdreg $0x60  }
0xb4: {  	[dreg:$0x2] =	wrdreg s16  }
0xb5: {  	[dreg:$0x3] =	wrdreg s17  }
0xb6: {  	[dreg:$0x4] =	wrdreg s24  }
0xb7: {  	[dreg:$0x5] =	wrdreg $0x0  }
0xb8: {  	[dreg:$0x6] =	wrdreg $0x9  }
0xb9: {  	_ =	task.clear_ibuf [dreg:s8], $0x7FFFF;
	_ =	strace $0x9000004C  }
0xba: {  	s29 =	simm.s32 $0x9;
	_ =	strace $0x8000004E  }
0xbb: {  	_ =	swait.ge [sflag:s29], $0x1  }
0xbc: {  	[sflag:s29] =	ssyncadd.s32 $0xFFFFFFFF  }
0xbd: {  	_ =	strace $0x9000004E  }
0xbe: {  	_ =	sfence  }
0xbf: {  	s30 =	sld [smem:$0x0];
	_ =	sdelay $0x2  }
0xc0: {  	s31 =	sshll.u32 s1, $0xD;
	s1 =	sshrl.u32 s1, $0x2  }
0xc1: {  	s3 =	sand.u32 $0x4000, s31;
	s1 =	sadd.s32 s1, s30  }
0xc2: {  	s0 =	sor.u32 s3, s0;
	s1 =	sshll.u32 s1, $0x11  }
0xc3: {  	s0 =	sor.u32 s1, s0  }
0xc4: {  	s0 =	sadd.s32 $0x8F2B, s0  }
0xc5: {  	[sflag:s0] =	ssyncadd.remote.s32 $0x1  }
0xc6: {  	_ =	sfence.sel $0xFFFF  }
0xc7: {  	[dreg:$0x0] =	wrdreg $0xFFFFFFFF;
	(pc) =	sbr.abs _section_cstart, $3  }
0xc8: {  	[dreg:$0x1] =	wrdreg $0xFFFFFFFF  }
0xc9: {  	_ =	task.clear_ibuf [dreg:s8], $0x2FFFF;
	_ =	strace $0x9FFFFFFF  }
0xca: {  	(tm) =	ssettm $0x7FFFFFFF  }
0xcb: {  	_ =	shalt  }
tec
execute0_lowered:
.L_overlay_start_1:
0x0: {  	(tag) =	ssettag $0x1  }
0x1: {  	s1 =	rddreg [dreg:$0x0]  }
0x2: {  	s10 =	rddreg [dreg:$0x1]  }
0x3: {  	s5 =	rddreg [dreg:$0x2];
	s0 =	stileid.u32  }
0x4: {  	s2 =	srdreg.scid;
	s3 =	rddreg [dreg:$0x3]  }
0x5: {  	s4 =	simm.s32 $0x0;
	s16 =	simm.s32 $0x16400;
	s17 =	simm.s32 $0x5  }
0x6: {  	s18 =	simm.s32 $0x13C00;
	s19 =	simm.s32 $0x15000;
	s20 =	simm.s32 $0x80  }
0x7: {  	s21 =	simm.s32 $0x1A400;
	s22 =	simm.s32 $0x1;
	s6 =	smul.u32 $0x2800, s0  }
0x8: {  	s23 =	simm.s32 $0x2;
	s24 =	simm.s32 $0x3;
	s9 =	smul.u32 $0x13C00, s0  }
0x9: {  	s7 =	sand.u32 $0x1, s2;
	[smem:$0x7FF] =	sst s4;
	s25 =	smul.u32 $0x4F000, s0  }
0xa: {  	s2 =	rddreg [dreg:$0x4];
	s8 =	smul.u32 $0x13C000, s7;
	_ =	strace $0x8000004D  }
0xb: {  	s26 =	ssub.s32 $0x2, s7;
	s7 =	smul.u32 $0x28000, s7;
	s11 =	sshrl.u32 s6, $0x3  }
0xc: {  	s28 =	sshrl.u32 s26, $0x1;
	s29 =	sshrl.u32 s25, $0x2;
	s25 =	simm.s32 $0x4  }
0xd: {  	s13 =	sadd.s32 s11, s5;
	s8 =	sadd.s32 s9, s8;
	s30 =	sadd.s32 s6, s7  }
0xe: {  	s15 =	ssub.s32 s26, s28;
	s8 =	sshrl.u32 s8, $0x3;
	s31 =	sshrl.u32 s30, $0x3  }
0xf: {  	s11 =	sadd.s32 $0x3C00, s13;
	s13 =	sadd.s32 $0x3E80, s13;
	s15 =	smax.u32 s15, $0x1  }
0x10: {  	s14 =	sadd.s32 s8, s5;
	s5 =	sadd.s32 s29, s3;
	s10 =	sadd.s32 s10, s31  }
0x11: {  	s6 =	sadd.s32 $0x4000, s5;
	s7 =	sadd.s32 $0x8000, s5;
	s8 =	sadd.s32 $0xC000, s5  }
0x12: {  	v0 =	vimm.f32 $0.0e+00;
	s9 =	sadd.s32 $0x10000, s5;
	s12 =	sadd.s32 $0x280, s10;
	s14 =	sadd.s32 $0x8C00, s14  }
.LBB2_1:
0x13: {  	s26 =	simm.s32 $0x0;
	s28 =	simm.s32 $0x200  }
.LBB2_2:
0x14: {  	p0 =	sne.s32 s28, $0xFE00;
	[tilespmem:s26+$0x16470] =	vst v0  }
0x15: {  	[tilespmem:s26+$0x16400] =	vst v0  }
0x16: {  	[tilespmem:s26+$0x16410] =	vst v0  }
.Ltmp0:
0x17: {  	[tilespmem:s26+$0x16420] =	vst v0;
	(pc) =	sbr.rel @p0 .LBB2_2-.Ltmp0, $4  }
0x18: {  	[tilespmem:s26+$0x16430] =	vst v0  }
0x19: {  	[tilespmem:s26+$0x16440] =	vst v0  }
0x1a: {  	[tilespmem:s26+$0x16450] =	vst v0  }
0x1b: {  	[tilespmem:s26+$0x16460] =	vst v0;
	s26 =	sshra.s32 s28, $0x2;
	s28 =	sadd.s32 $0x200, s28  }
0x1c: {  	[tilespmem:s26+$0x16470] =	vst v0  }
0x1d: {  	[tilespmem:s26+$0x16400] =	vst v0  }
0x1e: {  	[tilespmem:s26+$0x16410] =	vst v0  }
0x1f: {  	[tilespmem:s26+$0x16420] =	vst v0  }
0x20: {  	[tilespmem:s26+$0x16430] =	vst v0  }
0x21: {  	[tilespmem:s26+$0x16440] =	vst v0  }
0x22: {  	[tilespmem:s26+$0x16450] =	vst v0  }
0x23: {  	[tilespmem:s26+$0x16460] =	vst v0  }
0x24: {  	[spmem:s5] =	stream.linear.scatter [tilespmem:s16], [sflag:$0x5], $0x4000, $0x38;
	[tilespmem:$0x1E400] =	vst v63  }
0x25: {  	_ =	swait.ge [sflag:s17], $0x4000  }
0x26: {  	[sflag:s17] =	ssyncset.done $0x0  }
0x27: {  	[sflag:s17] =	ssyncadd.s32 $0xFFFFC000  }
0x28: {  	[spmem:s6] =	stream.linear.scatter [tilespmem:s16], [sflag:$0x5], $0x4000, $0x38;
	[tilespmem:$0x1E400] =	vst v63  }
0x29: {  	_ =	swait.ge [sflag:s17], $0x4000  }
0x2a: {  	[sflag:s17] =	ssyncset.done $0x0  }
0x2b: {  	[sflag:s17] =	ssyncadd.s32 $0xFFFFC000  }
0x2c: {  	[spmem:s7] =	stream.linear.scatter [tilespmem:s16], [sflag:$0x5], $0x4000, $0x38;
	[tilespmem:$0x1E400] =	vst v63  }
0x2d: {  	_ =	swait.ge [sflag:s17], $0x4000  }
0x2e: {  	[sflag:s17] =	ssyncset.done $0x0  }
0x2f: {  	[sflag:s17] =	ssyncadd.s32 $0xFFFFC000  }
0x30: {  	[spmem:s8] =	stream.linear.scatter [tilespmem:s16], [sflag:$0x5], $0x4000, $0x38;
	[tilespmem:$0x1E400] =	vst v63  }
0x31: {  	_ =	swait.ge [sflag:s17], $0x4000  }
0x32: {  	[sflag:s17] =	ssyncset.done $0x0  }
0x33: {  	[sflag:s17] =	ssyncadd.s32 $0xFFFFC000  }
0x34: {  	[spmem:s9] =	stream.linear.scatter [tilespmem:s16], [sflag:$0x5], $0x3C00, $0x38;
	[tilespmem:$0x1E400] =	vst v63  }
0x35: {  	_ =	swait.ge [sflag:s17], $0x3C00  }
0x36: {  	[sflag:s17] =	ssyncset.done $0x0  }
0x37: {  	[sflag:s17] =	ssyncadd.s32 $0xFFFFC400  }
0x38: {  	s28 =	simm.s32 $0x0;
	[bflag:$0x0] =	sbarrier.arrive $0xFFFF  }
0x39: {  	[tilespmem:s18], [sflag:$0x5] =	stream.linear.gather [hbm4b:s10+s28], $0x1400, $0x38;
	[tilespmem:$0x1E400] =	vst v63  }
0x3a: {  	_ =	swait.ge [sflag:s17], $0x1400  }
0x3b: {  	[sflag:s17] =	ssyncset.done $0x0  }
0x3c: {  	[sflag:s17] =	ssyncadd.s32 $0xFFFFEC00  }
0x3d: {  	[tilespmem:s19], [sflag:$0x5] =	stream.linear.gather [hbm4b:s11+s28], $0x1400, $0x38;
	[tilespmem:$0x1E400] =	vst v63  }
0x3e: {  	_ =	swait.ge [sflag:s17], $0x1400  }
0x3f: {  	[sflag:s17] =	ssyncset.done $0x0  }
0x40: {  	s29 =	simm.s32 $0x13C00;
	[sflag:s17] =	ssyncadd.s32 $0xFFFFEC00  }
0x41: {  	[tilespmem:s16], [sflag:$0x1] =	stream.indirect.gather [hbm4b:s1+s20], $0x80, s29, s20, $0xb8;
	[tilespmem:$0x1E400] =	vst v63  }
0x42: {  	s31 =	simm.s32 $0x13C80  }
0x43: {  	[tilespmem:s21], [sflag:$0x2] =	stream.indirect.gather [hbm4b:s1+s20], $0x80, s31, s20, $0xb8;
	[tilespmem:$0x1E400] =	vst v63  }
0x44: {  	_ =	swait.ge [sflag:s22], $0x4000  }
0x45: {  	[sflag:s22] =	ssyncset.done $0x0  }
0x46: {  	s28 =	simm.s32 $0x15000;
	[sflag:s22] =	ssyncadd.s32 $0xFFFFC000  }
0x47: {  	[spmem:s3] =	stream.indirect.scatter.add.f32 [tilespmem:s16], [sflag:$0x3], $0x80, s28, s20, $0xb8;
	[tilespmem:$0x1E400] =	vst v63  }
0x48: {  	_ =	swait.ge [sflag:s23], $0x4000  }
0x49: {  	[sflag:s23] =	ssyncset.done $0x0  }
0x4a: {  	s29 =	simm.s32 $0x15080;
	[sflag:s23] =	ssyncadd.s32 $0xFFFFC000  }
0x4b: {  	[spmem:s3] =	stream.indirect.scatter.add.f32 [tilespmem:s21], [sflag:$0x4], $0x80, s29, s20, $0xb8;
	[tilespmem:$0x1E400] =	vst v63  }
0x4c: {  	_ =	swait.ge [sflag:s24], $0x4000  }
0x4d: {  	[sflag:s24] =	ssyncset.done $0x0  }
0x4e: {  	s31 =	simm.s32 $0x13D00;
	[sflag:s24] =	ssyncadd.s32 $0xFFFFC000  }
0x4f: {  	[tilespmem:s16], [sflag:$0x1] =	stream.indirect.gather [hbm4b:s1+s20], $0x80, s31, s20, $0xb8;
	[tilespmem:$0x1E400] =	vst v63  }
0x50: {  	_ =	swait.ge [sflag:s25], $0x4000  }
0x51: {  	[sflag:s25] =	ssyncset.done $0x0  }
0x52: {  	s28 =	simm.s32 $0x13D80;
	[sflag:s25] =	ssyncadd.s32 $0xFFFFC000  }
0x53: {  	[tilespmem:s21], [sflag:$0x2] =	stream.indirect.gather [hbm4b:s1+s20], $0x80, s28, s20, $0xb8;
	[tilespmem:$0x1E400] =	vst v63  }
0x54: {  	_ =	swait.ge [sflag:s22], $0x4000  }
0x55: {  	[sflag:s22] =	ssyncset.done $0x0  }
0x56: {  	s29 =	simm.s32 $0x15100;
	[sflag:s22] =	ssyncadd.s32 $0xFFFFC000  }
0x57: {  	[spmem:s3] =	stream.indirect.scatter.add.f32 [tilespmem:s16], [sflag:$0x3], $0x80, s29, s20, $0xb8;
	[tilespmem:$0x1E400] =	vst v63  }
0x58: {  	_ =	swait.ge [sflag:s23], $0x4000  }
0x59: {  	[sflag:s23] =	ssyncset.done $0x0  }
0x5a: {  	s31 =	simm.s32 $0x15180;
	[sflag:s23] =	ssyncadd.s32 $0xFFFFC000  }
0x5b: {  	[spmem:s3] =	stream.indirect.scatter.add.f32 [tilespmem:s21], [sflag:$0x4], $0x80, s31, s20, $0xb8;
	[tilespmem:$0x1E400] =	vst v63  }
0x5c: {  	_ =	swait.ge [sflag:s24], $0x4000  }
0x5d: {  	[sflag:s24] =	ssyncset.done $0x0  }
0x5e: {  	[sflag:s24] =	ssyncadd.s32 $0xFFFFC000  }
0x5f: {  	_ =	swait.ge [sflag:s25], $0x4000  }
0x60: {  	s30 =	simm.s32 $0x1000;
	s26 =	simm.s32 $0x200;
	[sflag:s25] =	ssyncset.done $0x0  }
.LBB2_4:
0x61: {  	s31 =	sadd.s32 $0x13C00, s26  }
0x62: {  	[sflag:s25] =	ssyncadd.s32 $0xFFFFC000;
	s29 =	smov.u32 s30;
	s28 =	sadd.s32 $0x800, s30  }
0x63: {  	[tilespmem:s16], [sflag:$0x1] =	stream.indirect.gather [hbm4b:s1+s20], $0x80, s31, s20, $0xb8;
	[tilespmem:$0x1E400] =	vst v63  }
0x64: {  	p0 =	sne.s32 s30, $0x4800;
	s30 =	sadd.s32 $0x13C80, s26  }
0x65: {  	[tilespmem:s21], [sflag:$0x2] =	stream.indirect.gather [hbm4b:s1+s20], $0x80, s30, s20, $0xb8;
	[tilespmem:$0x1E400] =	vst v63  }
0x66: {  	_ =	swait.ge [sflag:s22], $0x4000  }
0x67: {  	[sflag:s22] =	ssyncset.done $0x0  }
0x68: {  	s30 =	sadd.s32 $0x15000, s26;
	[sflag:s22] =	ssyncadd.s32 $0xFFFFC000  }
0x69: {  	[spmem:s3] =	stream.indirect.scatter.add.f32 [tilespmem:s16], [sflag:$0x3], $0x80, s30, s20, $0xb8;
	[tilespmem:$0x1E400] =	vst v63  }
0x6a: {  	_ =	swait.ge [sflag:s23], $0x4000  }
0x6b: {  	[sflag:s23] =	ssyncset.done $0x0  }
0x6c: {  	s30 =	sadd.s32 $0x15080, s26;
	[sflag:s23] =	ssyncadd.s32 $0xFFFFC000  }
0x6d: {  	[spmem:s3] =	stream.indirect.scatter.add.f32 [tilespmem:s21], [sflag:$0x4], $0x80, s30, s20, $0xb8;
	[tilespmem:$0x1E400] =	vst v63  }
0x6e: {  	_ =	swait.ge [sflag:s24], $0x4000  }
0x6f: {  	[sflag:s24] =	ssyncset.done $0x0  }
0x70: {  	s30 =	sadd.s32 $0x13D00, s26;
	[sflag:s24] =	ssyncadd.s32 $0xFFFFC000  }
0x71: {  	[tilespmem:s16], [sflag:$0x1] =	stream.indirect.gather [hbm4b:s1+s20], $0x80, s30, s20, $0xb8;
	[tilespmem:$0x1E400] =	vst v63  }
0x72: {  	_ =	swait.ge [sflag:s25], $0x4000  }
0x73: {  	[sflag:s25] =	ssyncset.done $0x0  }
0x74: {  	s30 =	sadd.s32 $0x13D80, s26;
	[sflag:s25] =	ssyncadd.s32 $0xFFFFC000  }
0x75: {  	[tilespmem:s21], [sflag:$0x2] =	stream.indirect.gather [hbm4b:s1+s20], $0x80, s30, s20, $0xb8;
	[tilespmem:$0x1E400] =	vst v63  }
0x76: {  	_ =	swait.ge [sflag:s22], $0x4000  }
0x77: {  	[sflag:s22] =	ssyncset.done $0x0  }
0x78: {  	s30 =	sadd.s32 $0x15100, s26;
	[sflag:s22] =	ssyncadd.s32 $0xFFFFC000  }
0x79: {  	[spmem:s3] =	stream.indirect.scatter.add.f32 [tilespmem:s16], [sflag:$0x3], $0x80, s30, s20, $0xb8;
	[tilespmem:$0x1E400] =	vst v63  }
0x7a: {  	_ =	swait.ge [sflag:s23], $0x4000  }
0x7b: {  	[sflag:s23] =	ssyncset.done $0x0  }
0x7c: {  	s26 =	sadd.s32 $0x15180, s26;
	[sflag:s23] =	ssyncadd.s32 $0xFFFFC000  }
0x7d: {  	[spmem:s3] =	stream.indirect.scatter.add.f32 [tilespmem:s21], [sflag:$0x4], $0x80, s26, s20, $0xb8;
	[tilespmem:$0x1E400] =	vst v63  }
.Ltmp1:
0x7e: {  	_ =	swait.ge [sflag:s24], $0x4000;
	(pc) =	sbr.rel @p0 .LBB2_4-.Ltmp1, $4  }
0x7f: {  	[sflag:s24] =	ssyncset.done $0x0  }
0x80: {  	[sflag:s24] =	ssyncadd.s32 $0xFFFFC000  }
0x81: {  	_ =	swait.ge [sflag:s25], $0x4000  }
0x82: {  	s30 =	smov.u32 s28;
	s26 =	sshra.s32 s29, $0x2;
	[sflag:s25] =	ssyncset.done $0x0  }
0x83: {  	s28 =	sadd.s32 $0x13C00, s26;
	[sflag:s25] =	ssyncadd.s32 $0xFFFFC000  }
0x84: {  	[tilespmem:s16], [sflag:$0x1] =	stream.indirect.gather [hbm4b:s1+s20], $0x80, s28, s20, $0xb8;
	[tilespmem:$0x1E400] =	vst v63  }
0x85: {  	s31 =	sadd.s32 $0x13C80, s26  }
0x86: {  	[tilespmem:s21], [sflag:$0x2] =	stream.indirect.gather [hbm4b:s1+s20], $0x80, s31, s20, $0xb8;
	[tilespmem:$0x1E400] =	vst v63  }
0x87: {  	_ =	swait.ge [sflag:s22], $0x4000  }
0x88: {  	[sflag:s22] =	ssyncset.done $0x0  }
0x89: {  	s29 =	sadd.s32 $0x15000, s26;
	[sflag:s22] =	ssyncadd.s32 $0xFFFFC000  }
0x8a: {  	[spmem:s3] =	stream.indirect.scatter.add.f32 [tilespmem:s16], [sflag:$0x3], $0x80, s29, s20, $0xb8;
	[tilespmem:$0x1E400] =	vst v63  }
0x8b: {  	_ =	swait.ge [sflag:s23], $0x4000  }
0x8c: {  	[sflag:s23] =	ssyncset.done $0x0  }
0x8d: {  	s31 =	sadd.s32 $0x15080, s26;
	[sflag:s23] =	ssyncadd.s32 $0xFFFFC000  }
0x8e: {  	[spmem:s3] =	stream.indirect.scatter.add.f32 [tilespmem:s21], [sflag:$0x4], $0x80, s31, s20, $0xb8;
	[tilespmem:$0x1E400] =	vst v63  }
0x8f: {  	_ =	swait.ge [sflag:s24], $0x4000  }
0x90: {  	[sflag:s24] =	ssyncset.done $0x0  }
0x91: {  	s29 =	sadd.s32 $0x13D00, s26;
	[sflag:s24] =	ssyncadd.s32 $0xFFFFC000  }
0x92: {  	[tilespmem:s16], [sflag:$0x1] =	stream.indirect.gather [hbm4b:s1+s20], $0x80, s29, s20, $0xb8;
	[tilespmem:$0x1E400] =	vst v63  }
0x93: {  	_ =	swait.ge [sflag:s25], $0x4000  }
0x94: {  	[sflag:s25] =	ssyncset.done $0x0  }
0x95: {  	s31 =	sadd.s32 $0x13D80, s26;
	[sflag:s25] =	ssyncadd.s32 $0xFFFFC000  }
0x96: {  	[tilespmem:s21], [sflag:$0x2] =	stream.indirect.gather [hbm4b:s1+s20], $0x80, s31, s20, $0xb8;
	[tilespmem:$0x1E400] =	vst v63  }
0x97: {  	_ =	swait.ge [sflag:s22], $0x4000  }
0x98: {  	[sflag:s22] =	ssyncset.done $0x0  }
0x99: {  	s29 =	sadd.s32 $0x15100, s26;
	[sflag:s22] =	ssyncadd.s32 $0xFFFFC000  }
0x9a: {  	[spmem:s3] =	stream.indirect.scatter.add.f32 [tilespmem:s16], [sflag:$0x3], $0x80, s29, s20, $0xb8;
	[tilespmem:$0x1E400] =	vst v63  }
0x9b: {  	_ =	swait.ge [sflag:s23], $0x4000  }
0x9c: {  	[sflag:s23] =	ssyncset.done $0x0  }
0x9d: {  	s31 =	sadd.s32 $0x15180, s26;
	[sflag:s23] =	ssyncadd.s32 $0xFFFFC000  }
0x9e: {  	[spmem:s3] =	stream.indirect.scatter.add.f32 [tilespmem:s21], [sflag:$0x4], $0x80, s31, s20, $0xb8;
	[tilespmem:$0x1E400] =	vst v63  }
0x9f: {  	_ =	swait.ge [sflag:s24], $0x4000  }
0xa0: {  	[sflag:s24] =	ssyncset.done $0x0  }
0xa1: {  	[sflag:s24] =	ssyncadd.s32 $0xFFFFC000  }
0xa2: {  	_ =	swait.ge [sflag:s25], $0x4000  }
0xa3: {  	[sflag:s25] =	ssyncset.done $0x0  }
0xa4: {  	s28 =	simm.s32 $0x0;
	[sflag:s25] =	ssyncadd.s32 $0xFFFFC000  }
0xa5: {  	[tilespmem:s18], [sflag:$0x5] =	stream.linear.gather [hbm4b:s12+s28], $0x1400, $0x38;
	[tilespmem:$0x1E400] =	vst v63  }
0xa6: {  	_ =	swait.ge [sflag:s17], $0x1400  }
0xa7: {  	[sflag:s17] =	ssyncset.done $0x0  }
0xa8: {  	[sflag:s17] =	ssyncadd.s32 $0xFFFFEC00  }
0xa9: {  	[tilespmem:s19], [sflag:$0x5] =	stream.linear.gather [hbm4b:s13+s28], $0x1400, $0x38;
	[tilespmem:$0x1E400] =	vst v63  }
0xaa: {  	_ =	swait.ge [sflag:s17], $0x1400  }
0xab: {  	[sflag:s17] =	ssyncset.done $0x0  }
0xac: {  	s29 =	simm.s32 $0x13C00;
	[sflag:s17] =	ssyncadd.s32 $0xFFFFEC00  }
0xad: {  	[tilespmem:s16], [sflag:$0x1] =	stream.indirect.gather [hbm4b:s1+s20], $0x80, s29, s20, $0xb8;
	[tilespmem:$0x1E400] =	vst v63  }
0xae: {  	s31 =	simm.s32 $0x13C80  }
0xaf: {  	[tilespmem:s21], [sflag:$0x2] =	stream.indirect.gather [hbm4b:s1+s20], $0x80, s31, s20, $0xb8;
	[tilespmem:$0x1E400] =	vst v63  }
0xb0: {  	_ =	swait.ge [sflag:s22], $0x4000  }
0xb1: {  	[sflag:s22] =	ssyncset.done $0x0  }
0xb2: {  	s28 =	simm.s32 $0x15000;
	[sflag:s22] =	ssyncadd.s32 $0xFFFFC000  }
0xb3: {  	[spmem:s3] =	stream.indirect.scatter.add.f32 [tilespmem:s16], [sflag:$0x3], $0x80, s28, s20, $0xb8;
	[tilespmem:$0x1E400] =	vst v63  }
0xb4: {  	_ =	swait.ge [sflag:s23], $0x4000  }
0xb5: {  	[sflag:s23] =	ssyncset.done $0x0  }
0xb6: {  	s29 =	simm.s32 $0x15080;
	[sflag:s23] =	ssyncadd.s32 $0xFFFFC000  }
0xb7: {  	[spmem:s3] =	stream.indirect.scatter.add.f32 [tilespmem:s21], [sflag:$0x4], $0x80, s29, s20, $0xb8;
	[tilespmem:$0x1E400] =	vst v63  }
0xb8: {  	_ =	swait.ge [sflag:s24], $0x4000  }
0xb9: {  	[sflag:s24] =	ssyncset.done $0x0  }
0xba: {  	s31 =	simm.s32 $0x13D00;
	[sflag:s24] =	ssyncadd.s32 $0xFFFFC000  }
0xbb: {  	[tilespmem:s16], [sflag:$0x1] =	stream.indirect.gather [hbm4b:s1+s20], $0x80, s31, s20, $0xb8;
	[tilespmem:$0x1E400] =	vst v63  }
0xbc: {  	_ =	swait.ge [sflag:s25], $0x4000  }
0xbd: {  	[sflag:s25] =	ssyncset.done $0x0  }
0xbe: {  	s28 =	simm.s32 $0x13D80;
	[sflag:s25] =	ssyncadd.s32 $0xFFFFC000  }
0xbf: {  	[tilespmem:s21], [sflag:$0x2] =	stream.indirect.gather [hbm4b:s1+s20], $0x80, s28, s20, $0xb8;
	[tilespmem:$0x1E400] =	vst v63  }
0xc0: {  	_ =	swait.ge [sflag:s22], $0x4000  }
0xc1: {  	[sflag:s22] =	ssyncset.done $0x0  }
0xc2: {  	s29 =	simm.s32 $0x15100;
	[sflag:s22] =	ssyncadd.s32 $0xFFFFC000  }
0xc3: {  	[spmem:s3] =	stream.indirect.scatter.add.f32 [tilespmem:s16], [sflag:$0x3], $0x80, s29, s20, $0xb8;
	[tilespmem:$0x1E400] =	vst v63  }
0xc4: {  	_ =	swait.ge [sflag:s23], $0x4000  }
0xc5: {  	[sflag:s23] =	ssyncset.done $0x0  }
0xc6: {  	s31 =	simm.s32 $0x15180;
	[sflag:s23] =	ssyncadd.s32 $0xFFFFC000  }
0xc7: {  	[spmem:s3] =	stream.indirect.scatter.add.f32 [tilespmem:s21], [sflag:$0x4], $0x80, s31, s20, $0xb8;
	[tilespmem:$0x1E400] =	vst v63  }
0xc8: {  	_ =	swait.ge [sflag:s24], $0x4000  }
0xc9: {  	[sflag:s24] =	ssyncset.done $0x0  }
0xca: {  	[sflag:s24] =	ssyncadd.s32 $0xFFFFC000  }
0xcb: {  	_ =	swait.ge [sflag:s25], $0x4000  }
0xcc: {  	s30 =	simm.s32 $0x1000;
	s26 =	simm.s32 $0x200;
	[sflag:s25] =	ssyncset.done $0x0  }
.LBB2_6:
0xcd: {  	s31 =	sadd.s32 $0x13C00, s26  }
0xce: {  	[sflag:s25] =	ssyncadd.s32 $0xFFFFC000;
	s29 =	smov.u32 s30;
	s28 =	sadd.s32 $0x800, s30  }
0xcf: {  	[tilespmem:s16], [sflag:$0x1] =	stream.indirect.gather [hbm4b:s1+s20], $0x80, s31, s20, $0xb8;
	[tilespmem:$0x1E400] =	vst v63  }
0xd0: {  	p0 =	sne.s32 s30, $0x4800;
	s30 =	sadd.s32 $0x13C80, s26  }
0xd1: {  	[tilespmem:s21], [sflag:$0x2] =	stream.indirect.gather [hbm4b:s1+s20], $0x80, s30, s20, $0xb8;
	[tilespmem:$0x1E400] =	vst v63  }
0xd2: {  	_ =	swait.ge [sflag:s22], $0x4000  }
0xd3: {  	[sflag:s22] =	ssyncset.done $0x0  }
0xd4: {  	s30 =	sadd.s32 $0x15000, s26;
	[sflag:s22] =	ssyncadd.s32 $0xFFFFC000  }
0xd5: {  	[spmem:s3] =	stream.indirect.scatter.add.f32 [tilespmem:s16], [sflag:$0x3], $0x80, s30, s20, $0xb8;
	[tilespmem:$0x1E400] =	vst v63  }
0xd6: {  	_ =	swait.ge [sflag:s23], $0x4000  }
0xd7: {  	[sflag:s23] =	ssyncset.done $0x0  }
0xd8: {  	s30 =	sadd.s32 $0x15080, s26;
	[sflag:s23] =	ssyncadd.s32 $0xFFFFC000  }
0xd9: {  	[spmem:s3] =	stream.indirect.scatter.add.f32 [tilespmem:s21], [sflag:$0x4], $0x80, s30, s20, $0xb8;
	[tilespmem:$0x1E400] =	vst v63  }
0xda: {  	_ =	swait.ge [sflag:s24], $0x4000  }
0xdb: {  	[sflag:s24] =	ssyncset.done $0x0  }
0xdc: {  	s30 =	sadd.s32 $0x13D00, s26;
	[sflag:s24] =	ssyncadd.s32 $0xFFFFC000  }
0xdd: {  	[tilespmem:s16], [sflag:$0x1] =	stream.indirect.gather [hbm4b:s1+s20], $0x80, s30, s20, $0xb8;
	[tilespmem:$0x1E400] =	vst v63  }
0xde: {  	_ =	swait.ge [sflag:s25], $0x4000  }
0xdf: {  	[sflag:s25] =	ssyncset.done $0x0  }
0xe0: {  	s30 =	sadd.s32 $0x13D80, s26;
	[sflag:s25] =	ssyncadd.s32 $0xFFFFC000  }
0xe1: {  	[tilespmem:s21], [sflag:$0x2] =	stream.indirect.gather [hbm4b:s1+s20], $0x80, s30, s20, $0xb8;
	[tilespmem:$0x1E400] =	vst v63  }
0xe2: {  	_ =	swait.ge [sflag:s22], $0x4000  }
0xe3: {  	[sflag:s22] =	ssyncset.done $0x0  }
0xe4: {  	s30 =	sadd.s32 $0x15100, s26;
	[sflag:s22] =	ssyncadd.s32 $0xFFFFC000  }
0xe5: {  	[spmem:s3] =	stream.indirect.scatter.add.f32 [tilespmem:s16], [sflag:$0x3], $0x80, s30, s20, $0xb8;
	[tilespmem:$0x1E400] =	vst v63  }
0xe6: {  	_ =	swait.ge [sflag:s23], $0x4000  }
0xe7: {  	[sflag:s23] =	ssyncset.done $0x0  }
0xe8: {  	s26 =	sadd.s32 $0x15180, s26;
	[sflag:s23] =	ssyncadd.s32 $0xFFFFC000  }
0xe9: {  	[spmem:s3] =	stream.indirect.scatter.add.f32 [tilespmem:s21], [sflag:$0x4], $0x80, s26, s20, $0xb8;
	[tilespmem:$0x1E400] =	vst v63  }
.Ltmp2:
0xea: {  	_ =	swait.ge [sflag:s24], $0x4000;
	(pc) =	sbr.rel @p0 .LBB2_6-.Ltmp2, $4  }
0xeb: {  	[sflag:s24] =	ssyncset.done $0x0  }
0xec: {  	[sflag:s24] =	ssyncadd.s32 $0xFFFFC000  }
0xed: {  	_ =	swait.ge [sflag:s25], $0x4000  }
0xee: {  	s30 =	smov.u32 s28;
	s26 =	sshra.s32 s29, $0x2;
	[sflag:s25] =	ssyncset.done $0x0  }
0xef: {  	s28 =	sadd.s32 $0x13C00, s26;
	[sflag:s25] =	ssyncadd.s32 $0xFFFFC000  }
0xf0: {  	[tilespmem:s16], [sflag:$0x1] =	stream.indirect.gather [hbm4b:s1+s20], $0x80, s28, s20, $0xb8;
	[tilespmem:$0x1E400] =	vst v63  }
0xf1: {  	s29 =	sadd.s32 $0x13C80, s26  }
0xf2: {  	[tilespmem:s21], [sflag:$0x2] =	stream.indirect.gather [hbm4b:s1+s20], $0x80, s29, s20, $0xb8;
	[tilespmem:$0x1E400] =	vst v63  }
0xf3: {  	_ =	swait.ge [sflag:s22], $0x4000  }
0xf4: {  	[sflag:s22] =	ssyncset.done $0x0  }
0xf5: {  	s30 =	sadd.s32 $0x15000, s26;
	[sflag:s22] =	ssyncadd.s32 $0xFFFFC000  }
0xf6: {  	[spmem:s3] =	stream.indirect.scatter.add.f32 [tilespmem:s16], [sflag:$0x3], $0x80, s30, s20, $0xb8;
	[tilespmem:$0x1E400] =	vst v63  }
0xf7: {  	_ =	swait.ge [sflag:s23], $0x4000  }
0xf8: {  	[sflag:s23] =	ssyncset.done $0x0  }
0xf9: {  	s31 =	sadd.s32 $0x15080, s26;
	[sflag:s23] =	ssyncadd.s32 $0xFFFFC000  }
0xfa: {  	[spmem:s3] =	stream.indirect.scatter.add.f32 [tilespmem:s21], [sflag:$0x4], $0x80, s31, s20, $0xb8;
	[tilespmem:$0x1E400] =	vst v63  }
0xfb: {  	_ =	swait.ge [sflag:s24], $0x4000  }
0xfc: {  	[sflag:s24] =	ssyncset.done $0x0  }
0xfd: {  	s29 =	sadd.s32 $0x13D00, s26;
	[sflag:s24] =	ssyncadd.s32 $0xFFFFC000  }
0xfe: {  	[tilespmem:s16], [sflag:$0x1] =	stream.indirect.gather [hbm4b:s1+s20], $0x80, s29, s20, $0xb8;
	[tilespmem:$0x1E400] =	vst v63  }
0xff: {  	_ =	swait.ge [sflag:s25], $0x4000  }
0x100: {  	[sflag:s25] =	ssyncset.done $0x0  }
0x101: {  	s30 =	sadd.s32 $0x13D80, s26;
	[sflag:s25] =	ssyncadd.s32 $0xFFFFC000  }
0x102: {  	[tilespmem:s21], [sflag:$0x2] =	stream.indirect.gather [hbm4b:s1+s20], $0x80, s30, s20, $0xb8;
	[tilespmem:$0x1E400] =	vst v63  }
0x103: {  	_ =	swait.ge [sflag:s22], $0x4000  }
0x104: {  	[sflag:s22] =	ssyncset.done $0x0  }
0x105: {  	s31 =	sadd.s32 $0x15100, s26;
	[sflag:s22] =	ssyncadd.s32 $0xFFFFC000  }
0x106: {  	[spmem:s3] =	stream.indirect.scatter.add.f32 [tilespmem:s16], [sflag:$0x3], $0x80, s31, s20, $0xb8;
	[tilespmem:$0x1E400] =	vst v63  }
0x107: {  	_ =	swait.ge [sflag:s23], $0x4000  }
0x108: {  	[sflag:s23] =	ssyncset.done $0x0  }
0x109: {  	s29 =	sadd.s32 $0x15180, s26;
	[sflag:s23] =	ssyncadd.s32 $0xFFFFC000  }
0x10a: {  	[spmem:s3] =	stream.indirect.scatter.add.f32 [tilespmem:s21], [sflag:$0x4], $0x80, s29, s20, $0xb8;
	[tilespmem:$0x1E400] =	vst v63  }
0x10b: {  	_ =	swait.ge [sflag:s24], $0x4000  }
0x10c: {  	[sflag:s24] =	ssyncset.done $0x0  }
0x10d: {  	[sflag:s24] =	ssyncadd.s32 $0xFFFFC000  }
0x10e: {  	_ =	swait.ge [sflag:s25], $0x4000  }
0x10f: {  	s4 =	sadd.s32 $0x1, s4;
	s30 =	sshll.u32 s0, $0x6;
	[sflag:s25] =	ssyncset.done $0x0  }
0x110: {  	p0 =	sne.s32 s4, s15;
	s26 =	sor.u32 $0x1C05, s30;
	[sflag:s25] =	ssyncadd.s32 $0xFFFFC000  }
.Ltmp3:
0x111: {  	s31 =	sshrl.u32 s5, $0x3;
	[bflag:$0x0] =	sbarrier.arrive $0xFFFF;
	(pc) =	sbr.rel @p0 .LBB2_1-.Ltmp3, $4  }
0x112: {  	[hbm:s14], [sflag:s26] =	dma.local [spmem:s31], $0x2780  }
0x113: {  	_ =	swait.ge [sflag:s17], $0x2780  }
0x114: {  	[sflag:s17] =	ssyncset.done $0x0  }
0x115: {  	[sflag:s17] =	ssyncadd.s32 $0xFFFFD880  }
0x116: {  	_ =	sfence.sel $0x180000  }
0x117: {  	[bflag:$0x0] =	sbarrier.arrive $0xFFFF  }
0x118: {  	p0 =	sne.s32 s0, $0x0;
	_ =	strace $0x9000004D  }
0x119: {  	s0 =	sadd.s32 @!p0 $0x100000, s2;
	[bflag:$0x2] =	sbarrier.arrive $0xFFFF  }
0x11a: {  	[sflag:s0] =	ssyncadd.tile.s32 @!p0 $0x1;
	_ =	shalt  }
.Lfunc_end2:
_tile_overlayer_lowered:
.L_overlay_start_2:
0x11b: {  	(tag) =	ssettag $0x2  }
0x11c: {  	s0 =	rddreg [dreg:$0x0];
	s2 =	stileid.u32  }
0x11d: {  	s1 =	rddreg [dreg:$0x1];
	p0 =	sne.s32 s2, $0x0  }
0x11e: {  	s3 =	rddreg [dreg:$0x2];
	[bflag:$0x3] =	sbarrier.arrive $0xFFFF;
	s2 =	simm.s32 @!p0 $0x1C05  }
0x11f: {  	[timem:s3], [sflag:s2] =	dma.local @!p0 [hbm:s0], s1  }
0x120: {  	s0 =	simm.s32 @!p0 $0x5  }
0x121: {  	_ =	swait.ge @!p0 [sflag:s0], s1  }
0x122: {  	s1 =	ssub.s32 @!p0 $0x0, s1;
	[sflag:s0] =	ssyncset.done @!p0 $0x0  }
0x123: {  	[sflag:s0] =	ssyncadd.s32 @!p0 s1  }
0x124: {  	[bflag:$0x3] =	sbarrier.arrive $0xFFFF  }
0x125: {  	_ =	shalt  }

// kernel: kernel.19.cloned.1.call-start
scs
__scs_entry_jumppad:
0x0: {  	(pc) =	sbr.rel $0x88, $3  }
0x1: {  	(tag) =	ssettag $0x0;
	lr =	simm.s32 $0x1  }
0x2: {  	[smem:$0x3F91] =	sst lr;
	_ =	strace $0xD0000000  }
0x3: {  	_ = 	snop  }
0x4: {  	_ = 	snop  }
0x5: {  	_ = 	snop  }
0x6: {  	_ = 	snop  }
0x7: {  	_ = 	snop  }
__scs_overlays_trampoline_lowered:
0x8: {  	[smem:$0x3FA0] =	sst s0  }
0x9: {  	[smem:$0x3FA1] =	sst s1  }
0xa: {  	[smem:$0x3FA2] =	sst s2  }
0xb: {  	[smem:$0x3FA3] =	sst s3  }
0xc: {  	[smem:$0x3FA4] =	sst s4  }
0xd: {  	[smem:$0x3FA5] =	sst s5  }
0xe: {  	[smem:$0x3FA6] =	sst s6  }
0xf: {  	[smem:$0x3FA7] =	sst s7  }
0x10: {  	[smem:$0x3FA8] =	sst s8  }
0x11: {  	[smem:$0x3FA9] =	sst s9;
	s0 =	simm.s32 @!p0 $0x0  }
0x12: {  	s1 =	sld [smem:$0x3F8F];
	s0 =	simm.s32 @p0 $0x1  }
0x13: {  	[smem:$0x3FAA] =	sst s0;
	s0 =	simm.s32 @!p1 $0x0  }
0x14: {  	s2 =	sld [smem:$0x3F8E];
	s0 =	simm.s32 @p1 $0x1  }
0x15: {  	[smem:$0x3FAB] =	sst s0;
	s0 =	simm.s32 @!p2 $0x0  }
0x16: {  	s3 =	sld [smem:$0x3FDB];
	s0 =	simm.s32 @p2 $0x1  }
0x17: {  	s4 =	simm.s32 $0x1BF5;
	[smem:$0x3FAD] =	sst s0  }
0x18: {  	s0 =	sld [smem:$0x3F90];
	_ =	swait.ge [sflag:s4], $0x0  }
0x19: {  	s7 =	sld [smem:$0x3F91]  }
0x1a: {  	s8 =	sadd.s32 $0xFFFFE003, lr  }
0x1b: {  	s9 =	sadd.s32 $0xFFFFFEF7, lr;
	s5 =	simm.s32 $0xFFFFFFFF;
	p2 =	slt.u32 s8, $0xFFFFF086  }
0x1c: {  	p1 =	slt.u32 s9, $0xF7A;
	s5 =	simm.s32 @!p2 $0x0  }
0x1d: {  	s5 =	simm.s32 @p1 $0x1;
	p0 =	seq.s32 s7, s2  }
0x1e: {  	s7 =	smul.u32 @!p0 $0xF7A, s2;
	p2 =	seq.s32 @!p0 s5, $0x0  }
0x1f: {  	s9 =	smul.u32 $0xF7A, s1;
	s8 =	simm.s32 @!p0 $0x1BF5;
	p2 =	por !p2, p0  }
0x20: {  	[sflag:s8] =	ssyncset.s32 @!p0 $0xFFFFF086;
	s6 =	sadd.s32 @!p0 s3, s7;
	s7 =	simm.s32 @!p0 $0x108  }
0x21: {  	s3 =	sadd.s32 s3, s9;
	s6 =	sadd.s32 @!p0 $0x88, s6;
	s7 =	simm.s32 @p2 $0x1082  }
0x22: {  	[simem:s7], [sflag:s8] =	dma.local @!p0 [hbm:s6], $0xF7A  }
0x23: {  	s9 =	sor.u32 $0xD0000000, s2;
	s6 =	simm.s32 $0x108;
	_ =	swait.ge @!p0 [sflag:s8], $0x0  }
0x24: {  	s3 =	sadd.s32 $0x88, s3;
	s6 =	simm.s32 @!p1 $0x1082;
	[sflag:s4] =	ssyncset.s32 $0xFFFFF086  }
0x25: {  	[simem:s6], [sflag:s4] =	dma.local [hbm:s3], $0xF7A  }
0x26: {  	[smem:$0x3F91] =	sst s1;
	(tag) =	ssettag s2;
	_ =	strace s9  }
0x27: {  	s1 =	sld [smem:$0x3FA1]  }
0x28: {  	s2 =	sld [smem:$0x3FA2]  }
0x29: {  	s4 =	sld [smem:$0x3FA4]  }
0x2a: {  	p0 =	seq.s32 s5, $0x0;
	s5 =	sld [smem:$0x3FA5]  }
0x2b: {  	s6 =	sld [smem:$0x3FA6]  }
0x2c: {  	s7 =	sld [smem:$0x3FA7]  }
0x2d: {  	s3 =	simm.s32 $0x108;
	s8 =	sld [smem:$0x3FA8]  }
0x2e: {  	s3 =	simm.s32 @!p0 $0x1082;
	s9 =	sld [smem:$0x3FA9]  }
0x2f: {  	lr =	sadd.s32 s0, s3;
	s0 =	sld [smem:$0x3FA0]  }
0x30: {  	s3 =	sld [smem:$0x3FA3]  }
0x31: {  	[smem:$0x3FAC] =	sst s10  }
0x32: {  	s10 =	sld [smem:$0x3FAA];
	_ =	sdelay $0x3  }
0x33: {  	p0 =	seq.s32 s10, $0x1;
	s10 =	sld [smem:$0x3FAC];
	_ =	sdelay $0x3  }
0x34: {  	[smem:$0x3FAC] =	sst s10  }
0x35: {  	s10 =	sld [smem:$0x3FAB];
	_ =	sdelay $0x3  }
0x36: {  	p1 =	seq.s32 s10, $0x1;
	s10 =	sld [smem:$0x3FAC];
	_ =	sdelay $0x3  }
0x37: {  	[smem:$0x3FAC] =	sst s10  }
0x38: {  	s10 =	sld [smem:$0x3FAD]  }
0x39: {  	_ = 	snop;
	(pc) =	sbr.ind lr, $3  }
0x3a: {  	_ = 	snop  }
0x3b: {  	_ = 	snop  }
0x3c: {  	p2 =	seq.s32 s10, $0x1;
	s10 =	sld [smem:$0x3FAC]  }
0x3d: {  	_ =	shalt  }
0x3e: {  	_ =	shalt  }
0x3f: {  	_ =	shalt  }
0x40: {  	_ =	shalt  }
0x41: {  	_ =	shalt  }
0x42: {  	_ =	shalt  }
0x43: {  	_ =	shalt  }
0x44: {  	_ =	shalt  }
0x45: {  	_ =	shalt  }
0x46: {  	_ =	shalt  }
0x47: {  	_ =	shalt  }
0x48: {  	_ =	shalt  }
0x49: {  	_ =	shalt  }
0x4a: {  	_ =	shalt  }
0x4b: {  	_ =	shalt  }
0x4c: {  	_ =	shalt  }
0x4d: {  	_ =	shalt  }
0x4e: {  	_ =	shalt  }
0x4f: {  	_ =	shalt  }
0x50: {  	_ =	shalt  }
0x51: {  	_ =	shalt  }
0x52: {  	_ =	shalt  }
0x53: {  	_ =	shalt  }
0x54: {  	_ =	shalt  }
0x55: {  	_ =	shalt  }
0x56: {  	_ =	shalt  }
0x57: {  	_ =	shalt  }
0x58: {  	_ =	shalt  }
0x59: {  	_ =	shalt  }
0x5a: {  	_ =	shalt  }
0x5b: {  	_ =	shalt  }
0x5c: {  	_ =	shalt  }
0x5d: {  	_ =	shalt  }
0x5e: {  	_ =	shalt  }
0x5f: {  	_ =	shalt  }
0x60: {  	_ =	shalt  }
0x61: {  	_ =	shalt  }
0x62: {  	_ =	shalt  }
0x63: {  	_ =	shalt  }
0x64: {  	_ =	shalt  }
0x65: {  	_ =	shalt  }
0x66: {  	_ =	shalt  }
0x67: {  	_ =	shalt  }
0x68: {  	_ =	shalt  }
0x69: {  	_ =	shalt  }
0x6a: {  	_ =	shalt  }
0x6b: {  	_ =	shalt  }
0x6c: {  	_ =	shalt  }
0x6d: {  	_ =	shalt  }
0x6e: {  	_ =	shalt  }
0x6f: {  	_ =	shalt  }
0x70: {  	_ =	shalt  }
0x71: {  	_ =	shalt  }
0x72: {  	_ =	shalt  }
0x73: {  	_ =	shalt  }
0x74: {  	_ =	shalt  }
0x75: {  	_ =	shalt  }
0x76: {  	_ =	shalt  }
0x77: {  	_ =	shalt  }
0x78: {  	_ =	shalt  }
0x79: {  	_ =	shalt  }
0x7a: {  	_ =	shalt  }
0x7b: {  	_ =	shalt  }
0x7c: {  	_ =	shalt  }
0x7d: {  	_ =	shalt  }
0x7e: {  	_ =	shalt  }
0x7f: {  	_ =	shalt  }
0x80: {  	_ =	shalt  }
0x81: {  	_ =	shalt  }
0x82: {  	_ =	shalt  }
0x83: {  	_ =	shalt  }
0x84: {  	_ =	shalt  }
0x85: {  	_ =	shalt  }
0x86: {  	_ =	shalt  }
0x87: {  	_ =	shalt  }
.Lfunc_end0:
.L_simem_size_0:
called_computation.3_lowered:
.L_overlay_start_0:
0x88: {  	s2 =	sld [smem:$0x3FD9]  }
0x89: {  	s3 =	sld [smem:$0x3FFE];
	_ =	sdelay $0x1  }
0x8a: {  	s1 =	srdreg.scid  }
0x8b: {  	s0 =	sand.u32 $0x1, s1  }
0x8c: {  	s14 =	sshll.u32 s0, $0xA;
	s2 =	sadd.s32 s3, s2  }
0x8d: {  	s2 =	sadd.s32 s2, s14  }
0x8e: {  	[smem:$0x3FB8] =	sst s2  }
0x8f: {  	_ = 	snop  }
0x90: {  	s2 =	sld [smem:$0x3FD0];
	_ =	sdelay $0x2  }
0x91: {  	s15 =	simm.s32 $0xA;
	s4 =	simm.s32 $0x10  }
0x92: {  	[smem:s4], [sflag:s15] =	dma.local [hbm:s2], $0x1  }
0x93: {  	_ =	swait.eq [sflag:s15], $0x1  }
0x94: {  	[sflag:s15] =	ssyncset.done $0x0  }
0x95: {  	s16 =	sld [smem:$0x10];
	[sflag:s15] =	ssyncadd.s32 $0xFFFFFFFF  }
0x96: {  	s17 =	sld [smem:$0x11];
	(tm) =	ssettm $0x1  }
0x97: {  	s18 =	sld [smem:$0x3FFB];
	_ =	sdelay $0x3  }
0x98: {  	_ =	strace s18  }
0x99: {  	s4 =	sld [smem:$0x3FFC];
	_ =	sdelay $0x3  }
0x9a: {  	_ =	strace s4  }
0x9b: {  	s4 =	sld [smem:$0x3FFD];
	_ =	sdelay $0x3  }
0x9c: {  	_ =	strace s4  }
0x9d: {  	_ =	strace $0x8FFFFFFF  }
0x9e: {  	s19 =	sld [smem:$0x3FDB];
	_ =	sdelay $0x1  }
0x9f: {  	s5 =	simm.s32 $_scs_section_size  }
0xa0: {  	s6 =	simm.s32 $_size__tile_overlayer_lowered;
	s7 =	simm.s32 $_tile_overlayer_lowered  }
0xa1: {  	s22 =	simm.s32 $0x1BFF;
	s21 =	sshll.u32 s7, $0x1;
	s4 =	sadd.s32 s5, s19  }
0xa2: {  	s8 =	simm.s32 $0x0;
	s20 =	sshll.u32 s6, $0x1;
	s6 =	sadd.s32 s21, s4  }
0xa3: {  	[timem:s8], [sflag:s22] =	dma.local [hbm:s6], s20  }
0xa4: {  	_ =	swait.ge [sflag:s22], s20  }
0xa5: {  	s5 =	ssub.s32 $0x0, s20;
	[sflag:s22] =	ssyncset.done $0x0  }
0xa6: {  	[sflag:s22] =	ssyncadd.s32 s5;
	_ =	sdelay $0x1  }
0xa7: {  	s23 =	simm.s32 $0x1B8B  }
0xa8: {  	_ =	swait.ge [sflag:s23], $0x1  }
0xa9: {  	[sflag:s23] =	ssyncset.done $0x0  }
0xaa: {  	s25 =	simm.s32 $0x1B8E;
	s24 =	sld [smem:$0x3FFE];
	[sflag:s23] =	ssyncadd.s32 $0xFFFFFFFF  }
0xab: {  	s26 =	simm.s32 $execute0_lowered;
	[smem:$0x3FD2] =	sst s25  }
0xac: {  	s6 =	sshll.u32 s26, $0x1;
	_ =	strace $0x8000004F;
	[dreg:$0x1] =	wrdreg $0xFFFFFFFF  }
0xad: {  	s28 =	simm.s32 $_size_execute0_lowered;
	s4 =	sadd.s32 s4, s6;
	[dreg:$0x0] =	wrdreg $0x0  }
0xae: {  	s6 =	sshll.u32 s28, $0x1;
	[dreg:$0x2] =	wrdreg s4  }
0xaf: {  	[dreg:$0x3] =	wrdreg s6  }
0xb0: {  	[dreg:$0x4] =	wrdreg $0xC0  }
0xb1: {  	_ =	task [dreg:s8], $0x5FFFF  }
0xb2: {  	[dreg:$0x1] =	wrdreg $0xFFFFFFFF  }
0xb3: {  	[dreg:$0x0] =	wrdreg $0x60  }
0xb4: {  	[dreg:$0x2] =	wrdreg s16  }
0xb5: {  	[dreg:$0x3] =	wrdreg s17  }
0xb6: {  	[dreg:$0x4] =	wrdreg s24  }
0xb7: {  	[dreg:$0x5] =	wrdreg $0x0  }
0xb8: {  	[dreg:$0x6] =	wrdreg $0x9  }
0xb9: {  	_ =	task.clear_ibuf [dreg:s8], $0x7FFFF;
	_ =	strace $0x9000004F  }
0xba: {  	s29 =	simm.s32 $0x9;
	_ =	strace $0x80000051  }
0xbb: {  	_ =	swait.ge [sflag:s29], $0x1  }
0xbc: {  	[sflag:s29] =	ssyncadd.s32 $0xFFFFFFFF  }
0xbd: {  	_ =	strace $0x90000051  }
0xbe: {  	_ =	sfence  }
0xbf: {  	s30 =	sld [smem:$0x0];
	_ =	sdelay $0x2  }
0xc0: {  	s31 =	sshll.u32 s1, $0xD;
	s1 =	sshrl.u32 s1, $0x2  }
0xc1: {  	s3 =	sand.u32 $0x4000, s31;
	s1 =	sadd.s32 s1, s30  }
0xc2: {  	s0 =	sor.u32 s3, s0;
	s1 =	sshll.u32 s1, $0x11  }
0xc3: {  	s0 =	sor.u32 s1, s0  }
0xc4: {  	s0 =	sadd.s32 $0x8F2B, s0  }
0xc5: {  	[sflag:s0] =	ssyncadd.remote.s32 $0x1  }
0xc6: {  	_ =	sfence.sel $0xFFFF  }
0xc7: {  	[dreg:$0x0] =	wrdreg $0xFFFFFFFF;
	(pc) =	sbr.abs _section_cstart, $3  }
0xc8: {  	[dreg:$0x1] =	wrdreg $0xFFFFFFFF  }
0xc9: {  	_ =	task.clear_ibuf [dreg:s8], $0x2FFFF;
	_ =	strace $0x9FFFFFFF  }
0xca: {  	(tm) =	ssettm $0x7FFFFFFF  }
0xcb: {  	_ =	shalt  }
tec
execute0_lowered:
.L_overlay_start_1:
0x0: {  	(tag) =	ssettag $0x1  }
0x1: {  	s1 =	rddreg [dreg:$0x0]  }
0x2: {  	s10 =	rddreg [dreg:$0x1]  }
0x3: {  	s5 =	rddreg [dreg:$0x2];
	s0 =	stileid.u32  }
0x4: {  	s2 =	srdreg.scid;
	s3 =	rddreg [dreg:$0x3]  }
0x5: {  	s4 =	simm.s32 $0x0;
	s16 =	simm.s32 $0x16400;
	s17 =	simm.s32 $0x5  }
0x6: {  	s18 =	simm.s32 $0x13C00;
	s19 =	simm.s32 $0x15000;
	s20 =	simm.s32 $0x80  }
0x7: {  	s21 =	simm.s32 $0x1A400;
	s22 =	simm.s32 $0x1;
	s6 =	smul.u32 $0x2800, s0  }
0x8: {  	s23 =	simm.s32 $0x2;
	s24 =	simm.s32 $0x3;
	s9 =	smul.u32 $0x13C00, s0  }
0x9: {  	s7 =	sand.u32 $0x1, s2;
	[smem:$0x7FF] =	sst s4;
	s25 =	smul.u32 $0x4F000, s0  }
0xa: {  	s2 =	rddreg [dreg:$0x4];
	s8 =	smul.u32 $0x13C000, s7;
	_ =	strace $0x80000050  }
0xb: {  	s26 =	ssub.s32 $0x2, s7;
	s7 =	smul.u32 $0x28000, s7;
	s11 =	sshrl.u32 s6, $0x3  }
0xc: {  	s28 =	sshrl.u32 s26, $0x1;
	s29 =	sshrl.u32 s25, $0x2;
	s25 =	simm.s32 $0x4  }
0xd: {  	s13 =	sadd.s32 s11, s5;
	s8 =	sadd.s32 s9, s8;
	s30 =	sadd.s32 s6, s7  }
0xe: {  	s15 =	ssub.s32 s26, s28;
	s8 =	sshrl.u32 s8, $0x3;
	s31 =	sshrl.u32 s30, $0x3  }
0xf: {  	s11 =	sadd.s32 $0x3C00, s13;
	s13 =	sadd.s32 $0x3E80, s13;
	s15 =	smax.u32 s15, $0x1  }
0x10: {  	s14 =	sadd.s32 s8, s5;
	s5 =	sadd.s32 s29, s3;
	s10 =	sadd.s32 s10, s31  }
0x11: {  	s6 =	sadd.s32 $0x4000, s5;
	s7 =	sadd.s32 $0x8000, s5;
	s8 =	sadd.s32 $0xC000, s5  }
0x12: {  	v0 =	vimm.f32 $0.0e+00;
	s9 =	sadd.s32 $0x10000, s5;
	s12 =	sadd.s32 $0x280, s10;
	s14 =	sadd.s32 $0x8C00, s14  }
.LBB2_1:
0x13: {  	s26 =	simm.s32 $0x0;
	s28 =	simm.s32 $0x200  }
.LBB2_2:
0x14: {  	p0 =	sne.s32 s28, $0xFE00;
	[tilespmem:s26+$0x16470] =	vst v0  }
0x15: {  	[tilespmem:s26+$0x16400] =	vst v0  }
0x16: {  	[tilespmem:s26+$0x16410] =	vst v0  }
.Ltmp0:
0x17: {  	[tilespmem:s26+$0x16420] =	vst v0;
	(pc) =	sbr.rel @p0 .LBB2_2-.Ltmp0, $4  }
0x18: {  	[tilespmem:s26+$0x16430] =	vst v0  }
0x19: {  	[tilespmem:s26+$0x16440] =	vst v0  }
0x1a: {  	[tilespmem:s26+$0x16450] =	vst v0  }
0x1b: {  	[tilespmem:s26+$0x16460] =	vst v0;
	s26 =	sshra.s32 s28, $0x2;
	s28 =	sadd.s32 $0x200, s28  }
0x1c: {  	[tilespmem:s26+$0x16470] =	vst v0  }
0x1d: {  	[tilespmem:s26+$0x16400] =	vst v0  }
0x1e: {  	[tilespmem:s26+$0x16410] =	vst v0  }
0x1f: {  	[tilespmem:s26+$0x16420] =	vst v0  }
0x20: {  	[tilespmem:s26+$0x16430] =	vst v0  }
0x21: {  	[tilespmem:s26+$0x16440] =	vst v0  }
0x22: {  	[tilespmem:s26+$0x16450] =	vst v0  }
0x23: {  	[tilespmem:s26+$0x16460] =	vst v0  }
0x24: {  	[spmem:s5] =	stream.linear.scatter [tilespmem:s16], [sflag:$0x5], $0x4000, $0x38;
	[tilespmem:$0x1E400] =	vst v63  }
0x25: {  	_ =	swait.ge [sflag:s17], $0x4000  }
0x26: {  	[sflag:s17] =	ssyncset.done $0x0  }
0x27: {  	[sflag:s17] =	ssyncadd.s32 $0xFFFFC000  }
0x28: {  	[spmem:s6] =	stream.linear.scatter [tilespmem:s16], [sflag:$0x5], $0x4000, $0x38;
	[tilespmem:$0x1E400] =	vst v63  }
0x29: {  	_ =	swait.ge [sflag:s17], $0x4000  }
0x2a: {  	[sflag:s17] =	ssyncset.done $0x0  }
0x2b: {  	[sflag:s17] =	ssyncadd.s32 $0xFFFFC000  }
0x2c: {  	[spmem:s7] =	stream.linear.scatter [tilespmem:s16], [sflag:$0x5], $0x4000, $0x38;
	[tilespmem:$0x1E400] =	vst v63  }
0x2d: {  	_ =	swait.ge [sflag:s17], $0x4000  }
0x2e: {  	[sflag:s17] =	ssyncset.done $0x0  }
0x2f: {  	[sflag:s17] =	ssyncadd.s32 $0xFFFFC000  }
0x30: {  	[spmem:s8] =	stream.linear.scatter [tilespmem:s16], [sflag:$0x5], $0x4000, $0x38;
	[tilespmem:$0x1E400] =	vst v63  }
0x31: {  	_ =	swait.ge [sflag:s17], $0x4000  }
0x32: {  	[sflag:s17] =	ssyncset.done $0x0  }
0x33: {  	[sflag:s17] =	ssyncadd.s32 $0xFFFFC000  }
0x34: {  	[spmem:s9] =	stream.linear.scatter [tilespmem:s16], [sflag:$0x5], $0x3C00, $0x38;
	[tilespmem:$0x1E400] =	vst v63  }
0x35: {  	_ =	swait.ge [sflag:s17], $0x3C00  }
0x36: {  	[sflag:s17] =	ssyncset.done $0x0  }
0x37: {  	[sflag:s17] =	ssyncadd.s32 $0xFFFFC400  }
0x38: {  	s28 =	simm.s32 $0x0;
	[bflag:$0x0] =	sbarrier.arrive $0xFFFF  }
0x39: {  	[tilespmem:s18], [sflag:$0x5] =	stream.linear.gather [hbm4b:s10+s28], $0x1400, $0x38;
	[tilespmem:$0x1E400] =	vst v63  }
0x3a: {  	_ =	swait.ge [sflag:s17], $0x1400  }
0x3b: {  	[sflag:s17] =	ssyncset.done $0x0  }
0x3c: {  	[sflag:s17] =	ssyncadd.s32 $0xFFFFEC00  }
0x3d: {  	[tilespmem:s19], [sflag:$0x5] =	stream.linear.gather [hbm4b:s11+s28], $0x1400, $0x38;
	[tilespmem:$0x1E400] =	vst v63  }
0x3e: {  	_ =	swait.ge [sflag:s17], $0x1400  }
0x3f: {  	[sflag:s17] =	ssyncset.done $0x0  }
0x40: {  	s29 =	simm.s32 $0x13C00;
	[sflag:s17] =	ssyncadd.s32 $0xFFFFEC00  }
0x41: {  	[tilespmem:s16], [sflag:$0x1] =	stream.indirect.gather [hbm4b:s1+s20], $0x80, s29, s20, $0xb8;
	[tilespmem:$0x1E400] =	vst v63  }
0x42: {  	s31 =	simm.s32 $0x13C80  }
0x43: {  	[tilespmem:s21], [sflag:$0x2] =	stream.indirect.gather [hbm4b:s1+s20], $0x80, s31, s20, $0xb8;
	[tilespmem:$0x1E400] =	vst v63  }
0x44: {  	_ =	swait.ge [sflag:s22], $0x4000  }
0x45: {  	[sflag:s22] =	ssyncset.done $0x0  }
0x46: {  	s28 =	simm.s32 $0x15000;
	[sflag:s22] =	ssyncadd.s32 $0xFFFFC000  }
0x47: {  	[spmem:s3] =	stream.indirect.scatter.add.f32 [tilespmem:s16], [sflag:$0x3], $0x80, s28, s20, $0xb8;
	[tilespmem:$0x1E400] =	vst v63  }
0x48: {  	_ =	swait.ge [sflag:s23], $0x4000  }
0x49: {  	[sflag:s23] =	ssyncset.done $0x0  }
0x4a: {  	s29 =	simm.s32 $0x15080;
	[sflag:s23] =	ssyncadd.s32 $0xFFFFC000  }
0x4b: {  	[spmem:s3] =	stream.indirect.scatter.add.f32 [tilespmem:s21], [sflag:$0x4], $0x80, s29, s20, $0xb8;
	[tilespmem:$0x1E400] =	vst v63  }
0x4c: {  	_ =	swait.ge [sflag:s24], $0x4000  }
0x4d: {  	[sflag:s24] =	ssyncset.done $0x0  }
0x4e: {  	s31 =	simm.s32 $0x13D00;
	[sflag:s24] =	ssyncadd.s32 $0xFFFFC000  }
0x4f: {  	[tilespmem:s16], [sflag:$0x1] =	stream.indirect.gather [hbm4b:s1+s20], $0x80, s31, s20, $0xb8;
	[tilespmem:$0x1E400] =	vst v63  }
0x50: {  	_ =	swait.ge [sflag:s25], $0x4000  }
0x51: {  	[sflag:s25] =	ssyncset.done $0x0  }
0x52: {  	s28 =	simm.s32 $0x13D80;
	[sflag:s25] =	ssyncadd.s32 $0xFFFFC000  }
0x53: {  	[tilespmem:s21], [sflag:$0x2] =	stream.indirect.gather [hbm4b:s1+s20], $0x80, s28, s20, $0xb8;
	[tilespmem:$0x1E400] =	vst v63  }
0x54: {  	_ =	swait.ge [sflag:s22], $0x4000  }
0x55: {  	[sflag:s22] =	ssyncset.done $0x0  }
0x56: {  	s29 =	simm.s32 $0x15100;
	[sflag:s22] =	ssyncadd.s32 $0xFFFFC000  }
0x57: {  	[spmem:s3] =	stream.indirect.scatter.add.f32 [tilespmem:s16], [sflag:$0x3], $0x80, s29, s20, $0xb8;
	[tilespmem:$0x1E400] =	vst v63  }
0x58: {  	_ =	swait.ge [sflag:s23], $0x4000  }
0x59: {  	[sflag:s23] =	ssyncset.done $0x0  }
0x5a: {  	s31 =	simm.s32 $0x15180;
	[sflag:s23] =	ssyncadd.s32 $0xFFFFC000  }
0x5b: {  	[spmem:s3] =	stream.indirect.scatter.add.f32 [tilespmem:s21], [sflag:$0x4], $0x80, s31, s20, $0xb8;
	[tilespmem:$0x1E400] =	vst v63  }
0x5c: {  	_ =	swait.ge [sflag:s24], $0x4000  }
0x5d: {  	[sflag:s24] =	ssyncset.done $0x0  }
0x5e: {  	[sflag:s24] =	ssyncadd.s32 $0xFFFFC000  }
0x5f: {  	_ =	swait.ge [sflag:s25], $0x4000  }
0x60: {  	s30 =	simm.s32 $0x1000;
	s26 =	simm.s32 $0x200;
	[sflag:s25] =	ssyncset.done $0x0  }
.LBB2_4:
0x61: {  	s31 =	sadd.s32 $0x13C00, s26  }
0x62: {  	[sflag:s25] =	ssyncadd.s32 $0xFFFFC000;
	s29 =	smov.u32 s30;
	s28 =	sadd.s32 $0x800, s30  }
0x63: {  	[tilespmem:s16], [sflag:$0x1] =	stream.indirect.gather [hbm4b:s1+s20], $0x80, s31, s20, $0xb8;
	[tilespmem:$0x1E400] =	vst v63  }
0x64: {  	p0 =	sne.s32 s30, $0x4800;
	s30 =	sadd.s32 $0x13C80, s26  }
0x65: {  	[tilespmem:s21], [sflag:$0x2] =	stream.indirect.gather [hbm4b:s1+s20], $0x80, s30, s20, $0xb8;
	[tilespmem:$0x1E400] =	vst v63  }
0x66: {  	_ =	swait.ge [sflag:s22], $0x4000  }
0x67: {  	[sflag:s22] =	ssyncset.done $0x0  }
0x68: {  	s30 =	sadd.s32 $0x15000, s26;
	[sflag:s22] =	ssyncadd.s32 $0xFFFFC000  }
0x69: {  	[spmem:s3] =	stream.indirect.scatter.add.f32 [tilespmem:s16], [sflag:$0x3], $0x80, s30, s20, $0xb8;
	[tilespmem:$0x1E400] =	vst v63  }
0x6a: {  	_ =	swait.ge [sflag:s23], $0x4000  }
0x6b: {  	[sflag:s23] =	ssyncset.done $0x0  }
0x6c: {  	s30 =	sadd.s32 $0x15080, s26;
	[sflag:s23] =	ssyncadd.s32 $0xFFFFC000  }
0x6d: {  	[spmem:s3] =	stream.indirect.scatter.add.f32 [tilespmem:s21], [sflag:$0x4], $0x80, s30, s20, $0xb8;
	[tilespmem:$0x1E400] =	vst v63  }
0x6e: {  	_ =	swait.ge [sflag:s24], $0x4000  }
0x6f: {  	[sflag:s24] =	ssyncset.done $0x0  }
0x70: {  	s30 =	sadd.s32 $0x13D00, s26;
	[sflag:s24] =	ssyncadd.s32 $0xFFFFC000  }
0x71: {  	[tilespmem:s16], [sflag:$0x1] =	stream.indirect.gather [hbm4b:s1+s20], $0x80, s30, s20, $0xb8;
	[tilespmem:$0x1E400] =	vst v63  }
0x72: {  	_ =	swait.ge [sflag:s25], $0x4000  }
0x73: {  	[sflag:s25] =	ssyncset.done $0x0  }
0x74: {  	s30 =	sadd.s32 $0x13D80, s26;
	[sflag:s25] =	ssyncadd.s32 $0xFFFFC000  }
0x75: {  	[tilespmem:s21], [sflag:$0x2] =	stream.indirect.gather [hbm4b:s1+s20], $0x80, s30, s20, $0xb8;
	[tilespmem:$0x1E400] =	vst v63  }
0x76: {  	_ =	swait.ge [sflag:s22], $0x4000  }
0x77: {  	[sflag:s22] =	ssyncset.done $0x0  }
0x78: {  	s30 =	sadd.s32 $0x15100, s26;
	[sflag:s22] =	ssyncadd.s32 $0xFFFFC000  }
0x79: {  	[spmem:s3] =	stream.indirect.scatter.add.f32 [tilespmem:s16], [sflag:$0x3], $0x80, s30, s20, $0xb8;
	[tilespmem:$0x1E400] =	vst v63  }
0x7a: {  	_ =	swait.ge [sflag:s23], $0x4000  }
0x7b: {  	[sflag:s23] =	ssyncset.done $0x0  }
0x7c: {  	s26 =	sadd.s32 $0x15180, s26;
	[sflag:s23] =	ssyncadd.s32 $0xFFFFC000  }
0x7d: {  	[spmem:s3] =	stream.indirect.scatter.add.f32 [tilespmem:s21], [sflag:$0x4], $0x80, s26, s20, $0xb8;
	[tilespmem:$0x1E400] =	vst v63  }
.Ltmp1:
0x7e: {  	_ =	swait.ge [sflag:s24], $0x4000;
	(pc) =	sbr.rel @p0 .LBB2_4-.Ltmp1, $4  }
0x7f: {  	[sflag:s24] =	ssyncset.done $0x0  }
0x80: {  	[sflag:s24] =	ssyncadd.s32 $0xFFFFC000  }
0x81: {  	_ =	swait.ge [sflag:s25], $0x4000  }
0x82: {  	s30 =	smov.u32 s28;
	s26 =	sshra.s32 s29, $0x2;
	[sflag:s25] =	ssyncset.done $0x0  }
0x83: {  	s28 =	sadd.s32 $0x13C00, s26;
	[sflag:s25] =	ssyncadd.s32 $0xFFFFC000  }
0x84: {  	[tilespmem:s16], [sflag:$0x1] =	stream.indirect.gather [hbm4b:s1+s20], $0x80, s28, s20, $0xb8;
	[tilespmem:$0x1E400] =	vst v63  }
0x85: {  	s31 =	sadd.s32 $0x13C80, s26  }
0x86: {  	[tilespmem:s21], [sflag:$0x2] =	stream.indirect.gather [hbm4b:s1+s20], $0x80, s31, s20, $0xb8;
	[tilespmem:$0x1E400] =	vst v63  }
0x87: {  	_ =	swait.ge [sflag:s22], $0x4000  }
0x88: {  	[sflag:s22] =	ssyncset.done $0x0  }
0x89: {  	s29 =	sadd.s32 $0x15000, s26;
	[sflag:s22] =	ssyncadd.s32 $0xFFFFC000  }
0x8a: {  	[spmem:s3] =	stream.indirect.scatter.add.f32 [tilespmem:s16], [sflag:$0x3], $0x80, s29, s20, $0xb8;
	[tilespmem:$0x1E400] =	vst v63  }
0x8b: {  	_ =	swait.ge [sflag:s23], $0x4000  }
0x8c: {  	[sflag:s23] =	ssyncset.done $0x0  }
0x8d: {  	s31 =	sadd.s32 $0x15080, s26;
	[sflag:s23] =	ssyncadd.s32 $0xFFFFC000  }
0x8e: {  	[spmem:s3] =	stream.indirect.scatter.add.f32 [tilespmem:s21], [sflag:$0x4], $0x80, s31, s20, $0xb8;
	[tilespmem:$0x1E400] =	vst v63  }
0x8f: {  	_ =	swait.ge [sflag:s24], $0x4000  }
0x90: {  	[sflag:s24] =	ssyncset.done $0x0  }
0x91: {  	s29 =	sadd.s32 $0x13D00, s26;
	[sflag:s24] =	ssyncadd.s32 $0xFFFFC000  }
0x92: {  	[tilespmem:s16], [sflag:$0x1] =	stream.indirect.gather [hbm4b:s1+s20], $0x80, s29, s20, $0xb8;
	[tilespmem:$0x1E400] =	vst v63  }
0x93: {  	_ =	swait.ge [sflag:s25], $0x4000  }
0x94: {  	[sflag:s25] =	ssyncset.done $0x0  }
0x95: {  	s31 =	sadd.s32 $0x13D80, s26;
	[sflag:s25] =	ssyncadd.s32 $0xFFFFC000  }
0x96: {  	[tilespmem:s21], [sflag:$0x2] =	stream.indirect.gather [hbm4b:s1+s20], $0x80, s31, s20, $0xb8;
	[tilespmem:$0x1E400] =	vst v63  }
0x97: {  	_ =	swait.ge [sflag:s22], $0x4000  }
0x98: {  	[sflag:s22] =	ssyncset.done $0x0  }
0x99: {  	s29 =	sadd.s32 $0x15100, s26;
	[sflag:s22] =	ssyncadd.s32 $0xFFFFC000  }
0x9a: {  	[spmem:s3] =	stream.indirect.scatter.add.f32 [tilespmem:s16], [sflag:$0x3], $0x80, s29, s20, $0xb8;
	[tilespmem:$0x1E400] =	vst v63  }
0x9b: {  	_ =	swait.ge [sflag:s23], $0x4000  }
0x9c: {  	[sflag:s23] =	ssyncset.done $0x0  }
0x9d: {  	s31 =	sadd.s32 $0x15180, s26;
	[sflag:s23] =	ssyncadd.s32 $0xFFFFC000  }
0x9e: {  	[spmem:s3] =	stream.indirect.scatter.add.f32 [tilespmem:s21], [sflag:$0x4], $0x80, s31, s20, $0xb8;
	[tilespmem:$0x1E400] =	vst v63  }
0x9f: {  	_ =	swait.ge [sflag:s24], $0x4000  }
0xa0: {  	[sflag:s24] =	ssyncset.done $0x0  }
0xa1: {  	[sflag:s24] =	ssyncadd.s32 $0xFFFFC000  }
0xa2: {  	_ =	swait.ge [sflag:s25], $0x4000  }
0xa3: {  	[sflag:s25] =	ssyncset.done $0x0  }
0xa4: {  	s28 =	simm.s32 $0x0;
	[sflag:s25] =	ssyncadd.s32 $0xFFFFC000  }
0xa5: {  	[tilespmem:s18], [sflag:$0x5] =	stream.linear.gather [hbm4b:s12+s28], $0x1400, $0x38;
	[tilespmem:$0x1E400] =	vst v63  }
0xa6: {  	_ =	swait.ge [sflag:s17], $0x1400  }
0xa7: {  	[sflag:s17] =	ssyncset.done $0x0  }
0xa8: {  	[sflag:s17] =	ssyncadd.s32 $0xFFFFEC00  }
0xa9: {  	[tilespmem:s19], [sflag:$0x5] =	stream.linear.gather [hbm4b:s13+s28], $0x1400, $0x38;
	[tilespmem:$0x1E400] =	vst v63  }
0xaa: {  	_ =	swait.ge [sflag:s17], $0x1400  }
0xab: {  	[sflag:s17] =	ssyncset.done $0x0  }
0xac: {  	s29 =	simm.s32 $0x13C00;
	[sflag:s17] =	ssyncadd.s32 $0xFFFFEC00  }
0xad: {  	[tilespmem:s16], [sflag:$0x1] =	stream.indirect.gather [hbm4b:s1+s20], $0x80, s29, s20, $0xb8;
	[tilespmem:$0x1E400] =	vst v63  }
0xae: {  	s31 =	simm.s32 $0x13C80  }
0xaf: {  	[tilespmem:s21], [sflag:$0x2] =	stream.indirect.gather [hbm4b:s1+s20], $0x80, s31, s20, $0xb8;
	[tilespmem:$0x1E400] =	vst v63  }
0xb0: {  	_ =	swait.ge [sflag:s22], $0x4000  }
0xb1: {  	[sflag:s22] =	ssyncset.done $0x0  }
0xb2: {  	s28 =	simm.s32 $0x15000;
	[sflag:s22] =	ssyncadd.s32 $0xFFFFC000  }
0xb3: {  	[spmem:s3] =	stream.indirect.scatter.add.f32 [tilespmem:s16], [sflag:$0x3], $0x80, s28, s20, $0xb8;
	[tilespmem:$0x1E400] =	vst v63  }
0xb4: {  	_ =	swait.ge [sflag:s23], $0x4000  }
0xb5: {  	[sflag:s23] =	ssyncset.done $0x0  }
0xb6: {  	s29 =	simm.s32 $0x15080;
	[sflag:s23] =	ssyncadd.s32 $0xFFFFC000  }
0xb7: {  	[spmem:s3] =	stream.indirect.scatter.add.f32 [tilespmem:s21], [sflag:$0x4], $0x80, s29, s20, $0xb8;
	[tilespmem:$0x1E400] =	vst v63  }
0xb8: {  	_ =	swait.ge [sflag:s24], $0x4000  }
0xb9: {  	[sflag:s24] =	ssyncset.done $0x0  }
0xba: {  	s31 =	simm.s32 $0x13D00;
	[sflag:s24] =	ssyncadd.s32 $0xFFFFC000  }
0xbb: {  	[tilespmem:s16], [sflag:$0x1] =	stream.indirect.gather [hbm4b:s1+s20], $0x80, s31, s20, $0xb8;
	[tilespmem:$0x1E400] =	vst v63  }
0xbc: {  	_ =	swait.ge [sflag:s25], $0x4000  }
0xbd: {  	[sflag:s25] =	ssyncset.done $0x0  }
0xbe: {  	s28 =	simm.s32 $0x13D80;
	[sflag:s25] =	ssyncadd.s32 $0xFFFFC000  }
0xbf: {  	[tilespmem:s21], [sflag:$0x2] =	stream.indirect.gather [hbm4b:s1+s20], $0x80, s28, s20, $0xb8;
	[tilespmem:$0x1E400] =	vst v63  }
0xc0: {  	_ =	swait.ge [sflag:s22], $0x4000  }
0xc1: {  	[sflag:s22] =	ssyncset.done $0x0  }
0xc2: {  	s29 =	simm.s32 $0x15100;
	[sflag:s22] =	ssyncadd.s32 $0xFFFFC000  }
0xc3: {  	[spmem:s3] =	stream.indirect.scatter.add.f32 [tilespmem:s16], [sflag:$0x3], $0x80, s29, s20, $0xb8;
	[tilespmem:$0x1E400] =	vst v63  }
0xc4: {  	_ =	swait.ge [sflag:s23], $0x4000  }
0xc5: {  	[sflag:s23] =	ssyncset.done $0x0  }
0xc6: {  	s31 =	simm.s32 $0x15180;
	[sflag:s23] =	ssyncadd.s32 $0xFFFFC000  }
0xc7: {  	[spmem:s3] =	stream.indirect.scatter.add.f32 [tilespmem:s21], [sflag:$0x4], $0x80, s31, s20, $0xb8;
	[tilespmem:$0x1E400] =	vst v63  }
0xc8: {  	_ =	swait.ge [sflag:s24], $0x4000  }
0xc9: {  	[sflag:s24] =	ssyncset.done $0x0  }
0xca: {  	[sflag:s24] =	ssyncadd.s32 $0xFFFFC000  }
0xcb: {  	_ =	swait.ge [sflag:s25], $0x4000  }
0xcc: {  	s30 =	simm.s32 $0x1000;
	s26 =	simm.s32 $0x200;
	[sflag:s25] =	ssyncset.done $0x0  }
.LBB2_6:
0xcd: {  	s31 =	sadd.s32 $0x13C00, s26  }
0xce: {  	[sflag:s25] =	ssyncadd.s32 $0xFFFFC000;
	s29 =	smov.u32 s30;
	s28 =	sadd.s32 $0x800, s30  }
0xcf: {  	[tilespmem:s16], [sflag:$0x1] =	stream.indirect.gather [hbm4b:s1+s20], $0x80, s31, s20, $0xb8;
	[tilespmem:$0x1E400] =	vst v63  }
0xd0: {  	p0 =	sne.s32 s30, $0x4800;
	s30 =	sadd.s32 $0x13C80, s26  }
0xd1: {  	[tilespmem:s21], [sflag:$0x2] =	stream.indirect.gather [hbm4b:s1+s20], $0x80, s30, s20, $0xb8;
	[tilespmem:$0x1E400] =	vst v63  }
0xd2: {  	_ =	swait.ge [sflag:s22], $0x4000  }
0xd3: {  	[sflag:s22] =	ssyncset.done $0x0  }
0xd4: {  	s30 =	sadd.s32 $0x15000, s26;
	[sflag:s22] =	ssyncadd.s32 $0xFFFFC000  }
0xd5: {  	[spmem:s3] =	stream.indirect.scatter.add.f32 [tilespmem:s16], [sflag:$0x3], $0x80, s30, s20, $0xb8;
	[tilespmem:$0x1E400] =	vst v63  }
0xd6: {  	_ =	swait.ge [sflag:s23], $0x4000  }
0xd7: {  	[sflag:s23] =	ssyncset.done $0x0  }
0xd8: {  	s30 =	sadd.s32 $0x15080, s26;
	[sflag:s23] =	ssyncadd.s32 $0xFFFFC000  }
0xd9: {  	[spmem:s3] =	stream.indirect.scatter.add.f32 [tilespmem:s21], [sflag:$0x4], $0x80, s30, s20, $0xb8;
	[tilespmem:$0x1E400] =	vst v63  }
0xda: {  	_ =	swait.ge [sflag:s24], $0x4000  }
0xdb: {  	[sflag:s24] =	ssyncset.done $0x0  }
0xdc: {  	s30 =	sadd.s32 $0x13D00, s26;
	[sflag:s24] =	ssyncadd.s32 $0xFFFFC000  }
0xdd: {  	[tilespmem:s16], [sflag:$0x1] =	stream.indirect.gather [hbm4b:s1+s20], $0x80, s30, s20, $0xb8;
	[tilespmem:$0x1E400] =	vst v63  }
0xde: {  	_ =	swait.ge [sflag:s25], $0x4000  }
0xdf: {  	[sflag:s25] =	ssyncset.done $0x0  }
0xe0: {  	s30 =	sadd.s32 $0x13D80, s26;
	[sflag:s25] =	ssyncadd.s32 $0xFFFFC000  }
0xe1: {  	[tilespmem:s21], [sflag:$0x2] =	stream.indirect.gather [hbm4b:s1+s20], $0x80, s30, s20, $0xb8;
	[tilespmem:$0x1E400] =	vst v63  }
0xe2: {  	_ =	swait.ge [sflag:s22], $0x4000  }
0xe3: {  	[sflag:s22] =	ssyncset.done $0x0  }
0xe4: {  	s30 =	sadd.s32 $0x15100, s26;
	[sflag:s22] =	ssyncadd.s32 $0xFFFFC000  }
0xe5: {  	[spmem:s3] =	stream.indirect.scatter.add.f32 [tilespmem:s16], [sflag:$0x3], $0x80, s30, s20, $0xb8;
	[tilespmem:$0x1E400] =	vst v63  }
0xe6: {  	_ =	swait.ge [sflag:s23], $0x4000  }
0xe7: {  	[sflag:s23] =	ssyncset.done $0x0  }
0xe8: {  	s26 =	sadd.s32 $0x15180, s26;
	[sflag:s23] =	ssyncadd.s32 $0xFFFFC000  }
0xe9: {  	[spmem:s3] =	stream.indirect.scatter.add.f32 [tilespmem:s21], [sflag:$0x4], $0x80, s26, s20, $0xb8;
	[tilespmem:$0x1E400] =	vst v63  }
.Ltmp2:
0xea: {  	_ =	swait.ge [sflag:s24], $0x4000;
	(pc) =	sbr.rel @p0 .LBB2_6-.Ltmp2, $4  }
0xeb: {  	[sflag:s24] =	ssyncset.done $0x0  }
0xec: {  	[sflag:s24] =	ssyncadd.s32 $0xFFFFC000  }
0xed: {  	_ =	swait.ge [sflag:s25], $0x4000  }
0xee: {  	s30 =	smov.u32 s28;
	s26 =	sshra.s32 s29, $0x2;
	[sflag:s25] =	ssyncset.done $0x0  }
0xef: {  	s28 =	sadd.s32 $0x13C00, s26;
	[sflag:s25] =	ssyncadd.s32 $0xFFFFC000  }
0xf0: {  	[tilespmem:s16], [sflag:$0x1] =	stream.indirect.gather [hbm4b:s1+s20], $0x80, s28, s20, $0xb8;
	[tilespmem:$0x1E400] =	vst v63  }
0xf1: {  	s29 =	sadd.s32 $0x13C80, s26  }
0xf2: {  	[tilespmem:s21], [sflag:$0x2] =	stream.indirect.gather [hbm4b:s1+s20], $0x80, s29, s20, $0xb8;
	[tilespmem:$0x1E400] =	vst v63  }
0xf3: {  	_ =	swait.ge [sflag:s22], $0x4000  }
0xf4: {  	[sflag:s22] =	ssyncset.done $0x0  }
0xf5: {  	s30 =	sadd.s32 $0x15000, s26;
	[sflag:s22] =	ssyncadd.s32 $0xFFFFC000  }
0xf6: {  	[spmem:s3] =	stream.indirect.scatter.add.f32 [tilespmem:s16], [sflag:$0x3], $0x80, s30, s20, $0xb8;
	[tilespmem:$0x1E400] =	vst v63  }
0xf7: {  	_ =	swait.ge [sflag:s23], $0x4000  }
0xf8: {  	[sflag:s23] =	ssyncset.done $0x0  }
0xf9: {  	s31 =	sadd.s32 $0x15080, s26;
	[sflag:s23] =	ssyncadd.s32 $0xFFFFC000  }
0xfa: {  	[spmem:s3] =	stream.indirect.scatter.add.f32 [tilespmem:s21], [sflag:$0x4], $0x80, s31, s20, $0xb8;
	[tilespmem:$0x1E400] =	vst v63  }
0xfb: {  	_ =	swait.ge [sflag:s24], $0x4000  }
0xfc: {  	[sflag:s24] =	ssyncset.done $0x0  }
0xfd: {  	s29 =	sadd.s32 $0x13D00, s26;
	[sflag:s24] =	ssyncadd.s32 $0xFFFFC000  }
0xfe: {  	[tilespmem:s16], [sflag:$0x1] =	stream.indirect.gather [hbm4b:s1+s20], $0x80, s29, s20, $0xb8;
	[tilespmem:$0x1E400] =	vst v63  }
0xff: {  	_ =	swait.ge [sflag:s25], $0x4000  }
0x100: {  	[sflag:s25] =	ssyncset.done $0x0  }
0x101: {  	s30 =	sadd.s32 $0x13D80, s26;
	[sflag:s25] =	ssyncadd.s32 $0xFFFFC000  }
0x102: {  	[tilespmem:s21], [sflag:$0x2] =	stream.indirect.gather [hbm4b:s1+s20], $0x80, s30, s20, $0xb8;
	[tilespmem:$0x1E400] =	vst v63  }
0x103: {  	_ =	swait.ge [sflag:s22], $0x4000  }
0x104: {  	[sflag:s22] =	ssyncset.done $0x0  }
0x105: {  	s31 =	sadd.s32 $0x15100, s26;
	[sflag:s22] =	ssyncadd.s32 $0xFFFFC000  }
0x106: {  	[spmem:s3] =	stream.indirect.scatter.add.f32 [tilespmem:s16], [sflag:$0x3], $0x80, s31, s20, $0xb8;
	[tilespmem:$0x1E400] =	vst v63  }
0x107: {  	_ =	swait.ge [sflag:s23], $0x4000  }
0x108: {  	[sflag:s23] =	ssyncset.done $0x0  }
0x109: {  	s29 =	sadd.s32 $0x15180, s26;
	[sflag:s23] =	ssyncadd.s32 $0xFFFFC000  }
0x10a: {  	[spmem:s3] =	stream.indirect.scatter.add.f32 [tilespmem:s21], [sflag:$0x4], $0x80, s29, s20, $0xb8;
	[tilespmem:$0x1E400] =	vst v63  }
0x10b: {  	_ =	swait.ge [sflag:s24], $0x4000  }
0x10c: {  	[sflag:s24] =	ssyncset.done $0x0  }
0x10d: {  	[sflag:s24] =	ssyncadd.s32 $0xFFFFC000  }
0x10e: {  	_ =	swait.ge [sflag:s25], $0x4000  }
0x10f: {  	s4 =	sadd.s32 $0x1, s4;
	s30 =	sshll.u32 s0, $0x6;
	[sflag:s25] =	ssyncset.done $0x0  }
0x110: {  	p0 =	sne.s32 s4, s15;
	s26 =	sor.u32 $0x1C05, s30;
	[sflag:s25] =	ssyncadd.s32 $0xFFFFC000  }
.Ltmp3:
0x111: {  	s31 =	sshrl.u32 s5, $0x3;
	[bflag:$0x0] =	sbarrier.arrive $0xFFFF;
	(pc) =	sbr.rel @p0 .LBB2_1-.Ltmp3, $4  }
0x112: {  	[hbm:s14], [sflag:s26] =	dma.local [spmem:s31], $0x2780  }
0x113: {  	_ =	swait.ge [sflag:s17], $0x2780  }
0x114: {  	[sflag:s17] =	ssyncset.done $0x0  }
0x115: {  	[sflag:s17] =	ssyncadd.s32 $0xFFFFD880  }
0x116: {  	_ =	sfence.sel $0x180000  }
0x117: {  	[bflag:$0x0] =	sbarrier.arrive $0xFFFF  }
0x118: {  	p0 =	sne.s32 s0, $0x0;
	_ =	strace $0x90000050  }
0x119: {  	s0 =	sadd.s32 @!p0 $0x100000, s2;
	[bflag:$0x2] =	sbarrier.arrive $0xFFFF  }
0x11a: {  	[sflag:s0] =	ssyncadd.tile.s32 @!p0 $0x1;
	_ =	shalt  }
.Lfunc_end2:
_tile_overlayer_lowered:
.L_overlay_start_2:
0x11b: {  	(tag) =	ssettag $0x2  }
0x11c: {  	s0 =	rddreg [dreg:$0x0];
	s2 =	stileid.u32  }
0x11d: {  	s1 =	rddreg [dreg:$0x1];
	p0 =	sne.s32 s2, $0x0  }
0x11e: {  	s3 =	rddreg [dreg:$0x2];
	[bflag:$0x3] =	sbarrier.arrive $0xFFFF;
	s2 =	simm.s32 @!p0 $0x1C05  }
0x11f: {  	[timem:s3], [sflag:s2] =	dma.local @!p0 [hbm:s0], s1  }
0x120: {  	s0 =	simm.s32 @!p0 $0x5  }
0x121: {  	_ =	swait.ge @!p0 [sflag:s0], s1  }
0x122: {  	s1 =	ssub.s32 @!p0 $0x0, s1;
	[sflag:s0] =	ssyncset.done @!p0 $0x0  }
0x123: {  	[sflag:s0] =	ssyncadd.s32 @!p0 s1  }
0x124: {  	[bflag:$0x3] =	sbarrier.arrive $0xFFFF  }
0x125: {  	_ =	shalt  }

</sc_bundles>
